<compile_context>
chip_gen: v7x
topology: tpu7x:2x2x1
jax: 0.10.2.dev20260603
libtpu: 0.0.44.dev20260713+nightly
codegen_flags: <defaults>
</compile_context>

<pallas_src>
import functools

import jax
import jax.numpy as jnp
from jax import lax
from jax.experimental import pallas as pl
from jax.experimental.pallas import tpu as pltpu
from jax.experimental.pallas import tpu_sc as plsc



def _scale_body(ent_ref, w_ref, out_ref):
    r = pl.program_id(1)
    w_row = w_ref[pl.ds(r, 1), :]
    prod = ent_ref[...] * w_row
    out_ref[...] = prod.reshape(out_ref.shape)


def _scaled_table(entity_emb, weight):
    n_ent, d = entity_emb.shape
    n_rel = weight.shape[0]
    br = 5000
    gi = n_ent // br
    return pl.pallas_call(
        _scale_body,
        grid=(gi, n_rel),
        in_specs=[
            pl.BlockSpec((br, d), lambda i, r: (i, 0)),
            pl.BlockSpec((n_rel, d), lambda i, r: (0, 0)),
        ],
        out_specs=pl.BlockSpec((br * d,), lambda i, r: (r * gi + i,)),
        out_shape=jax.ShapeDtypeStruct((n_rel * n_ent * d,), jnp.float32),
    )(entity_emb, weight)


def _edge_idx_body(ei_ref, et_ref, out_ref, *, n_ent, n_rel):
    t = et_ref[0, :]
    r = t + (n_rel - 2)
    r = jnp.where(r >= n_rel, r - n_rel, r)
    base = (r * n_ent + ei_ref[1, :]) * 2
    out_ref[0, :] = ei_ref[0, :]
    out_ref[1, :] = base
    out_ref[2, :] = base + 1


def _edge_idx(edge_index, edge_type, n_ent, n_rel):
    e = edge_type.shape[0]
    br = 32000
    return pl.pallas_call(
        functools.partial(_edge_idx_body, n_ent=n_ent, n_rel=n_rel),
        grid=(e // br,),
        in_specs=[
            pl.BlockSpec((2, br), lambda i: (0, i)),
            pl.BlockSpec((1, br), lambda i: (0, i)),
        ],
        out_specs=pl.BlockSpec((3, br), lambda i: (0, i)),
        out_shape=jax.ShapeDtypeStruct((3, e), jnp.int32),
    )(edge_index, edge_type.reshape(1, e))


def _combine_body(s_ref, c_ref, out_ref):
    cnt = jnp.sum(c_ref[0], axis=0)[:, None]
    both = jnp.concatenate([s_ref[0], s_ref[1]], axis=1)
    out_ref[...] = both / jnp.maximum(cnt, 1.0)


def _combine(sums, cnts, n_ent):
    _, n_acc, dh = sums.shape
    ns = cnts.shape[1]
    br = 2048
    return pl.pallas_call(
        _combine_body,
        grid=(pl.cdiv(n_ent, br),),
        in_specs=[
            pl.BlockSpec((2, br, dh), lambda i: (0, i, 0)),
            pl.BlockSpec((1, ns, br), lambda i: (0, 0, i)),
        ],
        out_specs=pl.BlockSpec((br, 2 * dh), lambda i: (i, 0)),
        out_shape=jax.ShapeDtypeStruct((n_ent, 2 * dh), jnp.float32),
    )(sums, cnts)


def _mm2_body(m_ref, a_ref, out_ref):
    out_ref[...] = 2.0 * jnp.dot(m_ref[...], a_ref[...],
                                 preferred_element_type=jnp.float32)


def _double_matmul(mat, aspect_emb):
    n, k = mat.shape
    d = aspect_emb.shape[1]
    br = 4000
    return pl.pallas_call(
        _mm2_body,
        grid=(n // br,),
        in_specs=[
            pl.BlockSpec((br, k), lambda i: (i, 0)),
            pl.BlockSpec((k, d), lambda i: (0, 0)),
        ],
        out_specs=pl.BlockSpec((br, d), lambda i: (i, 0)),
        out_shape=jax.ShapeDtypeStruct((n, d), jnp.float32),
    )(mat, aspect_emb)



def _make_sc_agg(n_ent, d, e, n_rel):
    info = plsc.get_sparse_core_info()
    nc, ns = info.num_cores, info.num_subcores
    dh = d // 2
    eps = e // ns
    ch = 160
    ib = 4000
    nib = eps // ib
    cpb = ib // ch
    n_acc = ((n_ent + 16 * 128 - 1) // (16 * 128)) * (16 * 128)
    rpt = n_acc // ns
    zr = 64
    nz = rpt // zr
    mesh = plsc.VectorSubcoreMesh(core_axis_name="c", subcore_axis_name="s")

    @functools.partial(
        pl.kernel,
        out_type=(
            jax.ShapeDtypeStruct((nc, n_acc, dh), jnp.float32),
            jax.ShapeDtypeStruct((nc, ns, n_acc), jnp.float32),
        ),
        mesh=mesh,
        compiler_params=pltpu.CompilerParams(needs_layout_passes=False,
                                             use_tc_tiling_on_sc=False),
        scratch_types=[
            pltpu.VMEM_SHARED((n_acc, dh), jnp.float32),
            pltpu.VMEM((n_acc,), jnp.float32),
            pltpu.VMEM((zr, dh), jnp.float32),
            pltpu.VMEM((ib,), jnp.int32),
            pltpu.VMEM((ib,), jnp.int32),
            pltpu.VMEM((ib,), jnp.int32),
            pltpu.VMEM((ib,), jnp.int32),
            pltpu.VMEM((ch, dh), jnp.float32),
            pltpu.VMEM((ch, dh), jnp.float32),
            pltpu.VMEM((ch,), jnp.int32),
            pltpu.VMEM((ch,), jnp.int32),
            pltpu.SemaphoreType.DMA,
            pltpu.SemaphoreType.DMA,
            pltpu.SemaphoreType.DMA,
            pltpu.SemaphoreType.DMA,
            pltpu.SemaphoreType.DMA,
        ],
    )
    def sc_agg(s2_hbm, hb_hbm, sums_out, cnts_out,
               sums_sh, hist, zbuf,
               hst0, bst0, hst1, bst1,
               rows0, rows1, hbuf0, hbuf1,
               semg0, semg1, sems0, sems1, semib):
        cid = lax.axis_index("c")
        sid = lax.axis_index("s")
        ebase = sid * eps
        r0 = sid * rpt
        zero_v = jnp.zeros((16,), jnp.float32)
        one_v = jnp.ones((16,), jnp.float32)

        stages = ((hst0, bst0), (hst1, bst1))
        gsl = ((hbuf0, rows0, semg0, sems0),
               (hbuf1, rows1, semg1, sems1))

        def stage_load(b, slot, sync):
            hs, bs = stages[slot]
            off = ebase + b * ib
            if sync:
                pltpu.sync_copy(hb_hbm.at[0, pl.ds(off, ib)], hs)
                pltpu.sync_copy(hb_hbm.at[1 + cid, pl.ds(off, ib)], bs)
            else:
                pltpu.async_copy(hb_hbm.at[0, pl.ds(off, ib)], hs, semib)
                pltpu.async_copy(hb_hbm.at[1 + cid, pl.ds(off, ib)], bs, semib)

        def stage_wait(b, slot):
            hs, bs = stages[slot]
            off = ebase + b * ib
            pltpu.make_async_copy(hb_hbm.at[0, pl.ds(off, ib)], hs, semib).wait()
            pltpu.make_async_copy(hb_hbm.at[1 + cid, pl.ds(off, ib)], bs,
                                  semib).wait()

        stage_load(0, 0, sync=True)

        def _zb(rr, _):
            for g in range(dh // 16):
                zbuf[rr, pl.ds(16 * g, 16)] = zero_v
            return 0
        lax.fori_loop(0, zr, _zb, 0)

        def _zh(i, _):
            hist[pl.ds(16 * i, 16)] = zero_v
            return 0
        lax.fori_loop(0, n_acc // 16, _zh, 0)

        for z in range(nz):
            pltpu.sync_copy(zbuf, sums_sh.at[pl.ds(r0 + z * zr, zr), :])
        plsc.subcore_barrier()

        def fire_gather(sblk, j, slot):
            hs, bs = stages[sblk]
            hbuf, rowsb, semg, _ = gsl[slot]
            off = j * ch
            for g in range(ch // 16):
                hd = hs[pl.ds(off + 16 * g, 16)]
                hbuf[pl.ds(16 * g, 16)] = hd
                plsc.addupdate_scatter(hist, [hd], one_v)
            pltpu.async_copy(s2_hbm.at[bs.at[pl.ds(off, ch)]], rowsb, semg)

        def wait_gather(sblk, j, slot):
            bs = stages[sblk][1]
            hbuf, rowsb, semg, _ = gsl[slot]
            pltpu.make_async_copy(s2_hbm.at[bs.at[pl.ds(j * ch, ch)]],
                                  rowsb, semg).wait()

        def fire_scatter(slot):
            hbuf, rowsb, _, sems = gsl[slot]
            pltpu.async_copy(rowsb, sums_sh.at[hbuf], sems, add=True)

        def wait_scatter(slot):
            hbuf, rowsb, _, sems = gsl[slot]
            pltpu.make_async_copy(rowsb, sums_sh.at[hbuf], sems).wait()

        for b in range(nib):
            sblk = b % 2
            if b > 0:
                stage_wait(b, sblk)
            if b + 1 < nib:
                stage_load(b + 1, (b + 1) % 2, sync=False)
            fire_gather(sblk, 0, 0)
            fire_gather(sblk, 1, 1)
            wait_gather(sblk, 0, 0)
            fire_scatter(0)

            def body(k, _):
                wait_scatter(0)
                fire_gather(sblk, 2 * k + 2, 0)
                wait_gather(sblk, 2 * k + 1, 1)
                fire_scatter(1)
                wait_scatter(1)
                fire_gather(sblk, 2 * k + 3, 1)
                wait_gather(sblk, 2 * k + 2, 0)
                fire_scatter(0)
                return 0
            lax.fori_loop(0, (cpb - 2) // 2, body, 0)
            if cpb % 2 == 0:
                wait_gather(sblk, cpb - 1, 1)
                fire_scatter(1)
                wait_scatter(0)
                wait_scatter(1)
            else:
                wait_scatter(0)
                fire_gather(sblk, cpb - 1, 0)
                wait_gather(sblk, cpb - 2, 1)
                fire_scatter(1)
                wait_gather(sblk, cpb - 1, 0)
                fire_scatter(0)
                wait_scatter(1)
                wait_scatter(0)
        plsc.subcore_barrier()

        for z in range(nz):
            pltpu.sync_copy(sums_sh.at[pl.ds(r0 + z * zr, zr), :], zbuf)
            pltpu.sync_copy(zbuf, sums_out.at[cid, pl.ds(r0 + z * zr, zr), :])
        pltpu.sync_copy(hist, cnts_out.at[cid, sid, :])

    return sc_agg



def kernel(entity_emb, item_emb, user_emb, aspect_emb, edge_index, edge_type,
           ua_interact_mat, ia_interact_mat, weight):
    n_ent, d = entity_emb.shape
    n_rel = weight.shape[0]
    e = edge_type.shape[0]

    s2 = _scaled_table(entity_emb, weight).reshape(2 * n_rel * n_ent, d // 2)

    hb = _edge_idx(edge_index, edge_type, n_ent, n_rel)
    sc_agg = _make_sc_agg(n_ent, d, e, n_rel)
    sums, cnts = sc_agg(s2, hb)
    entity_agg = _combine(sums, cnts, n_ent)

    user_agg = _double_matmul(ua_interact_mat, aspect_emb)
    item_agg = _double_matmul(ia_interact_mat, aspect_emb)
    return (item_agg, entity_agg, user_agg)

# --- scband reference (transcript-rebuilt; emitter-appended) ---
"""Pipeline reference for scband-aggregator-15212774163210 (READ-ONLY COPY).

The authoritative reference and input builder live on the scoring server;
editing this copy changes nothing except your own understanding.
"""

import jax, jax.numpy as jnp
import numpy as np

N_ENT = 10000
N_USERS = 100000
N_ITEMS = 100000
N_ASPECTS = 32
D = 128
E = 320000
N_REL = 10


def setup_inputs(seed: int = 0) -> dict:
    key = jax.random.key(seed)
    ks = jax.random.split(key, 9)
    entity_emb = jax.random.normal(ks[0], (N_ENT, D), dtype=jnp.float32)
    item_emb = jax.random.normal(ks[1], (N_ITEMS, D), dtype=jnp.float32)
    user_emb = jax.random.normal(ks[2], (N_USERS, D), dtype=jnp.float32)
    aspect_emb = jax.random.normal(ks[3], (N_ASPECTS, D), dtype=jnp.float32)
    edge_index = jax.random.randint(ks[4], (2, E), 0, N_ENT, dtype=jnp.int32)
    edge_type = jax.random.randint(ks[5], (E,), 0, N_REL, dtype=jnp.int32)
    ua_interact_mat = jax.random.uniform(ks[6], (N_USERS, N_ASPECTS), dtype=jnp.float32)
    ia_interact_mat = jax.random.uniform(ks[7], (N_ITEMS, N_ASPECTS), dtype=jnp.float32)
    weight = jax.random.normal(ks[8], (N_REL, D), dtype=jnp.float32)
    return {
        'entity_emb': entity_emb,
        'item_emb': item_emb,
        'user_emb': user_emb,
        'aspect_emb': aspect_emb,
        'edge_index': edge_index,
        'edge_type': edge_type,
        'ua_interact_mat': ua_interact_mat,
        'ia_interact_mat': ia_interact_mat,
        'weight': weight,
    }


def _scatter_mean(src, index, dim_size):
    sums = jax.ops.segment_sum(src, index, num_segments=dim_size)
    counts = jax.ops.segment_sum(jnp.ones((src.shape[0],), dtype=src.dtype), index, num_segments=dim_size)
    return sums / jnp.clip(counts, 1.0)[:, None]


def reference(entity_emb, item_emb, user_emb, aspect_emb, edge_index, edge_type,
              ua_interact_mat, ia_interact_mat, weight):
    n_entities = entity_emb.shape[0]
    head = edge_index[0]
    tail = edge_index[1]
    # negative indices (edge_type - 2 in [-2, 8)) wrap like numpy, matching torch
    edge_relation_emb = weight[edge_type - 2]
    neigh_relation_emb = entity_emb[tail] * edge_relation_emb
    entity_agg = _scatter_mean(neigh_relation_emb, head, n_entities)

    score_ua_ = jnp.matmul(user_emb, aspect_emb.T)
    score_ua = jax.nn.softmax(score_ua_, axis=1)[..., None]
    score_ia_ = jnp.matmul(item_emb, aspect_emb.T)
    score_ia = jax.nn.softmax(score_ia_, axis=1)[..., None]

    user_agg = jnp.matmul(ua_interact_mat, aspect_emb)
    user_agg = user_agg * score_ua.sum(axis=1) + user_agg

    item_agg = jnp.matmul(ia_interact_mat, aspect_emb)
    item_agg = item_agg * score_ia.sum(axis=1) + item_agg

    return (item_agg, entity_agg, user_agg)

if __name__ == "__main__":
    import jax
    _d = setup_inputs()
    print(jax.jit(kernel)(*tuple(_d.values())))

</pallas_src>

<mosaic_0001>
#map = affine_map<(d0, d1) -> (0, 0)>
#map1 = affine_map<(d0, d1) -> (0, 0, 0)>
module attributes {stable_mosaic.version = 14 : i64} {
  func.func @sc_agg(%arg0: i32, %arg1: i32, %arg2: memref<200000x64xf32, #tpu.memory_space<hbm>>, %arg3: memref<3x320000xi32, #tpu.memory_space<hbm>>, %arg4: memref<2x10240x64xf32, #tpu.memory_space<hbm>>, %arg5: memref<2x16x10240xf32, #tpu.memory_space<hbm>>, %arg6: memref<10240x64xf32, #tpu.memory_space<vmem_shared>>, %arg7: memref<10240xf32, #tpu.memory_space<vmem>>, %arg8: memref<64x64xf32, #tpu.memory_space<vmem>>, %arg9: memref<4000xi32, #tpu.memory_space<vmem>>, %arg10: memref<4000xi32, #tpu.memory_space<vmem>>, %arg11: memref<4000xi32, #tpu.memory_space<vmem>>, %arg12: memref<4000xi32, #tpu.memory_space<vmem>>, %arg13: memref<160x64xf32, #tpu.memory_space<vmem>>, %arg14: memref<160x64xf32, #tpu.memory_space<vmem>>, %arg15: memref<160xi32, #tpu.memory_space<vmem>>, %arg16: memref<160xi32, #tpu.memory_space<vmem>>, %arg17: memref<!tpu.dma_semaphore, #tpu.memory_space<semaphore_mem>>, %arg18: memref<!tpu.dma_semaphore, #tpu.memory_space<semaphore_mem>>, %arg19: memref<!tpu.dma_semaphore, #tpu.memory_space<semaphore_mem>>, %arg20: memref<!tpu.dma_semaphore, #tpu.memory_space<semaphore_mem>>, %arg21: memref<!tpu.dma_semaphore, #tpu.memory_space<semaphore_mem>>) attributes {dimension_semantics = [#tpu.dimension_semantics<core_parallel>, #tpu.dimension_semantics<subcore_parallel>], iteration_bounds = array<i64: 2, 16>, scalar_prefetch = 0 : i64, scratch_operands = 16 : i64, tpu.core_type = #tpu.core_type<sc_vector_subcore>, window_params = [{transform_indices = #map}, {transform_indices = #map}, {transform_indices = #map1}, {transform_indices = #map1}]} {
    %mul3A = arith.constant 20000 : i32
    %mul3A_0 = arith.muli %arg1, %mul3A : i32
    %mul3A_1 = arith.constant 640 : i32
    %mul3A_2 = arith.muli %arg1, %mul3A_1 : i32
    %broadcast_in_dim3A = arith.constant 0.000000e+00 : f32
    %broadcast_in_dim3A_3 = vector.broadcast %broadcast_in_dim3A : f32 to vector<16xf32>
    %broadcast_in_dim3A_4 = arith.constant 1.000000e+00 : f32
    %broadcast_in_dim3A_5 = vector.broadcast %broadcast_in_dim3A_4 : f32 to vector<16xf32>
    %add3A = arith.constant 0 : i32
    %add3A_6 = arith.addi %mul3A_0, %add3A : i32
    %run_scoped3A = arith.constant 0 : i32
    "tpu.region"() ({
      %run_scoped3A_1058 = tpu.sem_alloc : memref<!tpu.dma_semaphore, #tpu.memory_space<semaphore_mem>>
      %dma_start3A_1059 = tpu.memref_slice %arg3[%run_scoped3A, %add3A_6] : memref<3x320000xi32, #tpu.memory_space<hbm>> -> memref<1x4000xi32, #tpu.memory_space<hbm>>
      %dma_start3A_1060 = tpu.memref_squeeze %dma_start3A_1059 : memref<1x4000xi32, #tpu.memory_space<hbm>> -> memref<4000xi32, #tpu.memory_space<hbm>>
      %dma_start3A_1061 = tpu.memref_slice %arg3[%run_scoped3A, %add3A_6] : memref<3x320000xi32, #tpu.memory_space<hbm>> -> memref<1x4000xi32, #tpu.memory_space<hbm>>
      %dma_start3A_1062 = tpu.memref_squeeze %dma_start3A_1061 : memref<1x4000xi32, #tpu.memory_space<hbm>> -> memref<4000xi32, #tpu.memory_space<hbm>>
      tpu.enqueue_dma source(%dma_start3A_1062 : memref<4000xi32, #tpu.memory_space<hbm>>) target(%arg9 : memref<4000xi32, #tpu.memory_space<vmem>>) target_semaphore(%run_scoped3A_1058 : memref<!tpu.dma_semaphore, #tpu.memory_space<semaphore_mem>>)
      %dma_wait3A_1063 = tpu.memref_slice %arg3[%run_scoped3A, %add3A_6] : memref<3x320000xi32, #tpu.memory_space<hbm>> -> memref<1x4000xi32, #tpu.memory_space<hbm>>
      %dma_wait3A_1064 = tpu.memref_squeeze %dma_wait3A_1063 : memref<1x4000xi32, #tpu.memory_space<hbm>> -> memref<4000xi32, #tpu.memory_space<hbm>>
      %dma_wait3A_1065 = tpu.memref_slice %arg3[%run_scoped3A, %add3A_6] : memref<3x320000xi32, #tpu.memory_space<hbm>> -> memref<1x4000xi32, #tpu.memory_space<hbm>>
      %dma_wait3A_1066 = tpu.memref_squeeze %dma_wait3A_1065 : memref<1x4000xi32, #tpu.memory_space<hbm>> -> memref<4000xi32, #tpu.memory_space<hbm>>
      tpu.wait_dma2 semaphore(%run_scoped3A_1058 : memref<!tpu.dma_semaphore, #tpu.memory_space<semaphore_mem>>) src(%dma_wait3A_1066 : memref<4000xi32, #tpu.memory_space<hbm>>) dst(%arg9 : memref<4000xi32, #tpu.memory_space<vmem>>)
      tpu.yield
    }) : () -> ()
    %add3A_7 = arith.constant 1 : i32
    %add3A_8 = arith.addi %add3A_7, %arg0 : i32
    "tpu.region"() ({
      %run_scoped3A_1058 = tpu.sem_alloc : memref<!tpu.dma_semaphore, #tpu.memory_space<semaphore_mem>>
      %dma_start3A_1059 = tpu.memref_slice %arg3[%add3A_8, %add3A_6] : memref<3x320000xi32, #tpu.memory_space<hbm>> -> memref<1x4000xi32, #tpu.memory_space<hbm>>
      %dma_start3A_1060 = tpu.memref_squeeze %dma_start3A_1059 : memref<1x4000xi32, #tpu.memory_space<hbm>> -> memref<4000xi32, #tpu.memory_space<hbm>>
      %dma_start3A_1061 = tpu.memref_slice %arg3[%add3A_8, %add3A_6] : memref<3x320000xi32, #tpu.memory_space<hbm>> -> memref<1x4000xi32, #tpu.memory_space<hbm>>
      %dma_start3A_1062 = tpu.memref_squeeze %dma_start3A_1061 : memref<1x4000xi32, #tpu.memory_space<hbm>> -> memref<4000xi32, #tpu.memory_space<hbm>>
      tpu.enqueue_dma source(%dma_start3A_1062 : memref<4000xi32, #tpu.memory_space<hbm>>) target(%arg10 : memref<4000xi32, #tpu.memory_space<vmem>>) target_semaphore(%run_scoped3A_1058 : memref<!tpu.dma_semaphore, #tpu.memory_space<semaphore_mem>>)
      %dma_wait3A_1063 = tpu.memref_slice %arg3[%add3A_8, %add3A_6] : memref<3x320000xi32, #tpu.memory_space<hbm>> -> memref<1x4000xi32, #tpu.memory_space<hbm>>
      %dma_wait3A_1064 = tpu.memref_squeeze %dma_wait3A_1063 : memref<1x4000xi32, #tpu.memory_space<hbm>> -> memref<4000xi32, #tpu.memory_space<hbm>>
      %dma_wait3A_1065 = tpu.memref_slice %arg3[%add3A_8, %add3A_6] : memref<3x320000xi32, #tpu.memory_space<hbm>> -> memref<1x4000xi32, #tpu.memory_space<hbm>>
      %dma_wait3A_1066 = tpu.memref_squeeze %dma_wait3A_1065 : memref<1x4000xi32, #tpu.memory_space<hbm>> -> memref<4000xi32, #tpu.memory_space<hbm>>
      tpu.wait_dma2 semaphore(%run_scoped3A_1058 : memref<!tpu.dma_semaphore, #tpu.memory_space<semaphore_mem>>) src(%dma_wait3A_1066 : memref<4000xi32, #tpu.memory_space<hbm>>) dst(%arg10 : memref<4000xi32, #tpu.memory_space<vmem>>)
      tpu.yield
    }) : () -> ()
    %scan3A = arith.constant 0 : i32
    %scan3A_9 = arith.constant 0 : i32
    %scan3A_10 = arith.constant 64 : i32
    %scan3A_11 = arith.addi %scan3A_9, %scan3A_10 : i32
    %scan3A_12 = arith.constant 1 : i32
    %scan3A_13 = scf.for %scan3A_1058 = %scan3A_9 to %scan3A_11 step %scan3A_12 iter_args(%scan3A_1059 = %scan3A) -> (i32)  : i32 {
      %swap3A_1060 = arith.index_cast %scan3A_1058 : i32 to index
      %swap3A_1061 = arith.constant 0 : index
      %swap3A_1062 = tpu.vector_load %arg8[%swap3A_1060, %swap3A_1061] {strides = array<i32>} : memref<64x64xf32, #tpu.memory_space<vmem>>, vector<16xf32>,
      tpu.vector_store %arg8[%swap3A_1060, %swap3A_1061], %broadcast_in_dim3A_3 {strides = array<i32>} : memref<64x64xf32, #tpu.memory_space<vmem>>, vector<16xf32>,
      %swap3A_1063 = arith.index_cast %scan3A_1058 : i32 to index
      %swap3A_1064 = arith.constant 16 : index
      %swap3A_1065 = tpu.vector_load %arg8[%swap3A_1063, %swap3A_1064] {strides = array<i32>} : memref<64x64xf32, #tpu.memory_space<vmem>>, vector<16xf32>,
      tpu.vector_store %arg8[%swap3A_1063, %swap3A_1064], %broadcast_in_dim3A_3 {strides = array<i32>} : memref<64x64xf32, #tpu.memory_space<vmem>>, vector<16xf32>,
      %swap3A_1066 = arith.index_cast %scan3A_1058 : i32 to index
      %swap3A_1067 = arith.constant 32 : index
      %swap3A_1068 = tpu.vector_load %arg8[%swap3A_1066, %swap3A_1067] {strides = array<i32>} : memref<64x64xf32, #tpu.memory_space<vmem>>, vector<16xf32>,
      tpu.vector_store %arg8[%swap3A_1066, %swap3A_1067], %broadcast_in_dim3A_3 {strides = array<i32>} : memref<64x64xf32, #tpu.memory_space<vmem>>, vector<16xf32>,
      %swap3A_1069 = arith.index_cast %scan3A_1058 : i32 to index
      %swap3A_1070 = arith.constant 48 : index
      %swap3A_1071 = tpu.vector_load %arg8[%swap3A_1069, %swap3A_1070] {strides = array<i32>} : memref<64x64xf32, #tpu.memory_space<vmem>>, vector<16xf32>,
      tpu.vector_store %arg8[%swap3A_1069, %swap3A_1070], %broadcast_in_dim3A_3 {strides = array<i32>} : memref<64x64xf32, #tpu.memory_space<vmem>>, vector<16xf32>,
      %scan3A_1072 = arith.constant 0 : i32
      scf.yield %scan3A_1072 : i32
    }
    %scan3A_14 = arith.constant 64 : i32
    %scan3A_15 = arith.constant 0 : i32
    %scan3A_16 = arith.constant 0 : i32
    %scan3A_17 = arith.constant 640 : i32
    %scan3A_18 = arith.addi %scan3A_16, %scan3A_17 : i32
    %scan3A_19 = arith.constant 1 : i32
    %scan3A_20 = scf.for %scan3A_1058 = %scan3A_16 to %scan3A_18 step %scan3A_19 iter_args(%scan3A_1059 = %scan3A_15) -> (i32)  : i32 {
      %mul3A_1060 = arith.constant 16 : i32
      %mul3A_1061 = arith.muli %mul3A_1060, %scan3A_1058 : i32
      %swap3A_1062 = arith.index_cast %mul3A_1061 : i32 to index
      %swap3A_1063 = tpu.vector_load %arg7[%swap3A_1062] {strides = array<i32>} : memref<10240xf32, #tpu.memory_space<vmem>>, vector<16xf32>,
      tpu.vector_store %arg7[%swap3A_1062], %broadcast_in_dim3A_3 {strides = array<i32>} : memref<10240xf32, #tpu.memory_space<vmem>>, vector<16xf32>,
      %scan3A_1064 = arith.constant 0 : i32
      scf.yield %scan3A_1064 : i32
    }
    %scan3A_21 = arith.constant 640 : i32
    %add3A_22 = arith.constant 0 : i32
    %add3A_23 = arith.addi %mul3A_2, %add3A_22 : i32
    "tpu.region"() ({
      %run_scoped3A_1058 = tpu.sem_alloc : memref<!tpu.dma_semaphore, #tpu.memory_space<semaphore_mem>>
      %dma_start3A_1059 = arith.constant 0 : i32
      %dma_start3A_1060 = tpu.memref_slice %arg6[%add3A_23, %dma_start3A_1059] : memref<10240x64xf32, #tpu.memory_space<vmem_shared>> -> memref<64x64xf32, #tpu.memory_space<vmem_shared>>
      %dma_start3A_1061 = arith.constant 0 : i32
      %dma_start3A_1062 = tpu.memref_slice %arg6[%add3A_23, %dma_start3A_1061] : memref<10240x64xf32, #tpu.memory_space<vmem_shared>> -> memref<64x64xf32, #tpu.memory_space<vmem_shared>>
      tpu.enqueue_dma source(%arg8 : memref<64x64xf32, #tpu.memory_space<vmem>>) target(%dma_start3A_1062 : memref<64x64xf32, #tpu.memory_space<vmem_shared>>) target_semaphore(%run_scoped3A_1058 : memref<!tpu.dma_semaphore, #tpu.memory_space<semaphore_mem>>)
      %dma_wait3A_1063 = arith.constant 0 : i32
      %dma_wait3A_1064 = tpu.memref_slice %arg6[%add3A_23, %dma_wait3A_1063] : memref<10240x64xf32, #tpu.memory_space<vmem_shared>> -> memref<64x64xf32, #tpu.memory_space<vmem_shared>>
      %dma_wait3A_1065 = arith.constant 0 : i32
      %dma_wait3A_1066 = tpu.memref_slice %arg6[%add3A_23, %dma_wait3A_1065] : memref<10240x64xf32, #tpu.memory_space<vmem_shared>> -> memref<64x64xf32, #tpu.memory_space<vmem_shared>>
      tpu.wait_dma2 semaphore(%run_scoped3A_1058 : memref<!tpu.dma_semaphore, #tpu.memory_space<semaphore_mem>>) src(%arg8 : memref<64x64xf32, #tpu.memory_space<vmem>>) dst(%dma_wait3A_1066 : memref<64x64xf32, #tpu.memory_space<vmem_shared>>)
      tpu.yield
    }) : () -> ()
    %add3A_24 = arith.constant 64 : i32
    %add3A_25 = arith.addi %mul3A_2, %add3A_24 : i32
    "tpu.region"() ({
      %run_scoped3A_1058 = tpu.sem_alloc : memref<!tpu.dma_semaphore, #tpu.memory_space<semaphore_mem>>
      %dma_start3A_1059 = arith.constant 0 : i32
      %dma_start3A_1060 = tpu.memref_slice %arg6[%add3A_25, %dma_start3A_1059] : memref<10240x64xf32, #tpu.memory_space<vmem_shared>> -> memref<64x64xf32, #tpu.memory_space<vmem_shared>>
      %dma_start3A_1061 = arith.constant 0 : i32
      %dma_start3A_1062 = tpu.memref_slice %arg6[%add3A_25, %dma_start3A_1061] : memref<10240x64xf32, #tpu.memory_space<vmem_shared>> -> memref<64x64xf32, #tpu.memory_space<vmem_shared>>
      tpu.enqueue_dma source(%arg8 : memref<64x64xf32, #tpu.memory_space<vmem>>) target(%dma_start3A_1062 : memref<64x64xf32, #tpu.memory_space<vmem_shared>>) target_semaphore(%run_scoped3A_1058 : memref<!tpu.dma_semaphore, #tpu.memory_space<semaphore_mem>>)
      %dma_wait3A_1063 = arith.constant 0 : i32
      %dma_wait3A_1064 = tpu.memref_slice %arg6[%add3A_25, %dma_wait3A_1063] : memref<10240x64xf32, #tpu.memory_space<vmem_shared>> -> memref<64x64xf32, #tpu.memory_space<vmem_shared>>
      %dma_wait3A_1065 = arith.constant 0 : i32
      %dma_wait3A_1066 = tpu.memref_slice %arg6[%add3A_25, %dma_wait3A_1065] : memref<10240x64xf32, #tpu.memory_space<vmem_shared>> -> memref<64x64xf32, #tpu.memory_space<vmem_shared>>
      tpu.wait_dma2 semaphore(%run_scoped3A_1058 : memref<!tpu.dma_semaphore, #tpu.memory_space<semaphore_mem>>) src(%arg8 : memref<64x64xf32, #tpu.memory_space<vmem>>) dst(%dma_wait3A_1066 : memref<64x64xf32, #tpu.memory_space<vmem_shared>>)
      tpu.yield
    }) : () -> ()
    %add3A_26 = arith.constant 128 : i32
    %add3A_27 = arith.addi %mul3A_2, %add3A_26 : i32
    "tpu.region"() ({
      %run_scoped3A_1058 = tpu.sem_alloc : memref<!tpu.dma_semaphore, #tpu.memory_space<semaphore_mem>>
      %dma_start3A_1059 = arith.constant 0 : i32
      %dma_start3A_1060 = tpu.memref_slice %arg6[%add3A_27, %dma_start3A_1059] : memref<10240x64xf32, #tpu.memory_space<vmem_shared>> -> memref<64x64xf32, #tpu.memory_space<vmem_shared>>
      %dma_start3A_1061 = arith.constant 0 : i32
      %dma_start3A_1062 = tpu.memref_slice %arg6[%add3A_27, %dma_start3A_1061] : memref<10240x64xf32, #tpu.memory_space<vmem_shared>> -> memref<64x64xf32, #tpu.memory_space<vmem_shared>>
      tpu.enqueue_dma source(%arg8 : memref<64x64xf32, #tpu.memory_space<vmem>>) target(%dma_start3A_1062 : memref<64x64xf32, #tpu.memory_space<vmem_shared>>) target_semaphore(%run_scoped3A_1058 : memref<!tpu.dma_semaphore, #tpu.memory_space<semaphore_mem>>)
      %dma_wait3A_1063 = arith.constant 0 : i32
      %dma_wait3A_1064 = tpu.memref_slice %arg6[%add3A_27, %dma_wait3A_1063] : memref<10240x64xf32, #tpu.memory_space<vmem_shared>> -> memref<64x64xf32, #tpu.memory_space<vmem_shared>>
      %dma_wait3A_1065 = arith.constant 0 : i32
      %dma_wait3A_1066 = tpu.memref_slice %arg6[%add3A_27, %dma_wait3A_1065] : memref<10240x64xf32, #tpu.memory_space<vmem_shared>> -> memref<64x64xf32, #tpu.memory_space<vmem_shared>>
      tpu.wait_dma2 semaphore(%run_scoped3A_1058 : memref<!tpu.dma_semaphore, #tpu.memory_space<semaphore_mem>>) src(%arg8 : memref<64x64xf32, #tpu.memory_space<vmem>>) dst(%dma_wait3A_1066 : memref<64x64xf32, #tpu.memory_space<vmem_shared>>)
      tpu.yield
    }) : () -> ()
    %add3A_28 = arith.constant 192 : i32
    %add3A_29 = arith.addi %mul3A_2, %add3A_28 : i32
    "tpu.region"() ({
      %run_scoped3A_1058 = tpu.sem_alloc : memref<!tpu.dma_semaphore, #tpu.memory_space<semaphore_mem>>
      %dma_start3A_1059 = arith.constant 0 : i32
      %dma_start3A_1060 = tpu.memref_slice %arg6[%add3A_29, %dma_start3A_1059] : memref<10240x64xf32, #tpu.memory_space<vmem_shared>> -> memref<64x64xf32, #tpu.memory_space<vmem_shared>>
      %dma_start3A_1061 = arith.constant 0 : i32
      %dma_start3A_1062 = tpu.memref_slice %arg6[%add3A_29, %dma_start3A_1061] : memref<10240x64xf32, #tpu.memory_space<vmem_shared>> -> memref<64x64xf32, #tpu.memory_space<vmem_shared>>
      tpu.enqueue_dma source(%arg8 : memref<64x64xf32, #tpu.memory_space<vmem>>) target(%dma_start3A_1062 : memref<64x64xf32, #tpu.memory_space<vmem_shared>>) target_semaphore(%run_scoped3A_1058 : memref<!tpu.dma_semaphore, #tpu.memory_space<semaphore_mem>>)
      %dma_wait3A_1063 = arith.constant 0 : i32
      %dma_wait3A_1064 = tpu.memref_slice %arg6[%add3A_29, %dma_wait3A_1063] : memref<10240x64xf32, #tpu.memory_space<vmem_shared>> -> memref<64x64xf32, #tpu.memory_space<vmem_shared>>
      %dma_wait3A_1065 = arith.constant 0 : i32
      %dma_wait3A_1066 = tpu.memref_slice %arg6[%add3A_29, %dma_wait3A_1065] : memref<10240x64xf32, #tpu.memory_space<vmem_shared>> -> memref<64x64xf32, #tpu.memory_space<vmem_shared>>
      tpu.wait_dma2 semaphore(%run_scoped3A_1058 : memref<!tpu.dma_semaphore, #tpu.memory_space<semaphore_mem>>) src(%arg8 : memref<64x64xf32, #tpu.memory_space<vmem>>) dst(%dma_wait3A_1066 : memref<64x64xf32, #tpu.memory_space<vmem_shared>>)
      tpu.yield
    }) : () -> ()
    %add3A_30 = arith.constant 256 : i32
    %add3A_31 = arith.addi %mul3A_2, %add3A_30 : i32
    "tpu.region"() ({
      %run_scoped3A_1058 = tpu.sem_alloc : memref<!tpu.dma_semaphore, #tpu.memory_space<semaphore_mem>>
      %dma_start3A_1059 = arith.constant 0 : i32
      %dma_start3A_1060 = tpu.memref_slice %arg6[%add3A_31, %dma_start3A_1059] : memref<10240x64xf32, #tpu.memory_space<vmem_shared>> -> memref<64x64xf32, #tpu.memory_space<vmem_shared>>
      %dma_start3A_1061 = arith.constant 0 : i32
      %dma_start3A_1062 = tpu.memref_slice %arg6[%add3A_31, %dma_start3A_1061] : memref<10240x64xf32, #tpu.memory_space<vmem_shared>> -> memref<64x64xf32, #tpu.memory_space<vmem_shared>>
      tpu.enqueue_dma source(%arg8 : memref<64x64xf32, #tpu.memory_space<vmem>>) target(%dma_start3A_1062 : memref<64x64xf32, #tpu.memory_space<vmem_shared>>) target_semaphore(%run_scoped3A_1058 : memref<!tpu.dma_semaphore, #tpu.memory_space<semaphore_mem>>)
      %dma_wait3A_1063 = arith.constant 0 : i32
      %dma_wait3A_1064 = tpu.memref_slice %arg6[%add3A_31, %dma_wait3A_1063] : memref<10240x64xf32, #tpu.memory_space<vmem_shared>> -> memref<64x64xf32, #tpu.memory_space<vmem_shared>>
      %dma_wait3A_1065 = arith.constant 0 : i32
      %dma_wait3A_1066 = tpu.memref_slice %arg6[%add3A_31, %dma_wait3A_1065] : memref<10240x64xf32, #tpu.memory_space<vmem_shared>> -> memref<64x64xf32, #tpu.memory_space<vmem_shared>>
      tpu.wait_dma2 semaphore(%run_scoped3A_1058 : memref<!tpu.dma_semaphore, #tpu.memory_space<semaphore_mem>>) src(%arg8 : memref<64x64xf32, #tpu.memory_space<vmem>>) dst(%dma_wait3A_1066 : memref<64x64xf32, #tpu.memory_space<vmem_shared>>)
      tpu.yield
    }) : () -> ()
    %add3A_32 = arith.constant 320 : i32
    %add3A_33 = arith.addi %mul3A_2, %add3A_32 : i32
    "tpu.region"() ({
      %run_scoped3A_1058 = tpu.sem_alloc : memref<!tpu.dma_semaphore, #tpu.memory_space<semaphore_mem>>
      %dma_start3A_1059 = arith.constant 0 : i32
      %dma_start3A_1060 = tpu.memref_slice %arg6[%add3A_33, %dma_start3A_1059] : memref<10240x64xf32, #tpu.memory_space<vmem_shared>> -> memref<64x64xf32, #tpu.memory_space<vmem_shared>>
      %dma_start3A_1061 = arith.constant 0 : i32
      %dma_start3A_1062 = tpu.memref_slice %arg6[%add3A_33, %dma_start3A_1061] : memref<10240x64xf32, #tpu.memory_space<vmem_shared>> -> memref<64x64xf32, #tpu.memory_space<vmem_shared>>
      tpu.enqueue_dma source(%arg8 : memref<64x64xf32, #tpu.memory_space<vmem>>) target(%dma_start3A_1062 : memref<64x64xf32, #tpu.memory_space<vmem_shared>>) target_semaphore(%run_scoped3A_1058 : memref<!tpu.dma_semaphore, #tpu.memory_space<semaphore_mem>>)
      %dma_wait3A_1063 = arith.constant 0 : i32
      %dma_wait3A_1064 = tpu.memref_slice %arg6[%add3A_33, %dma_wait3A_1063] : memref<10240x64xf32, #tpu.memory_space<vmem_shared>> -> memref<64x64xf32, #tpu.memory_space<vmem_shared>>
      %dma_wait3A_1065 = arith.constant 0 : i32
      %dma_wait3A_1066 = tpu.memref_slice %arg6[%add3A_33, %dma_wait3A_1065] : memref<10240x64xf32, #tpu.memory_space<vmem_shared>> -> memref<64x64xf32, #tpu.memory_space<vmem_shared>>
      tpu.wait_dma2 semaphore(%run_scoped3A_1058 : memref<!tpu.dma_semaphore, #tpu.memory_space<semaphore_mem>>) src(%arg8 : memref<64x64xf32, #tpu.memory_space<vmem>>) dst(%dma_wait3A_1066 : memref<64x64xf32, #tpu.memory_space<vmem_shared>>)
      tpu.yield
    }) : () -> ()
    %add3A_34 = arith.constant 384 : i32
    %add3A_35 = arith.addi %mul3A_2, %add3A_34 : i32
    "tpu.region"() ({
      %run_scoped3A_1058 = tpu.sem_alloc : memref<!tpu.dma_semaphore, #tpu.memory_space<semaphore_mem>>
      %dma_start3A_1059 = arith.constant 0 : i32
      %dma_start3A_1060 = tpu.memref_slice %arg6[%add3A_35, %dma_start3A_1059] : memref<10240x64xf32, #tpu.memory_space<vmem_shared>> -> memref<64x64xf32, #tpu.memory_space<vmem_shared>>
      %dma_start3A_1061 = arith.constant 0 : i32
      %dma_start3A_1062 = tpu.memref_slice %arg6[%add3A_35, %dma_start3A_1061] : memref<10240x64xf32, #tpu.memory_space<vmem_shared>> -> memref<64x64xf32, #tpu.memory_space<vmem_shared>>
      tpu.enqueue_dma source(%arg8 : memref<64x64xf32, #tpu.memory_space<vmem>>) target(%dma_start3A_1062 : memref<64x64xf32, #tpu.memory_space<vmem_shared>>) target_semaphore(%run_scoped3A_1058 : memref<!tpu.dma_semaphore, #tpu.memory_space<semaphore_mem>>)
      %dma_wait3A_1063 = arith.constant 0 : i32
      %dma_wait3A_1064 = tpu.memref_slice %arg6[%add3A_35, %dma_wait3A_1063] : memref<10240x64xf32, #tpu.memory_space<vmem_shared>> -> memref<64x64xf32, #tpu.memory_space<vmem_shared>>
      %dma_wait3A_1065 = arith.constant 0 : i32
      %dma_wait3A_1066 = tpu.memref_slice %arg6[%add3A_35, %dma_wait3A_1065] : memref<10240x64xf32, #tpu.memory_space<vmem_shared>> -> memref<64x64xf32, #tpu.memory_space<vmem_shared>>
      tpu.wait_dma2 semaphore(%run_scoped3A_1058 : memref<!tpu.dma_semaphore, #tpu.memory_space<semaphore_mem>>) src(%arg8 : memref<64x64xf32, #tpu.memory_space<vmem>>) dst(%dma_wait3A_1066 : memref<64x64xf32, #tpu.memory_space<vmem_shared>>)
      tpu.yield
    }) : () -> ()
    %add3A_36 = arith.constant 448 : i32
    %add3A_37 = arith.addi %mul3A_2, %add3A_36 : i32
    "tpu.region"() ({
      %run_scoped3A_1058 = tpu.sem_alloc : memref<!tpu.dma_semaphore, #tpu.memory_space<semaphore_mem>>
      %dma_start3A_1059 = arith.constant 0 : i32
      %dma_start3A_1060 = tpu.memref_slice %arg6[%add3A_37, %dma_start3A_1059] : memref<10240x64xf32, #tpu.memory_space<vmem_shared>> -> memref<64x64xf32, #tpu.memory_space<vmem_shared>>
      %dma_start3A_1061 = arith.constant 0 : i32
      %dma_start3A_1062 = tpu.memref_slice %arg6[%add3A_37, %dma_start3A_1061] : memref<10240x64xf32, #tpu.memory_space<vmem_shared>> -> memref<64x64xf32, #tpu.memory_space<vmem_shared>>
      tpu.enqueue_dma source(%arg8 : memref<64x64xf32, #tpu.memory_space<vmem>>) target(%dma_start3A_1062 : memref<64x64xf32, #tpu.memory_space<vmem_shared>>) target_semaphore(%run_scoped3A_1058 : memref<!tpu.dma_semaphore, #tpu.memory_space<semaphore_mem>>)
      %dma_wait3A_1063 = arith.constant 0 : i32
      %dma_wait3A_1064 = tpu.memref_slice %arg6[%add3A_37, %dma_wait3A_1063] : memref<10240x64xf32, #tpu.memory_space<vmem_shared>> -> memref<64x64xf32, #tpu.memory_space<vmem_shared>>
      %dma_wait3A_1065 = arith.constant 0 : i32
      %dma_wait3A_1066 = tpu.memref_slice %arg6[%add3A_37, %dma_wait3A_1065] : memref<10240x64xf32, #tpu.memory_space<vmem_shared>> -> memref<64x64xf32, #tpu.memory_space<vmem_shared>>
      tpu.wait_dma2 semaphore(%run_scoped3A_1058 : memref<!tpu.dma_semaphore, #tpu.memory_space<semaphore_mem>>) src(%arg8 : memref<64x64xf32, #tpu.memory_space<vmem>>) dst(%dma_wait3A_1066 : memref<64x64xf32, #tpu.memory_space<vmem_shared>>)
      tpu.yield
    }) : () -> ()
    %add3A_38 = arith.constant 512 : i32
    %add3A_39 = arith.addi %mul3A_2, %add3A_38 : i32
    "tpu.region"() ({
      %run_scoped3A_1058 = tpu.sem_alloc : memref<!tpu.dma_semaphore, #tpu.memory_space<semaphore_mem>>
      %dma_start3A_1059 = arith.constant 0 : i32
      %dma_start3A_1060 = tpu.memref_slice %arg6[%add3A_39, %dma_start3A_1059] : memref<10240x64xf32, #tpu.memory_space<vmem_shared>> -> memref<64x64xf32, #tpu.memory_space<vmem_shared>>
      %dma_start3A_1061 = arith.constant 0 : i32
      %dma_start3A_1062 = tpu.memref_slice %arg6[%add3A_39, %dma_start3A_1061] : memref<10240x64xf32, #tpu.memory_space<vmem_shared>> -> memref<64x64xf32, #tpu.memory_space<vmem_shared>>
      tpu.enqueue_dma source(%arg8 : memref<64x64xf32, #tpu.memory_space<vmem>>) target(%dma_start3A_1062 : memref<64x64xf32, #tpu.memory_space<vmem_shared>>) target_semaphore(%run_scoped3A_1058 : memref<!tpu.dma_semaphore, #tpu.memory_space<semaphore_mem>>)
      %dma_wait3A_1063 = arith.constant 0 : i32
      %dma_wait3A_1064 = tpu.memref_slice %arg6[%add3A_39, %dma_wait3A_1063] : memref<10240x64xf32, #tpu.memory_space<vmem_shared>> -> memref<64x64xf32, #tpu.memory_space<vmem_shared>>
      %dma_wait3A_1065 = arith.constant 0 : i32
      %dma_wait3A_1066 = tpu.memref_slice %arg6[%add3A_39, %dma_wait3A_1065] : memref<10240x64xf32, #tpu.memory_space<vmem_shared>> -> memref<64x64xf32, #tpu.memory_space<vmem_shared>>
      tpu.wait_dma2 semaphore(%run_scoped3A_1058 : memref<!tpu.dma_semaphore, #tpu.memory_space<semaphore_mem>>) src(%arg8 : memref<64x64xf32, #tpu.memory_space<vmem>>) dst(%dma_wait3A_1066 : memref<64x64xf32, #tpu.memory_space<vmem_shared>>)
      tpu.yield
    }) : () -> ()
    %add3A_40 = arith.constant 576 : i32
    %add3A_41 = arith.addi %mul3A_2, %add3A_40 : i32
    "tpu.region"() ({
      %run_scoped3A_1058 = tpu.sem_alloc : memref<!tpu.dma_semaphore, #tpu.memory_space<semaphore_mem>>
      %dma_start3A_1059 = arith.constant 0 : i32
      %dma_start3A_1060 = tpu.memref_slice %arg6[%add3A_41, %dma_start3A_1059] : memref<10240x64xf32, #tpu.memory_space<vmem_shared>> -> memref<64x64xf32, #tpu.memory_space<vmem_shared>>
      %dma_start3A_1061 = arith.constant 0 : i32
      %dma_start3A_1062 = tpu.memref_slice %arg6[%add3A_41, %dma_start3A_1061] : memref<10240x64xf32, #tpu.memory_space<vmem_shared>> -> memref<64x64xf32, #tpu.memory_space<vmem_shared>>
      tpu.enqueue_dma source(%arg8 : memref<64x64xf32, #tpu.memory_space<vmem>>) target(%dma_start3A_1062 : memref<64x64xf32, #tpu.memory_space<vmem_shared>>) target_semaphore(%run_scoped3A_1058 : memref<!tpu.dma_semaphore, #tpu.memory_space<semaphore_mem>>)
      %dma_wait3A_1063 = arith.constant 0 : i32
      %dma_wait3A_1064 = tpu.memref_slice %arg6[%add3A_41, %dma_wait3A_1063] : memref<10240x64xf32, #tpu.memory_space<vmem_shared>> -> memref<64x64xf32, #tpu.memory_space<vmem_shared>>
      %dma_wait3A_1065 = arith.constant 0 : i32
      %dma_wait3A_1066 = tpu.memref_slice %arg6[%add3A_41, %dma_wait3A_1065] : memref<10240x64xf32, #tpu.memory_space<vmem_shared>> -> memref<64x64xf32, #tpu.memory_space<vmem_shared>>
      tpu.wait_dma2 semaphore(%run_scoped3A_1058 : memref<!tpu.dma_semaphore, #tpu.memory_space<semaphore_mem>>) src(%arg8 : memref<64x64xf32, #tpu.memory_space<vmem>>) dst(%dma_wait3A_1066 : memref<64x64xf32, #tpu.memory_space<vmem_shared>>)
      tpu.yield
    }) : () -> ()
    %barrier3A = arith.constant 0 : index
    tpu.barrier barrier_id(%barrier3A)
    %add3A_42 = arith.constant 4000 : i32
    %add3A_43 = arith.addi %mul3A_0, %add3A_42 : i32
    %dma_start3A = arith.constant 0 : i32
    %dma_start3A_44 = tpu.memref_slice %arg3[%dma_start3A, %add3A_43] : memref<3x320000xi32, #tpu.memory_space<hbm>> -> memref<1x4000xi32, #tpu.memory_space<hbm>>
    %dma_start3A_45 = tpu.memref_squeeze %dma_start3A_44 : memref<1x4000xi32, #tpu.memory_space<hbm>> -> memref<4000xi32, #tpu.memory_space<hbm>>
    %dma_start3A_46 = tpu.memref_slice %arg3[%dma_start3A, %add3A_43] : memref<3x320000xi32, #tpu.memory_space<hbm>> -> memref<1x4000xi32, #tpu.memory_space<hbm>>
    %dma_start3A_47 = tpu.memref_squeeze %dma_start3A_46 : memref<1x4000xi32, #tpu.memory_space<hbm>> -> memref<4000xi32, #tpu.memory_space<hbm>>
    tpu.enqueue_dma source(%dma_start3A_47 : memref<4000xi32, #tpu.memory_space<hbm>>) target(%arg11 : memref<4000xi32, #tpu.memory_space<vmem>>) target_semaphore(%arg21 : memref<!tpu.dma_semaphore, #tpu.memory_space<semaphore_mem>>)
    %add3A_48 = arith.constant 1 : i32
    %add3A_49 = arith.addi %add3A_48, %arg0 : i32
    %dma_start3A_50 = tpu.memref_slice %arg3[%add3A_49, %add3A_43] : memref<3x320000xi32, #tpu.memory_space<hbm>> -> memref<1x4000xi32, #tpu.memory_space<hbm>>
    %dma_start3A_51 = tpu.memref_squeeze %dma_start3A_50 : memref<1x4000xi32, #tpu.memory_space<hbm>> -> memref<4000xi32, #tpu.memory_space<hbm>>
    %dma_start3A_52 = tpu.memref_slice %arg3[%add3A_49, %add3A_43] : memref<3x320000xi32, #tpu.memory_space<hbm>> -> memref<1x4000xi32, #tpu.memory_space<hbm>>
    %dma_start3A_53 = tpu.memref_squeeze %dma_start3A_52 : memref<1x4000xi32, #tpu.memory_space<hbm>> -> memref<4000xi32, #tpu.memory_space<hbm>>
    tpu.enqueue_dma source(%dma_start3A_53 : memref<4000xi32, #tpu.memory_space<hbm>>) target(%arg12 : memref<4000xi32, #tpu.memory_space<vmem>>) target_semaphore(%arg21 : memref<!tpu.dma_semaphore, #tpu.memory_space<semaphore_mem>>)
    %get3A = arith.constant 0 : index
    %get3A_54 = tpu.vector_load %arg9[%get3A] {strides = array<i32>} : memref<4000xi32, #tpu.memory_space<vmem>>, vector<16xi32>,
    %swap3A = arith.constant 0 : index
    %swap3A_55 = tpu.vector_load %arg15[%swap3A] {strides = array<i32>} : memref<160xi32, #tpu.memory_space<vmem>>, vector<16xi32>,
    tpu.vector_store %arg15[%swap3A], %get3A_54 {strides = array<i32>} : memref<160xi32, #tpu.memory_space<vmem>>, vector<16xi32>,
    tpu.vector_store_idx %arg7[%get3A_54], %broadcast_in_dim3A_5 {add = true} : memref<10240xf32, #tpu.memory_space<vmem>>[vector<16xi32>], vector<16xf32>,
    %get3A_56 = arith.constant 16 : index
    %get3A_57 = tpu.vector_load %arg9[%get3A_56] {strides = array<i32>} : memref<4000xi32, #tpu.memory_space<vmem>>, vector<16xi32>,
    %swap3A_58 = arith.constant 16 : index
    %swap3A_59 = tpu.vector_load %arg15[%swap3A_58] {strides = array<i32>} : memref<160xi32, #tpu.memory_space<vmem>>, vector<16xi32>,
    tpu.vector_store %arg15[%swap3A_58], %get3A_57 {strides = array<i32>} : memref<160xi32, #tpu.memory_space<vmem>>, vector<16xi32>,
    tpu.vector_store_idx %arg7[%get3A_57], %broadcast_in_dim3A_5 {add = true} : memref<10240xf32, #tpu.memory_space<vmem>>[vector<16xi32>], vector<16xf32>,
    %get3A_60 = arith.constant 32 : index
    %get3A_61 = tpu.vector_load %arg9[%get3A_60] {strides = array<i32>} : memref<4000xi32, #tpu.memory_space<vmem>>, vector<16xi32>,
    %swap3A_62 = arith.constant 32 : index
    %swap3A_63 = tpu.vector_load %arg15[%swap3A_62] {strides = array<i32>} : memref<160xi32, #tpu.memory_space<vmem>>, vector<16xi32>,
    tpu.vector_store %arg15[%swap3A_62], %get3A_61 {strides = array<i32>} : memref<160xi32, #tpu.memory_space<vmem>>, vector<16xi32>,
    tpu.vector_store_idx %arg7[%get3A_61], %broadcast_in_dim3A_5 {add = true} : memref<10240xf32, #tpu.memory_space<vmem>>[vector<16xi32>], vector<16xf32>,
    %get3A_64 = arith.constant 48 : index
    %get3A_65 = tpu.vector_load %arg9[%get3A_64] {strides = array<i32>} : memref<4000xi32, #tpu.memory_space<vmem>>, vector<16xi32>,
    %swap3A_66 = arith.constant 48 : index
    %swap3A_67 = tpu.vector_load %arg15[%swap3A_66] {strides = array<i32>} : memref<160xi32, #tpu.memory_space<vmem>>, vector<16xi32>,
    tpu.vector_store %arg15[%swap3A_66], %get3A_65 {strides = array<i32>} : memref<160xi32, #tpu.memory_space<vmem>>, vector<16xi32>,
    tpu.vector_store_idx %arg7[%get3A_65], %broadcast_in_dim3A_5 {add = true} : memref<10240xf32, #tpu.memory_space<vmem>>[vector<16xi32>], vector<16xf32>,
    %get3A_68 = arith.constant 64 : index
    %get3A_69 = tpu.vector_load %arg9[%get3A_68] {strides = array<i32>} : memref<4000xi32, #tpu.memory_space<vmem>>, vector<16xi32>,
    %swap3A_70 = arith.constant 64 : index
    %swap3A_71 = tpu.vector_load %arg15[%swap3A_70] {strides = array<i32>} : memref<160xi32, #tpu.memory_space<vmem>>, vector<16xi32>,
    tpu.vector_store %arg15[%swap3A_70], %get3A_69 {strides = array<i32>} : memref<160xi32, #tpu.memory_space<vmem>>, vector<16xi32>,
    tpu.vector_store_idx %arg7[%get3A_69], %broadcast_in_dim3A_5 {add = true} : memref<10240xf32, #tpu.memory_space<vmem>>[vector<16xi32>], vector<16xf32>,
    %get3A_72 = arith.constant 80 : index
    %get3A_73 = tpu.vector_load %arg9[%get3A_72] {strides = array<i32>} : memref<4000xi32, #tpu.memory_space<vmem>>, vector<16xi32>,
    %swap3A_74 = arith.constant 80 : index
    %swap3A_75 = tpu.vector_load %arg15[%swap3A_74] {strides = array<i32>} : memref<160xi32, #tpu.memory_space<vmem>>, vector<16xi32>,
    tpu.vector_store %arg15[%swap3A_74], %get3A_73 {strides = array<i32>} : memref<160xi32, #tpu.memory_space<vmem>>, vector<16xi32>,
    tpu.vector_store_idx %arg7[%get3A_73], %broadcast_in_dim3A_5 {add = true} : memref<10240xf32, #tpu.memory_space<vmem>>[vector<16xi32>], vector<16xf32>,
    %get3A_76 = arith.constant 96 : index
    %get3A_77 = tpu.vector_load %arg9[%get3A_76] {strides = array<i32>} : memref<4000xi32, #tpu.memory_space<vmem>>, vector<16xi32>,
    %swap3A_78 = arith.constant 96 : index
    %swap3A_79 = tpu.vector_load %arg15[%swap3A_78] {strides = array<i32>} : memref<160xi32, #tpu.memory_space<vmem>>, vector<16xi32>,
    tpu.vector_store %arg15[%swap3A_78], %get3A_77 {strides = array<i32>} : memref<160xi32, #tpu.memory_space<vmem>>, vector<16xi32>,
    tpu.vector_store_idx %arg7[%get3A_77], %broadcast_in_dim3A_5 {add = true} : memref<10240xf32, #tpu.memory_space<vmem>>[vector<16xi32>], vector<16xf32>,
    %get3A_80 = arith.constant 112 : index
    %get3A_81 = tpu.vector_load %arg9[%get3A_80] {strides = array<i32>} : memref<4000xi32, #tpu.memory_space<vmem>>, vector<16xi32>,
    %swap3A_82 = arith.constant 112 : index
    %swap3A_83 = tpu.vector_load %arg15[%swap3A_82] {strides = array<i32>} : memref<160xi32, #tpu.memory_space<vmem>>, vector<16xi32>,
    tpu.vector_store %arg15[%swap3A_82], %get3A_81 {strides = array<i32>} : memref<160xi32, #tpu.memory_space<vmem>>, vector<16xi32>,
    tpu.vector_store_idx %arg7[%get3A_81], %broadcast_in_dim3A_5 {add = true} : memref<10240xf32, #tpu.memory_space<vmem>>[vector<16xi32>], vector<16xf32>,
    %get3A_84 = arith.constant 128 : index
    %get3A_85 = tpu.vector_load %arg9[%get3A_84] {strides = array<i32>} : memref<4000xi32, #tpu.memory_space<vmem>>, vector<16xi32>,
    %swap3A_86 = arith.constant 128 : index
    %swap3A_87 = tpu.vector_load %arg15[%swap3A_86] {strides = array<i32>} : memref<160xi32, #tpu.memory_space<vmem>>, vector<16xi32>,
    tpu.vector_store %arg15[%swap3A_86], %get3A_85 {strides = array<i32>} : memref<160xi32, #tpu.memory_space<vmem>>, vector<16xi32>,
    tpu.vector_store_idx %arg7[%get3A_85], %broadcast_in_dim3A_5 {add = true} : memref<10240xf32, #tpu.memory_space<vmem>>[vector<16xi32>], vector<16xf32>,
    %get3A_88 = arith.constant 144 : index
    %get3A_89 = tpu.vector_load %arg9[%get3A_88] {strides = array<i32>} : memref<4000xi32, #tpu.memory_space<vmem>>, vector<16xi32>,
    %swap3A_90 = arith.constant 144 : index
    %swap3A_91 = tpu.vector_load %arg15[%swap3A_90] {strides = array<i32>} : memref<160xi32, #tpu.memory_space<vmem>>, vector<16xi32>,
    tpu.vector_store %arg15[%swap3A_90], %get3A_89 {strides = array<i32>} : memref<160xi32, #tpu.memory_space<vmem>>, vector<16xi32>,
    tpu.vector_store_idx %arg7[%get3A_89], %broadcast_in_dim3A_5 {add = true} : memref<10240xf32, #tpu.memory_space<vmem>>[vector<16xi32>], vector<16xf32>,
    %dma_start3A_92 = arith.constant 0 : i32
    %dma_start3A_93 = tpu.memref_slice %arg10[%dma_start3A_92] : memref<4000xi32, #tpu.memory_space<vmem>> -> memref<160xi32, #tpu.memory_space<vmem>>
    %dma_start3A_94 = arith.constant 0 : i32
    %dma_start3A_95 = arith.constant 0 : i32
    %dma_start3A_96 = tpu.memref_slice %arg2[%dma_start3A_94, %dma_start3A_95] : memref<200000x64xf32, #tpu.memory_space<hbm>> -> memref<200000x64xf32, #tpu.memory_space<hbm>>
    tpu.enqueue_indirect_dma source(%dma_start3A_96 : memref<200000x64xf32, #tpu.memory_space<hbm>>) target(%arg13 : memref<160x64xf32, #tpu.memory_space<vmem>>) offsets(%dma_start3A_93 : memref<160xi32, #tpu.memory_space<vmem>>) semaphore(%arg17 : memref<!tpu.dma_semaphore, #tpu.memory_space<semaphore_mem>>)
    %get3A_97 = arith.constant 160 : index
    %get3A_98 = tpu.vector_load %arg9[%get3A_97] {strides = array<i32>} : memref<4000xi32, #tpu.memory_space<vmem>>, vector<16xi32>,
    %swap3A_99 = arith.constant 0 : index
    %swap3A_100 = tpu.vector_load %arg16[%swap3A_99] {strides = array<i32>} : memref<160xi32, #tpu.memory_space<vmem>>, vector<16xi32>,
    tpu.vector_store %arg16[%swap3A_99], %get3A_98 {strides = array<i32>} : memref<160xi32, #tpu.memory_space<vmem>>, vector<16xi32>,
    tpu.vector_store_idx %arg7[%get3A_98], %broadcast_in_dim3A_5 {add = true} : memref<10240xf32, #tpu.memory_space<vmem>>[vector<16xi32>], vector<16xf32>,
    %get3A_101 = arith.constant 176 : index
    %get3A_102 = tpu.vector_load %arg9[%get3A_101] {strides = array<i32>} : memref<4000xi32, #tpu.memory_space<vmem>>, vector<16xi32>,
    %swap3A_103 = arith.constant 16 : index
    %swap3A_104 = tpu.vector_load %arg16[%swap3A_103] {strides = array<i32>} : memref<160xi32, #tpu.memory_space<vmem>>, vector<16xi32>,
    tpu.vector_store %arg16[%swap3A_103], %get3A_102 {strides = array<i32>} : memref<160xi32, #tpu.memory_space<vmem>>, vector<16xi32>,
    tpu.vector_store_idx %arg7[%get3A_102], %broadcast_in_dim3A_5 {add = true} : memref<10240xf32, #tpu.memory_space<vmem>>[vector<16xi32>], vector<16xf32>,
    %get3A_105 = arith.constant 192 : index
    %get3A_106 = tpu.vector_load %arg9[%get3A_105] {strides = array<i32>} : memref<4000xi32, #tpu.memory_space<vmem>>, vector<16xi32>,
    %swap3A_107 = arith.constant 32 : index
    %swap3A_108 = tpu.vector_load %arg16[%swap3A_107] {strides = array<i32>} : memref<160xi32, #tpu.memory_space<vmem>>, vector<16xi32>,
    tpu.vector_store %arg16[%swap3A_107], %get3A_106 {strides = array<i32>} : memref<160xi32, #tpu.memory_space<vmem>>, vector<16xi32>,
    tpu.vector_store_idx %arg7[%get3A_106], %broadcast_in_dim3A_5 {add = true} : memref<10240xf32, #tpu.memory_space<vmem>>[vector<16xi32>], vector<16xf32>,
    %get3A_109 = arith.constant 208 : index
    %get3A_110 = tpu.vector_load %arg9[%get3A_109] {strides = array<i32>} : memref<4000xi32, #tpu.memory_space<vmem>>, vector<16xi32>,
    %swap3A_111 = arith.constant 48 : index
    %swap3A_112 = tpu.vector_load %arg16[%swap3A_111] {strides = array<i32>} : memref<160xi32, #tpu.memory_space<vmem>>, vector<16xi32>,
    tpu.vector_store %arg16[%swap3A_111], %get3A_110 {strides = array<i32>} : memref<160xi32, #tpu.memory_space<vmem>>, vector<16xi32>,
    tpu.vector_store_idx %arg7[%get3A_110], %broadcast_in_dim3A_5 {add = true} : memref<10240xf32, #tpu.memory_space<vmem>>[vector<16xi32>], vector<16xf32>,
    %get3A_113 = arith.constant 224 : index
    %get3A_114 = tpu.vector_load %arg9[%get3A_113] {strides = array<i32>} : memref<4000xi32, #tpu.memory_space<vmem>>, vector<16xi32>,
    %swap3A_115 = arith.constant 64 : index
    %swap3A_116 = tpu.vector_load %arg16[%swap3A_115] {strides = array<i32>} : memref<160xi32, #tpu.memory_space<vmem>>, vector<16xi32>,
    tpu.vector_store %arg16[%swap3A_115], %get3A_114 {strides = array<i32>} : memref<160xi32, #tpu.memory_space<vmem>>, vector<16xi32>,
    tpu.vector_store_idx %arg7[%get3A_114], %broadcast_in_dim3A_5 {add = true} : memref<10240xf32, #tpu.memory_space<vmem>>[vector<16xi32>], vector<16xf32>,
    %get3A_117 = arith.constant 240 : index
    %get3A_118 = tpu.vector_load %arg9[%get3A_117] {strides = array<i32>} : memref<4000xi32, #tpu.memory_space<vmem>>, vector<16xi32>,
    %swap3A_119 = arith.constant 80 : index
    %swap3A_120 = tpu.vector_load %arg16[%swap3A_119] {strides = array<i32>} : memref<160xi32, #tpu.memory_space<vmem>>, vector<16xi32>,
    tpu.vector_store %arg16[%swap3A_119], %get3A_118 {strides = array<i32>} : memref<160xi32, #tpu.memory_space<vmem>>, vector<16xi32>,
    tpu.vector_store_idx %arg7[%get3A_118], %broadcast_in_dim3A_5 {add = true} : memref<10240xf32, #tpu.memory_space<vmem>>[vector<16xi32>], vector<16xf32>,
    %get3A_121 = arith.constant 256 : index
    %get3A_122 = tpu.vector_load %arg9[%get3A_121] {strides = array<i32>} : memref<4000xi32, #tpu.memory_space<vmem>>, vector<16xi32>,
    %swap3A_123 = arith.constant 96 : index
    %swap3A_124 = tpu.vector_load %arg16[%swap3A_123] {strides = array<i32>} : memref<160xi32, #tpu.memory_space<vmem>>, vector<16xi32>,
    tpu.vector_store %arg16[%swap3A_123], %get3A_122 {strides = array<i32>} : memref<160xi32, #tpu.memory_space<vmem>>, vector<16xi32>,
    tpu.vector_store_idx %arg7[%get3A_122], %broadcast_in_dim3A_5 {add = true} : memref<10240xf32, #tpu.memory_space<vmem>>[vector<16xi32>], vector<16xf32>,
    %get3A_125 = arith.constant 272 : index
    %get3A_126 = tpu.vector_load %arg9[%get3A_125] {strides = array<i32>} : memref<4000xi32, #tpu.memory_space<vmem>>, vector<16xi32>,
    %swap3A_127 = arith.constant 112 : index
    %swap3A_128 = tpu.vector_load %arg16[%swap3A_127] {strides = array<i32>} : memref<160xi32, #tpu.memory_space<vmem>>, vector<16xi32>,
    tpu.vector_store %arg16[%swap3A_127], %get3A_126 {strides = array<i32>} : memref<160xi32, #tpu.memory_space<vmem>>, vector<16xi32>,
    tpu.vector_store_idx %arg7[%get3A_126], %broadcast_in_dim3A_5 {add = true} : memref<10240xf32, #tpu.memory_space<vmem>>[vector<16xi32>], vector<16xf32>,
    %get3A_129 = arith.constant 288 : index
    %get3A_130 = tpu.vector_load %arg9[%get3A_129] {strides = array<i32>} : memref<4000xi32, #tpu.memory_space<vmem>>, vector<16xi32>,
    %swap3A_131 = arith.constant 128 : index
    %swap3A_132 = tpu.vector_load %arg16[%swap3A_131] {strides = array<i32>} : memref<160xi32, #tpu.memory_space<vmem>>, vector<16xi32>,
    tpu.vector_store %arg16[%swap3A_131], %get3A_130 {strides = array<i32>} : memref<160xi32, #tpu.memory_space<vmem>>, vector<16xi32>,
    tpu.vector_store_idx %arg7[%get3A_130], %broadcast_in_dim3A_5 {add = true} : memref<10240xf32, #tpu.memory_space<vmem>>[vector<16xi32>], vector<16xf32>,
    %get3A_133 = arith.constant 304 : index
    %get3A_134 = tpu.vector_load %arg9[%get3A_133] {strides = array<i32>} : memref<4000xi32, #tpu.memory_space<vmem>>, vector<16xi32>,
    %swap3A_135 = arith.constant 144 : index
    %swap3A_136 = tpu.vector_load %arg16[%swap3A_135] {strides = array<i32>} : memref<160xi32, #tpu.memory_space<vmem>>, vector<16xi32>,
    tpu.vector_store %arg16[%swap3A_135], %get3A_134 {strides = array<i32>} : memref<160xi32, #tpu.memory_space<vmem>>, vector<16xi32>,
    tpu.vector_store_idx %arg7[%get3A_134], %broadcast_in_dim3A_5 {add = true} : memref<10240xf32, #tpu.memory_space<vmem>>[vector<16xi32>], vector<16xf32>,
    %dma_start3A_137 = arith.constant 160 : i32
    %dma_start3A_138 = tpu.memref_slice %arg10[%dma_start3A_137] : memref<4000xi32, #tpu.memory_space<vmem>> -> memref<160xi32, #tpu.memory_space<vmem>>
    %dma_start3A_139 = arith.constant 0 : i32
    %dma_start3A_140 = arith.constant 0 : i32
    %dma_start3A_141 = tpu.memref_slice %arg2[%dma_start3A_139, %dma_start3A_140] : memref<200000x64xf32, #tpu.memory_space<hbm>> -> memref<200000x64xf32, #tpu.memory_space<hbm>>
    tpu.enqueue_indirect_dma source(%dma_start3A_141 : memref<200000x64xf32, #tpu.memory_space<hbm>>) target(%arg14 : memref<160x64xf32, #tpu.memory_space<vmem>>) offsets(%dma_start3A_138 : memref<160xi32, #tpu.memory_space<vmem>>) semaphore(%arg18 : memref<!tpu.dma_semaphore, #tpu.memory_space<semaphore_mem>>)
    %dma_wait3A = arith.constant 0 : i32
    %dma_wait3A_142 = tpu.memref_slice %arg10[%dma_wait3A] : memref<4000xi32, #tpu.memory_space<vmem>> -> memref<160xi32, #tpu.memory_space<vmem>>
    %dma_wait3A_143 = arith.constant 0 : i32
    %dma_wait3A_144 = arith.constant 0 : i32
    %dma_wait3A_145 = tpu.memref_slice %arg2[%dma_wait3A_143, %dma_wait3A_144] : memref<200000x64xf32, #tpu.memory_space<hbm>> -> memref<200000x64xf32, #tpu.memory_space<hbm>>
    tpu.wait_indirect_dma semaphore(%arg17 : memref<!tpu.dma_semaphore, #tpu.memory_space<semaphore_mem>>) src(%dma_wait3A_145 : memref<200000x64xf32, #tpu.memory_space<hbm>>) dst(%arg13 : memref<160x64xf32, #tpu.memory_space<vmem>>)
    %dma_start3A_146 = arith.constant 0 : i32
    %dma_start3A_147 = arith.constant 0 : i32
    %dma_start3A_148 = tpu.memref_slice %arg6[%dma_start3A_146, %dma_start3A_147] : memref<10240x64xf32, #tpu.memory_space<vmem_shared>> -> memref<10240x64xf32, #tpu.memory_space<vmem_shared>>
    tpu.enqueue_indirect_dma source(%arg13 : memref<160x64xf32, #tpu.memory_space<vmem>>) target(%dma_start3A_148 : memref<10240x64xf32, #tpu.memory_space<vmem_shared>>) offsets(%arg15 : memref<160xi32, #tpu.memory_space<vmem>>) semaphore(%arg19 : memref<!tpu.dma_semaphore, #tpu.memory_space<semaphore_mem>>) {add = true}
    %scan3A_149 = arith.constant 0 : i32
    %scan3A_150 = arith.constant 0 : i32
    %scan3A_151 = arith.constant 11 : i32
    %scan3A_152 = arith.addi %scan3A_150, %scan3A_151 : i32
    %scan3A_153 = arith.constant 1 : i32
    %scan3A_154 = scf.for %scan3A_1058 = %scan3A_150 to %scan3A_152 step %scan3A_153 iter_args(%scan3A_1059 = %scan3A_149) -> (i32)  : i32 {
      %dma_wait3A_1060 = arith.constant 0 : i32
      %dma_wait3A_1061 = arith.constant 0 : i32
      %dma_wait3A_1062 = tpu.memref_slice %arg6[%dma_wait3A_1060, %dma_wait3A_1061] : memref<10240x64xf32, #tpu.memory_space<vmem_shared>> -> memref<10240x64xf32, #tpu.memory_space<vmem_shared>>
      tpu.wait_indirect_dma semaphore(%arg19 : memref<!tpu.dma_semaphore, #tpu.memory_space<semaphore_mem>>) src(%arg13 : memref<160x64xf32, #tpu.memory_space<vmem>>) dst(%dma_wait3A_1062 : memref<10240x64xf32, #tpu.memory_space<vmem_shared>>)
      %mul3A_1063 = arith.constant 2 : i32
      %mul3A_1064 = arith.muli %mul3A_1063, %scan3A_1058 : i32
      %add3A_1065 = arith.constant 2 : i32
      %add3A_1066 = arith.addi %mul3A_1064, %add3A_1065 : i32
      %mul3A_1067 = arith.constant 160 : i32
      %mul3A_1068 = arith.muli %add3A_1066, %mul3A_1067 : i32
      %add3A_1069 = arith.constant 0 : i32
      %add3A_1070 = arith.addi %mul3A_1068, %add3A_1069 : i32
      %get3A_1071 = arith.index_cast %add3A_1070 : i32 to index
      %get3A_1072 = tpu.vector_load %arg9[%get3A_1071] {strides = array<i32>} : memref<4000xi32, #tpu.memory_space<vmem>>, vector<16xi32>,
      %swap3A_1073 = arith.constant 0 : index
      %swap3A_1074 = tpu.vector_load %arg15[%swap3A_1073] {strides = array<i32>} : memref<160xi32, #tpu.memory_space<vmem>>, vector<16xi32>,
      tpu.vector_store %arg15[%swap3A_1073], %get3A_1072 {strides = array<i32>} : memref<160xi32, #tpu.memory_space<vmem>>, vector<16xi32>,
      tpu.vector_store_idx %arg7[%get3A_1072], %broadcast_in_dim3A_5 {add = true} : memref<10240xf32, #tpu.memory_space<vmem>>[vector<16xi32>], vector<16xf32>,
      %add3A_1075 = arith.constant 16 : i32
      %add3A_1076 = arith.addi %mul3A_1068, %add3A_1075 : i32
      %get3A_1077 = arith.index_cast %add3A_1076 : i32 to index
      %get3A_1078 = tpu.vector_load %arg9[%get3A_1077] {strides = array<i32>} : memref<4000xi32, #tpu.memory_space<vmem>>, vector<16xi32>,
      %swap3A_1079 = arith.constant 16 : index
      %swap3A_1080 = tpu.vector_load %arg15[%swap3A_1079] {strides = array<i32>} : memref<160xi32, #tpu.memory_space<vmem>>, vector<16xi32>,
      tpu.vector_store %arg15[%swap3A_1079], %get3A_1078 {strides = array<i32>} : memref<160xi32, #tpu.memory_space<vmem>>, vector<16xi32>,
      tpu.vector_store_idx %arg7[%get3A_1078], %broadcast_in_dim3A_5 {add = true} : memref<10240xf32, #tpu.memory_space<vmem>>[vector<16xi32>], vector<16xf32>,
      %add3A_1081 = arith.constant 32 : i32
      %add3A_1082 = arith.addi %mul3A_1068, %add3A_1081 : i32
      %get3A_1083 = arith.index_cast %add3A_1082 : i32 to index
      %get3A_1084 = tpu.vector_load %arg9[%get3A_1083] {strides = array<i32>} : memref<4000xi32, #tpu.memory_space<vmem>>, vector<16xi32>,
      %swap3A_1085 = arith.constant 32 : index
      %swap3A_1086 = tpu.vector_load %arg15[%swap3A_1085] {strides = array<i32>} : memref<160xi32, #tpu.memory_space<vmem>>, vector<16xi32>,
      tpu.vector_store %arg15[%swap3A_1085], %get3A_1084 {strides = array<i32>} : memref<160xi32, #tpu.memory_space<vmem>>, vector<16xi32>,
      tpu.vector_store_idx %arg7[%get3A_1084], %broadcast_in_dim3A_5 {add = true} : memref<10240xf32, #tpu.memory_space<vmem>>[vector<16xi32>], vector<16xf32>,
      %add3A_1087 = arith.constant 48 : i32
      %add3A_1088 = arith.addi %mul3A_1068, %add3A_1087 : i32
      %get3A_1089 = arith.index_cast %add3A_1088 : i32 to index
      %get3A_1090 = tpu.vector_load %arg9[%get3A_1089] {strides = array<i32>} : memref<4000xi32, #tpu.memory_space<vmem>>, vector<16xi32>,
      %swap3A_1091 = arith.constant 48 : index
      %swap3A_1092 = tpu.vector_load %arg15[%swap3A_1091] {strides = array<i32>} : memref<160xi32, #tpu.memory_space<vmem>>, vector<16xi32>,
      tpu.vector_store %arg15[%swap3A_1091], %get3A_1090 {strides = array<i32>} : memref<160xi32, #tpu.memory_space<vmem>>, vector<16xi32>,
      tpu.vector_store_idx %arg7[%get3A_1090], %broadcast_in_dim3A_5 {add = true} : memref<10240xf32, #tpu.memory_space<vmem>>[vector<16xi32>], vector<16xf32>,
      %add3A_1093 = arith.constant 64 : i32
      %add3A_1094 = arith.addi %mul3A_1068, %add3A_1093 : i32
      %get3A_1095 = arith.index_cast %add3A_1094 : i32 to index
      %get3A_1096 = tpu.vector_load %arg9[%get3A_1095] {strides = array<i32>} : memref<4000xi32, #tpu.memory_space<vmem>>, vector<16xi32>,
      %swap3A_1097 = arith.constant 64 : index
      %swap3A_1098 = tpu.vector_load %arg15[%swap3A_1097] {strides = array<i32>} : memref<160xi32, #tpu.memory_space<vmem>>, vector<16xi32>,
      tpu.vector_store %arg15[%swap3A_1097], %get3A_1096 {strides = array<i32>} : memref<160xi32, #tpu.memory_space<vmem>>, vector<16xi32>,
      tpu.vector_store_idx %arg7[%get3A_1096], %broadcast_in_dim3A_5 {add = true} : memref<10240xf32, #tpu.memory_space<vmem>>[vector<16xi32>], vector<16xf32>,
      %add3A_1099 = arith.constant 80 : i32
      %add3A_1100 = arith.addi %mul3A_1068, %add3A_1099 : i32
      %get3A_1101 = arith.index_cast %add3A_1100 : i32 to index
      %get3A_1102 = tpu.vector_load %arg9[%get3A_1101] {strides = array<i32>} : memref<4000xi32, #tpu.memory_space<vmem>>, vector<16xi32>,
      %swap3A_1103 = arith.constant 80 : index
      %swap3A_1104 = tpu.vector_load %arg15[%swap3A_1103] {strides = array<i32>} : memref<160xi32, #tpu.memory_space<vmem>>, vector<16xi32>,
      tpu.vector_store %arg15[%swap3A_1103], %get3A_1102 {strides = array<i32>} : memref<160xi32, #tpu.memory_space<vmem>>, vector<16xi32>,
      tpu.vector_store_idx %arg7[%get3A_1102], %broadcast_in_dim3A_5 {add = true} : memref<10240xf32, #tpu.memory_space<vmem>>[vector<16xi32>], vector<16xf32>,
      %add3A_1105 = arith.constant 96 : i32
      %add3A_1106 = arith.addi %mul3A_1068, %add3A_1105 : i32
      %get3A_1107 = arith.index_cast %add3A_1106 : i32 to index
      %get3A_1108 = tpu.vector_load %arg9[%get3A_1107] {strides = array<i32>} : memref<4000xi32, #tpu.memory_space<vmem>>, vector<16xi32>,
      %swap3A_1109 = arith.constant 96 : index
      %swap3A_1110 = tpu.vector_load %arg15[%swap3A_1109] {strides = array<i32>} : memref<160xi32, #tpu.memory_space<vmem>>, vector<16xi32>,
      tpu.vector_store %arg15[%swap3A_1109], %get3A_1108 {strides = array<i32>} : memref<160xi32, #tpu.memory_space<vmem>>, vector<16xi32>,
      tpu.vector_store_idx %arg7[%get3A_1108], %broadcast_in_dim3A_5 {add = true} : memref<10240xf32, #tpu.memory_space<vmem>>[vector<16xi32>], vector<16xf32>,
      %add3A_1111 = arith.constant 112 : i32
      %add3A_1112 = arith.addi %mul3A_1068, %add3A_1111 : i32
      %get3A_1113 = arith.index_cast %add3A_1112 : i32 to index
      %get3A_1114 = tpu.vector_load %arg9[%get3A_1113] {strides = array<i32>} : memref<4000xi32, #tpu.memory_space<vmem>>, vector<16xi32>,
      %swap3A_1115 = arith.constant 112 : index
      %swap3A_1116 = tpu.vector_load %arg15[%swap3A_1115] {strides = array<i32>} : memref<160xi32, #tpu.memory_space<vmem>>, vector<16xi32>,
      tpu.vector_store %arg15[%swap3A_1115], %get3A_1114 {strides = array<i32>} : memref<160xi32, #tpu.memory_space<vmem>>, vector<16xi32>,
      tpu.vector_store_idx %arg7[%get3A_1114], %broadcast_in_dim3A_5 {add = true} : memref<10240xf32, #tpu.memory_space<vmem>>[vector<16xi32>], vector<16xf32>,
      %add3A_1117 = arith.constant 128 : i32
      %add3A_1118 = arith.addi %mul3A_1068, %add3A_1117 : i32
      %get3A_1119 = arith.index_cast %add3A_1118 : i32 to index
      %get3A_1120 = tpu.vector_load %arg9[%get3A_1119] {strides = array<i32>} : memref<4000xi32, #tpu.memory_space<vmem>>, vector<16xi32>,
      %swap3A_1121 = arith.constant 128 : index
      %swap3A_1122 = tpu.vector_load %arg15[%swap3A_1121] {strides = array<i32>} : memref<160xi32, #tpu.memory_space<vmem>>, vector<16xi32>,
      tpu.vector_store %arg15[%swap3A_1121], %get3A_1120 {strides = array<i32>} : memref<160xi32, #tpu.memory_space<vmem>>, vector<16xi32>,
      tpu.vector_store_idx %arg7[%get3A_1120], %broadcast_in_dim3A_5 {add = true} : memref<10240xf32, #tpu.memory_space<vmem>>[vector<16xi32>], vector<16xf32>,
      %add3A_1123 = arith.constant 144 : i32
      %add3A_1124 = arith.addi %mul3A_1068, %add3A_1123 : i32
      %get3A_1125 = arith.index_cast %add3A_1124 : i32 to index
      %get3A_1126 = tpu.vector_load %arg9[%get3A_1125] {strides = array<i32>} : memref<4000xi32, #tpu.memory_space<vmem>>, vector<16xi32>,
      %swap3A_1127 = arith.constant 144 : index
      %swap3A_1128 = tpu.vector_load %arg15[%swap3A_1127] {strides = array<i32>} : memref<160xi32, #tpu.memory_space<vmem>>, vector<16xi32>,
      tpu.vector_store %arg15[%swap3A_1127], %get3A_1126 {strides = array<i32>} : memref<160xi32, #tpu.memory_space<vmem>>, vector<16xi32>,
      tpu.vector_store_idx %arg7[%get3A_1126], %broadcast_in_dim3A_5 {add = true} : memref<10240xf32, #tpu.memory_space<vmem>>[vector<16xi32>], vector<16xf32>,
      %dma_start3A_1129 = tpu.memref_slice %arg10[%mul3A_1068] : memref<4000xi32, #tpu.memory_space<vmem>> -> memref<160xi32, #tpu.memory_space<vmem>>
      %dma_start3A_1130 = arith.constant 0 : i32
      %dma_start3A_1131 = arith.constant 0 : i32
      %dma_start3A_1132 = tpu.memref_slice %arg2[%dma_start3A_1130, %dma_start3A_1131] : memref<200000x64xf32, #tpu.memory_space<hbm>> -> memref<200000x64xf32, #tpu.memory_space<hbm>>
      tpu.enqueue_indirect_dma source(%dma_start3A_1132 : memref<200000x64xf32, #tpu.memory_space<hbm>>) target(%arg13 : memref<160x64xf32, #tpu.memory_space<vmem>>) offsets(%dma_start3A_1129 : memref<160xi32, #tpu.memory_space<vmem>>) semaphore(%arg17 : memref<!tpu.dma_semaphore, #tpu.memory_space<semaphore_mem>>)
      %mul3A_1133 = arith.constant 2 : i32
      %mul3A_1134 = arith.muli %mul3A_1133, %scan3A_1058 : i32
      %add3A_1135 = arith.constant 1 : i32
      %add3A_1136 = arith.addi %mul3A_1134, %add3A_1135 : i32
      %mul3A_1137 = arith.constant 160 : i32
      %mul3A_1138 = arith.muli %add3A_1136, %mul3A_1137 : i32
      %dma_wait3A_1139 = tpu.memref_slice %arg10[%mul3A_1138] : memref<4000xi32, #tpu.memory_space<vmem>> -> memref<160xi32, #tpu.memory_space<vmem>>
      %dma_wait3A_1140 = arith.constant 0 : i32
      %dma_wait3A_1141 = arith.constant 0 : i32
      %dma_wait3A_1142 = tpu.memref_slice %arg2[%dma_wait3A_1140, %dma_wait3A_1141] : memref<200000x64xf32, #tpu.memory_space<hbm>> -> memref<200000x64xf32, #tpu.memory_space<hbm>>
      tpu.wait_indirect_dma semaphore(%arg18 : memref<!tpu.dma_semaphore, #tpu.memory_space<semaphore_mem>>) src(%dma_wait3A_1142 : memref<200000x64xf32, #tpu.memory_space<hbm>>) dst(%arg14 : memref<160x64xf32, #tpu.memory_space<vmem>>)
      %dma_start3A_1143 = arith.constant 0 : i32
      %dma_start3A_1144 = arith.constant 0 : i32
      %dma_start3A_1145 = tpu.memref_slice %arg6[%dma_start3A_1143, %dma_start3A_1144] : memref<10240x64xf32, #tpu.memory_space<vmem_shared>> -> memref<10240x64xf32, #tpu.memory_space<vmem_shared>>
      tpu.enqueue_indirect_dma source(%arg14 : memref<160x64xf32, #tpu.memory_space<vmem>>) target(%dma_start3A_1145 : memref<10240x64xf32, #tpu.memory_space<vmem_shared>>) offsets(%arg16 : memref<160xi32, #tpu.memory_space<vmem>>) semaphore(%arg20 : memref<!tpu.dma_semaphore, #tpu.memory_space<semaphore_mem>>) {add = true}
      %dma_wait3A_1146 = arith.constant 0 : i32
      %dma_wait3A_1147 = arith.constant 0 : i32
      %dma_wait3A_1148 = tpu.memref_slice %arg6[%dma_wait3A_1146, %dma_wait3A_1147] : memref<10240x64xf32, #tpu.memory_space<vmem_shared>> -> memref<10240x64xf32, #tpu.memory_space<vmem_shared>>
      tpu.wait_indirect_dma semaphore(%arg20 : memref<!tpu.dma_semaphore, #tpu.memory_space<semaphore_mem>>) src(%arg14 : memref<160x64xf32, #tpu.memory_space<vmem>>) dst(%dma_wait3A_1148 : memref<10240x64xf32, #tpu.memory_space<vmem_shared>>)
      %mul3A_1149 = arith.constant 2 : i32
      %mul3A_1150 = arith.muli %mul3A_1149, %scan3A_1058 : i32
      %add3A_1151 = arith.constant 3 : i32
      %add3A_1152 = arith.addi %mul3A_1150, %add3A_1151 : i32
      %mul3A_1153 = arith.constant 160 : i32
      %mul3A_1154 = arith.muli %add3A_1152, %mul3A_1153 : i32
      %add3A_1155 = arith.constant 0 : i32
      %add3A_1156 = arith.addi %mul3A_1154, %add3A_1155 : i32
      %get3A_1157 = arith.index_cast %add3A_1156 : i32 to index
      %get3A_1158 = tpu.vector_load %arg9[%get3A_1157] {strides = array<i32>} : memref<4000xi32, #tpu.memory_space<vmem>>, vector<16xi32>,
      %swap3A_1159 = arith.constant 0 : index
      %swap3A_1160 = tpu.vector_load %arg16[%swap3A_1159] {strides = array<i32>} : memref<160xi32, #tpu.memory_space<vmem>>, vector<16xi32>,
      tpu.vector_store %arg16[%swap3A_1159], %get3A_1158 {strides = array<i32>} : memref<160xi32, #tpu.memory_space<vmem>>, vector<16xi32>,
      tpu.vector_store_idx %arg7[%get3A_1158], %broadcast_in_dim3A_5 {add = true} : memref<10240xf32, #tpu.memory_space<vmem>>[vector<16xi32>], vector<16xf32>,
      %add3A_1161 = arith.constant 16 : i32
      %add3A_1162 = arith.addi %mul3A_1154, %add3A_1161 : i32
      %get3A_1163 = arith.index_cast %add3A_1162 : i32 to index
      %get3A_1164 = tpu.vector_load %arg9[%get3A_1163] {strides = array<i32>} : memref<4000xi32, #tpu.memory_space<vmem>>, vector<16xi32>,
      %swap3A_1165 = arith.constant 16 : index
      %swap3A_1166 = tpu.vector_load %arg16[%swap3A_1165] {strides = array<i32>} : memref<160xi32, #tpu.memory_space<vmem>>, vector<16xi32>,
      tpu.vector_store %arg16[%swap3A_1165], %get3A_1164 {strides = array<i32>} : memref<160xi32, #tpu.memory_space<vmem>>, vector<16xi32>,
      tpu.vector_store_idx %arg7[%get3A_1164], %broadcast_in_dim3A_5 {add = true} : memref<10240xf32, #tpu.memory_space<vmem>>[vector<16xi32>], vector<16xf32>,
      %add3A_1167 = arith.constant 32 : i32
      %add3A_1168 = arith.addi %mul3A_1154, %add3A_1167 : i32
      %get3A_1169 = arith.index_cast %add3A_1168 : i32 to index
      %get3A_1170 = tpu.vector_load %arg9[%get3A_1169] {strides = array<i32>} : memref<4000xi32, #tpu.memory_space<vmem>>, vector<16xi32>,
      %swap3A_1171 = arith.constant 32 : index
      %swap3A_1172 = tpu.vector_load %arg16[%swap3A_1171] {strides = array<i32>} : memref<160xi32, #tpu.memory_space<vmem>>, vector<16xi32>,
      tpu.vector_store %arg16[%swap3A_1171], %get3A_1170 {strides = array<i32>} : memref<160xi32, #tpu.memory_space<vmem>>, vector<16xi32>,
      tpu.vector_store_idx %arg7[%get3A_1170], %broadcast_in_dim3A_5 {add = true} : memref<10240xf32, #tpu.memory_space<vmem>>[vector<16xi32>], vector<16xf32>,
      %add3A_1173 = arith.constant 48 : i32
      %add3A_1174 = arith.addi %mul3A_1154, %add3A_1173 : i32
      %get3A_1175 = arith.index_cast %add3A_1174 : i32 to index
      %get3A_1176 = tpu.vector_load %arg9[%get3A_1175] {strides = array<i32>} : memref<4000xi32, #tpu.memory_space<vmem>>, vector<16xi32>,
      %swap3A_1177 = arith.constant 48 : index
      %swap3A_1178 = tpu.vector_load %arg16[%swap3A_1177] {strides = array<i32>} : memref<160xi32, #tpu.memory_space<vmem>>, vector<16xi32>,
      tpu.vector_store %arg16[%swap3A_1177], %get3A_1176 {strides = array<i32>} : memref<160xi32, #tpu.memory_space<vmem>>, vector<16xi32>,
      tpu.vector_store_idx %arg7[%get3A_1176], %broadcast_in_dim3A_5 {add = true} : memref<10240xf32, #tpu.memory_space<vmem>>[vector<16xi32>], vector<16xf32>,
      %add3A_1179 = arith.constant 64 : i32
      %add3A_1180 = arith.addi %mul3A_1154, %add3A_1179 : i32
      %get3A_1181 = arith.index_cast %add3A_1180 : i32 to index
      %get3A_1182 = tpu.vector_load %arg9[%get3A_1181] {strides = array<i32>} : memref<4000xi32, #tpu.memory_space<vmem>>, vector<16xi32>,
      %swap3A_1183 = arith.constant 64 : index
      %swap3A_1184 = tpu.vector_load %arg16[%swap3A_1183] {strides = array<i32>} : memref<160xi32, #tpu.memory_space<vmem>>, vector<16xi32>,
      tpu.vector_store %arg16[%swap3A_1183], %get3A_1182 {strides = array<i32>} : memref<160xi32, #tpu.memory_space<vmem>>, vector<16xi32>,
      tpu.vector_store_idx %arg7[%get3A_1182], %broadcast_in_dim3A_5 {add = true} : memref<10240xf32, #tpu.memory_space<vmem>>[vector<16xi32>], vector<16xf32>,
      %add3A_1185 = arith.constant 80 : i32
      %add3A_1186 = arith.addi %mul3A_1154, %add3A_1185 : i32
      %get3A_1187 = arith.index_cast %add3A_1186 : i32 to index
      %get3A_1188 = tpu.vector_load %arg9[%get3A_1187] {strides = array<i32>} : memref<4000xi32, #tpu.memory_space<vmem>>, vector<16xi32>,
      %swap3A_1189 = arith.constant 80 : index
      %swap3A_1190 = tpu.vector_load %arg16[%swap3A_1189] {strides = array<i32>} : memref<160xi32, #tpu.memory_space<vmem>>, vector<16xi32>,
      tpu.vector_store %arg16[%swap3A_1189], %get3A_1188 {strides = array<i32>} : memref<160xi32, #tpu.memory_space<vmem>>, vector<16xi32>,
      tpu.vector_store_idx %arg7[%get3A_1188], %broadcast_in_dim3A_5 {add = true} : memref<10240xf32, #tpu.memory_space<vmem>>[vector<16xi32>], vector<16xf32>,
      %add3A_1191 = arith.constant 96 : i32
      %add3A_1192 = arith.addi %mul3A_1154, %add3A_1191 : i32
      %get3A_1193 = arith.index_cast %add3A_1192 : i32 to index
      %get3A_1194 = tpu.vector_load %arg9[%get3A_1193] {strides = array<i32>} : memref<4000xi32, #tpu.memory_space<vmem>>, vector<16xi32>,
      %swap3A_1195 = arith.constant 96 : index
      %swap3A_1196 = tpu.vector_load %arg16[%swap3A_1195] {strides = array<i32>} : memref<160xi32, #tpu.memory_space<vmem>>, vector<16xi32>,
      tpu.vector_store %arg16[%swap3A_1195], %get3A_1194 {strides = array<i32>} : memref<160xi32, #tpu.memory_space<vmem>>, vector<16xi32>,
      tpu.vector_store_idx %arg7[%get3A_1194], %broadcast_in_dim3A_5 {add = true} : memref<10240xf32, #tpu.memory_space<vmem>>[vector<16xi32>], vector<16xf32>,
      %add3A_1197 = arith.constant 112 : i32
      %add3A_1198 = arith.addi %mul3A_1154, %add3A_1197 : i32
      %get3A_1199 = arith.index_cast %add3A_1198 : i32 to index
      %get3A_1200 = tpu.vector_load %arg9[%get3A_1199] {strides = array<i32>} : memref<4000xi32, #tpu.memory_space<vmem>>, vector<16xi32>,
      %swap3A_1201 = arith.constant 112 : index
      %swap3A_1202 = tpu.vector_load %arg16[%swap3A_1201] {strides = array<i32>} : memref<160xi32, #tpu.memory_space<vmem>>, vector<16xi32>,
      tpu.vector_store %arg16[%swap3A_1201], %get3A_1200 {strides = array<i32>} : memref<160xi32, #tpu.memory_space<vmem>>, vector<16xi32>,
      tpu.vector_store_idx %arg7[%get3A_1200], %broadcast_in_dim3A_5 {add = true} : memref<10240xf32, #tpu.memory_space<vmem>>[vector<16xi32>], vector<16xf32>,
      %add3A_1203 = arith.constant 128 : i32
      %add3A_1204 = arith.addi %mul3A_1154, %add3A_1203 : i32
      %get3A_1205 = arith.index_cast %add3A_1204 : i32 to index
      %get3A_1206 = tpu.vector_load %arg9[%get3A_1205] {strides = array<i32>} : memref<4000xi32, #tpu.memory_space<vmem>>, vector<16xi32>,
      %swap3A_1207 = arith.constant 128 : index
      %swap3A_1208 = tpu.vector_load %arg16[%swap3A_1207] {strides = array<i32>} : memref<160xi32, #tpu.memory_space<vmem>>, vector<16xi32>,
      tpu.vector_store %arg16[%swap3A_1207], %get3A_1206 {strides = array<i32>} : memref<160xi32, #tpu.memory_space<vmem>>, vector<16xi32>,
      tpu.vector_store_idx %arg7[%get3A_1206], %broadcast_in_dim3A_5 {add = true} : memref<10240xf32, #tpu.memory_space<vmem>>[vector<16xi32>], vector<16xf32>,
      %add3A_1209 = arith.constant 144 : i32
      %add3A_1210 = arith.addi %mul3A_1154, %add3A_1209 : i32
      %get3A_1211 = arith.index_cast %add3A_1210 : i32 to index
      %get3A_1212 = tpu.vector_load %arg9[%get3A_1211] {strides = array<i32>} : memref<4000xi32, #tpu.memory_space<vmem>>, vector<16xi32>,
      %swap3A_1213 = arith.constant 144 : index
      %swap3A_1214 = tpu.vector_load %arg16[%swap3A_1213] {strides = array<i32>} : memref<160xi32, #tpu.memory_space<vmem>>, vector<16xi32>,
      tpu.vector_store %arg16[%swap3A_1213], %get3A_1212 {strides = array<i32>} : memref<160xi32, #tpu.memory_space<vmem>>, vector<16xi32>,
      tpu.vector_store_idx %arg7[%get3A_1212], %broadcast_in_dim3A_5 {add = true} : memref<10240xf32, #tpu.memory_space<vmem>>[vector<16xi32>], vector<16xf32>,
      %dma_start3A_1215 = tpu.memref_slice %arg10[%mul3A_1154] : memref<4000xi32, #tpu.memory_space<vmem>> -> memref<160xi32, #tpu.memory_space<vmem>>
      %dma_start3A_1216 = arith.constant 0 : i32
      %dma_start3A_1217 = arith.constant 0 : i32
      %dma_start3A_1218 = tpu.memref_slice %arg2[%dma_start3A_1216, %dma_start3A_1217] : memref<200000x64xf32, #tpu.memory_space<hbm>> -> memref<200000x64xf32, #tpu.memory_space<hbm>>
      tpu.enqueue_indirect_dma source(%dma_start3A_1218 : memref<200000x64xf32, #tpu.memory_space<hbm>>) target(%arg14 : memref<160x64xf32, #tpu.memory_space<vmem>>) offsets(%dma_start3A_1215 : memref<160xi32, #tpu.memory_space<vmem>>) semaphore(%arg18 : memref<!tpu.dma_semaphore, #tpu.memory_space<semaphore_mem>>)
      %mul3A_1219 = arith.constant 2 : i32
      %mul3A_1220 = arith.muli %mul3A_1219, %scan3A_1058 : i32
      %add3A_1221 = arith.constant 2 : i32
      %add3A_1222 = arith.addi %mul3A_1220, %add3A_1221 : i32
      %mul3A_1223 = arith.constant 160 : i32
      %mul3A_1224 = arith.muli %add3A_1222, %mul3A_1223 : i32
      %dma_wait3A_1225 = tpu.memref_slice %arg10[%mul3A_1224] : memref<4000xi32, #tpu.memory_space<vmem>> -> memref<160xi32, #tpu.memory_space<vmem>>
      %dma_wait3A_1226 = arith.constant 0 : i32
      %dma_wait3A_1227 = arith.constant 0 : i32
      %dma_wait3A_1228 = tpu.memref_slice %arg2[%dma_wait3A_1226, %dma_wait3A_1227] : memref<200000x64xf32, #tpu.memory_space<hbm>> -> memref<200000x64xf32, #tpu.memory_space<hbm>>
      tpu.wait_indirect_dma semaphore(%arg17 : memref<!tpu.dma_semaphore, #tpu.memory_space<semaphore_mem>>) src(%dma_wait3A_1228 : memref<200000x64xf32, #tpu.memory_space<hbm>>) dst(%arg13 : memref<160x64xf32, #tpu.memory_space<vmem>>)
      %dma_start3A_1229 = arith.constant 0 : i32
      %dma_start3A_1230 = arith.constant 0 : i32
      %dma_start3A_1231 = tpu.memref_slice %arg6[%dma_start3A_1229, %dma_start3A_1230] : memref<10240x64xf32, #tpu.memory_space<vmem_shared>> -> memref<10240x64xf32, #tpu.memory_space<vmem_shared>>
      tpu.enqueue_indirect_dma source(%arg13 : memref<160x64xf32, #tpu.memory_space<vmem>>) target(%dma_start3A_1231 : memref<10240x64xf32, #tpu.memory_space<vmem_shared>>) offsets(%arg15 : memref<160xi32, #tpu.memory_space<vmem>>) semaphore(%arg19 : memref<!tpu.dma_semaphore, #tpu.memory_space<semaphore_mem>>) {add = true}
      %scan3A_1232 = arith.constant 0 : i32
      scf.yield %scan3A_1232 : i32
    }
    %scan3A_155 = arith.constant 11 : i32
    %dma_wait3A_156 = arith.constant 0 : i32
    %dma_wait3A_157 = arith.constant 0 : i32
    %dma_wait3A_158 = tpu.memref_slice %arg6[%dma_wait3A_156, %dma_wait3A_157] : memref<10240x64xf32, #tpu.memory_space<vmem_shared>> -> memref<10240x64xf32, #tpu.memory_space<vmem_shared>>
    tpu.wait_indirect_dma semaphore(%arg19 : memref<!tpu.dma_semaphore, #tpu.memory_space<semaphore_mem>>) src(%arg13 : memref<160x64xf32, #tpu.memory_space<vmem>>) dst(%dma_wait3A_158 : memref<10240x64xf32, #tpu.memory_space<vmem_shared>>)
    %get3A_159 = arith.constant 3840 : index
    %get3A_160 = tpu.vector_load %arg9[%get3A_159] {strides = array<i32>} : memref<4000xi32, #tpu.memory_space<vmem>>, vector<16xi32>,
    %swap3A_161 = arith.constant 0 : index
    %swap3A_162 = tpu.vector_load %arg15[%swap3A_161] {strides = array<i32>} : memref<160xi32, #tpu.memory_space<vmem>>, vector<16xi32>,
    tpu.vector_store %arg15[%swap3A_161], %get3A_160 {strides = array<i32>} : memref<160xi32, #tpu.memory_space<vmem>>, vector<16xi32>,
    tpu.vector_store_idx %arg7[%get3A_160], %broadcast_in_dim3A_5 {add = true} : memref<10240xf32, #tpu.memory_space<vmem>>[vector<16xi32>], vector<16xf32>,
    %get3A_163 = arith.constant 3856 : index
    %get3A_164 = tpu.vector_load %arg9[%get3A_163] {strides = array<i32>} : memref<4000xi32, #tpu.memory_space<vmem>>, vector<16xi32>,
    %swap3A_165 = arith.constant 16 : index
    %swap3A_166 = tpu.vector_load %arg15[%swap3A_165] {strides = array<i32>} : memref<160xi32, #tpu.memory_space<vmem>>, vector<16xi32>,
    tpu.vector_store %arg15[%swap3A_165], %get3A_164 {strides = array<i32>} : memref<160xi32, #tpu.memory_space<vmem>>, vector<16xi32>,
    tpu.vector_store_idx %arg7[%get3A_164], %broadcast_in_dim3A_5 {add = true} : memref<10240xf32, #tpu.memory_space<vmem>>[vector<16xi32>], vector<16xf32>,
    %get3A_167 = arith.constant 3872 : index
    %get3A_168 = tpu.vector_load %arg9[%get3A_167] {strides = array<i32>} : memref<4000xi32, #tpu.memory_space<vmem>>, vector<16xi32>,
    %swap3A_169 = arith.constant 32 : index
    %swap3A_170 = tpu.vector_load %arg15[%swap3A_169] {strides = array<i32>} : memref<160xi32, #tpu.memory_space<vmem>>, vector<16xi32>,
    tpu.vector_store %arg15[%swap3A_169], %get3A_168 {strides = array<i32>} : memref<160xi32, #tpu.memory_space<vmem>>, vector<16xi32>,
    tpu.vector_store_idx %arg7[%get3A_168], %broadcast_in_dim3A_5 {add = true} : memref<10240xf32, #tpu.memory_space<vmem>>[vector<16xi32>], vector<16xf32>,
    %get3A_171 = arith.constant 3888 : index
    %get3A_172 = tpu.vector_load %arg9[%get3A_171] {strides = array<i32>} : memref<4000xi32, #tpu.memory_space<vmem>>, vector<16xi32>,
    %swap3A_173 = arith.constant 48 : index
    %swap3A_174 = tpu.vector_load %arg15[%swap3A_173] {strides = array<i32>} : memref<160xi32, #tpu.memory_space<vmem>>, vector<16xi32>,
    tpu.vector_store %arg15[%swap3A_173], %get3A_172 {strides = array<i32>} : memref<160xi32, #tpu.memory_space<vmem>>, vector<16xi32>,
    tpu.vector_store_idx %arg7[%get3A_172], %broadcast_in_dim3A_5 {add = true} : memref<10240xf32, #tpu.memory_space<vmem>>[vector<16xi32>], vector<16xf32>,
    %get3A_175 = arith.constant 3904 : index
    %get3A_176 = tpu.vector_load %arg9[%get3A_175] {strides = array<i32>} : memref<4000xi32, #tpu.memory_space<vmem>>, vector<16xi32>,
    %swap3A_177 = arith.constant 64 : index
    %swap3A_178 = tpu.vector_load %arg15[%swap3A_177] {strides = array<i32>} : memref<160xi32, #tpu.memory_space<vmem>>, vector<16xi32>,
    tpu.vector_store %arg15[%swap3A_177], %get3A_176 {strides = array<i32>} : memref<160xi32, #tpu.memory_space<vmem>>, vector<16xi32>,
    tpu.vector_store_idx %arg7[%get3A_176], %broadcast_in_dim3A_5 {add = true} : memref<10240xf32, #tpu.memory_space<vmem>>[vector<16xi32>], vector<16xf32>,
    %get3A_179 = arith.constant 3920 : index
    %get3A_180 = tpu.vector_load %arg9[%get3A_179] {strides = array<i32>} : memref<4000xi32, #tpu.memory_space<vmem>>, vector<16xi32>,
    %swap3A_181 = arith.constant 80 : index
    %swap3A_182 = tpu.vector_load %arg15[%swap3A_181] {strides = array<i32>} : memref<160xi32, #tpu.memory_space<vmem>>, vector<16xi32>,
    tpu.vector_store %arg15[%swap3A_181], %get3A_180 {strides = array<i32>} : memref<160xi32, #tpu.memory_space<vmem>>, vector<16xi32>,
    tpu.vector_store_idx %arg7[%get3A_180], %broadcast_in_dim3A_5 {add = true} : memref<10240xf32, #tpu.memory_space<vmem>>[vector<16xi32>], vector<16xf32>,
    %get3A_183 = arith.constant 3936 : index
    %get3A_184 = tpu.vector_load %arg9[%get3A_183] {strides = array<i32>} : memref<4000xi32, #tpu.memory_space<vmem>>, vector<16xi32>,
    %swap3A_185 = arith.constant 96 : index
    %swap3A_186 = tpu.vector_load %arg15[%swap3A_185] {strides = array<i32>} : memref<160xi32, #tpu.memory_space<vmem>>, vector<16xi32>,
    tpu.vector_store %arg15[%swap3A_185], %get3A_184 {strides = array<i32>} : memref<160xi32, #tpu.memory_space<vmem>>, vector<16xi32>,
    tpu.vector_store_idx %arg7[%get3A_184], %broadcast_in_dim3A_5 {add = true} : memref<10240xf32, #tpu.memory_space<vmem>>[vector<16xi32>], vector<16xf32>,
    %get3A_187 = arith.constant 3952 : index
    %get3A_188 = tpu.vector_load %arg9[%get3A_187] {strides = array<i32>} : memref<4000xi32, #tpu.memory_space<vmem>>, vector<16xi32>,
    %swap3A_189 = arith.constant 112 : index
    %swap3A_190 = tpu.vector_load %arg15[%swap3A_189] {strides = array<i32>} : memref<160xi32, #tpu.memory_space<vmem>>, vector<16xi32>,
    tpu.vector_store %arg15[%swap3A_189], %get3A_188 {strides = array<i32>} : memref<160xi32, #tpu.memory_space<vmem>>, vector<16xi32>,
    tpu.vector_store_idx %arg7[%get3A_188], %broadcast_in_dim3A_5 {add = true} : memref<10240xf32, #tpu.memory_space<vmem>>[vector<16xi32>], vector<16xf32>,
    %get3A_191 = arith.constant 3968 : index
    %get3A_192 = tpu.vector_load %arg9[%get3A_191] {strides = array<i32>} : memref<4000xi32, #tpu.memory_space<vmem>>, vector<16xi32>,
    %swap3A_193 = arith.constant 128 : index
    %swap3A_194 = tpu.vector_load %arg15[%swap3A_193] {strides = array<i32>} : memref<160xi32, #tpu.memory_space<vmem>>, vector<16xi32>,
    tpu.vector_store %arg15[%swap3A_193], %get3A_192 {strides = array<i32>} : memref<160xi32, #tpu.memory_space<vmem>>, vector<16xi32>,
    tpu.vector_store_idx %arg7[%get3A_192], %broadcast_in_dim3A_5 {add = true} : memref<10240xf32, #tpu.memory_space<vmem>>[vector<16xi32>], vector<16xf32>,
    %get3A_195 = arith.constant 3984 : index
    %get3A_196 = tpu.vector_load %arg9[%get3A_195] {strides = array<i32>} : memref<4000xi32, #tpu.memory_space<vmem>>, vector<16xi32>,
    %swap3A_197 = arith.constant 144 : index
    %swap3A_198 = tpu.vector_load %arg15[%swap3A_197] {strides = array<i32>} : memref<160xi32, #tpu.memory_space<vmem>>, vector<16xi32>,
    tpu.vector_store %arg15[%swap3A_197], %get3A_196 {strides = array<i32>} : memref<160xi32, #tpu.memory_space<vmem>>, vector<16xi32>,
    tpu.vector_store_idx %arg7[%get3A_196], %broadcast_in_dim3A_5 {add = true} : memref<10240xf32, #tpu.memory_space<vmem>>[vector<16xi32>], vector<16xf32>,
    %dma_start3A_199 = arith.constant 3840 : i32
    %dma_start3A_200 = tpu.memref_slice %arg10[%dma_start3A_199] : memref<4000xi32, #tpu.memory_space<vmem>> -> memref<160xi32, #tpu.memory_space<vmem>>
    %dma_start3A_201 = arith.constant 0 : i32
    %dma_start3A_202 = arith.constant 0 : i32
    %dma_start3A_203 = tpu.memref_slice %arg2[%dma_start3A_201, %dma_start3A_202] : memref<200000x64xf32, #tpu.memory_space<hbm>> -> memref<200000x64xf32, #tpu.memory_space<hbm>>
    tpu.enqueue_indirect_dma source(%dma_start3A_203 : memref<200000x64xf32, #tpu.memory_space<hbm>>) target(%arg13 : memref<160x64xf32, #tpu.memory_space<vmem>>) offsets(%dma_start3A_200 : memref<160xi32, #tpu.memory_space<vmem>>) semaphore(%arg17 : memref<!tpu.dma_semaphore, #tpu.memory_space<semaphore_mem>>)
    %dma_wait3A_204 = arith.constant 3680 : i32
    %dma_wait3A_205 = tpu.memref_slice %arg10[%dma_wait3A_204] : memref<4000xi32, #tpu.memory_space<vmem>> -> memref<160xi32, #tpu.memory_space<vmem>>
    %dma_wait3A_206 = arith.constant 0 : i32
    %dma_wait3A_207 = arith.constant 0 : i32
    %dma_wait3A_208 = tpu.memref_slice %arg2[%dma_wait3A_206, %dma_wait3A_207] : memref<200000x64xf32, #tpu.memory_space<hbm>> -> memref<200000x64xf32, #tpu.memory_space<hbm>>
    tpu.wait_indirect_dma semaphore(%arg18 : memref<!tpu.dma_semaphore, #tpu.memory_space<semaphore_mem>>) src(%dma_wait3A_208 : memref<200000x64xf32, #tpu.memory_space<hbm>>) dst(%arg14 : memref<160x64xf32, #tpu.memory_space<vmem>>)
    %dma_start3A_209 = arith.constant 0 : i32
    %dma_start3A_210 = arith.constant 0 : i32
    %dma_start3A_211 = tpu.memref_slice %arg6[%dma_start3A_209, %dma_start3A_210] : memref<10240x64xf32, #tpu.memory_space<vmem_shared>> -> memref<10240x64xf32, #tpu.memory_space<vmem_shared>>
    tpu.enqueue_indirect_dma source(%arg14 : memref<160x64xf32, #tpu.memory_space<vmem>>) target(%dma_start3A_211 : memref<10240x64xf32, #tpu.memory_space<vmem_shared>>) offsets(%arg16 : memref<160xi32, #tpu.memory_space<vmem>>) semaphore(%arg20 : memref<!tpu.dma_semaphore, #tpu.memory_space<semaphore_mem>>) {add = true}
    %dma_wait3A_212 = arith.constant 3840 : i32
    %dma_wait3A_213 = tpu.memref_slice %arg10[%dma_wait3A_212] : memref<4000xi32, #tpu.memory_space<vmem>> -> memref<160xi32, #tpu.memory_space<vmem>>
    %dma_wait3A_214 = arith.constant 0 : i32
    %dma_wait3A_215 = arith.constant 0 : i32
    %dma_wait3A_216 = tpu.memref_slice %arg2[%dma_wait3A_214, %dma_wait3A_215] : memref<200000x64xf32, #tpu.memory_space<hbm>> -> memref<200000x64xf32, #tpu.memory_space<hbm>>
    tpu.wait_indirect_dma semaphore(%arg17 : memref<!tpu.dma_semaphore, #tpu.memory_space<semaphore_mem>>) src(%dma_wait3A_216 : memref<200000x64xf32, #tpu.memory_space<hbm>>) dst(%arg13 : memref<160x64xf32, #tpu.memory_space<vmem>>)
    %dma_start3A_217 = arith.constant 0 : i32
    %dma_start3A_218 = arith.constant 0 : i32
    %dma_start3A_219 = tpu.memref_slice %arg6[%dma_start3A_217, %dma_start3A_218] : memref<10240x64xf32, #tpu.memory_space<vmem_shared>> -> memref<10240x64xf32, #tpu.memory_space<vmem_shared>>
    tpu.enqueue_indirect_dma source(%arg13 : memref<160x64xf32, #tpu.memory_space<vmem>>) target(%dma_start3A_219 : memref<10240x64xf32, #tpu.memory_space<vmem_shared>>) offsets(%arg15 : memref<160xi32, #tpu.memory_space<vmem>>) semaphore(%arg19 : memref<!tpu.dma_semaphore, #tpu.memory_space<semaphore_mem>>) {add = true}
    %dma_wait3A_220 = arith.constant 0 : i32
    %dma_wait3A_221 = arith.constant 0 : i32
    %dma_wait3A_222 = tpu.memref_slice %arg6[%dma_wait3A_220, %dma_wait3A_221] : memref<10240x64xf32, #tpu.memory_space<vmem_shared>> -> memref<10240x64xf32, #tpu.memory_space<vmem_shared>>
    tpu.wait_indirect_dma semaphore(%arg20 : memref<!tpu.dma_semaphore, #tpu.memory_space<semaphore_mem>>) src(%arg14 : memref<160x64xf32, #tpu.memory_space<vmem>>) dst(%dma_wait3A_222 : memref<10240x64xf32, #tpu.memory_space<vmem_shared>>)
    %dma_wait3A_223 = arith.constant 0 : i32
    %dma_wait3A_224 = arith.constant 0 : i32
    %dma_wait3A_225 = tpu.memref_slice %arg6[%dma_wait3A_223, %dma_wait3A_224] : memref<10240x64xf32, #tpu.memory_space<vmem_shared>> -> memref<10240x64xf32, #tpu.memory_space<vmem_shared>>
    tpu.wait_indirect_dma semaphore(%arg19 : memref<!tpu.dma_semaphore, #tpu.memory_space<semaphore_mem>>) src(%arg13 : memref<160x64xf32, #tpu.memory_space<vmem>>) dst(%dma_wait3A_225 : memref<10240x64xf32, #tpu.memory_space<vmem_shared>>)
    %add3A_226 = arith.constant 4000 : i32
    %add3A_227 = arith.addi %mul3A_0, %add3A_226 : i32
    %dma_wait3A_228 = arith.constant 0 : i32
    %dma_wait3A_229 = tpu.memref_slice %arg3[%dma_wait3A_228, %add3A_227] : memref<3x320000xi32, #tpu.memory_space<hbm>> -> memref<1x4000xi32, #tpu.memory_space<hbm>>
    %dma_wait3A_230 = tpu.memref_squeeze %dma_wait3A_229 : memref<1x4000xi32, #tpu.memory_space<hbm>> -> memref<4000xi32, #tpu.memory_space<hbm>>
    %dma_wait3A_231 = tpu.memref_slice %arg3[%dma_wait3A_228, %add3A_227] : memref<3x320000xi32, #tpu.memory_space<hbm>> -> memref<1x4000xi32, #tpu.memory_space<hbm>>
    %dma_wait3A_232 = tpu.memref_squeeze %dma_wait3A_231 : memref<1x4000xi32, #tpu.memory_space<hbm>> -> memref<4000xi32, #tpu.memory_space<hbm>>
    tpu.wait_dma2 semaphore(%arg21 : memref<!tpu.dma_semaphore, #tpu.memory_space<semaphore_mem>>) src(%dma_wait3A_232 : memref<4000xi32, #tpu.memory_space<hbm>>) dst(%arg11 : memref<4000xi32, #tpu.memory_space<vmem>>)
    %add3A_233 = arith.constant 1 : i32
    %add3A_234 = arith.addi %add3A_233, %arg0 : i32
    %dma_wait3A_235 = tpu.memref_slice %arg3[%add3A_234, %add3A_227] : memref<3x320000xi32, #tpu.memory_space<hbm>> -> memref<1x4000xi32, #tpu.memory_space<hbm>>
    %dma_wait3A_236 = tpu.memref_squeeze %dma_wait3A_235 : memref<1x4000xi32, #tpu.memory_space<hbm>> -> memref<4000xi32, #tpu.memory_space<hbm>>
    %dma_wait3A_237 = tpu.memref_slice %arg3[%add3A_234, %add3A_227] : memref<3x320000xi32, #tpu.memory_space<hbm>> -> memref<1x4000xi32, #tpu.memory_space<hbm>>
    %dma_wait3A_238 = tpu.memref_squeeze %dma_wait3A_237 : memref<1x4000xi32, #tpu.memory_space<hbm>> -> memref<4000xi32, #tpu.memory_space<hbm>>
    tpu.wait_dma2 semaphore(%arg21 : memref<!tpu.dma_semaphore, #tpu.memory_space<semaphore_mem>>) src(%dma_wait3A_238 : memref<4000xi32, #tpu.memory_space<hbm>>) dst(%arg12 : memref<4000xi32, #tpu.memory_space<vmem>>)
    %add3A_239 = arith.constant 8000 : i32
    %add3A_240 = arith.addi %mul3A_0, %add3A_239 : i32
    %dma_start3A_241 = arith.constant 0 : i32
    %dma_start3A_242 = tpu.memref_slice %arg3[%dma_start3A_241, %add3A_240] : memref<3x320000xi32, #tpu.memory_space<hbm>> -> memref<1x4000xi32, #tpu.memory_space<hbm>>
    %dma_start3A_243 = tpu.memref_squeeze %dma_start3A_242 : memref<1x4000xi32, #tpu.memory_space<hbm>> -> memref<4000xi32, #tpu.memory_space<hbm>>
    %dma_start3A_244 = tpu.memref_slice %arg3[%dma_start3A_241, %add3A_240] : memref<3x320000xi32, #tpu.memory_space<hbm>> -> memref<1x4000xi32, #tpu.memory_space<hbm>>
    %dma_start3A_245 = tpu.memref_squeeze %dma_start3A_244 : memref<1x4000xi32, #tpu.memory_space<hbm>> -> memref<4000xi32, #tpu.memory_space<hbm>>
    tpu.enqueue_dma source(%dma_start3A_245 : memref<4000xi32, #tpu.memory_space<hbm>>) target(%arg9 : memref<4000xi32, #tpu.memory_space<vmem>>) target_semaphore(%arg21 : memref<!tpu.dma_semaphore, #tpu.memory_space<semaphore_mem>>)
    %add3A_246 = arith.constant 1 : i32
    %add3A_247 = arith.addi %add3A_246, %arg0 : i32
    %dma_start3A_248 = tpu.memref_slice %arg3[%add3A_247, %add3A_240] : memref<3x320000xi32, #tpu.memory_space<hbm>> -> memref<1x4000xi32, #tpu.memory_space<hbm>>
    %dma_start3A_249 = tpu.memref_squeeze %dma_start3A_248 : memref<1x4000xi32, #tpu.memory_space<hbm>> -> memref<4000xi32, #tpu.memory_space<hbm>>
    %dma_start3A_250 = tpu.memref_slice %arg3[%add3A_247, %add3A_240] : memref<3x320000xi32, #tpu.memory_space<hbm>> -> memref<1x4000xi32, #tpu.memory_space<hbm>>
    %dma_start3A_251 = tpu.memref_squeeze %dma_start3A_250 : memref<1x4000xi32, #tpu.memory_space<hbm>> -> memref<4000xi32, #tpu.memory_space<hbm>>
    tpu.enqueue_dma source(%dma_start3A_251 : memref<4000xi32, #tpu.memory_space<hbm>>) target(%arg10 : memref<4000xi32, #tpu.memory_space<vmem>>) target_semaphore(%arg21 : memref<!tpu.dma_semaphore, #tpu.memory_space<semaphore_mem>>)
    %get3A_252 = arith.constant 0 : index
    %get3A_253 = tpu.vector_load %arg11[%get3A_252] {strides = array<i32>} : memref<4000xi32, #tpu.memory_space<vmem>>, vector<16xi32>,
    %swap3A_254 = arith.constant 0 : index
    %swap3A_255 = tpu.vector_load %arg15[%swap3A_254] {strides = array<i32>} : memref<160xi32, #tpu.memory_space<vmem>>, vector<16xi32>,
    tpu.vector_store %arg15[%swap3A_254], %get3A_253 {strides = array<i32>} : memref<160xi32, #tpu.memory_space<vmem>>, vector<16xi32>,
    tpu.vector_store_idx %arg7[%get3A_253], %broadcast_in_dim3A_5 {add = true} : memref<10240xf32, #tpu.memory_space<vmem>>[vector<16xi32>], vector<16xf32>,
    %get3A_256 = arith.constant 16 : index
    %get3A_257 = tpu.vector_load %arg11[%get3A_256] {strides = array<i32>} : memref<4000xi32, #tpu.memory_space<vmem>>, vector<16xi32>,
    %swap3A_258 = arith.constant 16 : index
    %swap3A_259 = tpu.vector_load %arg15[%swap3A_258] {strides = array<i32>} : memref<160xi32, #tpu.memory_space<vmem>>, vector<16xi32>,
    tpu.vector_store %arg15[%swap3A_258], %get3A_257 {strides = array<i32>} : memref<160xi32, #tpu.memory_space<vmem>>, vector<16xi32>,
    tpu.vector_store_idx %arg7[%get3A_257], %broadcast_in_dim3A_5 {add = true} : memref<10240xf32, #tpu.memory_space<vmem>>[vector<16xi32>], vector<16xf32>,
    %get3A_260 = arith.constant 32 : index
    %get3A_261 = tpu.vector_load %arg11[%get3A_260] {strides = array<i32>} : memref<4000xi32, #tpu.memory_space<vmem>>, vector<16xi32>,
    %swap3A_262 = arith.constant 32 : index
    %swap3A_263 = tpu.vector_load %arg15[%swap3A_262] {strides = array<i32>} : memref<160xi32, #tpu.memory_space<vmem>>, vector<16xi32>,
    tpu.vector_store %arg15[%swap3A_262], %get3A_261 {strides = array<i32>} : memref<160xi32, #tpu.memory_space<vmem>>, vector<16xi32>,
    tpu.vector_store_idx %arg7[%get3A_261], %broadcast_in_dim3A_5 {add = true} : memref<10240xf32, #tpu.memory_space<vmem>>[vector<16xi32>], vector<16xf32>,
    %get3A_264 = arith.constant 48 : index
    %get3A_265 = tpu.vector_load %arg11[%get3A_264] {strides = array<i32>} : memref<4000xi32, #tpu.memory_space<vmem>>, vector<16xi32>,
    %swap3A_266 = arith.constant 48 : index
    %swap3A_267 = tpu.vector_load %arg15[%swap3A_266] {strides = array<i32>} : memref<160xi32, #tpu.memory_space<vmem>>, vector<16xi32>,
    tpu.vector_store %arg15[%swap3A_266], %get3A_265 {strides = array<i32>} : memref<160xi32, #tpu.memory_space<vmem>>, vector<16xi32>,
    tpu.vector_store_idx %arg7[%get3A_265], %broadcast_in_dim3A_5 {add = true} : memref<10240xf32, #tpu.memory_space<vmem>>[vector<16xi32>], vector<16xf32>,
    %get3A_268 = arith.constant 64 : index
    %get3A_269 = tpu.vector_load %arg11[%get3A_268] {strides = array<i32>} : memref<4000xi32, #tpu.memory_space<vmem>>, vector<16xi32>,
    %swap3A_270 = arith.constant 64 : index
    %swap3A_271 = tpu.vector_load %arg15[%swap3A_270] {strides = array<i32>} : memref<160xi32, #tpu.memory_space<vmem>>, vector<16xi32>,
    tpu.vector_store %arg15[%swap3A_270], %get3A_269 {strides = array<i32>} : memref<160xi32, #tpu.memory_space<vmem>>, vector<16xi32>,
    tpu.vector_store_idx %arg7[%get3A_269], %broadcast_in_dim3A_5 {add = true} : memref<10240xf32, #tpu.memory_space<vmem>>[vector<16xi32>], vector<16xf32>,
    %get3A_272 = arith.constant 80 : index
    %get3A_273 = tpu.vector_load %arg11[%get3A_272] {strides = array<i32>} : memref<4000xi32, #tpu.memory_space<vmem>>, vector<16xi32>,
    %swap3A_274 = arith.constant 80 : index
    %swap3A_275 = tpu.vector_load %arg15[%swap3A_274] {strides = array<i32>} : memref<160xi32, #tpu.memory_space<vmem>>, vector<16xi32>,
    tpu.vector_store %arg15[%swap3A_274], %get3A_273 {strides = array<i32>} : memref<160xi32, #tpu.memory_space<vmem>>, vector<16xi32>,
    tpu.vector_store_idx %arg7[%get3A_273], %broadcast_in_dim3A_5 {add = true} : memref<10240xf32, #tpu.memory_space<vmem>>[vector<16xi32>], vector<16xf32>,
    %get3A_276 = arith.constant 96 : index
    %get3A_277 = tpu.vector_load %arg11[%get3A_276] {strides = array<i32>} : memref<4000xi32, #tpu.memory_space<vmem>>, vector<16xi32>,
    %swap3A_278 = arith.constant 96 : index
    %swap3A_279 = tpu.vector_load %arg15[%swap3A_278] {strides = array<i32>} : memref<160xi32, #tpu.memory_space<vmem>>, vector<16xi32>,
    tpu.vector_store %arg15[%swap3A_278], %get3A_277 {strides = array<i32>} : memref<160xi32, #tpu.memory_space<vmem>>, vector<16xi32>,
    tpu.vector_store_idx %arg7[%get3A_277], %broadcast_in_dim3A_5 {add = true} : memref<10240xf32, #tpu.memory_space<vmem>>[vector<16xi32>], vector<16xf32>,
    %get3A_280 = arith.constant 112 : index
    %get3A_281 = tpu.vector_load %arg11[%get3A_280] {strides = array<i32>} : memref<4000xi32, #tpu.memory_space<vmem>>, vector<16xi32>,
    %swap3A_282 = arith.constant 112 : index
    %swap3A_283 = tpu.vector_load %arg15[%swap3A_282] {strides = array<i32>} : memref<160xi32, #tpu.memory_space<vmem>>, vector<16xi32>,
    tpu.vector_store %arg15[%swap3A_282], %get3A_281 {strides = array<i32>} : memref<160xi32, #tpu.memory_space<vmem>>, vector<16xi32>,
    tpu.vector_store_idx %arg7[%get3A_281], %broadcast_in_dim3A_5 {add = true} : memref<10240xf32, #tpu.memory_space<vmem>>[vector<16xi32>], vector<16xf32>,
    %get3A_284 = arith.constant 128 : index
    %get3A_285 = tpu.vector_load %arg11[%get3A_284] {strides = array<i32>} : memref<4000xi32, #tpu.memory_space<vmem>>, vector<16xi32>,
    %swap3A_286 = arith.constant 128 : index
    %swap3A_287 = tpu.vector_load %arg15[%swap3A_286] {strides = array<i32>} : memref<160xi32, #tpu.memory_space<vmem>>, vector<16xi32>,
    tpu.vector_store %arg15[%swap3A_286], %get3A_285 {strides = array<i32>} : memref<160xi32, #tpu.memory_space<vmem>>, vector<16xi32>,
    tpu.vector_store_idx %arg7[%get3A_285], %broadcast_in_dim3A_5 {add = true} : memref<10240xf32, #tpu.memory_space<vmem>>[vector<16xi32>], vector<16xf32>,
    %get3A_288 = arith.constant 144 : index
    %get3A_289 = tpu.vector_load %arg11[%get3A_288] {strides = array<i32>} : memref<4000xi32, #tpu.memory_space<vmem>>, vector<16xi32>,
    %swap3A_290 = arith.constant 144 : index
    %swap3A_291 = tpu.vector_load %arg15[%swap3A_290] {strides = array<i32>} : memref<160xi32, #tpu.memory_space<vmem>>, vector<16xi32>,
    tpu.vector_store %arg15[%swap3A_290], %get3A_289 {strides = array<i32>} : memref<160xi32, #tpu.memory_space<vmem>>, vector<16xi32>,
    tpu.vector_store_idx %arg7[%get3A_289], %broadcast_in_dim3A_5 {add = true} : memref<10240xf32, #tpu.memory_space<vmem>>[vector<16xi32>], vector<16xf32>,
    %dma_start3A_292 = arith.constant 0 : i32
    %dma_start3A_293 = tpu.memref_slice %arg12[%dma_start3A_292] : memref<4000xi32, #tpu.memory_space<vmem>> -> memref<160xi32, #tpu.memory_space<vmem>>
    %dma_start3A_294 = arith.constant 0 : i32
    %dma_start3A_295 = arith.constant 0 : i32
    %dma_start3A_296 = tpu.memref_slice %arg2[%dma_start3A_294, %dma_start3A_295] : memref<200000x64xf32, #tpu.memory_space<hbm>> -> memref<200000x64xf32, #tpu.memory_space<hbm>>
    tpu.enqueue_indirect_dma source(%dma_start3A_296 : memref<200000x64xf32, #tpu.memory_space<hbm>>) target(%arg13 : memref<160x64xf32, #tpu.memory_space<vmem>>) offsets(%dma_start3A_293 : memref<160xi32, #tpu.memory_space<vmem>>) semaphore(%arg17 : memref<!tpu.dma_semaphore, #tpu.memory_space<semaphore_mem>>)
    %get3A_297 = arith.constant 160 : index
    %get3A_298 = tpu.vector_load %arg11[%get3A_297] {strides = array<i32>} : memref<4000xi32, #tpu.memory_space<vmem>>, vector<16xi32>,
    %swap3A_299 = arith.constant 0 : index
    %swap3A_300 = tpu.vector_load %arg16[%swap3A_299] {strides = array<i32>} : memref<160xi32, #tpu.memory_space<vmem>>, vector<16xi32>,
    tpu.vector_store %arg16[%swap3A_299], %get3A_298 {strides = array<i32>} : memref<160xi32, #tpu.memory_space<vmem>>, vector<16xi32>,
    tpu.vector_store_idx %arg7[%get3A_298], %broadcast_in_dim3A_5 {add = true} : memref<10240xf32, #tpu.memory_space<vmem>>[vector<16xi32>], vector<16xf32>,
    %get3A_301 = arith.constant 176 : index
    %get3A_302 = tpu.vector_load %arg11[%get3A_301] {strides = array<i32>} : memref<4000xi32, #tpu.memory_space<vmem>>, vector<16xi32>,
    %swap3A_303 = arith.constant 16 : index
    %swap3A_304 = tpu.vector_load %arg16[%swap3A_303] {strides = array<i32>} : memref<160xi32, #tpu.memory_space<vmem>>, vector<16xi32>,
    tpu.vector_store %arg16[%swap3A_303], %get3A_302 {strides = array<i32>} : memref<160xi32, #tpu.memory_space<vmem>>, vector<16xi32>,
    tpu.vector_store_idx %arg7[%get3A_302], %broadcast_in_dim3A_5 {add = true} : memref<10240xf32, #tpu.memory_space<vmem>>[vector<16xi32>], vector<16xf32>,
    %get3A_305 = arith.constant 192 : index
    %get3A_306 = tpu.vector_load %arg11[%get3A_305] {strides = array<i32>} : memref<4000xi32, #tpu.memory_space<vmem>>, vector<16xi32>,
    %swap3A_307 = arith.constant 32 : index
    %swap3A_308 = tpu.vector_load %arg16[%swap3A_307] {strides = array<i32>} : memref<160xi32, #tpu.memory_space<vmem>>, vector<16xi32>,
    tpu.vector_store %arg16[%swap3A_307], %get3A_306 {strides = array<i32>} : memref<160xi32, #tpu.memory_space<vmem>>, vector<16xi32>,
    tpu.vector_store_idx %arg7[%get3A_306], %broadcast_in_dim3A_5 {add = true} : memref<10240xf32, #tpu.memory_space<vmem>>[vector<16xi32>], vector<16xf32>,
    %get3A_309 = arith.constant 208 : index
    %get3A_310 = tpu.vector_load %arg11[%get3A_309] {strides = array<i32>} : memref<4000xi32, #tpu.memory_space<vmem>>, vector<16xi32>,
    %swap3A_311 = arith.constant 48 : index
    %swap3A_312 = tpu.vector_load %arg16[%swap3A_311] {strides = array<i32>} : memref<160xi32, #tpu.memory_space<vmem>>, vector<16xi32>,
    tpu.vector_store %arg16[%swap3A_311], %get3A_310 {strides = array<i32>} : memref<160xi32, #tpu.memory_space<vmem>>, vector<16xi32>,
    tpu.vector_store_idx %arg7[%get3A_310], %broadcast_in_dim3A_5 {add = true} : memref<10240xf32, #tpu.memory_space<vmem>>[vector<16xi32>], vector<16xf32>,
    %get3A_313 = arith.constant 224 : index
    %get3A_314 = tpu.vector_load %arg11[%get3A_313] {strides = array<i32>} : memref<4000xi32, #tpu.memory_space<vmem>>, vector<16xi32>,
    %swap3A_315 = arith.constant 64 : index
    %swap3A_316 = tpu.vector_load %arg16[%swap3A_315] {strides = array<i32>} : memref<160xi32, #tpu.memory_space<vmem>>, vector<16xi32>,
    tpu.vector_store %arg16[%swap3A_315], %get3A_314 {strides = array<i32>} : memref<160xi32, #tpu.memory_space<vmem>>, vector<16xi32>,
    tpu.vector_store_idx %arg7[%get3A_314], %broadcast_in_dim3A_5 {add = true} : memref<10240xf32, #tpu.memory_space<vmem>>[vector<16xi32>], vector<16xf32>,
    %get3A_317 = arith.constant 240 : index
    %get3A_318 = tpu.vector_load %arg11[%get3A_317] {strides = array<i32>} : memref<4000xi32, #tpu.memory_space<vmem>>, vector<16xi32>,
    %swap3A_319 = arith.constant 80 : index
    %swap3A_320 = tpu.vector_load %arg16[%swap3A_319] {strides = array<i32>} : memref<160xi32, #tpu.memory_space<vmem>>, vector<16xi32>,
    tpu.vector_store %arg16[%swap3A_319], %get3A_318 {strides = array<i32>} : memref<160xi32, #tpu.memory_space<vmem>>, vector<16xi32>,
    tpu.vector_store_idx %arg7[%get3A_318], %broadcast_in_dim3A_5 {add = true} : memref<10240xf32, #tpu.memory_space<vmem>>[vector<16xi32>], vector<16xf32>,
    %get3A_321 = arith.constant 256 : index
    %get3A_322 = tpu.vector_load %arg11[%get3A_321] {strides = array<i32>} : memref<4000xi32, #tpu.memory_space<vmem>>, vector<16xi32>,
    %swap3A_323 = arith.constant 96 : index
    %swap3A_324 = tpu.vector_load %arg16[%swap3A_323] {strides = array<i32>} : memref<160xi32, #tpu.memory_space<vmem>>, vector<16xi32>,
    tpu.vector_store %arg16[%swap3A_323], %get3A_322 {strides = array<i32>} : memref<160xi32, #tpu.memory_space<vmem>>, vector<16xi32>,
    tpu.vector_store_idx %arg7[%get3A_322], %broadcast_in_dim3A_5 {add = true} : memref<10240xf32, #tpu.memory_space<vmem>>[vector<16xi32>], vector<16xf32>,
    %get3A_325 = arith.constant 272 : index
    %get3A_326 = tpu.vector_load %arg11[%get3A_325] {strides = array<i32>} : memref<4000xi32, #tpu.memory_space<vmem>>, vector<16xi32>,
    %swap3A_327 = arith.constant 112 : index
    %swap3A_328 = tpu.vector_load %arg16[%swap3A_327] {strides = array<i32>} : memref<160xi32, #tpu.memory_space<vmem>>, vector<16xi32>,
    tpu.vector_store %arg16[%swap3A_327], %get3A_326 {strides = array<i32>} : memref<160xi32, #tpu.memory_space<vmem>>, vector<16xi32>,
    tpu.vector_store_idx %arg7[%get3A_326], %broadcast_in_dim3A_5 {add = true} : memref<10240xf32, #tpu.memory_space<vmem>>[vector<16xi32>], vector<16xf32>,
    %get3A_329 = arith.constant 288 : index
    %get3A_330 = tpu.vector_load %arg11[%get3A_329] {strides = array<i32>} : memref<4000xi32, #tpu.memory_space<vmem>>, vector<16xi32>,
    %swap3A_331 = arith.constant 128 : index
    %swap3A_332 = tpu.vector_load %arg16[%swap3A_331] {strides = array<i32>} : memref<160xi32, #tpu.memory_space<vmem>>, vector<16xi32>,
    tpu.vector_store %arg16[%swap3A_331], %get3A_330 {strides = array<i32>} : memref<160xi32, #tpu.memory_space<vmem>>, vector<16xi32>,
    tpu.vector_store_idx %arg7[%get3A_330], %broadcast_in_dim3A_5 {add = true} : memref<10240xf32, #tpu.memory_space<vmem>>[vector<16xi32>], vector<16xf32>,
    %get3A_333 = arith.constant 304 : index
    %get3A_334 = tpu.vector_load %arg11[%get3A_333] {strides = array<i32>} : memref<4000xi32, #tpu.memory_space<vmem>>, vector<16xi32>,
    %swap3A_335 = arith.constant 144 : index
    %swap3A_336 = tpu.vector_load %arg16[%swap3A_335] {strides = array<i32>} : memref<160xi32, #tpu.memory_space<vmem>>, vector<16xi32>,
    tpu.vector_store %arg16[%swap3A_335], %get3A_334 {strides = array<i32>} : memref<160xi32, #tpu.memory_space<vmem>>, vector<16xi32>,
    tpu.vector_store_idx %arg7[%get3A_334], %broadcast_in_dim3A_5 {add = true} : memref<10240xf32, #tpu.memory_space<vmem>>[vector<16xi32>], vector<16xf32>,
    %dma_start3A_337 = arith.constant 160 : i32
    %dma_start3A_338 = tpu.memref_slice %arg12[%dma_start3A_337] : memref<4000xi32, #tpu.memory_space<vmem>> -> memref<160xi32, #tpu.memory_space<vmem>>
    %dma_start3A_339 = arith.constant 0 : i32
    %dma_start3A_340 = arith.constant 0 : i32
    %dma_start3A_341 = tpu.memref_slice %arg2[%dma_start3A_339, %dma_start3A_340] : memref<200000x64xf32, #tpu.memory_space<hbm>> -> memref<200000x64xf32, #tpu.memory_space<hbm>>
    tpu.enqueue_indirect_dma source(%dma_start3A_341 : memref<200000x64xf32, #tpu.memory_space<hbm>>) target(%arg14 : memref<160x64xf32, #tpu.memory_space<vmem>>) offsets(%dma_start3A_338 : memref<160xi32, #tpu.memory_space<vmem>>) semaphore(%arg18 : memref<!tpu.dma_semaphore, #tpu.memory_space<semaphore_mem>>)
    %dma_wait3A_342 = arith.constant 0 : i32
    %dma_wait3A_343 = tpu.memref_slice %arg12[%dma_wait3A_342] : memref<4000xi32, #tpu.memory_space<vmem>> -> memref<160xi32, #tpu.memory_space<vmem>>
    %dma_wait3A_344 = arith.constant 0 : i32
    %dma_wait3A_345 = arith.constant 0 : i32
    %dma_wait3A_346 = tpu.memref_slice %arg2[%dma_wait3A_344, %dma_wait3A_345] : memref<200000x64xf32, #tpu.memory_space<hbm>> -> memref<200000x64xf32, #tpu.memory_space<hbm>>
    tpu.wait_indirect_dma semaphore(%arg17 : memref<!tpu.dma_semaphore, #tpu.memory_space<semaphore_mem>>) src(%dma_wait3A_346 : memref<200000x64xf32, #tpu.memory_space<hbm>>) dst(%arg13 : memref<160x64xf32, #tpu.memory_space<vmem>>)
    %dma_start3A_347 = arith.constant 0 : i32
    %dma_start3A_348 = arith.constant 0 : i32
    %dma_start3A_349 = tpu.memref_slice %arg6[%dma_start3A_347, %dma_start3A_348] : memref<10240x64xf32, #tpu.memory_space<vmem_shared>> -> memref<10240x64xf32, #tpu.memory_space<vmem_shared>>
    tpu.enqueue_indirect_dma source(%arg13 : memref<160x64xf32, #tpu.memory_space<vmem>>) target(%dma_start3A_349 : memref<10240x64xf32, #tpu.memory_space<vmem_shared>>) offsets(%arg15 : memref<160xi32, #tpu.memory_space<vmem>>) semaphore(%arg19 : memref<!tpu.dma_semaphore, #tpu.memory_space<semaphore_mem>>) {add = true}
    %scan3A_350 = arith.constant 0 : i32
    %scan3A_351 = arith.constant 0 : i32
    %scan3A_352 = arith.constant 11 : i32
    %scan3A_353 = arith.addi %scan3A_351, %scan3A_352 : i32
    %scan3A_354 = arith.constant 1 : i32
    %scan3A_355 = scf.for %scan3A_1058 = %scan3A_351 to %scan3A_353 step %scan3A_354 iter_args(%scan3A_1059 = %scan3A_350) -> (i32)  : i32 {
      %dma_wait3A_1060 = arith.constant 0 : i32
      %dma_wait3A_1061 = arith.constant 0 : i32
      %dma_wait3A_1062 = tpu.memref_slice %arg6[%dma_wait3A_1060, %dma_wait3A_1061] : memref<10240x64xf32, #tpu.memory_space<vmem_shared>> -> memref<10240x64xf32, #tpu.memory_space<vmem_shared>>
      tpu.wait_indirect_dma semaphore(%arg19 : memref<!tpu.dma_semaphore, #tpu.memory_space<semaphore_mem>>) src(%arg13 : memref<160x64xf32, #tpu.memory_space<vmem>>) dst(%dma_wait3A_1062 : memref<10240x64xf32, #tpu.memory_space<vmem_shared>>)
      %mul3A_1063 = arith.constant 2 : i32
      %mul3A_1064 = arith.muli %mul3A_1063, %scan3A_1058 : i32
      %add3A_1065 = arith.constant 2 : i32
      %add3A_1066 = arith.addi %mul3A_1064, %add3A_1065 : i32
      %mul3A_1067 = arith.constant 160 : i32
      %mul3A_1068 = arith.muli %add3A_1066, %mul3A_1067 : i32
      %add3A_1069 = arith.constant 0 : i32
      %add3A_1070 = arith.addi %mul3A_1068, %add3A_1069 : i32
      %get3A_1071 = arith.index_cast %add3A_1070 : i32 to index
      %get3A_1072 = tpu.vector_load %arg11[%get3A_1071] {strides = array<i32>} : memref<4000xi32, #tpu.memory_space<vmem>>, vector<16xi32>,
      %swap3A_1073 = arith.constant 0 : index
      %swap3A_1074 = tpu.vector_load %arg15[%swap3A_1073] {strides = array<i32>} : memref<160xi32, #tpu.memory_space<vmem>>, vector<16xi32>,
      tpu.vector_store %arg15[%swap3A_1073], %get3A_1072 {strides = array<i32>} : memref<160xi32, #tpu.memory_space<vmem>>, vector<16xi32>,
      tpu.vector_store_idx %arg7[%get3A_1072], %broadcast_in_dim3A_5 {add = true} : memref<10240xf32, #tpu.memory_space<vmem>>[vector<16xi32>], vector<16xf32>,
      %add3A_1075 = arith.constant 16 : i32
      %add3A_1076 = arith.addi %mul3A_1068, %add3A_1075 : i32
      %get3A_1077 = arith.index_cast %add3A_1076 : i32 to index
      %get3A_1078 = tpu.vector_load %arg11[%get3A_1077] {strides = array<i32>} : memref<4000xi32, #tpu.memory_space<vmem>>, vector<16xi32>,
      %swap3A_1079 = arith.constant 16 : index
      %swap3A_1080 = tpu.vector_load %arg15[%swap3A_1079] {strides = array<i32>} : memref<160xi32, #tpu.memory_space<vmem>>, vector<16xi32>,
      tpu.vector_store %arg15[%swap3A_1079], %get3A_1078 {strides = array<i32>} : memref<160xi32, #tpu.memory_space<vmem>>, vector<16xi32>,
      tpu.vector_store_idx %arg7[%get3A_1078], %broadcast_in_dim3A_5 {add = true} : memref<10240xf32, #tpu.memory_space<vmem>>[vector<16xi32>], vector<16xf32>,
      %add3A_1081 = arith.constant 32 : i32
      %add3A_1082 = arith.addi %mul3A_1068, %add3A_1081 : i32
      %get3A_1083 = arith.index_cast %add3A_1082 : i32 to index
      %get3A_1084 = tpu.vector_load %arg11[%get3A_1083] {strides = array<i32>} : memref<4000xi32, #tpu.memory_space<vmem>>, vector<16xi32>,
      %swap3A_1085 = arith.constant 32 : index
      %swap3A_1086 = tpu.vector_load %arg15[%swap3A_1085] {strides = array<i32>} : memref<160xi32, #tpu.memory_space<vmem>>, vector<16xi32>,
      tpu.vector_store %arg15[%swap3A_1085], %get3A_1084 {strides = array<i32>} : memref<160xi32, #tpu.memory_space<vmem>>, vector<16xi32>,
      tpu.vector_store_idx %arg7[%get3A_1084], %broadcast_in_dim3A_5 {add = true} : memref<10240xf32, #tpu.memory_space<vmem>>[vector<16xi32>], vector<16xf32>,
      %add3A_1087 = arith.constant 48 : i32
      %add3A_1088 = arith.addi %mul3A_1068, %add3A_1087 : i32
      %get3A_1089 = arith.index_cast %add3A_1088 : i32 to index
      %get3A_1090 = tpu.vector_load %arg11[%get3A_1089] {strides = array<i32>} : memref<4000xi32, #tpu.memory_space<vmem>>, vector<16xi32>,
      %swap3A_1091 = arith.constant 48 : index
      %swap3A_1092 = tpu.vector_load %arg15[%swap3A_1091] {strides = array<i32>} : memref<160xi32, #tpu.memory_space<vmem>>, vector<16xi32>,
      tpu.vector_store %arg15[%swap3A_1091], %get3A_1090 {strides = array<i32>} : memref<160xi32, #tpu.memory_space<vmem>>, vector<16xi32>,
      tpu.vector_store_idx %arg7[%get3A_1090], %broadcast_in_dim3A_5 {add = true} : memref<10240xf32, #tpu.memory_space<vmem>>[vector<16xi32>], vector<16xf32>,
      %add3A_1093 = arith.constant 64 : i32
      %add3A_1094 = arith.addi %mul3A_1068, %add3A_1093 : i32
      %get3A_1095 = arith.index_cast %add3A_1094 : i32 to index
      %get3A_1096 = tpu.vector_load %arg11[%get3A_1095] {strides = array<i32>} : memref<4000xi32, #tpu.memory_space<vmem>>, vector<16xi32>,
      %swap3A_1097 = arith.constant 64 : index
      %swap3A_1098 = tpu.vector_load %arg15[%swap3A_1097] {strides = array<i32>} : memref<160xi32, #tpu.memory_space<vmem>>, vector<16xi32>,
      tpu.vector_store %arg15[%swap3A_1097], %get3A_1096 {strides = array<i32>} : memref<160xi32, #tpu.memory_space<vmem>>, vector<16xi32>,
      tpu.vector_store_idx %arg7[%get3A_1096], %broadcast_in_dim3A_5 {add = true} : memref<10240xf32, #tpu.memory_space<vmem>>[vector<16xi32>], vector<16xf32>,
      %add3A_1099 = arith.constant 80 : i32
      %add3A_1100 = arith.addi %mul3A_1068, %add3A_1099 : i32
      %get3A_1101 = arith.index_cast %add3A_1100 : i32 to index
      %get3A_1102 = tpu.vector_load %arg11[%get3A_1101] {strides = array<i32>} : memref<4000xi32, #tpu.memory_space<vmem>>, vector<16xi32>,
      %swap3A_1103 = arith.constant 80 : index
      %swap3A_1104 = tpu.vector_load %arg15[%swap3A_1103] {strides = array<i32>} : memref<160xi32, #tpu.memory_space<vmem>>, vector<16xi32>,
      tpu.vector_store %arg15[%swap3A_1103], %get3A_1102 {strides = array<i32>} : memref<160xi32, #tpu.memory_space<vmem>>, vector<16xi32>,
      tpu.vector_store_idx %arg7[%get3A_1102], %broadcast_in_dim3A_5 {add = true} : memref<10240xf32, #tpu.memory_space<vmem>>[vector<16xi32>], vector<16xf32>,
      %add3A_1105 = arith.constant 96 : i32
      %add3A_1106 = arith.addi %mul3A_1068, %add3A_1105 : i32
      %get3A_1107 = arith.index_cast %add3A_1106 : i32 to index
      %get3A_1108 = tpu.vector_load %arg11[%get3A_1107] {strides = array<i32>} : memref<4000xi32, #tpu.memory_space<vmem>>, vector<16xi32>,
      %swap3A_1109 = arith.constant 96 : index
      %swap3A_1110 = tpu.vector_load %arg15[%swap3A_1109] {strides = array<i32>} : memref<160xi32, #tpu.memory_space<vmem>>, vector<16xi32>,
      tpu.vector_store %arg15[%swap3A_1109], %get3A_1108 {strides = array<i32>} : memref<160xi32, #tpu.memory_space<vmem>>, vector<16xi32>,
      tpu.vector_store_idx %arg7[%get3A_1108], %broadcast_in_dim3A_5 {add = true} : memref<10240xf32, #tpu.memory_space<vmem>>[vector<16xi32>], vector<16xf32>,
      %add3A_1111 = arith.constant 112 : i32
      %add3A_1112 = arith.addi %mul3A_1068, %add3A_1111 : i32
      %get3A_1113 = arith.index_cast %add3A_1112 : i32 to index
      %get3A_1114 = tpu.vector_load %arg11[%get3A_1113] {strides = array<i32>} : memref<4000xi32, #tpu.memory_space<vmem>>, vector<16xi32>,
      %swap3A_1115 = arith.constant 112 : index
      %swap3A_1116 = tpu.vector_load %arg15[%swap3A_1115] {strides = array<i32>} : memref<160xi32, #tpu.memory_space<vmem>>, vector<16xi32>,
      tpu.vector_store %arg15[%swap3A_1115], %get3A_1114 {strides = array<i32>} : memref<160xi32, #tpu.memory_space<vmem>>, vector<16xi32>,
      tpu.vector_store_idx %arg7[%get3A_1114], %broadcast_in_dim3A_5 {add = true} : memref<10240xf32, #tpu.memory_space<vmem>>[vector<16xi32>], vector<16xf32>,
      %add3A_1117 = arith.constant 128 : i32
      %add3A_1118 = arith.addi %mul3A_1068, %add3A_1117 : i32
      %get3A_1119 = arith.index_cast %add3A_1118 : i32 to index
      %get3A_1120 = tpu.vector_load %arg11[%get3A_1119] {strides = array<i32>} : memref<4000xi32, #tpu.memory_space<vmem>>, vector<16xi32>,
      %swap3A_1121 = arith.constant 128 : index
      %swap3A_1122 = tpu.vector_load %arg15[%swap3A_1121] {strides = array<i32>} : memref<160xi32, #tpu.memory_space<vmem>>, vector<16xi32>,
      tpu.vector_store %arg15[%swap3A_1121], %get3A_1120 {strides = array<i32>} : memref<160xi32, #tpu.memory_space<vmem>>, vector<16xi32>,
      tpu.vector_store_idx %arg7[%get3A_1120], %broadcast_in_dim3A_5 {add = true} : memref<10240xf32, #tpu.memory_space<vmem>>[vector<16xi32>], vector<16xf32>,
      %add3A_1123 = arith.constant 144 : i32
      %add3A_1124 = arith.addi %mul3A_1068, %add3A_1123 : i32
      %get3A_1125 = arith.index_cast %add3A_1124 : i32 to index
      %get3A_1126 = tpu.vector_load %arg11[%get3A_1125] {strides = array<i32>} : memref<4000xi32, #tpu.memory_space<vmem>>, vector<16xi32>,
      %swap3A_1127 = arith.constant 144 : index
      %swap3A_1128 = tpu.vector_load %arg15[%swap3A_1127] {strides = array<i32>} : memref<160xi32, #tpu.memory_space<vmem>>, vector<16xi32>,
      tpu.vector_store %arg15[%swap3A_1127], %get3A_1126 {strides = array<i32>} : memref<160xi32, #tpu.memory_space<vmem>>, vector<16xi32>,
      tpu.vector_store_idx %arg7[%get3A_1126], %broadcast_in_dim3A_5 {add = true} : memref<10240xf32, #tpu.memory_space<vmem>>[vector<16xi32>], vector<16xf32>,
      %dma_start3A_1129 = tpu.memref_slice %arg12[%mul3A_1068] : memref<4000xi32, #tpu.memory_space<vmem>> -> memref<160xi32, #tpu.memory_space<vmem>>
      %dma_start3A_1130 = arith.constant 0 : i32
      %dma_start3A_1131 = arith.constant 0 : i32
      %dma_start3A_1132 = tpu.memref_slice %arg2[%dma_start3A_1130, %dma_start3A_1131] : memref<200000x64xf32, #tpu.memory_space<hbm>> -> memref<200000x64xf32, #tpu.memory_space<hbm>>
      tpu.enqueue_indirect_dma source(%dma_start3A_1132 : memref<200000x64xf32, #tpu.memory_space<hbm>>) target(%arg13 : memref<160x64xf32, #tpu.memory_space<vmem>>) offsets(%dma_start3A_1129 : memref<160xi32, #tpu.memory_space<vmem>>) semaphore(%arg17 : memref<!tpu.dma_semaphore, #tpu.memory_space<semaphore_mem>>)
      %mul3A_1133 = arith.constant 2 : i32
      %mul3A_1134 = arith.muli %mul3A_1133, %scan3A_1058 : i32
      %add3A_1135 = arith.constant 1 : i32
      %add3A_1136 = arith.addi %mul3A_1134, %add3A_1135 : i32
      %mul3A_1137 = arith.constant 160 : i32
      %mul3A_1138 = arith.muli %add3A_1136, %mul3A_1137 : i32
      %dma_wait3A_1139 = tpu.memref_slice %arg12[%mul3A_1138] : memref<4000xi32, #tpu.memory_space<vmem>> -> memref<160xi32, #tpu.memory_space<vmem>>
      %dma_wait3A_1140 = arith.constant 0 : i32
      %dma_wait3A_1141 = arith.constant 0 : i32
      %dma_wait3A_1142 = tpu.memref_slice %arg2[%dma_wait3A_1140, %dma_wait3A_1141] : memref<200000x64xf32, #tpu.memory_space<hbm>> -> memref<200000x64xf32, #tpu.memory_space<hbm>>
      tpu.wait_indirect_dma semaphore(%arg18 : memref<!tpu.dma_semaphore, #tpu.memory_space<semaphore_mem>>) src(%dma_wait3A_1142 : memref<200000x64xf32, #tpu.memory_space<hbm>>) dst(%arg14 : memref<160x64xf32, #tpu.memory_space<vmem>>)
      %dma_start3A_1143 = arith.constant 0 : i32
      %dma_start3A_1144 = arith.constant 0 : i32
      %dma_start3A_1145 = tpu.memref_slice %arg6[%dma_start3A_1143, %dma_start3A_1144] : memref<10240x64xf32, #tpu.memory_space<vmem_shared>> -> memref<10240x64xf32, #tpu.memory_space<vmem_shared>>
      tpu.enqueue_indirect_dma source(%arg14 : memref<160x64xf32, #tpu.memory_space<vmem>>) target(%dma_start3A_1145 : memref<10240x64xf32, #tpu.memory_space<vmem_shared>>) offsets(%arg16 : memref<160xi32, #tpu.memory_space<vmem>>) semaphore(%arg20 : memref<!tpu.dma_semaphore, #tpu.memory_space<semaphore_mem>>) {add = true}
      %dma_wait3A_1146 = arith.constant 0 : i32
      %dma_wait3A_1147 = arith.constant 0 : i32
      %dma_wait3A_1148 = tpu.memref_slice %arg6[%dma_wait3A_1146, %dma_wait3A_1147] : memref<10240x64xf32, #tpu.memory_space<vmem_shared>> -> memref<10240x64xf32, #tpu.memory_space<vmem_shared>>
      tpu.wait_indirect_dma semaphore(%arg20 : memref<!tpu.dma_semaphore, #tpu.memory_space<semaphore_mem>>) src(%arg14 : memref<160x64xf32, #tpu.memory_space<vmem>>) dst(%dma_wait3A_1148 : memref<10240x64xf32, #tpu.memory_space<vmem_shared>>)
      %mul3A_1149 = arith.constant 2 : i32
      %mul3A_1150 = arith.muli %mul3A_1149, %scan3A_1058 : i32
      %add3A_1151 = arith.constant 3 : i32
      %add3A_1152 = arith.addi %mul3A_1150, %add3A_1151 : i32
      %mul3A_1153 = arith.constant 160 : i32
      %mul3A_1154 = arith.muli %add3A_1152, %mul3A_1153 : i32
      %add3A_1155 = arith.constant 0 : i32
      %add3A_1156 = arith.addi %mul3A_1154, %add3A_1155 : i32
      %get3A_1157 = arith.index_cast %add3A_1156 : i32 to index
      %get3A_1158 = tpu.vector_load %arg11[%get3A_1157] {strides = array<i32>} : memref<4000xi32, #tpu.memory_space<vmem>>, vector<16xi32>,
      %swap3A_1159 = arith.constant 0 : index
      %swap3A_1160 = tpu.vector_load %arg16[%swap3A_1159] {strides = array<i32>} : memref<160xi32, #tpu.memory_space<vmem>>, vector<16xi32>,
      tpu.vector_store %arg16[%swap3A_1159], %get3A_1158 {strides = array<i32>} : memref<160xi32, #tpu.memory_space<vmem>>, vector<16xi32>,
      tpu.vector_store_idx %arg7[%get3A_1158], %broadcast_in_dim3A_5 {add = true} : memref<10240xf32, #tpu.memory_space<vmem>>[vector<16xi32>], vector<16xf32>,
      %add3A_1161 = arith.constant 16 : i32
      %add3A_1162 = arith.addi %mul3A_1154, %add3A_1161 : i32
      %get3A_1163 = arith.index_cast %add3A_1162 : i32 to index
      %get3A_1164 = tpu.vector_load %arg11[%get3A_1163] {strides = array<i32>} : memref<4000xi32, #tpu.memory_space<vmem>>, vector<16xi32>,
      %swap3A_1165 = arith.constant 16 : index
      %swap3A_1166 = tpu.vector_load %arg16[%swap3A_1165] {strides = array<i32>} : memref<160xi32, #tpu.memory_space<vmem>>, vector<16xi32>,
      tpu.vector_store %arg16[%swap3A_1165], %get3A_1164 {strides = array<i32>} : memref<160xi32, #tpu.memory_space<vmem>>, vector<16xi32>,
      tpu.vector_store_idx %arg7[%get3A_1164], %broadcast_in_dim3A_5 {add = true} : memref<10240xf32, #tpu.memory_space<vmem>>[vector<16xi32>], vector<16xf32>,
      %add3A_1167 = arith.constant 32 : i32
      %add3A_1168 = arith.addi %mul3A_1154, %add3A_1167 : i32
      %get3A_1169 = arith.index_cast %add3A_1168 : i32 to index
      %get3A_1170 = tpu.vector_load %arg11[%get3A_1169] {strides = array<i32>} : memref<4000xi32, #tpu.memory_space<vmem>>, vector<16xi32>,
      %swap3A_1171 = arith.constant 32 : index
      %swap3A_1172 = tpu.vector_load %arg16[%swap3A_1171] {strides = array<i32>} : memref<160xi32, #tpu.memory_space<vmem>>, vector<16xi32>,
      tpu.vector_store %arg16[%swap3A_1171], %get3A_1170 {strides = array<i32>} : memref<160xi32, #tpu.memory_space<vmem>>, vector<16xi32>,
      tpu.vector_store_idx %arg7[%get3A_1170], %broadcast_in_dim3A_5 {add = true} : memref<10240xf32, #tpu.memory_space<vmem>>[vector<16xi32>], vector<16xf32>,
      %add3A_1173 = arith.constant 48 : i32
      %add3A_1174 = arith.addi %mul3A_1154, %add3A_1173 : i32
      %get3A_1175 = arith.index_cast %add3A_1174 : i32 to index
      %get3A_1176 = tpu.vector_load %arg11[%get3A_1175] {strides = array<i32>} : memref<4000xi32, #tpu.memory_space<vmem>>, vector<16xi32>,
      %swap3A_1177 = arith.constant 48 : index
      %swap3A_1178 = tpu.vector_load %arg16[%swap3A_1177] {strides = array<i32>} : memref<160xi32, #tpu.memory_space<vmem>>, vector<16xi32>,
      tpu.vector_store %arg16[%swap3A_1177], %get3A_1176 {strides = array<i32>} : memref<160xi32, #tpu.memory_space<vmem>>, vector<16xi32>,
      tpu.vector_store_idx %arg7[%get3A_1176], %broadcast_in_dim3A_5 {add = true} : memref<10240xf32, #tpu.memory_space<vmem>>[vector<16xi32>], vector<16xf32>,
      %add3A_1179 = arith.constant 64 : i32
      %add3A_1180 = arith.addi %mul3A_1154, %add3A_1179 : i32
      %get3A_1181 = arith.index_cast %add3A_1180 : i32 to index
      %get3A_1182 = tpu.vector_load %arg11[%get3A_1181] {strides = array<i32>} : memref<4000xi32, #tpu.memory_space<vmem>>, vector<16xi32>,
      %swap3A_1183 = arith.constant 64 : index
      %swap3A_1184 = tpu.vector_load %arg16[%swap3A_1183] {strides = array<i32>} : memref<160xi32, #tpu.memory_space<vmem>>, vector<16xi32>,
      tpu.vector_store %arg16[%swap3A_1183], %get3A_1182 {strides = array<i32>} : memref<160xi32, #tpu.memory_space<vmem>>, vector<16xi32>,
      tpu.vector_store_idx %arg7[%get3A_1182], %broadcast_in_dim3A_5 {add = true} : memref<10240xf32, #tpu.memory_space<vmem>>[vector<16xi32>], vector<16xf32>,
      %add3A_1185 = arith.constant 80 : i32
      %add3A_1186 = arith.addi %mul3A_1154, %add3A_1185 : i32
      %get3A_1187 = arith.index_cast %add3A_1186 : i32 to index
      %get3A_1188 = tpu.vector_load %arg11[%get3A_1187] {strides = array<i32>} : memref<4000xi32, #tpu.memory_space<vmem>>, vector<16xi32>,
      %swap3A_1189 = arith.constant 80 : index
      %swap3A_1190 = tpu.vector_load %arg16[%swap3A_1189] {strides = array<i32>} : memref<160xi32, #tpu.memory_space<vmem>>, vector<16xi32>,
      tpu.vector_store %arg16[%swap3A_1189], %get3A_1188 {strides = array<i32>} : memref<160xi32, #tpu.memory_space<vmem>>, vector<16xi32>,
      tpu.vector_store_idx %arg7[%get3A_1188], %broadcast_in_dim3A_5 {add = true} : memref<10240xf32, #tpu.memory_space<vmem>>[vector<16xi32>], vector<16xf32>,
      %add3A_1191 = arith.constant 96 : i32
      %add3A_1192 = arith.addi %mul3A_1154, %add3A_1191 : i32
      %get3A_1193 = arith.index_cast %add3A_1192 : i32 to index
      %get3A_1194 = tpu.vector_load %arg11[%get3A_1193] {strides = array<i32>} : memref<4000xi32, #tpu.memory_space<vmem>>, vector<16xi32>,
      %swap3A_1195 = arith.constant 96 : index
      %swap3A_1196 = tpu.vector_load %arg16[%swap3A_1195] {strides = array<i32>} : memref<160xi32, #tpu.memory_space<vmem>>, vector<16xi32>,
      tpu.vector_store %arg16[%swap3A_1195], %get3A_1194 {strides = array<i32>} : memref<160xi32, #tpu.memory_space<vmem>>, vector<16xi32>,
      tpu.vector_store_idx %arg7[%get3A_1194], %broadcast_in_dim3A_5 {add = true} : memref<10240xf32, #tpu.memory_space<vmem>>[vector<16xi32>], vector<16xf32>,
      %add3A_1197 = arith.constant 112 : i32
      %add3A_1198 = arith.addi %mul3A_1154, %add3A_1197 : i32
      %get3A_1199 = arith.index_cast %add3A_1198 : i32 to index
      %get3A_1200 = tpu.vector_load %arg11[%get3A_1199] {strides = array<i32>} : memref<4000xi32, #tpu.memory_space<vmem>>, vector<16xi32>,
      %swap3A_1201 = arith.constant 112 : index
      %swap3A_1202 = tpu.vector_load %arg16[%swap3A_1201] {strides = array<i32>} : memref<160xi32, #tpu.memory_space<vmem>>, vector<16xi32>,
      tpu.vector_store %arg16[%swap3A_1201], %get3A_1200 {strides = array<i32>} : memref<160xi32, #tpu.memory_space<vmem>>, vector<16xi32>,
      tpu.vector_store_idx %arg7[%get3A_1200], %broadcast_in_dim3A_5 {add = true} : memref<10240xf32, #tpu.memory_space<vmem>>[vector<16xi32>], vector<16xf32>,
      %add3A_1203 = arith.constant 128 : i32
      %add3A_1204 = arith.addi %mul3A_1154, %add3A_1203 : i32
      %get3A_1205 = arith.index_cast %add3A_1204 : i32 to index
      %get3A_1206 = tpu.vector_load %arg11[%get3A_1205] {strides = array<i32>} : memref<4000xi32, #tpu.memory_space<vmem>>, vector<16xi32>,
      %swap3A_1207 = arith.constant 128 : index
      %swap3A_1208 = tpu.vector_load %arg16[%swap3A_1207] {strides = array<i32>} : memref<160xi32, #tpu.memory_space<vmem>>, vector<16xi32>,
      tpu.vector_store %arg16[%swap3A_1207], %get3A_1206 {strides = array<i32>} : memref<160xi32, #tpu.memory_space<vmem>>, vector<16xi32>,
      tpu.vector_store_idx %arg7[%get3A_1206], %broadcast_in_dim3A_5 {add = true} : memref<10240xf32, #tpu.memory_space<vmem>>[vector<16xi32>], vector<16xf32>,
      %add3A_1209 = arith.constant 144 : i32
      %add3A_1210 = arith.addi %mul3A_1154, %add3A_1209 : i32
      %get3A_1211 = arith.index_cast %add3A_1210 : i32 to index
      %get3A_1212 = tpu.vector_load %arg11[%get3A_1211] {strides = array<i32>} : memref<4000xi32, #tpu.memory_space<vmem>>, vector<16xi32>,
      %swap3A_1213 = arith.constant 144 : index
      %swap3A_1214 = tpu.vector_load %arg16[%swap3A_1213] {strides = array<i32>} : memref<160xi32, #tpu.memory_space<vmem>>, vector<16xi32>,
      tpu.vector_store %arg16[%swap3A_1213], %get3A_1212 {strides = array<i32>} : memref<160xi32, #tpu.memory_space<vmem>>, vector<16xi32>,
      tpu.vector_store_idx %arg7[%get3A_1212], %broadcast_in_dim3A_5 {add = true} : memref<10240xf32, #tpu.memory_space<vmem>>[vector<16xi32>], vector<16xf32>,
      %dma_start3A_1215 = tpu.memref_slice %arg12[%mul3A_1154] : memref<4000xi32, #tpu.memory_space<vmem>> -> memref<160xi32, #tpu.memory_space<vmem>>
      %dma_start3A_1216 = arith.constant 0 : i32
      %dma_start3A_1217 = arith.constant 0 : i32
      %dma_start3A_1218 = tpu.memref_slice %arg2[%dma_start3A_1216, %dma_start3A_1217] : memref<200000x64xf32, #tpu.memory_space<hbm>> -> memref<200000x64xf32, #tpu.memory_space<hbm>>
      tpu.enqueue_indirect_dma source(%dma_start3A_1218 : memref<200000x64xf32, #tpu.memory_space<hbm>>) target(%arg14 : memref<160x64xf32, #tpu.memory_space<vmem>>) offsets(%dma_start3A_1215 : memref<160xi32, #tpu.memory_space<vmem>>) semaphore(%arg18 : memref<!tpu.dma_semaphore, #tpu.memory_space<semaphore_mem>>)
      %mul3A_1219 = arith.constant 2 : i32
      %mul3A_1220 = arith.muli %mul3A_1219, %scan3A_1058 : i32
      %add3A_1221 = arith.constant 2 : i32
      %add3A_1222 = arith.addi %mul3A_1220, %add3A_1221 : i32
      %mul3A_1223 = arith.constant 160 : i32
      %mul3A_1224 = arith.muli %add3A_1222, %mul3A_1223 : i32
      %dma_wait3A_1225 = tpu.memref_slice %arg12[%mul3A_1224] : memref<4000xi32, #tpu.memory_space<vmem>> -> memref<160xi32, #tpu.memory_space<vmem>>
      %dma_wait3A_1226 = arith.constant 0 : i32
      %dma_wait3A_1227 = arith.constant 0 : i32
      %dma_wait3A_1228 = tpu.memref_slice %arg2[%dma_wait3A_1226, %dma_wait3A_1227] : memref<200000x64xf32, #tpu.memory_space<hbm>> -> memref<200000x64xf32, #tpu.memory_space<hbm>>
      tpu.wait_indirect_dma semaphore(%arg17 : memref<!tpu.dma_semaphore, #tpu.memory_space<semaphore_mem>>) src(%dma_wait3A_1228 : memref<200000x64xf32, #tpu.memory_space<hbm>>) dst(%arg13 : memref<160x64xf32, #tpu.memory_space<vmem>>)
      %dma_start3A_1229 = arith.constant 0 : i32
      %dma_start3A_1230 = arith.constant 0 : i32
      %dma_start3A_1231 = tpu.memref_slice %arg6[%dma_start3A_1229, %dma_start3A_1230] : memref<10240x64xf32, #tpu.memory_space<vmem_shared>> -> memref<10240x64xf32, #tpu.memory_space<vmem_shared>>
      tpu.enqueue_indirect_dma source(%arg13 : memref<160x64xf32, #tpu.memory_space<vmem>>) target(%dma_start3A_1231 : memref<10240x64xf32, #tpu.memory_space<vmem_shared>>) offsets(%arg15 : memref<160xi32, #tpu.memory_space<vmem>>) semaphore(%arg19 : memref<!tpu.dma_semaphore, #tpu.memory_space<semaphore_mem>>) {add = true}
      %scan3A_1232 = arith.constant 0 : i32
      scf.yield %scan3A_1232 : i32
    }
    %scan3A_356 = arith.constant 11 : i32
    %dma_wait3A_357 = arith.constant 0 : i32
    %dma_wait3A_358 = arith.constant 0 : i32
    %dma_wait3A_359 = tpu.memref_slice %arg6[%dma_wait3A_357, %dma_wait3A_358] : memref<10240x64xf32, #tpu.memory_space<vmem_shared>> -> memref<10240x64xf32, #tpu.memory_space<vmem_shared>>
    tpu.wait_indirect_dma semaphore(%arg19 : memref<!tpu.dma_semaphore, #tpu.memory_space<semaphore_mem>>) src(%arg13 : memref<160x64xf32, #tpu.memory_space<vmem>>) dst(%dma_wait3A_359 : memref<10240x64xf32, #tpu.memory_space<vmem_shared>>)
    %get3A_360 = arith.constant 3840 : index
    %get3A_361 = tpu.vector_load %arg11[%get3A_360] {strides = array<i32>} : memref<4000xi32, #tpu.memory_space<vmem>>, vector<16xi32>,
    %swap3A_362 = arith.constant 0 : index
    %swap3A_363 = tpu.vector_load %arg15[%swap3A_362] {strides = array<i32>} : memref<160xi32, #tpu.memory_space<vmem>>, vector<16xi32>,
    tpu.vector_store %arg15[%swap3A_362], %get3A_361 {strides = array<i32>} : memref<160xi32, #tpu.memory_space<vmem>>, vector<16xi32>,
    tpu.vector_store_idx %arg7[%get3A_361], %broadcast_in_dim3A_5 {add = true} : memref<10240xf32, #tpu.memory_space<vmem>>[vector<16xi32>], vector<16xf32>,
    %get3A_364 = arith.constant 3856 : index
    %get3A_365 = tpu.vector_load %arg11[%get3A_364] {strides = array<i32>} : memref<4000xi32, #tpu.memory_space<vmem>>, vector<16xi32>,
    %swap3A_366 = arith.constant 16 : index
    %swap3A_367 = tpu.vector_load %arg15[%swap3A_366] {strides = array<i32>} : memref<160xi32, #tpu.memory_space<vmem>>, vector<16xi32>,
    tpu.vector_store %arg15[%swap3A_366], %get3A_365 {strides = array<i32>} : memref<160xi32, #tpu.memory_space<vmem>>, vector<16xi32>,
    tpu.vector_store_idx %arg7[%get3A_365], %broadcast_in_dim3A_5 {add = true} : memref<10240xf32, #tpu.memory_space<vmem>>[vector<16xi32>], vector<16xf32>,
    %get3A_368 = arith.constant 3872 : index
    %get3A_369 = tpu.vector_load %arg11[%get3A_368] {strides = array<i32>} : memref<4000xi32, #tpu.memory_space<vmem>>, vector<16xi32>,
    %swap3A_370 = arith.constant 32 : index
    %swap3A_371 = tpu.vector_load %arg15[%swap3A_370] {strides = array<i32>} : memref<160xi32, #tpu.memory_space<vmem>>, vector<16xi32>,
    tpu.vector_store %arg15[%swap3A_370], %get3A_369 {strides = array<i32>} : memref<160xi32, #tpu.memory_space<vmem>>, vector<16xi32>,
    tpu.vector_store_idx %arg7[%get3A_369], %broadcast_in_dim3A_5 {add = true} : memref<10240xf32, #tpu.memory_space<vmem>>[vector<16xi32>], vector<16xf32>,
    %get3A_372 = arith.constant 3888 : index
    %get3A_373 = tpu.vector_load %arg11[%get3A_372] {strides = array<i32>} : memref<4000xi32, #tpu.memory_space<vmem>>, vector<16xi32>,
    %swap3A_374 = arith.constant 48 : index
    %swap3A_375 = tpu.vector_load %arg15[%swap3A_374] {strides = array<i32>} : memref<160xi32, #tpu.memory_space<vmem>>, vector<16xi32>,
    tpu.vector_store %arg15[%swap3A_374], %get3A_373 {strides = array<i32>} : memref<160xi32, #tpu.memory_space<vmem>>, vector<16xi32>,
    tpu.vector_store_idx %arg7[%get3A_373], %broadcast_in_dim3A_5 {add = true} : memref<10240xf32, #tpu.memory_space<vmem>>[vector<16xi32>], vector<16xf32>,
    %get3A_376 = arith.constant 3904 : index
    %get3A_377 = tpu.vector_load %arg11[%get3A_376] {strides = array<i32>} : memref<4000xi32, #tpu.memory_space<vmem>>, vector<16xi32>,
    %swap3A_378 = arith.constant 64 : index
    %swap3A_379 = tpu.vector_load %arg15[%swap3A_378] {strides = array<i32>} : memref<160xi32, #tpu.memory_space<vmem>>, vector<16xi32>,
    tpu.vector_store %arg15[%swap3A_378], %get3A_377 {strides = array<i32>} : memref<160xi32, #tpu.memory_space<vmem>>, vector<16xi32>,
    tpu.vector_store_idx %arg7[%get3A_377], %broadcast_in_dim3A_5 {add = true} : memref<10240xf32, #tpu.memory_space<vmem>>[vector<16xi32>], vector<16xf32>,
    %get3A_380 = arith.constant 3920 : index
    %get3A_381 = tpu.vector_load %arg11[%get3A_380] {strides = array<i32>} : memref<4000xi32, #tpu.memory_space<vmem>>, vector<16xi32>,
    %swap3A_382 = arith.constant 80 : index
    %swap3A_383 = tpu.vector_load %arg15[%swap3A_382] {strides = array<i32>} : memref<160xi32, #tpu.memory_space<vmem>>, vector<16xi32>,
    tpu.vector_store %arg15[%swap3A_382], %get3A_381 {strides = array<i32>} : memref<160xi32, #tpu.memory_space<vmem>>, vector<16xi32>,
    tpu.vector_store_idx %arg7[%get3A_381], %broadcast_in_dim3A_5 {add = true} : memref<10240xf32, #tpu.memory_space<vmem>>[vector<16xi32>], vector<16xf32>,
    %get3A_384 = arith.constant 3936 : index
    %get3A_385 = tpu.vector_load %arg11[%get3A_384] {strides = array<i32>} : memref<4000xi32, #tpu.memory_space<vmem>>, vector<16xi32>,
    %swap3A_386 = arith.constant 96 : index
    %swap3A_387 = tpu.vector_load %arg15[%swap3A_386] {strides = array<i32>} : memref<160xi32, #tpu.memory_space<vmem>>, vector<16xi32>,
    tpu.vector_store %arg15[%swap3A_386], %get3A_385 {strides = array<i32>} : memref<160xi32, #tpu.memory_space<vmem>>, vector<16xi32>,
    tpu.vector_store_idx %arg7[%get3A_385], %broadcast_in_dim3A_5 {add = true} : memref<10240xf32, #tpu.memory_space<vmem>>[vector<16xi32>], vector<16xf32>,
    %get3A_388 = arith.constant 3952 : index
    %get3A_389 = tpu.vector_load %arg11[%get3A_388] {strides = array<i32>} : memref<4000xi32, #tpu.memory_space<vmem>>, vector<16xi32>,
    %swap3A_390 = arith.constant 112 : index
    %swap3A_391 = tpu.vector_load %arg15[%swap3A_390] {strides = array<i32>} : memref<160xi32, #tpu.memory_space<vmem>>, vector<16xi32>,
    tpu.vector_store %arg15[%swap3A_390], %get3A_389 {strides = array<i32>} : memref<160xi32, #tpu.memory_space<vmem>>, vector<16xi32>,
    tpu.vector_store_idx %arg7[%get3A_389], %broadcast_in_dim3A_5 {add = true} : memref<10240xf32, #tpu.memory_space<vmem>>[vector<16xi32>], vector<16xf32>,
    %get3A_392 = arith.constant 3968 : index
    %get3A_393 = tpu.vector_load %arg11[%get3A_392] {strides = array<i32>} : memref<4000xi32, #tpu.memory_space<vmem>>, vector<16xi32>,
    %swap3A_394 = arith.constant 128 : index
    %swap3A_395 = tpu.vector_load %arg15[%swap3A_394] {strides = array<i32>} : memref<160xi32, #tpu.memory_space<vmem>>, vector<16xi32>,
    tpu.vector_store %arg15[%swap3A_394], %get3A_393 {strides = array<i32>} : memref<160xi32, #tpu.memory_space<vmem>>, vector<16xi32>,
    tpu.vector_store_idx %arg7[%get3A_393], %broadcast_in_dim3A_5 {add = true} : memref<10240xf32, #tpu.memory_space<vmem>>[vector<16xi32>], vector<16xf32>,
    %get3A_396 = arith.constant 3984 : index
    %get3A_397 = tpu.vector_load %arg11[%get3A_396] {strides = array<i32>} : memref<4000xi32, #tpu.memory_space<vmem>>, vector<16xi32>,
    %swap3A_398 = arith.constant 144 : index
    %swap3A_399 = tpu.vector_load %arg15[%swap3A_398] {strides = array<i32>} : memref<160xi32, #tpu.memory_space<vmem>>, vector<16xi32>,
    tpu.vector_store %arg15[%swap3A_398], %get3A_397 {strides = array<i32>} : memref<160xi32, #tpu.memory_space<vmem>>, vector<16xi32>,
    tpu.vector_store_idx %arg7[%get3A_397], %broadcast_in_dim3A_5 {add = true} : memref<10240xf32, #tpu.memory_space<vmem>>[vector<16xi32>], vector<16xf32>,
    %dma_start3A_400 = arith.constant 3840 : i32
    %dma_start3A_401 = tpu.memref_slice %arg12[%dma_start3A_400] : memref<4000xi32, #tpu.memory_space<vmem>> -> memref<160xi32, #tpu.memory_space<vmem>>
    %dma_start3A_402 = arith.constant 0 : i32
    %dma_start3A_403 = arith.constant 0 : i32
    %dma_start3A_404 = tpu.memref_slice %arg2[%dma_start3A_402, %dma_start3A_403] : memref<200000x64xf32, #tpu.memory_space<hbm>> -> memref<200000x64xf32, #tpu.memory_space<hbm>>
    tpu.enqueue_indirect_dma source(%dma_start3A_404 : memref<200000x64xf32, #tpu.memory_space<hbm>>) target(%arg13 : memref<160x64xf32, #tpu.memory_space<vmem>>) offsets(%dma_start3A_401 : memref<160xi32, #tpu.memory_space<vmem>>) semaphore(%arg17 : memref<!tpu.dma_semaphore, #tpu.memory_space<semaphore_mem>>)
    %dma_wait3A_405 = arith.constant 3680 : i32
    %dma_wait3A_406 = tpu.memref_slice %arg12[%dma_wait3A_405] : memref<4000xi32, #tpu.memory_space<vmem>> -> memref<160xi32, #tpu.memory_space<vmem>>
    %dma_wait3A_407 = arith.constant 0 : i32
    %dma_wait3A_408 = arith.constant 0 : i32
    %dma_wait3A_409 = tpu.memref_slice %arg2[%dma_wait3A_407, %dma_wait3A_408] : memref<200000x64xf32, #tpu.memory_space<hbm>> -> memref<200000x64xf32, #tpu.memory_space<hbm>>
    tpu.wait_indirect_dma semaphore(%arg18 : memref<!tpu.dma_semaphore, #tpu.memory_space<semaphore_mem>>) src(%dma_wait3A_409 : memref<200000x64xf32, #tpu.memory_space<hbm>>) dst(%arg14 : memref<160x64xf32, #tpu.memory_space<vmem>>)
    %dma_start3A_410 = arith.constant 0 : i32
    %dma_start3A_411 = arith.constant 0 : i32
    %dma_start3A_412 = tpu.memref_slice %arg6[%dma_start3A_410, %dma_start3A_411] : memref<10240x64xf32, #tpu.memory_space<vmem_shared>> -> memref<10240x64xf32, #tpu.memory_space<vmem_shared>>
    tpu.enqueue_indirect_dma source(%arg14 : memref<160x64xf32, #tpu.memory_space<vmem>>) target(%dma_start3A_412 : memref<10240x64xf32, #tpu.memory_space<vmem_shared>>) offsets(%arg16 : memref<160xi32, #tpu.memory_space<vmem>>) semaphore(%arg20 : memref<!tpu.dma_semaphore, #tpu.memory_space<semaphore_mem>>) {add = true}
    %dma_wait3A_413 = arith.constant 3840 : i32
    %dma_wait3A_414 = tpu.memref_slice %arg12[%dma_wait3A_413] : memref<4000xi32, #tpu.memory_space<vmem>> -> memref<160xi32, #tpu.memory_space<vmem>>
    %dma_wait3A_415 = arith.constant 0 : i32
    %dma_wait3A_416 = arith.constant 0 : i32
    %dma_wait3A_417 = tpu.memref_slice %arg2[%dma_wait3A_415, %dma_wait3A_416] : memref<200000x64xf32, #tpu.memory_space<hbm>> -> memref<200000x64xf32, #tpu.memory_space<hbm>>
    tpu.wait_indirect_dma semaphore(%arg17 : memref<!tpu.dma_semaphore, #tpu.memory_space<semaphore_mem>>) src(%dma_wait3A_417 : memref<200000x64xf32, #tpu.memory_space<hbm>>) dst(%arg13 : memref<160x64xf32, #tpu.memory_space<vmem>>)
    %dma_start3A_418 = arith.constant 0 : i32
    %dma_start3A_419 = arith.constant 0 : i32
    %dma_start3A_420 = tpu.memref_slice %arg6[%dma_start3A_418, %dma_start3A_419] : memref<10240x64xf32, #tpu.memory_space<vmem_shared>> -> memref<10240x64xf32, #tpu.memory_space<vmem_shared>>
    tpu.enqueue_indirect_dma source(%arg13 : memref<160x64xf32, #tpu.memory_space<vmem>>) target(%dma_start3A_420 : memref<10240x64xf32, #tpu.memory_space<vmem_shared>>) offsets(%arg15 : memref<160xi32, #tpu.memory_space<vmem>>) semaphore(%arg19 : memref<!tpu.dma_semaphore, #tpu.memory_space<semaphore_mem>>) {add = true}
    %dma_wait3A_421 = arith.constant 0 : i32
    %dma_wait3A_422 = arith.constant 0 : i32
    %dma_wait3A_423 = tpu.memref_slice %arg6[%dma_wait3A_421, %dma_wait3A_422] : memref<10240x64xf32, #tpu.memory_space<vmem_shared>> -> memref<10240x64xf32, #tpu.memory_space<vmem_shared>>
    tpu.wait_indirect_dma semaphore(%arg20 : memref<!tpu.dma_semaphore, #tpu.memory_space<semaphore_mem>>) src(%arg14 : memref<160x64xf32, #tpu.memory_space<vmem>>) dst(%dma_wait3A_423 : memref<10240x64xf32, #tpu.memory_space<vmem_shared>>)
    %dma_wait3A_424 = arith.constant 0 : i32
    %dma_wait3A_425 = arith.constant 0 : i32
    %dma_wait3A_426 = tpu.memref_slice %arg6[%dma_wait3A_424, %dma_wait3A_425] : memref<10240x64xf32, #tpu.memory_space<vmem_shared>> -> memref<10240x64xf32, #tpu.memory_space<vmem_shared>>
    tpu.wait_indirect_dma semaphore(%arg19 : memref<!tpu.dma_semaphore, #tpu.memory_space<semaphore_mem>>) src(%arg13 : memref<160x64xf32, #tpu.memory_space<vmem>>) dst(%dma_wait3A_426 : memref<10240x64xf32, #tpu.memory_space<vmem_shared>>)
    %add3A_427 = arith.constant 8000 : i32
    %add3A_428 = arith.addi %mul3A_0, %add3A_427 : i32
    %dma_wait3A_429 = arith.constant 0 : i32
    %dma_wait3A_430 = tpu.memref_slice %arg3[%dma_wait3A_429, %add3A_428] : memref<3x320000xi32, #tpu.memory_space<hbm>> -> memref<1x4000xi32, #tpu.memory_space<hbm>>
    %dma_wait3A_431 = tpu.memref_squeeze %dma_wait3A_430 : memref<1x4000xi32, #tpu.memory_space<hbm>> -> memref<4000xi32, #tpu.memory_space<hbm>>
    %dma_wait3A_432 = tpu.memref_slice %arg3[%dma_wait3A_429, %add3A_428] : memref<3x320000xi32, #tpu.memory_space<hbm>> -> memref<1x4000xi32, #tpu.memory_space<hbm>>
    %dma_wait3A_433 = tpu.memref_squeeze %dma_wait3A_432 : memref<1x4000xi32, #tpu.memory_space<hbm>> -> memref<4000xi32, #tpu.memory_space<hbm>>
    tpu.wait_dma2 semaphore(%arg21 : memref<!tpu.dma_semaphore, #tpu.memory_space<semaphore_mem>>) src(%dma_wait3A_433 : memref<4000xi32, #tpu.memory_space<hbm>>) dst(%arg9 : memref<4000xi32, #tpu.memory_space<vmem>>)
    %add3A_434 = arith.constant 1 : i32
    %add3A_435 = arith.addi %add3A_434, %arg0 : i32
    %dma_wait3A_436 = tpu.memref_slice %arg3[%add3A_435, %add3A_428] : memref<3x320000xi32, #tpu.memory_space<hbm>> -> memref<1x4000xi32, #tpu.memory_space<hbm>>
    %dma_wait3A_437 = tpu.memref_squeeze %dma_wait3A_436 : memref<1x4000xi32, #tpu.memory_space<hbm>> -> memref<4000xi32, #tpu.memory_space<hbm>>
    %dma_wait3A_438 = tpu.memref_slice %arg3[%add3A_435, %add3A_428] : memref<3x320000xi32, #tpu.memory_space<hbm>> -> memref<1x4000xi32, #tpu.memory_space<hbm>>
    %dma_wait3A_439 = tpu.memref_squeeze %dma_wait3A_438 : memref<1x4000xi32, #tpu.memory_space<hbm>> -> memref<4000xi32, #tpu.memory_space<hbm>>
    tpu.wait_dma2 semaphore(%arg21 : memref<!tpu.dma_semaphore, #tpu.memory_space<semaphore_mem>>) src(%dma_wait3A_439 : memref<4000xi32, #tpu.memory_space<hbm>>) dst(%arg10 : memref<4000xi32, #tpu.memory_space<vmem>>)
    %add3A_440 = arith.constant 12000 : i32
    %add3A_441 = arith.addi %mul3A_0, %add3A_440 : i32
    %dma_start3A_442 = arith.constant 0 : i32
    %dma_start3A_443 = tpu.memref_slice %arg3[%dma_start3A_442, %add3A_441] : memref<3x320000xi32, #tpu.memory_space<hbm>> -> memref<1x4000xi32, #tpu.memory_space<hbm>>
    %dma_start3A_444 = tpu.memref_squeeze %dma_start3A_443 : memref<1x4000xi32, #tpu.memory_space<hbm>> -> memref<4000xi32, #tpu.memory_space<hbm>>
    %dma_start3A_445 = tpu.memref_slice %arg3[%dma_start3A_442, %add3A_441] : memref<3x320000xi32, #tpu.memory_space<hbm>> -> memref<1x4000xi32, #tpu.memory_space<hbm>>
    %dma_start3A_446 = tpu.memref_squeeze %dma_start3A_445 : memref<1x4000xi32, #tpu.memory_space<hbm>> -> memref<4000xi32, #tpu.memory_space<hbm>>
    tpu.enqueue_dma source(%dma_start3A_446 : memref<4000xi32, #tpu.memory_space<hbm>>) target(%arg11 : memref<4000xi32, #tpu.memory_space<vmem>>) target_semaphore(%arg21 : memref<!tpu.dma_semaphore, #tpu.memory_space<semaphore_mem>>)
    %add3A_447 = arith.constant 1 : i32
    %add3A_448 = arith.addi %add3A_447, %arg0 : i32
    %dma_start3A_449 = tpu.memref_slice %arg3[%add3A_448, %add3A_441] : memref<3x320000xi32, #tpu.memory_space<hbm>> -> memref<1x4000xi32, #tpu.memory_space<hbm>>
    %dma_start3A_450 = tpu.memref_squeeze %dma_start3A_449 : memref<1x4000xi32, #tpu.memory_space<hbm>> -> memref<4000xi32, #tpu.memory_space<hbm>>
    %dma_start3A_451 = tpu.memref_slice %arg3[%add3A_448, %add3A_441] : memref<3x320000xi32, #tpu.memory_space<hbm>> -> memref<1x4000xi32, #tpu.memory_space<hbm>>
    %dma_start3A_452 = tpu.memref_squeeze %dma_start3A_451 : memref<1x4000xi32, #tpu.memory_space<hbm>> -> memref<4000xi32, #tpu.memory_space<hbm>>
    tpu.enqueue_dma source(%dma_start3A_452 : memref<4000xi32, #tpu.memory_space<hbm>>) target(%arg12 : memref<4000xi32, #tpu.memory_space<vmem>>) target_semaphore(%arg21 : memref<!tpu.dma_semaphore, #tpu.memory_space<semaphore_mem>>)
    %get3A_453 = arith.constant 0 : index
    %get3A_454 = tpu.vector_load %arg9[%get3A_453] {strides = array<i32>} : memref<4000xi32, #tpu.memory_space<vmem>>, vector<16xi32>,
    %swap3A_455 = arith.constant 0 : index
    %swap3A_456 = tpu.vector_load %arg15[%swap3A_455] {strides = array<i32>} : memref<160xi32, #tpu.memory_space<vmem>>, vector<16xi32>,
    tpu.vector_store %arg15[%swap3A_455], %get3A_454 {strides = array<i32>} : memref<160xi32, #tpu.memory_space<vmem>>, vector<16xi32>,
    tpu.vector_store_idx %arg7[%get3A_454], %broadcast_in_dim3A_5 {add = true} : memref<10240xf32, #tpu.memory_space<vmem>>[vector<16xi32>], vector<16xf32>,
    %get3A_457 = arith.constant 16 : index
    %get3A_458 = tpu.vector_load %arg9[%get3A_457] {strides = array<i32>} : memref<4000xi32, #tpu.memory_space<vmem>>, vector<16xi32>,
    %swap3A_459 = arith.constant 16 : index
    %swap3A_460 = tpu.vector_load %arg15[%swap3A_459] {strides = array<i32>} : memref<160xi32, #tpu.memory_space<vmem>>, vector<16xi32>,
    tpu.vector_store %arg15[%swap3A_459], %get3A_458 {strides = array<i32>} : memref<160xi32, #tpu.memory_space<vmem>>, vector<16xi32>,
    tpu.vector_store_idx %arg7[%get3A_458], %broadcast_in_dim3A_5 {add = true} : memref<10240xf32, #tpu.memory_space<vmem>>[vector<16xi32>], vector<16xf32>,
    %get3A_461 = arith.constant 32 : index
    %get3A_462 = tpu.vector_load %arg9[%get3A_461] {strides = array<i32>} : memref<4000xi32, #tpu.memory_space<vmem>>, vector<16xi32>,
    %swap3A_463 = arith.constant 32 : index
    %swap3A_464 = tpu.vector_load %arg15[%swap3A_463] {strides = array<i32>} : memref<160xi32, #tpu.memory_space<vmem>>, vector<16xi32>,
    tpu.vector_store %arg15[%swap3A_463], %get3A_462 {strides = array<i32>} : memref<160xi32, #tpu.memory_space<vmem>>, vector<16xi32>,
    tpu.vector_store_idx %arg7[%get3A_462], %broadcast_in_dim3A_5 {add = true} : memref<10240xf32, #tpu.memory_space<vmem>>[vector<16xi32>], vector<16xf32>,
    %get3A_465 = arith.constant 48 : index
    %get3A_466 = tpu.vector_load %arg9[%get3A_465] {strides = array<i32>} : memref<4000xi32, #tpu.memory_space<vmem>>, vector<16xi32>,
    %swap3A_467 = arith.constant 48 : index
    %swap3A_468 = tpu.vector_load %arg15[%swap3A_467] {strides = array<i32>} : memref<160xi32, #tpu.memory_space<vmem>>, vector<16xi32>,
    tpu.vector_store %arg15[%swap3A_467], %get3A_466 {strides = array<i32>} : memref<160xi32, #tpu.memory_space<vmem>>, vector<16xi32>,
    tpu.vector_store_idx %arg7[%get3A_466], %broadcast_in_dim3A_5 {add = true} : memref<10240xf32, #tpu.memory_space<vmem>>[vector<16xi32>], vector<16xf32>,
    %get3A_469 = arith.constant 64 : index
    %get3A_470 = tpu.vector_load %arg9[%get3A_469] {strides = array<i32>} : memref<4000xi32, #tpu.memory_space<vmem>>, vector<16xi32>,
    %swap3A_471 = arith.constant 64 : index
    %swap3A_472 = tpu.vector_load %arg15[%swap3A_471] {strides = array<i32>} : memref<160xi32, #tpu.memory_space<vmem>>, vector<16xi32>,
    tpu.vector_store %arg15[%swap3A_471], %get3A_470 {strides = array<i32>} : memref<160xi32, #tpu.memory_space<vmem>>, vector<16xi32>,
    tpu.vector_store_idx %arg7[%get3A_470], %broadcast_in_dim3A_5 {add = true} : memref<10240xf32, #tpu.memory_space<vmem>>[vector<16xi32>], vector<16xf32>,
    %get3A_473 = arith.constant 80 : index
    %get3A_474 = tpu.vector_load %arg9[%get3A_473] {strides = array<i32>} : memref<4000xi32, #tpu.memory_space<vmem>>, vector<16xi32>,
    %swap3A_475 = arith.constant 80 : index
    %swap3A_476 = tpu.vector_load %arg15[%swap3A_475] {strides = array<i32>} : memref<160xi32, #tpu.memory_space<vmem>>, vector<16xi32>,
    tpu.vector_store %arg15[%swap3A_475], %get3A_474 {strides = array<i32>} : memref<160xi32, #tpu.memory_space<vmem>>, vector<16xi32>,
    tpu.vector_store_idx %arg7[%get3A_474], %broadcast_in_dim3A_5 {add = true} : memref<10240xf32, #tpu.memory_space<vmem>>[vector<16xi32>], vector<16xf32>,
    %get3A_477 = arith.constant 96 : index
    %get3A_478 = tpu.vector_load %arg9[%get3A_477] {strides = array<i32>} : memref<4000xi32, #tpu.memory_space<vmem>>, vector<16xi32>,
    %swap3A_479 = arith.constant 96 : index
    %swap3A_480 = tpu.vector_load %arg15[%swap3A_479] {strides = array<i32>} : memref<160xi32, #tpu.memory_space<vmem>>, vector<16xi32>,
    tpu.vector_store %arg15[%swap3A_479], %get3A_478 {strides = array<i32>} : memref<160xi32, #tpu.memory_space<vmem>>, vector<16xi32>,
    tpu.vector_store_idx %arg7[%get3A_478], %broadcast_in_dim3A_5 {add = true} : memref<10240xf32, #tpu.memory_space<vmem>>[vector<16xi32>], vector<16xf32>,
    %get3A_481 = arith.constant 112 : index
    %get3A_482 = tpu.vector_load %arg9[%get3A_481] {strides = array<i32>} : memref<4000xi32, #tpu.memory_space<vmem>>, vector<16xi32>,
    %swap3A_483 = arith.constant 112 : index
    %swap3A_484 = tpu.vector_load %arg15[%swap3A_483] {strides = array<i32>} : memref<160xi32, #tpu.memory_space<vmem>>, vector<16xi32>,
    tpu.vector_store %arg15[%swap3A_483], %get3A_482 {strides = array<i32>} : memref<160xi32, #tpu.memory_space<vmem>>, vector<16xi32>,
    tpu.vector_store_idx %arg7[%get3A_482], %broadcast_in_dim3A_5 {add = true} : memref<10240xf32, #tpu.memory_space<vmem>>[vector<16xi32>], vector<16xf32>,
    %get3A_485 = arith.constant 128 : index
    %get3A_486 = tpu.vector_load %arg9[%get3A_485] {strides = array<i32>} : memref<4000xi32, #tpu.memory_space<vmem>>, vector<16xi32>,
    %swap3A_487 = arith.constant 128 : index
    %swap3A_488 = tpu.vector_load %arg15[%swap3A_487] {strides = array<i32>} : memref<160xi32, #tpu.memory_space<vmem>>, vector<16xi32>,
    tpu.vector_store %arg15[%swap3A_487], %get3A_486 {strides = array<i32>} : memref<160xi32, #tpu.memory_space<vmem>>, vector<16xi32>,
    tpu.vector_store_idx %arg7[%get3A_486], %broadcast_in_dim3A_5 {add = true} : memref<10240xf32, #tpu.memory_space<vmem>>[vector<16xi32>], vector<16xf32>,
    %get3A_489 = arith.constant 144 : index
    %get3A_490 = tpu.vector_load %arg9[%get3A_489] {strides = array<i32>} : memref<4000xi32, #tpu.memory_space<vmem>>, vector<16xi32>,
    %swap3A_491 = arith.constant 144 : index
    %swap3A_492 = tpu.vector_load %arg15[%swap3A_491] {strides = array<i32>} : memref<160xi32, #tpu.memory_space<vmem>>, vector<16xi32>,
    tpu.vector_store %arg15[%swap3A_491], %get3A_490 {strides = array<i32>} : memref<160xi32, #tpu.memory_space<vmem>>, vector<16xi32>,
    tpu.vector_store_idx %arg7[%get3A_490], %broadcast_in_dim3A_5 {add = true} : memref<10240xf32, #tpu.memory_space<vmem>>[vector<16xi32>], vector<16xf32>,
    %dma_start3A_493 = arith.constant 0 : i32
    %dma_start3A_494 = tpu.memref_slice %arg10[%dma_start3A_493] : memref<4000xi32, #tpu.memory_space<vmem>> -> memref<160xi32, #tpu.memory_space<vmem>>
    %dma_start3A_495 = arith.constant 0 : i32
    %dma_start3A_496 = arith.constant 0 : i32
    %dma_start3A_497 = tpu.memref_slice %arg2[%dma_start3A_495, %dma_start3A_496] : memref<200000x64xf32, #tpu.memory_space<hbm>> -> memref<200000x64xf32, #tpu.memory_space<hbm>>
    tpu.enqueue_indirect_dma source(%dma_start3A_497 : memref<200000x64xf32, #tpu.memory_space<hbm>>) target(%arg13 : memref<160x64xf32, #tpu.memory_space<vmem>>) offsets(%dma_start3A_494 : memref<160xi32, #tpu.memory_space<vmem>>) semaphore(%arg17 : memref<!tpu.dma_semaphore, #tpu.memory_space<semaphore_mem>>)
    %get3A_498 = arith.constant 160 : index
    %get3A_499 = tpu.vector_load %arg9[%get3A_498] {strides = array<i32>} : memref<4000xi32, #tpu.memory_space<vmem>>, vector<16xi32>,
    %swap3A_500 = arith.constant 0 : index
    %swap3A_501 = tpu.vector_load %arg16[%swap3A_500] {strides = array<i32>} : memref<160xi32, #tpu.memory_space<vmem>>, vector<16xi32>,
    tpu.vector_store %arg16[%swap3A_500], %get3A_499 {strides = array<i32>} : memref<160xi32, #tpu.memory_space<vmem>>, vector<16xi32>,
    tpu.vector_store_idx %arg7[%get3A_499], %broadcast_in_dim3A_5 {add = true} : memref<10240xf32, #tpu.memory_space<vmem>>[vector<16xi32>], vector<16xf32>,
    %get3A_502 = arith.constant 176 : index
    %get3A_503 = tpu.vector_load %arg9[%get3A_502] {strides = array<i32>} : memref<4000xi32, #tpu.memory_space<vmem>>, vector<16xi32>,
    %swap3A_504 = arith.constant 16 : index
    %swap3A_505 = tpu.vector_load %arg16[%swap3A_504] {strides = array<i32>} : memref<160xi32, #tpu.memory_space<vmem>>, vector<16xi32>,
    tpu.vector_store %arg16[%swap3A_504], %get3A_503 {strides = array<i32>} : memref<160xi32, #tpu.memory_space<vmem>>, vector<16xi32>,
    tpu.vector_store_idx %arg7[%get3A_503], %broadcast_in_dim3A_5 {add = true} : memref<10240xf32, #tpu.memory_space<vmem>>[vector<16xi32>], vector<16xf32>,
    %get3A_506 = arith.constant 192 : index
    %get3A_507 = tpu.vector_load %arg9[%get3A_506] {strides = array<i32>} : memref<4000xi32, #tpu.memory_space<vmem>>, vector<16xi32>,
    %swap3A_508 = arith.constant 32 : index
    %swap3A_509 = tpu.vector_load %arg16[%swap3A_508] {strides = array<i32>} : memref<160xi32, #tpu.memory_space<vmem>>, vector<16xi32>,
    tpu.vector_store %arg16[%swap3A_508], %get3A_507 {strides = array<i32>} : memref<160xi32, #tpu.memory_space<vmem>>, vector<16xi32>,
    tpu.vector_store_idx %arg7[%get3A_507], %broadcast_in_dim3A_5 {add = true} : memref<10240xf32, #tpu.memory_space<vmem>>[vector<16xi32>], vector<16xf32>,
    %get3A_510 = arith.constant 208 : index
    %get3A_511 = tpu.vector_load %arg9[%get3A_510] {strides = array<i32>} : memref<4000xi32, #tpu.memory_space<vmem>>, vector<16xi32>,
    %swap3A_512 = arith.constant 48 : index
    %swap3A_513 = tpu.vector_load %arg16[%swap3A_512] {strides = array<i32>} : memref<160xi32, #tpu.memory_space<vmem>>, vector<16xi32>,
    tpu.vector_store %arg16[%swap3A_512], %get3A_511 {strides = array<i32>} : memref<160xi32, #tpu.memory_space<vmem>>, vector<16xi32>,
    tpu.vector_store_idx %arg7[%get3A_511], %broadcast_in_dim3A_5 {add = true} : memref<10240xf32, #tpu.memory_space<vmem>>[vector<16xi32>], vector<16xf32>,
    %get3A_514 = arith.constant 224 : index
    %get3A_515 = tpu.vector_load %arg9[%get3A_514] {strides = array<i32>} : memref<4000xi32, #tpu.memory_space<vmem>>, vector<16xi32>,
    %swap3A_516 = arith.constant 64 : index
    %swap3A_517 = tpu.vector_load %arg16[%swap3A_516] {strides = array<i32>} : memref<160xi32, #tpu.memory_space<vmem>>, vector<16xi32>,
    tpu.vector_store %arg16[%swap3A_516], %get3A_515 {strides = array<i32>} : memref<160xi32, #tpu.memory_space<vmem>>, vector<16xi32>,
    tpu.vector_store_idx %arg7[%get3A_515], %broadcast_in_dim3A_5 {add = true} : memref<10240xf32, #tpu.memory_space<vmem>>[vector<16xi32>], vector<16xf32>,
    %get3A_518 = arith.constant 240 : index
    %get3A_519 = tpu.vector_load %arg9[%get3A_518] {strides = array<i32>} : memref<4000xi32, #tpu.memory_space<vmem>>, vector<16xi32>,
    %swap3A_520 = arith.constant 80 : index
    %swap3A_521 = tpu.vector_load %arg16[%swap3A_520] {strides = array<i32>} : memref<160xi32, #tpu.memory_space<vmem>>, vector<16xi32>,
    tpu.vector_store %arg16[%swap3A_520], %get3A_519 {strides = array<i32>} : memref<160xi32, #tpu.memory_space<vmem>>, vector<16xi32>,
    tpu.vector_store_idx %arg7[%get3A_519], %broadcast_in_dim3A_5 {add = true} : memref<10240xf32, #tpu.memory_space<vmem>>[vector<16xi32>], vector<16xf32>,
    %get3A_522 = arith.constant 256 : index
    %get3A_523 = tpu.vector_load %arg9[%get3A_522] {strides = array<i32>} : memref<4000xi32, #tpu.memory_space<vmem>>, vector<16xi32>,
    %swap3A_524 = arith.constant 96 : index
    %swap3A_525 = tpu.vector_load %arg16[%swap3A_524] {strides = array<i32>} : memref<160xi32, #tpu.memory_space<vmem>>, vector<16xi32>,
    tpu.vector_store %arg16[%swap3A_524], %get3A_523 {strides = array<i32>} : memref<160xi32, #tpu.memory_space<vmem>>, vector<16xi32>,
    tpu.vector_store_idx %arg7[%get3A_523], %broadcast_in_dim3A_5 {add = true} : memref<10240xf32, #tpu.memory_space<vmem>>[vector<16xi32>], vector<16xf32>,
    %get3A_526 = arith.constant 272 : index
    %get3A_527 = tpu.vector_load %arg9[%get3A_526] {strides = array<i32>} : memref<4000xi32, #tpu.memory_space<vmem>>, vector<16xi32>,
    %swap3A_528 = arith.constant 112 : index
    %swap3A_529 = tpu.vector_load %arg16[%swap3A_528] {strides = array<i32>} : memref<160xi32, #tpu.memory_space<vmem>>, vector<16xi32>,
    tpu.vector_store %arg16[%swap3A_528], %get3A_527 {strides = array<i32>} : memref<160xi32, #tpu.memory_space<vmem>>, vector<16xi32>,
    tpu.vector_store_idx %arg7[%get3A_527], %broadcast_in_dim3A_5 {add = true} : memref<10240xf32, #tpu.memory_space<vmem>>[vector<16xi32>], vector<16xf32>,
    %get3A_530 = arith.constant 288 : index
    %get3A_531 = tpu.vector_load %arg9[%get3A_530] {strides = array<i32>} : memref<4000xi32, #tpu.memory_space<vmem>>, vector<16xi32>,
    %swap3A_532 = arith.constant 128 : index
    %swap3A_533 = tpu.vector_load %arg16[%swap3A_532] {strides = array<i32>} : memref<160xi32, #tpu.memory_space<vmem>>, vector<16xi32>,
    tpu.vector_store %arg16[%swap3A_532], %get3A_531 {strides = array<i32>} : memref<160xi32, #tpu.memory_space<vmem>>, vector<16xi32>,
    tpu.vector_store_idx %arg7[%get3A_531], %broadcast_in_dim3A_5 {add = true} : memref<10240xf32, #tpu.memory_space<vmem>>[vector<16xi32>], vector<16xf32>,
    %get3A_534 = arith.constant 304 : index
    %get3A_535 = tpu.vector_load %arg9[%get3A_534] {strides = array<i32>} : memref<4000xi32, #tpu.memory_space<vmem>>, vector<16xi32>,
    %swap3A_536 = arith.constant 144 : index
    %swap3A_537 = tpu.vector_load %arg16[%swap3A_536] {strides = array<i32>} : memref<160xi32, #tpu.memory_space<vmem>>, vector<16xi32>,
    tpu.vector_store %arg16[%swap3A_536], %get3A_535 {strides = array<i32>} : memref<160xi32, #tpu.memory_space<vmem>>, vector<16xi32>,
    tpu.vector_store_idx %arg7[%get3A_535], %broadcast_in_dim3A_5 {add = true} : memref<10240xf32, #tpu.memory_space<vmem>>[vector<16xi32>], vector<16xf32>,
    %dma_start3A_538 = arith.constant 160 : i32
    %dma_start3A_539 = tpu.memref_slice %arg10[%dma_start3A_538] : memref<4000xi32, #tpu.memory_space<vmem>> -> memref<160xi32, #tpu.memory_space<vmem>>
    %dma_start3A_540 = arith.constant 0 : i32
    %dma_start3A_541 = arith.constant 0 : i32
    %dma_start3A_542 = tpu.memref_slice %arg2[%dma_start3A_540, %dma_start3A_541] : memref<200000x64xf32, #tpu.memory_space<hbm>> -> memref<200000x64xf32, #tpu.memory_space<hbm>>
    tpu.enqueue_indirect_dma source(%dma_start3A_542 : memref<200000x64xf32, #tpu.memory_space<hbm>>) target(%arg14 : memref<160x64xf32, #tpu.memory_space<vmem>>) offsets(%dma_start3A_539 : memref<160xi32, #tpu.memory_space<vmem>>) semaphore(%arg18 : memref<!tpu.dma_semaphore, #tpu.memory_space<semaphore_mem>>)
    %dma_wait3A_543 = arith.constant 0 : i32
    %dma_wait3A_544 = tpu.memref_slice %arg10[%dma_wait3A_543] : memref<4000xi32, #tpu.memory_space<vmem>> -> memref<160xi32, #tpu.memory_space<vmem>>
    %dma_wait3A_545 = arith.constant 0 : i32
    %dma_wait3A_546 = arith.constant 0 : i32
    %dma_wait3A_547 = tpu.memref_slice %arg2[%dma_wait3A_545, %dma_wait3A_546] : memref<200000x64xf32, #tpu.memory_space<hbm>> -> memref<200000x64xf32, #tpu.memory_space<hbm>>
    tpu.wait_indirect_dma semaphore(%arg17 : memref<!tpu.dma_semaphore, #tpu.memory_space<semaphore_mem>>) src(%dma_wait3A_547 : memref<200000x64xf32, #tpu.memory_space<hbm>>) dst(%arg13 : memref<160x64xf32, #tpu.memory_space<vmem>>)
    %dma_start3A_548 = arith.constant 0 : i32
    %dma_start3A_549 = arith.constant 0 : i32
    %dma_start3A_550 = tpu.memref_slice %arg6[%dma_start3A_548, %dma_start3A_549] : memref<10240x64xf32, #tpu.memory_space<vmem_shared>> -> memref<10240x64xf32, #tpu.memory_space<vmem_shared>>
    tpu.enqueue_indirect_dma source(%arg13 : memref<160x64xf32, #tpu.memory_space<vmem>>) target(%dma_start3A_550 : memref<10240x64xf32, #tpu.memory_space<vmem_shared>>) offsets(%arg15 : memref<160xi32, #tpu.memory_space<vmem>>) semaphore(%arg19 : memref<!tpu.dma_semaphore, #tpu.memory_space<semaphore_mem>>) {add = true}
    %scan3A_551 = arith.constant 0 : i32
    %scan3A_552 = arith.constant 0 : i32
    %scan3A_553 = arith.constant 11 : i32
    %scan3A_554 = arith.addi %scan3A_552, %scan3A_553 : i32
    %scan3A_555 = arith.constant 1 : i32
    %scan3A_556 = scf.for %scan3A_1058 = %scan3A_552 to %scan3A_554 step %scan3A_555 iter_args(%scan3A_1059 = %scan3A_551) -> (i32)  : i32 {
      %dma_wait3A_1060 = arith.constant 0 : i32
      %dma_wait3A_1061 = arith.constant 0 : i32
      %dma_wait3A_1062 = tpu.memref_slice %arg6[%dma_wait3A_1060, %dma_wait3A_1061] : memref<10240x64xf32, #tpu.memory_space<vmem_shared>> -> memref<10240x64xf32, #tpu.memory_space<vmem_shared>>
      tpu.wait_indirect_dma semaphore(%arg19 : memref<!tpu.dma_semaphore, #tpu.memory_space<semaphore_mem>>) src(%arg13 : memref<160x64xf32, #tpu.memory_space<vmem>>) dst(%dma_wait3A_1062 : memref<10240x64xf32, #tpu.memory_space<vmem_shared>>)
      %mul3A_1063 = arith.constant 2 : i32
      %mul3A_1064 = arith.muli %mul3A_1063, %scan3A_1058 : i32
      %add3A_1065 = arith.constant 2 : i32
      %add3A_1066 = arith.addi %mul3A_1064, %add3A_1065 : i32
      %mul3A_1067 = arith.constant 160 : i32
      %mul3A_1068 = arith.muli %add3A_1066, %mul3A_1067 : i32
      %add3A_1069 = arith.constant 0 : i32
      %add3A_1070 = arith.addi %mul3A_1068, %add3A_1069 : i32
      %get3A_1071 = arith.index_cast %add3A_1070 : i32 to index
      %get3A_1072 = tpu.vector_load %arg9[%get3A_1071] {strides = array<i32>} : memref<4000xi32, #tpu.memory_space<vmem>>, vector<16xi32>,
      %swap3A_1073 = arith.constant 0 : index
      %swap3A_1074 = tpu.vector_load %arg15[%swap3A_1073] {strides = array<i32>} : memref<160xi32, #tpu.memory_space<vmem>>, vector<16xi32>,
      tpu.vector_store %arg15[%swap3A_1073], %get3A_1072 {strides = array<i32>} : memref<160xi32, #tpu.memory_space<vmem>>, vector<16xi32>,
      tpu.vector_store_idx %arg7[%get3A_1072], %broadcast_in_dim3A_5 {add = true} : memref<10240xf32, #tpu.memory_space<vmem>>[vector<16xi32>], vector<16xf32>,
      %add3A_1075 = arith.constant 16 : i32
      %add3A_1076 = arith.addi %mul3A_1068, %add3A_1075 : i32
      %get3A_1077 = arith.index_cast %add3A_1076 : i32 to index
      %get3A_1078 = tpu.vector_load %arg9[%get3A_1077] {strides = array<i32>} : memref<4000xi32, #tpu.memory_space<vmem>>, vector<16xi32>,
      %swap3A_1079 = arith.constant 16 : index
      %swap3A_1080 = tpu.vector_load %arg15[%swap3A_1079] {strides = array<i32>} : memref<160xi32, #tpu.memory_space<vmem>>, vector<16xi32>,
      tpu.vector_store %arg15[%swap3A_1079], %get3A_1078 {strides = array<i32>} : memref<160xi32, #tpu.memory_space<vmem>>, vector<16xi32>,
      tpu.vector_store_idx %arg7[%get3A_1078], %broadcast_in_dim3A_5 {add = true} : memref<10240xf32, #tpu.memory_space<vmem>>[vector<16xi32>], vector<16xf32>,
      %add3A_1081 = arith.constant 32 : i32
      %add3A_1082 = arith.addi %mul3A_1068, %add3A_1081 : i32
      %get3A_1083 = arith.index_cast %add3A_1082 : i32 to index
      %get3A_1084 = tpu.vector_load %arg9[%get3A_1083] {strides = array<i32>} : memref<4000xi32, #tpu.memory_space<vmem>>, vector<16xi32>,
      %swap3A_1085 = arith.constant 32 : index
      %swap3A_1086 = tpu.vector_load %arg15[%swap3A_1085] {strides = array<i32>} : memref<160xi32, #tpu.memory_space<vmem>>, vector<16xi32>,
      tpu.vector_store %arg15[%swap3A_1085], %get3A_1084 {strides = array<i32>} : memref<160xi32, #tpu.memory_space<vmem>>, vector<16xi32>,
      tpu.vector_store_idx %arg7[%get3A_1084], %broadcast_in_dim3A_5 {add = true} : memref<10240xf32, #tpu.memory_space<vmem>>[vector<16xi32>], vector<16xf32>,
      %add3A_1087 = arith.constant 48 : i32
      %add3A_1088 = arith.addi %mul3A_1068, %add3A_1087 : i32
      %get3A_1089 = arith.index_cast %add3A_1088 : i32 to index
      %get3A_1090 = tpu.vector_load %arg9[%get3A_1089] {strides = array<i32>} : memref<4000xi32, #tpu.memory_space<vmem>>, vector<16xi32>,
      %swap3A_1091 = arith.constant 48 : index
      %swap3A_1092 = tpu.vector_load %arg15[%swap3A_1091] {strides = array<i32>} : memref<160xi32, #tpu.memory_space<vmem>>, vector<16xi32>,
      tpu.vector_store %arg15[%swap3A_1091], %get3A_1090 {strides = array<i32>} : memref<160xi32, #tpu.memory_space<vmem>>, vector<16xi32>,
      tpu.vector_store_idx %arg7[%get3A_1090], %broadcast_in_dim3A_5 {add = true} : memref<10240xf32, #tpu.memory_space<vmem>>[vector<16xi32>], vector<16xf32>,
      %add3A_1093 = arith.constant 64 : i32
      %add3A_1094 = arith.addi %mul3A_1068, %add3A_1093 : i32
      %get3A_1095 = arith.index_cast %add3A_1094 : i32 to index
      %get3A_1096 = tpu.vector_load %arg9[%get3A_1095] {strides = array<i32>} : memref<4000xi32, #tpu.memory_space<vmem>>, vector<16xi32>,
      %swap3A_1097 = arith.constant 64 : index
      %swap3A_1098 = tpu.vector_load %arg15[%swap3A_1097] {strides = array<i32>} : memref<160xi32, #tpu.memory_space<vmem>>, vector<16xi32>,
      tpu.vector_store %arg15[%swap3A_1097], %get3A_1096 {strides = array<i32>} : memref<160xi32, #tpu.memory_space<vmem>>, vector<16xi32>,
      tpu.vector_store_idx %arg7[%get3A_1096], %broadcast_in_dim3A_5 {add = true} : memref<10240xf32, #tpu.memory_space<vmem>>[vector<16xi32>], vector<16xf32>,
      %add3A_1099 = arith.constant 80 : i32
      %add3A_1100 = arith.addi %mul3A_1068, %add3A_1099 : i32
      %get3A_1101 = arith.index_cast %add3A_1100 : i32 to index
      %get3A_1102 = tpu.vector_load %arg9[%get3A_1101] {strides = array<i32>} : memref<4000xi32, #tpu.memory_space<vmem>>, vector<16xi32>,
      %swap3A_1103 = arith.constant 80 : index
      %swap3A_1104 = tpu.vector_load %arg15[%swap3A_1103] {strides = array<i32>} : memref<160xi32, #tpu.memory_space<vmem>>, vector<16xi32>,
      tpu.vector_store %arg15[%swap3A_1103], %get3A_1102 {strides = array<i32>} : memref<160xi32, #tpu.memory_space<vmem>>, vector<16xi32>,
      tpu.vector_store_idx %arg7[%get3A_1102], %broadcast_in_dim3A_5 {add = true} : memref<10240xf32, #tpu.memory_space<vmem>>[vector<16xi32>], vector<16xf32>,
      %add3A_1105 = arith.constant 96 : i32
      %add3A_1106 = arith.addi %mul3A_1068, %add3A_1105 : i32
      %get3A_1107 = arith.index_cast %add3A_1106 : i32 to index
      %get3A_1108 = tpu.vector_load %arg9[%get3A_1107] {strides = array<i32>} : memref<4000xi32, #tpu.memory_space<vmem>>, vector<16xi32>,
      %swap3A_1109 = arith.constant 96 : index
      %swap3A_1110 = tpu.vector_load %arg15[%swap3A_1109] {strides = array<i32>} : memref<160xi32, #tpu.memory_space<vmem>>, vector<16xi32>,
      tpu.vector_store %arg15[%swap3A_1109], %get3A_1108 {strides = array<i32>} : memref<160xi32, #tpu.memory_space<vmem>>, vector<16xi32>,
      tpu.vector_store_idx %arg7[%get3A_1108], %broadcast_in_dim3A_5 {add = true} : memref<10240xf32, #tpu.memory_space<vmem>>[vector<16xi32>], vector<16xf32>,
      %add3A_1111 = arith.constant 112 : i32
      %add3A_1112 = arith.addi %mul3A_1068, %add3A_1111 : i32
      %get3A_1113 = arith.index_cast %add3A_1112 : i32 to index
      %get3A_1114 = tpu.vector_load %arg9[%get3A_1113] {strides = array<i32>} : memref<4000xi32, #tpu.memory_space<vmem>>, vector<16xi32>,
      %swap3A_1115 = arith.constant 112 : index
      %swap3A_1116 = tpu.vector_load %arg15[%swap3A_1115] {strides = array<i32>} : memref<160xi32, #tpu.memory_space<vmem>>, vector<16xi32>,
      tpu.vector_store %arg15[%swap3A_1115], %get3A_1114 {strides = array<i32>} : memref<160xi32, #tpu.memory_space<vmem>>, vector<16xi32>,
      tpu.vector_store_idx %arg7[%get3A_1114], %broadcast_in_dim3A_5 {add = true} : memref<10240xf32, #tpu.memory_space<vmem>>[vector<16xi32>], vector<16xf32>,
      %add3A_1117 = arith.constant 128 : i32
      %add3A_1118 = arith.addi %mul3A_1068, %add3A_1117 : i32
      %get3A_1119 = arith.index_cast %add3A_1118 : i32 to index
      %get3A_1120 = tpu.vector_load %arg9[%get3A_1119] {strides = array<i32>} : memref<4000xi32, #tpu.memory_space<vmem>>, vector<16xi32>,
      %swap3A_1121 = arith.constant 128 : index
      %swap3A_1122 = tpu.vector_load %arg15[%swap3A_1121] {strides = array<i32>} : memref<160xi32, #tpu.memory_space<vmem>>, vector<16xi32>,
      tpu.vector_store %arg15[%swap3A_1121], %get3A_1120 {strides = array<i32>} : memref<160xi32, #tpu.memory_space<vmem>>, vector<16xi32>,
      tpu.vector_store_idx %arg7[%get3A_1120], %broadcast_in_dim3A_5 {add = true} : memref<10240xf32, #tpu.memory_space<vmem>>[vector<16xi32>], vector<16xf32>,
      %add3A_1123 = arith.constant 144 : i32
      %add3A_1124 = arith.addi %mul3A_1068, %add3A_1123 : i32
      %get3A_1125 = arith.index_cast %add3A_1124 : i32 to index
      %get3A_1126 = tpu.vector_load %arg9[%get3A_1125] {strides = array<i32>} : memref<4000xi32, #tpu.memory_space<vmem>>, vector<16xi32>,
      %swap3A_1127 = arith.constant 144 : index
      %swap3A_1128 = tpu.vector_load %arg15[%swap3A_1127] {strides = array<i32>} : memref<160xi32, #tpu.memory_space<vmem>>, vector<16xi32>,
      tpu.vector_store %arg15[%swap3A_1127], %get3A_1126 {strides = array<i32>} : memref<160xi32, #tpu.memory_space<vmem>>, vector<16xi32>,
      tpu.vector_store_idx %arg7[%get3A_1126], %broadcast_in_dim3A_5 {add = true} : memref<10240xf32, #tpu.memory_space<vmem>>[vector<16xi32>], vector<16xf32>,
      %dma_start3A_1129 = tpu.memref_slice %arg10[%mul3A_1068] : memref<4000xi32, #tpu.memory_space<vmem>> -> memref<160xi32, #tpu.memory_space<vmem>>
      %dma_start3A_1130 = arith.constant 0 : i32
      %dma_start3A_1131 = arith.constant 0 : i32
      %dma_start3A_1132 = tpu.memref_slice %arg2[%dma_start3A_1130, %dma_start3A_1131] : memref<200000x64xf32, #tpu.memory_space<hbm>> -> memref<200000x64xf32, #tpu.memory_space<hbm>>
      tpu.enqueue_indirect_dma source(%dma_start3A_1132 : memref<200000x64xf32, #tpu.memory_space<hbm>>) target(%arg13 : memref<160x64xf32, #tpu.memory_space<vmem>>) offsets(%dma_start3A_1129 : memref<160xi32, #tpu.memory_space<vmem>>) semaphore(%arg17 : memref<!tpu.dma_semaphore, #tpu.memory_space<semaphore_mem>>)
      %mul3A_1133 = arith.constant 2 : i32
      %mul3A_1134 = arith.muli %mul3A_1133, %scan3A_1058 : i32
      %add3A_1135 = arith.constant 1 : i32
      %add3A_1136 = arith.addi %mul3A_1134, %add3A_1135 : i32
      %mul3A_1137 = arith.constant 160 : i32
      %mul3A_1138 = arith.muli %add3A_1136, %mul3A_1137 : i32
      %dma_wait3A_1139 = tpu.memref_slice %arg10[%mul3A_1138] : memref<4000xi32, #tpu.memory_space<vmem>> -> memref<160xi32, #tpu.memory_space<vmem>>
      %dma_wait3A_1140 = arith.constant 0 : i32
      %dma_wait3A_1141 = arith.constant 0 : i32
      %dma_wait3A_1142 = tpu.memref_slice %arg2[%dma_wait3A_1140, %dma_wait3A_1141] : memref<200000x64xf32, #tpu.memory_space<hbm>> -> memref<200000x64xf32, #tpu.memory_space<hbm>>
      tpu.wait_indirect_dma semaphore(%arg18 : memref<!tpu.dma_semaphore, #tpu.memory_space<semaphore_mem>>) src(%dma_wait3A_1142 : memref<200000x64xf32, #tpu.memory_space<hbm>>) dst(%arg14 : memref<160x64xf32, #tpu.memory_space<vmem>>)
      %dma_start3A_1143 = arith.constant 0 : i32
      %dma_start3A_1144 = arith.constant 0 : i32
      %dma_start3A_1145 = tpu.memref_slice %arg6[%dma_start3A_1143, %dma_start3A_1144] : memref<10240x64xf32, #tpu.memory_space<vmem_shared>> -> memref<10240x64xf32, #tpu.memory_space<vmem_shared>>
      tpu.enqueue_indirect_dma source(%arg14 : memref<160x64xf32, #tpu.memory_space<vmem>>) target(%dma_start3A_1145 : memref<10240x64xf32, #tpu.memory_space<vmem_shared>>) offsets(%arg16 : memref<160xi32, #tpu.memory_space<vmem>>) semaphore(%arg20 : memref<!tpu.dma_semaphore, #tpu.memory_space<semaphore_mem>>) {add = true}
      %dma_wait3A_1146 = arith.constant 0 : i32
      %dma_wait3A_1147 = arith.constant 0 : i32
      %dma_wait3A_1148 = tpu.memref_slice %arg6[%dma_wait3A_1146, %dma_wait3A_1147] : memref<10240x64xf32, #tpu.memory_space<vmem_shared>> -> memref<10240x64xf32, #tpu.memory_space<vmem_shared>>
      tpu.wait_indirect_dma semaphore(%arg20 : memref<!tpu.dma_semaphore, #tpu.memory_space<semaphore_mem>>) src(%arg14 : memref<160x64xf32, #tpu.memory_space<vmem>>) dst(%dma_wait3A_1148 : memref<10240x64xf32, #tpu.memory_space<vmem_shared>>)
      %mul3A_1149 = arith.constant 2 : i32
      %mul3A_1150 = arith.muli %mul3A_1149, %scan3A_1058 : i32
      %add3A_1151 = arith.constant 3 : i32
      %add3A_1152 = arith.addi %mul3A_1150, %add3A_1151 : i32
      %mul3A_1153 = arith.constant 160 : i32
      %mul3A_1154 = arith.muli %add3A_1152, %mul3A_1153 : i32
      %add3A_1155 = arith.constant 0 : i32
      %add3A_1156 = arith.addi %mul3A_1154, %add3A_1155 : i32
      %get3A_1157 = arith.index_cast %add3A_1156 : i32 to index
      %get3A_1158 = tpu.vector_load %arg9[%get3A_1157] {strides = array<i32>} : memref<4000xi32, #tpu.memory_space<vmem>>, vector<16xi32>,
      %swap3A_1159 = arith.constant 0 : index
      %swap3A_1160 = tpu.vector_load %arg16[%swap3A_1159] {strides = array<i32>} : memref<160xi32, #tpu.memory_space<vmem>>, vector<16xi32>,
      tpu.vector_store %arg16[%swap3A_1159], %get3A_1158 {strides = array<i32>} : memref<160xi32, #tpu.memory_space<vmem>>, vector<16xi32>,
      tpu.vector_store_idx %arg7[%get3A_1158], %broadcast_in_dim3A_5 {add = true} : memref<10240xf32, #tpu.memory_space<vmem>>[vector<16xi32>], vector<16xf32>,
      %add3A_1161 = arith.constant 16 : i32
      %add3A_1162 = arith.addi %mul3A_1154, %add3A_1161 : i32
      %get3A_1163 = arith.index_cast %add3A_1162 : i32 to index
      %get3A_1164 = tpu.vector_load %arg9[%get3A_1163] {strides = array<i32>} : memref<4000xi32, #tpu.memory_space<vmem>>, vector<16xi32>,
      %swap3A_1165 = arith.constant 16 : index
      %swap3A_1166 = tpu.vector_load %arg16[%swap3A_1165] {strides = array<i32>} : memref<160xi32, #tpu.memory_space<vmem>>, vector<16xi32>,
      tpu.vector_store %arg16[%swap3A_1165], %get3A_1164 {strides = array<i32>} : memref<160xi32, #tpu.memory_space<vmem>>, vector<16xi32>,
      tpu.vector_store_idx %arg7[%get3A_1164], %broadcast_in_dim3A_5 {add = true} : memref<10240xf32, #tpu.memory_space<vmem>>[vector<16xi32>], vector<16xf32>,
      %add3A_1167 = arith.constant 32 : i32
      %add3A_1168 = arith.addi %mul3A_1154, %add3A_1167 : i32
      %get3A_1169 = arith.index_cast %add3A_1168 : i32 to index
      %get3A_1170 = tpu.vector_load %arg9[%get3A_1169] {strides = array<i32>} : memref<4000xi32, #tpu.memory_space<vmem>>, vector<16xi32>,
      %swap3A_1171 = arith.constant 32 : index
      %swap3A_1172 = tpu.vector_load %arg16[%swap3A_1171] {strides = array<i32>} : memref<160xi32, #tpu.memory_space<vmem>>, vector<16xi32>,
      tpu.vector_store %arg16[%swap3A_1171], %get3A_1170 {strides = array<i32>} : memref<160xi32, #tpu.memory_space<vmem>>, vector<16xi32>,
      tpu.vector_store_idx %arg7[%get3A_1170], %broadcast_in_dim3A_5 {add = true} : memref<10240xf32, #tpu.memory_space<vmem>>[vector<16xi32>], vector<16xf32>,
      %add3A_1173 = arith.constant 48 : i32
      %add3A_1174 = arith.addi %mul3A_1154, %add3A_1173 : i32
      %get3A_1175 = arith.index_cast %add3A_1174 : i32 to index
      %get3A_1176 = tpu.vector_load %arg9[%get3A_1175] {strides = array<i32>} : memref<4000xi32, #tpu.memory_space<vmem>>, vector<16xi32>,
      %swap3A_1177 = arith.constant 48 : index
      %swap3A_1178 = tpu.vector_load %arg16[%swap3A_1177] {strides = array<i32>} : memref<160xi32, #tpu.memory_space<vmem>>, vector<16xi32>,
      tpu.vector_store %arg16[%swap3A_1177], %get3A_1176 {strides = array<i32>} : memref<160xi32, #tpu.memory_space<vmem>>, vector<16xi32>,
      tpu.vector_store_idx %arg7[%get3A_1176], %broadcast_in_dim3A_5 {add = true} : memref<10240xf32, #tpu.memory_space<vmem>>[vector<16xi32>], vector<16xf32>,
      %add3A_1179 = arith.constant 64 : i32
      %add3A_1180 = arith.addi %mul3A_1154, %add3A_1179 : i32
      %get3A_1181 = arith.index_cast %add3A_1180 : i32 to index
      %get3A_1182 = tpu.vector_load %arg9[%get3A_1181] {strides = array<i32>} : memref<4000xi32, #tpu.memory_space<vmem>>, vector<16xi32>,
      %swap3A_1183 = arith.constant 64 : index
      %swap3A_1184 = tpu.vector_load %arg16[%swap3A_1183] {strides = array<i32>} : memref<160xi32, #tpu.memory_space<vmem>>, vector<16xi32>,
      tpu.vector_store %arg16[%swap3A_1183], %get3A_1182 {strides = array<i32>} : memref<160xi32, #tpu.memory_space<vmem>>, vector<16xi32>,
      tpu.vector_store_idx %arg7[%get3A_1182], %broadcast_in_dim3A_5 {add = true} : memref<10240xf32, #tpu.memory_space<vmem>>[vector<16xi32>], vector<16xf32>,
      %add3A_1185 = arith.constant 80 : i32
      %add3A_1186 = arith.addi %mul3A_1154, %add3A_1185 : i32
      %get3A_1187 = arith.index_cast %add3A_1186 : i32 to index
      %get3A_1188 = tpu.vector_load %arg9[%get3A_1187] {strides = array<i32>} : memref<4000xi32, #tpu.memory_space<vmem>>, vector<16xi32>,
      %swap3A_1189 = arith.constant 80 : index
      %swap3A_1190 = tpu.vector_load %arg16[%swap3A_1189] {strides = array<i32>} : memref<160xi32, #tpu.memory_space<vmem>>, vector<16xi32>,
      tpu.vector_store %arg16[%swap3A_1189], %get3A_1188 {strides = array<i32>} : memref<160xi32, #tpu.memory_space<vmem>>, vector<16xi32>,
      tpu.vector_store_idx %arg7[%get3A_1188], %broadcast_in_dim3A_5 {add = true} : memref<10240xf32, #tpu.memory_space<vmem>>[vector<16xi32>], vector<16xf32>,
      %add3A_1191 = arith.constant 96 : i32
      %add3A_1192 = arith.addi %mul3A_1154, %add3A_1191 : i32
      %get3A_1193 = arith.index_cast %add3A_1192 : i32 to index
      %get3A_1194 = tpu.vector_load %arg9[%get3A_1193] {strides = array<i32>} : memref<4000xi32, #tpu.memory_space<vmem>>, vector<16xi32>,
      %swap3A_1195 = arith.constant 96 : index
      %swap3A_1196 = tpu.vector_load %arg16[%swap3A_1195] {strides = array<i32>} : memref<160xi32, #tpu.memory_space<vmem>>, vector<16xi32>,
      tpu.vector_store %arg16[%swap3A_1195], %get3A_1194 {strides = array<i32>} : memref<160xi32, #tpu.memory_space<vmem>>, vector<16xi32>,
      tpu.vector_store_idx %arg7[%get3A_1194], %broadcast_in_dim3A_5 {add = true} : memref<10240xf32, #tpu.memory_space<vmem>>[vector<16xi32>], vector<16xf32>,
      %add3A_1197 = arith.constant 112 : i32
      %add3A_1198 = arith.addi %mul3A_1154, %add3A_1197 : i32
      %get3A_1199 = arith.index_cast %add3A_1198 : i32 to index
      %get3A_1200 = tpu.vector_load %arg9[%get3A_1199] {strides = array<i32>} : memref<4000xi32, #tpu.memory_space<vmem>>, vector<16xi32>,
      %swap3A_1201 = arith.constant 112 : index
      %swap3A_1202 = tpu.vector_load %arg16[%swap3A_1201] {strides = array<i32>} : memref<160xi32, #tpu.memory_space<vmem>>, vector<16xi32>,
      tpu.vector_store %arg16[%swap3A_1201], %get3A_1200 {strides = array<i32>} : memref<160xi32, #tpu.memory_space<vmem>>, vector<16xi32>,
      tpu.vector_store_idx %arg7[%get3A_1200], %broadcast_in_dim3A_5 {add = true} : memref<10240xf32, #tpu.memory_space<vmem>>[vector<16xi32>], vector<16xf32>,
      %add3A_1203 = arith.constant 128 : i32
      %add3A_1204 = arith.addi %mul3A_1154, %add3A_1203 : i32
      %get3A_1205 = arith.index_cast %add3A_1204 : i32 to index
      %get3A_1206 = tpu.vector_load %arg9[%get3A_1205] {strides = array<i32>} : memref<4000xi32, #tpu.memory_space<vmem>>, vector<16xi32>,
      %swap3A_1207 = arith.constant 128 : index
      %swap3A_1208 = tpu.vector_load %arg16[%swap3A_1207] {strides = array<i32>} : memref<160xi32, #tpu.memory_space<vmem>>, vector<16xi32>,
      tpu.vector_store %arg16[%swap3A_1207], %get3A_1206 {strides = array<i32>} : memref<160xi32, #tpu.memory_space<vmem>>, vector<16xi32>,
      tpu.vector_store_idx %arg7[%get3A_1206], %broadcast_in_dim3A_5 {add = true} : memref<10240xf32, #tpu.memory_space<vmem>>[vector<16xi32>], vector<16xf32>,
      %add3A_1209 = arith.constant 144 : i32
      %add3A_1210 = arith.addi %mul3A_1154, %add3A_1209 : i32
      %get3A_1211 = arith.index_cast %add3A_1210 : i32 to index
      %get3A_1212 = tpu.vector_load %arg9[%get3A_1211] {strides = array<i32>} : memref<4000xi32, #tpu.memory_space<vmem>>, vector<16xi32>,
      %swap3A_1213 = arith.constant 144 : index
      %swap3A_1214 = tpu.vector_load %arg16[%swap3A_1213] {strides = array<i32>} : memref<160xi32, #tpu.memory_space<vmem>>, vector<16xi32>,
      tpu.vector_store %arg16[%swap3A_1213], %get3A_1212 {strides = array<i32>} : memref<160xi32, #tpu.memory_space<vmem>>, vector<16xi32>,
      tpu.vector_store_idx %arg7[%get3A_1212], %broadcast_in_dim3A_5 {add = true} : memref<10240xf32, #tpu.memory_space<vmem>>[vector<16xi32>], vector<16xf32>,
      %dma_start3A_1215 = tpu.memref_slice %arg10[%mul3A_1154] : memref<4000xi32, #tpu.memory_space<vmem>> -> memref<160xi32, #tpu.memory_space<vmem>>
      %dma_start3A_1216 = arith.constant 0 : i32
      %dma_start3A_1217 = arith.constant 0 : i32
      %dma_start3A_1218 = tpu.memref_slice %arg2[%dma_start3A_1216, %dma_start3A_1217] : memref<200000x64xf32, #tpu.memory_space<hbm>> -> memref<200000x64xf32, #tpu.memory_space<hbm>>
      tpu.enqueue_indirect_dma source(%dma_start3A_1218 : memref<200000x64xf32, #tpu.memory_space<hbm>>) target(%arg14 : memref<160x64xf32, #tpu.memory_space<vmem>>) offsets(%dma_start3A_1215 : memref<160xi32, #tpu.memory_space<vmem>>) semaphore(%arg18 : memref<!tpu.dma_semaphore, #tpu.memory_space<semaphore_mem>>)
      %mul3A_1219 = arith.constant 2 : i32
      %mul3A_1220 = arith.muli %mul3A_1219, %scan3A_1058 : i32
      %add3A_1221 = arith.constant 2 : i32
      %add3A_1222 = arith.addi %mul3A_1220, %add3A_1221 : i32
      %mul3A_1223 = arith.constant 160 : i32
      %mul3A_1224 = arith.muli %add3A_1222, %mul3A_1223 : i32
      %dma_wait3A_1225 = tpu.memref_slice %arg10[%mul3A_1224] : memref<4000xi32, #tpu.memory_space<vmem>> -> memref<160xi32, #tpu.memory_space<vmem>>
      %dma_wait3A_1226 = arith.constant 0 : i32
      %dma_wait3A_1227 = arith.constant 0 : i32
      %dma_wait3A_1228 = tpu.memref_slice %arg2[%dma_wait3A_1226, %dma_wait3A_1227] : memref<200000x64xf32, #tpu.memory_space<hbm>> -> memref<200000x64xf32, #tpu.memory_space<hbm>>
      tpu.wait_indirect_dma semaphore(%arg17 : memref<!tpu.dma_semaphore, #tpu.memory_space<semaphore_mem>>) src(%dma_wait3A_1228 : memref<200000x64xf32, #tpu.memory_space<hbm>>) dst(%arg13 : memref<160x64xf32, #tpu.memory_space<vmem>>)
      %dma_start3A_1229 = arith.constant 0 : i32
      %dma_start3A_1230 = arith.constant 0 : i32
      %dma_start3A_1231 = tpu.memref_slice %arg6[%dma_start3A_1229, %dma_start3A_1230] : memref<10240x64xf32, #tpu.memory_space<vmem_shared>> -> memref<10240x64xf32, #tpu.memory_space<vmem_shared>>
      tpu.enqueue_indirect_dma source(%arg13 : memref<160x64xf32, #tpu.memory_space<vmem>>) target(%dma_start3A_1231 : memref<10240x64xf32, #tpu.memory_space<vmem_shared>>) offsets(%arg15 : memref<160xi32, #tpu.memory_space<vmem>>) semaphore(%arg19 : memref<!tpu.dma_semaphore, #tpu.memory_space<semaphore_mem>>) {add = true}
      %scan3A_1232 = arith.constant 0 : i32
      scf.yield %scan3A_1232 : i32
    }
    %scan3A_557 = arith.constant 11 : i32
    %dma_wait3A_558 = arith.constant 0 : i32
    %dma_wait3A_559 = arith.constant 0 : i32
    %dma_wait3A_560 = tpu.memref_slice %arg6[%dma_wait3A_558, %dma_wait3A_559] : memref<10240x64xf32, #tpu.memory_space<vmem_shared>> -> memref<10240x64xf32, #tpu.memory_space<vmem_shared>>
    tpu.wait_indirect_dma semaphore(%arg19 : memref<!tpu.dma_semaphore, #tpu.memory_space<semaphore_mem>>) src(%arg13 : memref<160x64xf32, #tpu.memory_space<vmem>>) dst(%dma_wait3A_560 : memref<10240x64xf32, #tpu.memory_space<vmem_shared>>)
    %get3A_561 = arith.constant 3840 : index
    %get3A_562 = tpu.vector_load %arg9[%get3A_561] {strides = array<i32>} : memref<4000xi32, #tpu.memory_space<vmem>>, vector<16xi32>,
    %swap3A_563 = arith.constant 0 : index
    %swap3A_564 = tpu.vector_load %arg15[%swap3A_563] {strides = array<i32>} : memref<160xi32, #tpu.memory_space<vmem>>, vector<16xi32>,
    tpu.vector_store %arg15[%swap3A_563], %get3A_562 {strides = array<i32>} : memref<160xi32, #tpu.memory_space<vmem>>, vector<16xi32>,
    tpu.vector_store_idx %arg7[%get3A_562], %broadcast_in_dim3A_5 {add = true} : memref<10240xf32, #tpu.memory_space<vmem>>[vector<16xi32>], vector<16xf32>,
    %get3A_565 = arith.constant 3856 : index
    %get3A_566 = tpu.vector_load %arg9[%get3A_565] {strides = array<i32>} : memref<4000xi32, #tpu.memory_space<vmem>>, vector<16xi32>,
    %swap3A_567 = arith.constant 16 : index
    %swap3A_568 = tpu.vector_load %arg15[%swap3A_567] {strides = array<i32>} : memref<160xi32, #tpu.memory_space<vmem>>, vector<16xi32>,
    tpu.vector_store %arg15[%swap3A_567], %get3A_566 {strides = array<i32>} : memref<160xi32, #tpu.memory_space<vmem>>, vector<16xi32>,
    tpu.vector_store_idx %arg7[%get3A_566], %broadcast_in_dim3A_5 {add = true} : memref<10240xf32, #tpu.memory_space<vmem>>[vector<16xi32>], vector<16xf32>,
    %get3A_569 = arith.constant 3872 : index
    %get3A_570 = tpu.vector_load %arg9[%get3A_569] {strides = array<i32>} : memref<4000xi32, #tpu.memory_space<vmem>>, vector<16xi32>,
    %swap3A_571 = arith.constant 32 : index
    %swap3A_572 = tpu.vector_load %arg15[%swap3A_571] {strides = array<i32>} : memref<160xi32, #tpu.memory_space<vmem>>, vector<16xi32>,
    tpu.vector_store %arg15[%swap3A_571], %get3A_570 {strides = array<i32>} : memref<160xi32, #tpu.memory_space<vmem>>, vector<16xi32>,
    tpu.vector_store_idx %arg7[%get3A_570], %broadcast_in_dim3A_5 {add = true} : memref<10240xf32, #tpu.memory_space<vmem>>[vector<16xi32>], vector<16xf32>,
    %get3A_573 = arith.constant 3888 : index
    %get3A_574 = tpu.vector_load %arg9[%get3A_573] {strides = array<i32>} : memref<4000xi32, #tpu.memory_space<vmem>>, vector<16xi32>,
    %swap3A_575 = arith.constant 48 : index
    %swap3A_576 = tpu.vector_load %arg15[%swap3A_575] {strides = array<i32>} : memref<160xi32, #tpu.memory_space<vmem>>, vector<16xi32>,
    tpu.vector_store %arg15[%swap3A_575], %get3A_574 {strides = array<i32>} : memref<160xi32, #tpu.memory_space<vmem>>, vector<16xi32>,
    tpu.vector_store_idx %arg7[%get3A_574], %broadcast_in_dim3A_5 {add = true} : memref<10240xf32, #tpu.memory_space<vmem>>[vector<16xi32>], vector<16xf32>,
    %get3A_577 = arith.constant 3904 : index
    %get3A_578 = tpu.vector_load %arg9[%get3A_577] {strides = array<i32>} : memref<4000xi32, #tpu.memory_space<vmem>>, vector<16xi32>,
    %swap3A_579 = arith.constant 64 : index
    %swap3A_580 = tpu.vector_load %arg15[%swap3A_579] {strides = array<i32>} : memref<160xi32, #tpu.memory_space<vmem>>, vector<16xi32>,
    tpu.vector_store %arg15[%swap3A_579], %get3A_578 {strides = array<i32>} : memref<160xi32, #tpu.memory_space<vmem>>, vector<16xi32>,
    tpu.vector_store_idx %arg7[%get3A_578], %broadcast_in_dim3A_5 {add = true} : memref<10240xf32, #tpu.memory_space<vmem>>[vector<16xi32>], vector<16xf32>,
    %get3A_581 = arith.constant 3920 : index
    %get3A_582 = tpu.vector_load %arg9[%get3A_581] {strides = array<i32>} : memref<4000xi32, #tpu.memory_space<vmem>>, vector<16xi32>,
    %swap3A_583 = arith.constant 80 : index
    %swap3A_584 = tpu.vector_load %arg15[%swap3A_583] {strides = array<i32>} : memref<160xi32, #tpu.memory_space<vmem>>, vector<16xi32>,
    tpu.vector_store %arg15[%swap3A_583], %get3A_582 {strides = array<i32>} : memref<160xi32, #tpu.memory_space<vmem>>, vector<16xi32>,
    tpu.vector_store_idx %arg7[%get3A_582], %broadcast_in_dim3A_5 {add = true} : memref<10240xf32, #tpu.memory_space<vmem>>[vector<16xi32>], vector<16xf32>,
    %get3A_585 = arith.constant 3936 : index
    %get3A_586 = tpu.vector_load %arg9[%get3A_585] {strides = array<i32>} : memref<4000xi32, #tpu.memory_space<vmem>>, vector<16xi32>,
    %swap3A_587 = arith.constant 96 : index
    %swap3A_588 = tpu.vector_load %arg15[%swap3A_587] {strides = array<i32>} : memref<160xi32, #tpu.memory_space<vmem>>, vector<16xi32>,
    tpu.vector_store %arg15[%swap3A_587], %get3A_586 {strides = array<i32>} : memref<160xi32, #tpu.memory_space<vmem>>, vector<16xi32>,
    tpu.vector_store_idx %arg7[%get3A_586], %broadcast_in_dim3A_5 {add = true} : memref<10240xf32, #tpu.memory_space<vmem>>[vector<16xi32>], vector<16xf32>,
    %get3A_589 = arith.constant 3952 : index
    %get3A_590 = tpu.vector_load %arg9[%get3A_589] {strides = array<i32>} : memref<4000xi32, #tpu.memory_space<vmem>>, vector<16xi32>,
    %swap3A_591 = arith.constant 112 : index
    %swap3A_592 = tpu.vector_load %arg15[%swap3A_591] {strides = array<i32>} : memref<160xi32, #tpu.memory_space<vmem>>, vector<16xi32>,
    tpu.vector_store %arg15[%swap3A_591], %get3A_590 {strides = array<i32>} : memref<160xi32, #tpu.memory_space<vmem>>, vector<16xi32>,
    tpu.vector_store_idx %arg7[%get3A_590], %broadcast_in_dim3A_5 {add = true} : memref<10240xf32, #tpu.memory_space<vmem>>[vector<16xi32>], vector<16xf32>,
    %get3A_593 = arith.constant 3968 : index
    %get3A_594 = tpu.vector_load %arg9[%get3A_593] {strides = array<i32>} : memref<4000xi32, #tpu.memory_space<vmem>>, vector<16xi32>,
    %swap3A_595 = arith.constant 128 : index
    %swap3A_596 = tpu.vector_load %arg15[%swap3A_595] {strides = array<i32>} : memref<160xi32, #tpu.memory_space<vmem>>, vector<16xi32>,
    tpu.vector_store %arg15[%swap3A_595], %get3A_594 {strides = array<i32>} : memref<160xi32, #tpu.memory_space<vmem>>, vector<16xi32>,
    tpu.vector_store_idx %arg7[%get3A_594], %broadcast_in_dim3A_5 {add = true} : memref<10240xf32, #tpu.memory_space<vmem>>[vector<16xi32>], vector<16xf32>,
    %get3A_597 = arith.constant 3984 : index
    %get3A_598 = tpu.vector_load %arg9[%get3A_597] {strides = array<i32>} : memref<4000xi32, #tpu.memory_space<vmem>>, vector<16xi32>,
    %swap3A_599 = arith.constant 144 : index
    %swap3A_600 = tpu.vector_load %arg15[%swap3A_599] {strides = array<i32>} : memref<160xi32, #tpu.memory_space<vmem>>, vector<16xi32>,
    tpu.vector_store %arg15[%swap3A_599], %get3A_598 {strides = array<i32>} : memref<160xi32, #tpu.memory_space<vmem>>, vector<16xi32>,
    tpu.vector_store_idx %arg7[%get3A_598], %broadcast_in_dim3A_5 {add = true} : memref<10240xf32, #tpu.memory_space<vmem>>[vector<16xi32>], vector<16xf32>,
    %dma_start3A_601 = arith.constant 3840 : i32
    %dma_start3A_602 = tpu.memref_slice %arg10[%dma_start3A_601] : memref<4000xi32, #tpu.memory_space<vmem>> -> memref<160xi32, #tpu.memory_space<vmem>>
    %dma_start3A_603 = arith.constant 0 : i32
    %dma_start3A_604 = arith.constant 0 : i32
    %dma_start3A_605 = tpu.memref_slice %arg2[%dma_start3A_603, %dma_start3A_604] : memref<200000x64xf32, #tpu.memory_space<hbm>> -> memref<200000x64xf32, #tpu.memory_space<hbm>>
    tpu.enqueue_indirect_dma source(%dma_start3A_605 : memref<200000x64xf32, #tpu.memory_space<hbm>>) target(%arg13 : memref<160x64xf32, #tpu.memory_space<vmem>>) offsets(%dma_start3A_602 : memref<160xi32, #tpu.memory_space<vmem>>) semaphore(%arg17 : memref<!tpu.dma_semaphore, #tpu.memory_space<semaphore_mem>>)
    %dma_wait3A_606 = arith.constant 3680 : i32
    %dma_wait3A_607 = tpu.memref_slice %arg10[%dma_wait3A_606] : memref<4000xi32, #tpu.memory_space<vmem>> -> memref<160xi32, #tpu.memory_space<vmem>>
    %dma_wait3A_608 = arith.constant 0 : i32
    %dma_wait3A_609 = arith.constant 0 : i32
    %dma_wait3A_610 = tpu.memref_slice %arg2[%dma_wait3A_608, %dma_wait3A_609] : memref<200000x64xf32, #tpu.memory_space<hbm>> -> memref<200000x64xf32, #tpu.memory_space<hbm>>
    tpu.wait_indirect_dma semaphore(%arg18 : memref<!tpu.dma_semaphore, #tpu.memory_space<semaphore_mem>>) src(%dma_wait3A_610 : memref<200000x64xf32, #tpu.memory_space<hbm>>) dst(%arg14 : memref<160x64xf32, #tpu.memory_space<vmem>>)
    %dma_start3A_611 = arith.constant 0 : i32
    %dma_start3A_612 = arith.constant 0 : i32
    %dma_start3A_613 = tpu.memref_slice %arg6[%dma_start3A_611, %dma_start3A_612] : memref<10240x64xf32, #tpu.memory_space<vmem_shared>> -> memref<10240x64xf32, #tpu.memory_space<vmem_shared>>
    tpu.enqueue_indirect_dma source(%arg14 : memref<160x64xf32, #tpu.memory_space<vmem>>) target(%dma_start3A_613 : memref<10240x64xf32, #tpu.memory_space<vmem_shared>>) offsets(%arg16 : memref<160xi32, #tpu.memory_space<vmem>>) semaphore(%arg20 : memref<!tpu.dma_semaphore, #tpu.memory_space<semaphore_mem>>) {add = true}
    %dma_wait3A_614 = arith.constant 3840 : i32
    %dma_wait3A_615 = tpu.memref_slice %arg10[%dma_wait3A_614] : memref<4000xi32, #tpu.memory_space<vmem>> -> memref<160xi32, #tpu.memory_space<vmem>>
    %dma_wait3A_616 = arith.constant 0 : i32
    %dma_wait3A_617 = arith.constant 0 : i32
    %dma_wait3A_618 = tpu.memref_slice %arg2[%dma_wait3A_616, %dma_wait3A_617] : memref<200000x64xf32, #tpu.memory_space<hbm>> -> memref<200000x64xf32, #tpu.memory_space<hbm>>
    tpu.wait_indirect_dma semaphore(%arg17 : memref<!tpu.dma_semaphore, #tpu.memory_space<semaphore_mem>>) src(%dma_wait3A_618 : memref<200000x64xf32, #tpu.memory_space<hbm>>) dst(%arg13 : memref<160x64xf32, #tpu.memory_space<vmem>>)
    %dma_start3A_619 = arith.constant 0 : i32
    %dma_start3A_620 = arith.constant 0 : i32
    %dma_start3A_621 = tpu.memref_slice %arg6[%dma_start3A_619, %dma_start3A_620] : memref<10240x64xf32, #tpu.memory_space<vmem_shared>> -> memref<10240x64xf32, #tpu.memory_space<vmem_shared>>
    tpu.enqueue_indirect_dma source(%arg13 : memref<160x64xf32, #tpu.memory_space<vmem>>) target(%dma_start3A_621 : memref<10240x64xf32, #tpu.memory_space<vmem_shared>>) offsets(%arg15 : memref<160xi32, #tpu.memory_space<vmem>>) semaphore(%arg19 : memref<!tpu.dma_semaphore, #tpu.memory_space<semaphore_mem>>) {add = true}
    %dma_wait3A_622 = arith.constant 0 : i32
    %dma_wait3A_623 = arith.constant 0 : i32
    %dma_wait3A_624 = tpu.memref_slice %arg6[%dma_wait3A_622, %dma_wait3A_623] : memref<10240x64xf32, #tpu.memory_space<vmem_shared>> -> memref<10240x64xf32, #tpu.memory_space<vmem_shared>>
    tpu.wait_indirect_dma semaphore(%arg20 : memref<!tpu.dma_semaphore, #tpu.memory_space<semaphore_mem>>) src(%arg14 : memref<160x64xf32, #tpu.memory_space<vmem>>) dst(%dma_wait3A_624 : memref<10240x64xf32, #tpu.memory_space<vmem_shared>>)
    %dma_wait3A_625 = arith.constant 0 : i32
    %dma_wait3A_626 = arith.constant 0 : i32
    %dma_wait3A_627 = tpu.memref_slice %arg6[%dma_wait3A_625, %dma_wait3A_626] : memref<10240x64xf32, #tpu.memory_space<vmem_shared>> -> memref<10240x64xf32, #tpu.memory_space<vmem_shared>>
    tpu.wait_indirect_dma semaphore(%arg19 : memref<!tpu.dma_semaphore, #tpu.memory_space<semaphore_mem>>) src(%arg13 : memref<160x64xf32, #tpu.memory_space<vmem>>) dst(%dma_wait3A_627 : memref<10240x64xf32, #tpu.memory_space<vmem_shared>>)
    %add3A_628 = arith.constant 12000 : i32
    %add3A_629 = arith.addi %mul3A_0, %add3A_628 : i32
    %dma_wait3A_630 = arith.constant 0 : i32
    %dma_wait3A_631 = tpu.memref_slice %arg3[%dma_wait3A_630, %add3A_629] : memref<3x320000xi32, #tpu.memory_space<hbm>> -> memref<1x4000xi32, #tpu.memory_space<hbm>>
    %dma_wait3A_632 = tpu.memref_squeeze %dma_wait3A_631 : memref<1x4000xi32, #tpu.memory_space<hbm>> -> memref<4000xi32, #tpu.memory_space<hbm>>
    %dma_wait3A_633 = tpu.memref_slice %arg3[%dma_wait3A_630, %add3A_629] : memref<3x320000xi32, #tpu.memory_space<hbm>> -> memref<1x4000xi32, #tpu.memory_space<hbm>>
    %dma_wait3A_634 = tpu.memref_squeeze %dma_wait3A_633 : memref<1x4000xi32, #tpu.memory_space<hbm>> -> memref<4000xi32, #tpu.memory_space<hbm>>
    tpu.wait_dma2 semaphore(%arg21 : memref<!tpu.dma_semaphore, #tpu.memory_space<semaphore_mem>>) src(%dma_wait3A_634 : memref<4000xi32, #tpu.memory_space<hbm>>) dst(%arg11 : memref<4000xi32, #tpu.memory_space<vmem>>)
    %add3A_635 = arith.constant 1 : i32
    %add3A_636 = arith.addi %add3A_635, %arg0 : i32
    %dma_wait3A_637 = tpu.memref_slice %arg3[%add3A_636, %add3A_629] : memref<3x320000xi32, #tpu.memory_space<hbm>> -> memref<1x4000xi32, #tpu.memory_space<hbm>>
    %dma_wait3A_638 = tpu.memref_squeeze %dma_wait3A_637 : memref<1x4000xi32, #tpu.memory_space<hbm>> -> memref<4000xi32, #tpu.memory_space<hbm>>
    %dma_wait3A_639 = tpu.memref_slice %arg3[%add3A_636, %add3A_629] : memref<3x320000xi32, #tpu.memory_space<hbm>> -> memref<1x4000xi32, #tpu.memory_space<hbm>>
    %dma_wait3A_640 = tpu.memref_squeeze %dma_wait3A_639 : memref<1x4000xi32, #tpu.memory_space<hbm>> -> memref<4000xi32, #tpu.memory_space<hbm>>
    tpu.wait_dma2 semaphore(%arg21 : memref<!tpu.dma_semaphore, #tpu.memory_space<semaphore_mem>>) src(%dma_wait3A_640 : memref<4000xi32, #tpu.memory_space<hbm>>) dst(%arg12 : memref<4000xi32, #tpu.memory_space<vmem>>)
    %add3A_641 = arith.constant 16000 : i32
    %add3A_642 = arith.addi %mul3A_0, %add3A_641 : i32
    %dma_start3A_643 = arith.constant 0 : i32
    %dma_start3A_644 = tpu.memref_slice %arg3[%dma_start3A_643, %add3A_642] : memref<3x320000xi32, #tpu.memory_space<hbm>> -> memref<1x4000xi32, #tpu.memory_space<hbm>>
    %dma_start3A_645 = tpu.memref_squeeze %dma_start3A_644 : memref<1x4000xi32, #tpu.memory_space<hbm>> -> memref<4000xi32, #tpu.memory_space<hbm>>
    %dma_start3A_646 = tpu.memref_slice %arg3[%dma_start3A_643, %add3A_642] : memref<3x320000xi32, #tpu.memory_space<hbm>> -> memref<1x4000xi32, #tpu.memory_space<hbm>>
    %dma_start3A_647 = tpu.memref_squeeze %dma_start3A_646 : memref<1x4000xi32, #tpu.memory_space<hbm>> -> memref<4000xi32, #tpu.memory_space<hbm>>
    tpu.enqueue_dma source(%dma_start3A_647 : memref<4000xi32, #tpu.memory_space<hbm>>) target(%arg9 : memref<4000xi32, #tpu.memory_space<vmem>>) target_semaphore(%arg21 : memref<!tpu.dma_semaphore, #tpu.memory_space<semaphore_mem>>)
    %add3A_648 = arith.constant 1 : i32
    %add3A_649 = arith.addi %add3A_648, %arg0 : i32
    %dma_start3A_650 = tpu.memref_slice %arg3[%add3A_649, %add3A_642] : memref<3x320000xi32, #tpu.memory_space<hbm>> -> memref<1x4000xi32, #tpu.memory_space<hbm>>
    %dma_start3A_651 = tpu.memref_squeeze %dma_start3A_650 : memref<1x4000xi32, #tpu.memory_space<hbm>> -> memref<4000xi32, #tpu.memory_space<hbm>>
    %dma_start3A_652 = tpu.memref_slice %arg3[%add3A_649, %add3A_642] : memref<3x320000xi32, #tpu.memory_space<hbm>> -> memref<1x4000xi32, #tpu.memory_space<hbm>>
    %dma_start3A_653 = tpu.memref_squeeze %dma_start3A_652 : memref<1x4000xi32, #tpu.memory_space<hbm>> -> memref<4000xi32, #tpu.memory_space<hbm>>
    tpu.enqueue_dma source(%dma_start3A_653 : memref<4000xi32, #tpu.memory_space<hbm>>) target(%arg10 : memref<4000xi32, #tpu.memory_space<vmem>>) target_semaphore(%arg21 : memref<!tpu.dma_semaphore, #tpu.memory_space<semaphore_mem>>)
    %get3A_654 = arith.constant 0 : index
    %get3A_655 = tpu.vector_load %arg11[%get3A_654] {strides = array<i32>} : memref<4000xi32, #tpu.memory_space<vmem>>, vector<16xi32>,
    %swap3A_656 = arith.constant 0 : index
    %swap3A_657 = tpu.vector_load %arg15[%swap3A_656] {strides = array<i32>} : memref<160xi32, #tpu.memory_space<vmem>>, vector<16xi32>,
    tpu.vector_store %arg15[%swap3A_656], %get3A_655 {strides = array<i32>} : memref<160xi32, #tpu.memory_space<vmem>>, vector<16xi32>,
    tpu.vector_store_idx %arg7[%get3A_655], %broadcast_in_dim3A_5 {add = true} : memref<10240xf32, #tpu.memory_space<vmem>>[vector<16xi32>], vector<16xf32>,
    %get3A_658 = arith.constant 16 : index
    %get3A_659 = tpu.vector_load %arg11[%get3A_658] {strides = array<i32>} : memref<4000xi32, #tpu.memory_space<vmem>>, vector<16xi32>,
    %swap3A_660 = arith.constant 16 : index
    %swap3A_661 = tpu.vector_load %arg15[%swap3A_660] {strides = array<i32>} : memref<160xi32, #tpu.memory_space<vmem>>, vector<16xi32>,
    tpu.vector_store %arg15[%swap3A_660], %get3A_659 {strides = array<i32>} : memref<160xi32, #tpu.memory_space<vmem>>, vector<16xi32>,
    tpu.vector_store_idx %arg7[%get3A_659], %broadcast_in_dim3A_5 {add = true} : memref<10240xf32, #tpu.memory_space<vmem>>[vector<16xi32>], vector<16xf32>,
    %get3A_662 = arith.constant 32 : index
    %get3A_663 = tpu.vector_load %arg11[%get3A_662] {strides = array<i32>} : memref<4000xi32, #tpu.memory_space<vmem>>, vector<16xi32>,
    %swap3A_664 = arith.constant 32 : index
    %swap3A_665 = tpu.vector_load %arg15[%swap3A_664] {strides = array<i32>} : memref<160xi32, #tpu.memory_space<vmem>>, vector<16xi32>,
    tpu.vector_store %arg15[%swap3A_664], %get3A_663 {strides = array<i32>} : memref<160xi32, #tpu.memory_space<vmem>>, vector<16xi32>,
    tpu.vector_store_idx %arg7[%get3A_663], %broadcast_in_dim3A_5 {add = true} : memref<10240xf32, #tpu.memory_space<vmem>>[vector<16xi32>], vector<16xf32>,
    %get3A_666 = arith.constant 48 : index
    %get3A_667 = tpu.vector_load %arg11[%get3A_666] {strides = array<i32>} : memref<4000xi32, #tpu.memory_space<vmem>>, vector<16xi32>,
    %swap3A_668 = arith.constant 48 : index
    %swap3A_669 = tpu.vector_load %arg15[%swap3A_668] {strides = array<i32>} : memref<160xi32, #tpu.memory_space<vmem>>, vector<16xi32>,
    tpu.vector_store %arg15[%swap3A_668], %get3A_667 {strides = array<i32>} : memref<160xi32, #tpu.memory_space<vmem>>, vector<16xi32>,
    tpu.vector_store_idx %arg7[%get3A_667], %broadcast_in_dim3A_5 {add = true} : memref<10240xf32, #tpu.memory_space<vmem>>[vector<16xi32>], vector<16xf32>,
    %get3A_670 = arith.constant 64 : index
    %get3A_671 = tpu.vector_load %arg11[%get3A_670] {strides = array<i32>} : memref<4000xi32, #tpu.memory_space<vmem>>, vector<16xi32>,
    %swap3A_672 = arith.constant 64 : index
    %swap3A_673 = tpu.vector_load %arg15[%swap3A_672] {strides = array<i32>} : memref<160xi32, #tpu.memory_space<vmem>>, vector<16xi32>,
    tpu.vector_store %arg15[%swap3A_672], %get3A_671 {strides = array<i32>} : memref<160xi32, #tpu.memory_space<vmem>>, vector<16xi32>,
    tpu.vector_store_idx %arg7[%get3A_671], %broadcast_in_dim3A_5 {add = true} : memref<10240xf32, #tpu.memory_space<vmem>>[vector<16xi32>], vector<16xf32>,
    %get3A_674 = arith.constant 80 : index
    %get3A_675 = tpu.vector_load %arg11[%get3A_674] {strides = array<i32>} : memref<4000xi32, #tpu.memory_space<vmem>>, vector<16xi32>,
    %swap3A_676 = arith.constant 80 : index
    %swap3A_677 = tpu.vector_load %arg15[%swap3A_676] {strides = array<i32>} : memref<160xi32, #tpu.memory_space<vmem>>, vector<16xi32>,
    tpu.vector_store %arg15[%swap3A_676], %get3A_675 {strides = array<i32>} : memref<160xi32, #tpu.memory_space<vmem>>, vector<16xi32>,
    tpu.vector_store_idx %arg7[%get3A_675], %broadcast_in_dim3A_5 {add = true} : memref<10240xf32, #tpu.memory_space<vmem>>[vector<16xi32>], vector<16xf32>,
    %get3A_678 = arith.constant 96 : index
    %get3A_679 = tpu.vector_load %arg11[%get3A_678] {strides = array<i32>} : memref<4000xi32, #tpu.memory_space<vmem>>, vector<16xi32>,
    %swap3A_680 = arith.constant 96 : index
    %swap3A_681 = tpu.vector_load %arg15[%swap3A_680] {strides = array<i32>} : memref<160xi32, #tpu.memory_space<vmem>>, vector<16xi32>,
    tpu.vector_store %arg15[%swap3A_680], %get3A_679 {strides = array<i32>} : memref<160xi32, #tpu.memory_space<vmem>>, vector<16xi32>,
    tpu.vector_store_idx %arg7[%get3A_679], %broadcast_in_dim3A_5 {add = true} : memref<10240xf32, #tpu.memory_space<vmem>>[vector<16xi32>], vector<16xf32>,
    %get3A_682 = arith.constant 112 : index
    %get3A_683 = tpu.vector_load %arg11[%get3A_682] {strides = array<i32>} : memref<4000xi32, #tpu.memory_space<vmem>>, vector<16xi32>,
    %swap3A_684 = arith.constant 112 : index
    %swap3A_685 = tpu.vector_load %arg15[%swap3A_684] {strides = array<i32>} : memref<160xi32, #tpu.memory_space<vmem>>, vector<16xi32>,
    tpu.vector_store %arg15[%swap3A_684], %get3A_683 {strides = array<i32>} : memref<160xi32, #tpu.memory_space<vmem>>, vector<16xi32>,
    tpu.vector_store_idx %arg7[%get3A_683], %broadcast_in_dim3A_5 {add = true} : memref<10240xf32, #tpu.memory_space<vmem>>[vector<16xi32>], vector<16xf32>,
    %get3A_686 = arith.constant 128 : index
    %get3A_687 = tpu.vector_load %arg11[%get3A_686] {strides = array<i32>} : memref<4000xi32, #tpu.memory_space<vmem>>, vector<16xi32>,
    %swap3A_688 = arith.constant 128 : index
    %swap3A_689 = tpu.vector_load %arg15[%swap3A_688] {strides = array<i32>} : memref<160xi32, #tpu.memory_space<vmem>>, vector<16xi32>,
    tpu.vector_store %arg15[%swap3A_688], %get3A_687 {strides = array<i32>} : memref<160xi32, #tpu.memory_space<vmem>>, vector<16xi32>,
    tpu.vector_store_idx %arg7[%get3A_687], %broadcast_in_dim3A_5 {add = true} : memref<10240xf32, #tpu.memory_space<vmem>>[vector<16xi32>], vector<16xf32>,
    %get3A_690 = arith.constant 144 : index
    %get3A_691 = tpu.vector_load %arg11[%get3A_690] {strides = array<i32>} : memref<4000xi32, #tpu.memory_space<vmem>>, vector<16xi32>,
    %swap3A_692 = arith.constant 144 : index
    %swap3A_693 = tpu.vector_load %arg15[%swap3A_692] {strides = array<i32>} : memref<160xi32, #tpu.memory_space<vmem>>, vector<16xi32>,
    tpu.vector_store %arg15[%swap3A_692], %get3A_691 {strides = array<i32>} : memref<160xi32, #tpu.memory_space<vmem>>, vector<16xi32>,
    tpu.vector_store_idx %arg7[%get3A_691], %broadcast_in_dim3A_5 {add = true} : memref<10240xf32, #tpu.memory_space<vmem>>[vector<16xi32>], vector<16xf32>,
    %dma_start3A_694 = arith.constant 0 : i32
    %dma_start3A_695 = tpu.memref_slice %arg12[%dma_start3A_694] : memref<4000xi32, #tpu.memory_space<vmem>> -> memref<160xi32, #tpu.memory_space<vmem>>
    %dma_start3A_696 = arith.constant 0 : i32
    %dma_start3A_697 = arith.constant 0 : i32
    %dma_start3A_698 = tpu.memref_slice %arg2[%dma_start3A_696, %dma_start3A_697] : memref<200000x64xf32, #tpu.memory_space<hbm>> -> memref<200000x64xf32, #tpu.memory_space<hbm>>
    tpu.enqueue_indirect_dma source(%dma_start3A_698 : memref<200000x64xf32, #tpu.memory_space<hbm>>) target(%arg13 : memref<160x64xf32, #tpu.memory_space<vmem>>) offsets(%dma_start3A_695 : memref<160xi32, #tpu.memory_space<vmem>>) semaphore(%arg17 : memref<!tpu.dma_semaphore, #tpu.memory_space<semaphore_mem>>)
    %get3A_699 = arith.constant 160 : index
    %get3A_700 = tpu.vector_load %arg11[%get3A_699] {strides = array<i32>} : memref<4000xi32, #tpu.memory_space<vmem>>, vector<16xi32>,
    %swap3A_701 = arith.constant 0 : index
    %swap3A_702 = tpu.vector_load %arg16[%swap3A_701] {strides = array<i32>} : memref<160xi32, #tpu.memory_space<vmem>>, vector<16xi32>,
    tpu.vector_store %arg16[%swap3A_701], %get3A_700 {strides = array<i32>} : memref<160xi32, #tpu.memory_space<vmem>>, vector<16xi32>,
    tpu.vector_store_idx %arg7[%get3A_700], %broadcast_in_dim3A_5 {add = true} : memref<10240xf32, #tpu.memory_space<vmem>>[vector<16xi32>], vector<16xf32>,
    %get3A_703 = arith.constant 176 : index
    %get3A_704 = tpu.vector_load %arg11[%get3A_703] {strides = array<i32>} : memref<4000xi32, #tpu.memory_space<vmem>>, vector<16xi32>,
    %swap3A_705 = arith.constant 16 : index
    %swap3A_706 = tpu.vector_load %arg16[%swap3A_705] {strides = array<i32>} : memref<160xi32, #tpu.memory_space<vmem>>, vector<16xi32>,
    tpu.vector_store %arg16[%swap3A_705], %get3A_704 {strides = array<i32>} : memref<160xi32, #tpu.memory_space<vmem>>, vector<16xi32>,
    tpu.vector_store_idx %arg7[%get3A_704], %broadcast_in_dim3A_5 {add = true} : memref<10240xf32, #tpu.memory_space<vmem>>[vector<16xi32>], vector<16xf32>,
    %get3A_707 = arith.constant 192 : index
    %get3A_708 = tpu.vector_load %arg11[%get3A_707] {strides = array<i32>} : memref<4000xi32, #tpu.memory_space<vmem>>, vector<16xi32>,
    %swap3A_709 = arith.constant 32 : index
    %swap3A_710 = tpu.vector_load %arg16[%swap3A_709] {strides = array<i32>} : memref<160xi32, #tpu.memory_space<vmem>>, vector<16xi32>,
    tpu.vector_store %arg16[%swap3A_709], %get3A_708 {strides = array<i32>} : memref<160xi32, #tpu.memory_space<vmem>>, vector<16xi32>,
    tpu.vector_store_idx %arg7[%get3A_708], %broadcast_in_dim3A_5 {add = true} : memref<10240xf32, #tpu.memory_space<vmem>>[vector<16xi32>], vector<16xf32>,
    %get3A_711 = arith.constant 208 : index
    %get3A_712 = tpu.vector_load %arg11[%get3A_711] {strides = array<i32>} : memref<4000xi32, #tpu.memory_space<vmem>>, vector<16xi32>,
    %swap3A_713 = arith.constant 48 : index
    %swap3A_714 = tpu.vector_load %arg16[%swap3A_713] {strides = array<i32>} : memref<160xi32, #tpu.memory_space<vmem>>, vector<16xi32>,
    tpu.vector_store %arg16[%swap3A_713], %get3A_712 {strides = array<i32>} : memref<160xi32, #tpu.memory_space<vmem>>, vector<16xi32>,
    tpu.vector_store_idx %arg7[%get3A_712], %broadcast_in_dim3A_5 {add = true} : memref<10240xf32, #tpu.memory_space<vmem>>[vector<16xi32>], vector<16xf32>,
    %get3A_715 = arith.constant 224 : index
    %get3A_716 = tpu.vector_load %arg11[%get3A_715] {strides = array<i32>} : memref<4000xi32, #tpu.memory_space<vmem>>, vector<16xi32>,
    %swap3A_717 = arith.constant 64 : index
    %swap3A_718 = tpu.vector_load %arg16[%swap3A_717] {strides = array<i32>} : memref<160xi32, #tpu.memory_space<vmem>>, vector<16xi32>,
    tpu.vector_store %arg16[%swap3A_717], %get3A_716 {strides = array<i32>} : memref<160xi32, #tpu.memory_space<vmem>>, vector<16xi32>,
    tpu.vector_store_idx %arg7[%get3A_716], %broadcast_in_dim3A_5 {add = true} : memref<10240xf32, #tpu.memory_space<vmem>>[vector<16xi32>], vector<16xf32>,
    %get3A_719 = arith.constant 240 : index
    %get3A_720 = tpu.vector_load %arg11[%get3A_719] {strides = array<i32>} : memref<4000xi32, #tpu.memory_space<vmem>>, vector<16xi32>,
    %swap3A_721 = arith.constant 80 : index
    %swap3A_722 = tpu.vector_load %arg16[%swap3A_721] {strides = array<i32>} : memref<160xi32, #tpu.memory_space<vmem>>, vector<16xi32>,
    tpu.vector_store %arg16[%swap3A_721], %get3A_720 {strides = array<i32>} : memref<160xi32, #tpu.memory_space<vmem>>, vector<16xi32>,
    tpu.vector_store_idx %arg7[%get3A_720], %broadcast_in_dim3A_5 {add = true} : memref<10240xf32, #tpu.memory_space<vmem>>[vector<16xi32>], vector<16xf32>,
    %get3A_723 = arith.constant 256 : index
    %get3A_724 = tpu.vector_load %arg11[%get3A_723] {strides = array<i32>} : memref<4000xi32, #tpu.memory_space<vmem>>, vector<16xi32>,
    %swap3A_725 = arith.constant 96 : index
    %swap3A_726 = tpu.vector_load %arg16[%swap3A_725] {strides = array<i32>} : memref<160xi32, #tpu.memory_space<vmem>>, vector<16xi32>,
    tpu.vector_store %arg16[%swap3A_725], %get3A_724 {strides = array<i32>} : memref<160xi32, #tpu.memory_space<vmem>>, vector<16xi32>,
    tpu.vector_store_idx %arg7[%get3A_724], %broadcast_in_dim3A_5 {add = true} : memref<10240xf32, #tpu.memory_space<vmem>>[vector<16xi32>], vector<16xf32>,
    %get3A_727 = arith.constant 272 : index
    %get3A_728 = tpu.vector_load %arg11[%get3A_727] {strides = array<i32>} : memref<4000xi32, #tpu.memory_space<vmem>>, vector<16xi32>,
    %swap3A_729 = arith.constant 112 : index
    %swap3A_730 = tpu.vector_load %arg16[%swap3A_729] {strides = array<i32>} : memref<160xi32, #tpu.memory_space<vmem>>, vector<16xi32>,
    tpu.vector_store %arg16[%swap3A_729], %get3A_728 {strides = array<i32>} : memref<160xi32, #tpu.memory_space<vmem>>, vector<16xi32>,
    tpu.vector_store_idx %arg7[%get3A_728], %broadcast_in_dim3A_5 {add = true} : memref<10240xf32, #tpu.memory_space<vmem>>[vector<16xi32>], vector<16xf32>,
    %get3A_731 = arith.constant 288 : index
    %get3A_732 = tpu.vector_load %arg11[%get3A_731] {strides = array<i32>} : memref<4000xi32, #tpu.memory_space<vmem>>, vector<16xi32>,
    %swap3A_733 = arith.constant 128 : index
    %swap3A_734 = tpu.vector_load %arg16[%swap3A_733] {strides = array<i32>} : memref<160xi32, #tpu.memory_space<vmem>>, vector<16xi32>,
    tpu.vector_store %arg16[%swap3A_733], %get3A_732 {strides = array<i32>} : memref<160xi32, #tpu.memory_space<vmem>>, vector<16xi32>,
    tpu.vector_store_idx %arg7[%get3A_732], %broadcast_in_dim3A_5 {add = true} : memref<10240xf32, #tpu.memory_space<vmem>>[vector<16xi32>], vector<16xf32>,
    %get3A_735 = arith.constant 304 : index
    %get3A_736 = tpu.vector_load %arg11[%get3A_735] {strides = array<i32>} : memref<4000xi32, #tpu.memory_space<vmem>>, vector<16xi32>,
    %swap3A_737 = arith.constant 144 : index
    %swap3A_738 = tpu.vector_load %arg16[%swap3A_737] {strides = array<i32>} : memref<160xi32, #tpu.memory_space<vmem>>, vector<16xi32>,
    tpu.vector_store %arg16[%swap3A_737], %get3A_736 {strides = array<i32>} : memref<160xi32, #tpu.memory_space<vmem>>, vector<16xi32>,
    tpu.vector_store_idx %arg7[%get3A_736], %broadcast_in_dim3A_5 {add = true} : memref<10240xf32, #tpu.memory_space<vmem>>[vector<16xi32>], vector<16xf32>,
    %dma_start3A_739 = arith.constant 160 : i32
    %dma_start3A_740 = tpu.memref_slice %arg12[%dma_start3A_739] : memref<4000xi32, #tpu.memory_space<vmem>> -> memref<160xi32, #tpu.memory_space<vmem>>
    %dma_start3A_741 = arith.constant 0 : i32
    %dma_start3A_742 = arith.constant 0 : i32
    %dma_start3A_743 = tpu.memref_slice %arg2[%dma_start3A_741, %dma_start3A_742] : memref<200000x64xf32, #tpu.memory_space<hbm>> -> memref<200000x64xf32, #tpu.memory_space<hbm>>
    tpu.enqueue_indirect_dma source(%dma_start3A_743 : memref<200000x64xf32, #tpu.memory_space<hbm>>) target(%arg14 : memref<160x64xf32, #tpu.memory_space<vmem>>) offsets(%dma_start3A_740 : memref<160xi32, #tpu.memory_space<vmem>>) semaphore(%arg18 : memref<!tpu.dma_semaphore, #tpu.memory_space<semaphore_mem>>)
    %dma_wait3A_744 = arith.constant 0 : i32
    %dma_wait3A_745 = tpu.memref_slice %arg12[%dma_wait3A_744] : memref<4000xi32, #tpu.memory_space<vmem>> -> memref<160xi32, #tpu.memory_space<vmem>>
    %dma_wait3A_746 = arith.constant 0 : i32
    %dma_wait3A_747 = arith.constant 0 : i32
    %dma_wait3A_748 = tpu.memref_slice %arg2[%dma_wait3A_746, %dma_wait3A_747] : memref<200000x64xf32, #tpu.memory_space<hbm>> -> memref<200000x64xf32, #tpu.memory_space<hbm>>
    tpu.wait_indirect_dma semaphore(%arg17 : memref<!tpu.dma_semaphore, #tpu.memory_space<semaphore_mem>>) src(%dma_wait3A_748 : memref<200000x64xf32, #tpu.memory_space<hbm>>) dst(%arg13 : memref<160x64xf32, #tpu.memory_space<vmem>>)
    %dma_start3A_749 = arith.constant 0 : i32
    %dma_start3A_750 = arith.constant 0 : i32
    %dma_start3A_751 = tpu.memref_slice %arg6[%dma_start3A_749, %dma_start3A_750] : memref<10240x64xf32, #tpu.memory_space<vmem_shared>> -> memref<10240x64xf32, #tpu.memory_space<vmem_shared>>
    tpu.enqueue_indirect_dma source(%arg13 : memref<160x64xf32, #tpu.memory_space<vmem>>) target(%dma_start3A_751 : memref<10240x64xf32, #tpu.memory_space<vmem_shared>>) offsets(%arg15 : memref<160xi32, #tpu.memory_space<vmem>>) semaphore(%arg19 : memref<!tpu.dma_semaphore, #tpu.memory_space<semaphore_mem>>) {add = true}
    %scan3A_752 = arith.constant 0 : i32
    %scan3A_753 = arith.constant 0 : i32
    %scan3A_754 = arith.constant 11 : i32
    %scan3A_755 = arith.addi %scan3A_753, %scan3A_754 : i32
    %scan3A_756 = arith.constant 1 : i32
    %scan3A_757 = scf.for %scan3A_1058 = %scan3A_753 to %scan3A_755 step %scan3A_756 iter_args(%scan3A_1059 = %scan3A_752) -> (i32)  : i32 {
      %dma_wait3A_1060 = arith.constant 0 : i32
      %dma_wait3A_1061 = arith.constant 0 : i32
      %dma_wait3A_1062 = tpu.memref_slice %arg6[%dma_wait3A_1060, %dma_wait3A_1061] : memref<10240x64xf32, #tpu.memory_space<vmem_shared>> -> memref<10240x64xf32, #tpu.memory_space<vmem_shared>>
      tpu.wait_indirect_dma semaphore(%arg19 : memref<!tpu.dma_semaphore, #tpu.memory_space<semaphore_mem>>) src(%arg13 : memref<160x64xf32, #tpu.memory_space<vmem>>) dst(%dma_wait3A_1062 : memref<10240x64xf32, #tpu.memory_space<vmem_shared>>)
      %mul3A_1063 = arith.constant 2 : i32
      %mul3A_1064 = arith.muli %mul3A_1063, %scan3A_1058 : i32
      %add3A_1065 = arith.constant 2 : i32
      %add3A_1066 = arith.addi %mul3A_1064, %add3A_1065 : i32
      %mul3A_1067 = arith.constant 160 : i32
      %mul3A_1068 = arith.muli %add3A_1066, %mul3A_1067 : i32
      %add3A_1069 = arith.constant 0 : i32
      %add3A_1070 = arith.addi %mul3A_1068, %add3A_1069 : i32
      %get3A_1071 = arith.index_cast %add3A_1070 : i32 to index
      %get3A_1072 = tpu.vector_load %arg11[%get3A_1071] {strides = array<i32>} : memref<4000xi32, #tpu.memory_space<vmem>>, vector<16xi32>,
      %swap3A_1073 = arith.constant 0 : index
      %swap3A_1074 = tpu.vector_load %arg15[%swap3A_1073] {strides = array<i32>} : memref<160xi32, #tpu.memory_space<vmem>>, vector<16xi32>,
      tpu.vector_store %arg15[%swap3A_1073], %get3A_1072 {strides = array<i32>} : memref<160xi32, #tpu.memory_space<vmem>>, vector<16xi32>,
      tpu.vector_store_idx %arg7[%get3A_1072], %broadcast_in_dim3A_5 {add = true} : memref<10240xf32, #tpu.memory_space<vmem>>[vector<16xi32>], vector<16xf32>,
      %add3A_1075 = arith.constant 16 : i32
      %add3A_1076 = arith.addi %mul3A_1068, %add3A_1075 : i32
      %get3A_1077 = arith.index_cast %add3A_1076 : i32 to index
      %get3A_1078 = tpu.vector_load %arg11[%get3A_1077] {strides = array<i32>} : memref<4000xi32, #tpu.memory_space<vmem>>, vector<16xi32>,
      %swap3A_1079 = arith.constant 16 : index
      %swap3A_1080 = tpu.vector_load %arg15[%swap3A_1079] {strides = array<i32>} : memref<160xi32, #tpu.memory_space<vmem>>, vector<16xi32>,
      tpu.vector_store %arg15[%swap3A_1079], %get3A_1078 {strides = array<i32>} : memref<160xi32, #tpu.memory_space<vmem>>, vector<16xi32>,
      tpu.vector_store_idx %arg7[%get3A_1078], %broadcast_in_dim3A_5 {add = true} : memref<10240xf32, #tpu.memory_space<vmem>>[vector<16xi32>], vector<16xf32>,
      %add3A_1081 = arith.constant 32 : i32
      %add3A_1082 = arith.addi %mul3A_1068, %add3A_1081 : i32
      %get3A_1083 = arith.index_cast %add3A_1082 : i32 to index
      %get3A_1084 = tpu.vector_load %arg11[%get3A_1083] {strides = array<i32>} : memref<4000xi32, #tpu.memory_space<vmem>>, vector<16xi32>,
      %swap3A_1085 = arith.constant 32 : index
      %swap3A_1086 = tpu.vector_load %arg15[%swap3A_1085] {strides = array<i32>} : memref<160xi32, #tpu.memory_space<vmem>>, vector<16xi32>,
      tpu.vector_store %arg15[%swap3A_1085], %get3A_1084 {strides = array<i32>} : memref<160xi32, #tpu.memory_space<vmem>>, vector<16xi32>,
      tpu.vector_store_idx %arg7[%get3A_1084], %broadcast_in_dim3A_5 {add = true} : memref<10240xf32, #tpu.memory_space<vmem>>[vector<16xi32>], vector<16xf32>,
      %add3A_1087 = arith.constant 48 : i32
      %add3A_1088 = arith.addi %mul3A_1068, %add3A_1087 : i32
      %get3A_1089 = arith.index_cast %add3A_1088 : i32 to index
      %get3A_1090 = tpu.vector_load %arg11[%get3A_1089] {strides = array<i32>} : memref<4000xi32, #tpu.memory_space<vmem>>, vector<16xi32>,
      %swap3A_1091 = arith.constant 48 : index
      %swap3A_1092 = tpu.vector_load %arg15[%swap3A_1091] {strides = array<i32>} : memref<160xi32, #tpu.memory_space<vmem>>, vector<16xi32>,
      tpu.vector_store %arg15[%swap3A_1091], %get3A_1090 {strides = array<i32>} : memref<160xi32, #tpu.memory_space<vmem>>, vector<16xi32>,
      tpu.vector_store_idx %arg7[%get3A_1090], %broadcast_in_dim3A_5 {add = true} : memref<10240xf32, #tpu.memory_space<vmem>>[vector<16xi32>], vector<16xf32>,
      %add3A_1093 = arith.constant 64 : i32
      %add3A_1094 = arith.addi %mul3A_1068, %add3A_1093 : i32
      %get3A_1095 = arith.index_cast %add3A_1094 : i32 to index
      %get3A_1096 = tpu.vector_load %arg11[%get3A_1095] {strides = array<i32>} : memref<4000xi32, #tpu.memory_space<vmem>>, vector<16xi32>,
      %swap3A_1097 = arith.constant 64 : index
      %swap3A_1098 = tpu.vector_load %arg15[%swap3A_1097] {strides = array<i32>} : memref<160xi32, #tpu.memory_space<vmem>>, vector<16xi32>,
      tpu.vector_store %arg15[%swap3A_1097], %get3A_1096 {strides = array<i32>} : memref<160xi32, #tpu.memory_space<vmem>>, vector<16xi32>,
      tpu.vector_store_idx %arg7[%get3A_1096], %broadcast_in_dim3A_5 {add = true} : memref<10240xf32, #tpu.memory_space<vmem>>[vector<16xi32>], vector<16xf32>,
      %add3A_1099 = arith.constant 80 : i32
      %add3A_1100 = arith.addi %mul3A_1068, %add3A_1099 : i32
      %get3A_1101 = arith.index_cast %add3A_1100 : i32 to index
      %get3A_1102 = tpu.vector_load %arg11[%get3A_1101] {strides = array<i32>} : memref<4000xi32, #tpu.memory_space<vmem>>, vector<16xi32>,
      %swap3A_1103 = arith.constant 80 : index
      %swap3A_1104 = tpu.vector_load %arg15[%swap3A_1103] {strides = array<i32>} : memref<160xi32, #tpu.memory_space<vmem>>, vector<16xi32>,
      tpu.vector_store %arg15[%swap3A_1103], %get3A_1102 {strides = array<i32>} : memref<160xi32, #tpu.memory_space<vmem>>, vector<16xi32>,
      tpu.vector_store_idx %arg7[%get3A_1102], %broadcast_in_dim3A_5 {add = true} : memref<10240xf32, #tpu.memory_space<vmem>>[vector<16xi32>], vector<16xf32>,
      %add3A_1105 = arith.constant 96 : i32
      %add3A_1106 = arith.addi %mul3A_1068, %add3A_1105 : i32
      %get3A_1107 = arith.index_cast %add3A_1106 : i32 to index
      %get3A_1108 = tpu.vector_load %arg11[%get3A_1107] {strides = array<i32>} : memref<4000xi32, #tpu.memory_space<vmem>>, vector<16xi32>,
      %swap3A_1109 = arith.constant 96 : index
      %swap3A_1110 = tpu.vector_load %arg15[%swap3A_1109] {strides = array<i32>} : memref<160xi32, #tpu.memory_space<vmem>>, vector<16xi32>,
      tpu.vector_store %arg15[%swap3A_1109], %get3A_1108 {strides = array<i32>} : memref<160xi32, #tpu.memory_space<vmem>>, vector<16xi32>,
      tpu.vector_store_idx %arg7[%get3A_1108], %broadcast_in_dim3A_5 {add = true} : memref<10240xf32, #tpu.memory_space<vmem>>[vector<16xi32>], vector<16xf32>,
      %add3A_1111 = arith.constant 112 : i32
      %add3A_1112 = arith.addi %mul3A_1068, %add3A_1111 : i32
      %get3A_1113 = arith.index_cast %add3A_1112 : i32 to index
      %get3A_1114 = tpu.vector_load %arg11[%get3A_1113] {strides = array<i32>} : memref<4000xi32, #tpu.memory_space<vmem>>, vector<16xi32>,
      %swap3A_1115 = arith.constant 112 : index
      %swap3A_1116 = tpu.vector_load %arg15[%swap3A_1115] {strides = array<i32>} : memref<160xi32, #tpu.memory_space<vmem>>, vector<16xi32>,
      tpu.vector_store %arg15[%swap3A_1115], %get3A_1114 {strides = array<i32>} : memref<160xi32, #tpu.memory_space<vmem>>, vector<16xi32>,
      tpu.vector_store_idx %arg7[%get3A_1114], %broadcast_in_dim3A_5 {add = true} : memref<10240xf32, #tpu.memory_space<vmem>>[vector<16xi32>], vector<16xf32>,
      %add3A_1117 = arith.constant 128 : i32
      %add3A_1118 = arith.addi %mul3A_1068, %add3A_1117 : i32
      %get3A_1119 = arith.index_cast %add3A_1118 : i32 to index
      %get3A_1120 = tpu.vector_load %arg11[%get3A_1119] {strides = array<i32>} : memref<4000xi32, #tpu.memory_space<vmem>>, vector<16xi32>,
      %swap3A_1121 = arith.constant 128 : index
      %swap3A_1122 = tpu.vector_load %arg15[%swap3A_1121] {strides = array<i32>} : memref<160xi32, #tpu.memory_space<vmem>>, vector<16xi32>,
      tpu.vector_store %arg15[%swap3A_1121], %get3A_1120 {strides = array<i32>} : memref<160xi32, #tpu.memory_space<vmem>>, vector<16xi32>,
      tpu.vector_store_idx %arg7[%get3A_1120], %broadcast_in_dim3A_5 {add = true} : memref<10240xf32, #tpu.memory_space<vmem>>[vector<16xi32>], vector<16xf32>,
      %add3A_1123 = arith.constant 144 : i32
      %add3A_1124 = arith.addi %mul3A_1068, %add3A_1123 : i32
      %get3A_1125 = arith.index_cast %add3A_1124 : i32 to index
      %get3A_1126 = tpu.vector_load %arg11[%get3A_1125] {strides = array<i32>} : memref<4000xi32, #tpu.memory_space<vmem>>, vector<16xi32>,
      %swap3A_1127 = arith.constant 144 : index
      %swap3A_1128 = tpu.vector_load %arg15[%swap3A_1127] {strides = array<i32>} : memref<160xi32, #tpu.memory_space<vmem>>, vector<16xi32>,
      tpu.vector_store %arg15[%swap3A_1127], %get3A_1126 {strides = array<i32>} : memref<160xi32, #tpu.memory_space<vmem>>, vector<16xi32>,
      tpu.vector_store_idx %arg7[%get3A_1126], %broadcast_in_dim3A_5 {add = true} : memref<10240xf32, #tpu.memory_space<vmem>>[vector<16xi32>], vector<16xf32>,
      %dma_start3A_1129 = tpu.memref_slice %arg12[%mul3A_1068] : memref<4000xi32, #tpu.memory_space<vmem>> -> memref<160xi32, #tpu.memory_space<vmem>>
      %dma_start3A_1130 = arith.constant 0 : i32
      %dma_start3A_1131 = arith.constant 0 : i32
      %dma_start3A_1132 = tpu.memref_slice %arg2[%dma_start3A_1130, %dma_start3A_1131] : memref<200000x64xf32, #tpu.memory_space<hbm>> -> memref<200000x64xf32, #tpu.memory_space<hbm>>
      tpu.enqueue_indirect_dma source(%dma_start3A_1132 : memref<200000x64xf32, #tpu.memory_space<hbm>>) target(%arg13 : memref<160x64xf32, #tpu.memory_space<vmem>>) offsets(%dma_start3A_1129 : memref<160xi32, #tpu.memory_space<vmem>>) semaphore(%arg17 : memref<!tpu.dma_semaphore, #tpu.memory_space<semaphore_mem>>)
      %mul3A_1133 = arith.constant 2 : i32
      %mul3A_1134 = arith.muli %mul3A_1133, %scan3A_1058 : i32
      %add3A_1135 = arith.constant 1 : i32
      %add3A_1136 = arith.addi %mul3A_1134, %add3A_1135 : i32
      %mul3A_1137 = arith.constant 160 : i32
      %mul3A_1138 = arith.muli %add3A_1136, %mul3A_1137 : i32
      %dma_wait3A_1139 = tpu.memref_slice %arg12[%mul3A_1138] : memref<4000xi32, #tpu.memory_space<vmem>> -> memref<160xi32, #tpu.memory_space<vmem>>
      %dma_wait3A_1140 = arith.constant 0 : i32
      %dma_wait3A_1141 = arith.constant 0 : i32
      %dma_wait3A_1142 = tpu.memref_slice %arg2[%dma_wait3A_1140, %dma_wait3A_1141] : memref<200000x64xf32, #tpu.memory_space<hbm>> -> memref<200000x64xf32, #tpu.memory_space<hbm>>
      tpu.wait_indirect_dma semaphore(%arg18 : memref<!tpu.dma_semaphore, #tpu.memory_space<semaphore_mem>>) src(%dma_wait3A_1142 : memref<200000x64xf32, #tpu.memory_space<hbm>>) dst(%arg14 : memref<160x64xf32, #tpu.memory_space<vmem>>)
      %dma_start3A_1143 = arith.constant 0 : i32
      %dma_start3A_1144 = arith.constant 0 : i32
      %dma_start3A_1145 = tpu.memref_slice %arg6[%dma_start3A_1143, %dma_start3A_1144] : memref<10240x64xf32, #tpu.memory_space<vmem_shared>> -> memref<10240x64xf32, #tpu.memory_space<vmem_shared>>
      tpu.enqueue_indirect_dma source(%arg14 : memref<160x64xf32, #tpu.memory_space<vmem>>) target(%dma_start3A_1145 : memref<10240x64xf32, #tpu.memory_space<vmem_shared>>) offsets(%arg16 : memref<160xi32, #tpu.memory_space<vmem>>) semaphore(%arg20 : memref<!tpu.dma_semaphore, #tpu.memory_space<semaphore_mem>>) {add = true}
      %dma_wait3A_1146 = arith.constant 0 : i32
      %dma_wait3A_1147 = arith.constant 0 : i32
      %dma_wait3A_1148 = tpu.memref_slice %arg6[%dma_wait3A_1146, %dma_wait3A_1147] : memref<10240x64xf32, #tpu.memory_space<vmem_shared>> -> memref<10240x64xf32, #tpu.memory_space<vmem_shared>>
      tpu.wait_indirect_dma semaphore(%arg20 : memref<!tpu.dma_semaphore, #tpu.memory_space<semaphore_mem>>) src(%arg14 : memref<160x64xf32, #tpu.memory_space<vmem>>) dst(%dma_wait3A_1148 : memref<10240x64xf32, #tpu.memory_space<vmem_shared>>)
      %mul3A_1149 = arith.constant 2 : i32
      %mul3A_1150 = arith.muli %mul3A_1149, %scan3A_1058 : i32
      %add3A_1151 = arith.constant 3 : i32
      %add3A_1152 = arith.addi %mul3A_1150, %add3A_1151 : i32
      %mul3A_1153 = arith.constant 160 : i32
      %mul3A_1154 = arith.muli %add3A_1152, %mul3A_1153 : i32
      %add3A_1155 = arith.constant 0 : i32
      %add3A_1156 = arith.addi %mul3A_1154, %add3A_1155 : i32
      %get3A_1157 = arith.index_cast %add3A_1156 : i32 to index
      %get3A_1158 = tpu.vector_load %arg11[%get3A_1157] {strides = array<i32>} : memref<4000xi32, #tpu.memory_space<vmem>>, vector<16xi32>,
      %swap3A_1159 = arith.constant 0 : index
      %swap3A_1160 = tpu.vector_load %arg16[%swap3A_1159] {strides = array<i32>} : memref<160xi32, #tpu.memory_space<vmem>>, vector<16xi32>,
      tpu.vector_store %arg16[%swap3A_1159], %get3A_1158 {strides = array<i32>} : memref<160xi32, #tpu.memory_space<vmem>>, vector<16xi32>,
      tpu.vector_store_idx %arg7[%get3A_1158], %broadcast_in_dim3A_5 {add = true} : memref<10240xf32, #tpu.memory_space<vmem>>[vector<16xi32>], vector<16xf32>,
      %add3A_1161 = arith.constant 16 : i32
      %add3A_1162 = arith.addi %mul3A_1154, %add3A_1161 : i32
      %get3A_1163 = arith.index_cast %add3A_1162 : i32 to index
      %get3A_1164 = tpu.vector_load %arg11[%get3A_1163] {strides = array<i32>} : memref<4000xi32, #tpu.memory_space<vmem>>, vector<16xi32>,
      %swap3A_1165 = arith.constant 16 : index
      %swap3A_1166 = tpu.vector_load %arg16[%swap3A_1165] {strides = array<i32>} : memref<160xi32, #tpu.memory_space<vmem>>, vector<16xi32>,
      tpu.vector_store %arg16[%swap3A_1165], %get3A_1164 {strides = array<i32>} : memref<160xi32, #tpu.memory_space<vmem>>, vector<16xi32>,
      tpu.vector_store_idx %arg7[%get3A_1164], %broadcast_in_dim3A_5 {add = true} : memref<10240xf32, #tpu.memory_space<vmem>>[vector<16xi32>], vector<16xf32>,
      %add3A_1167 = arith.constant 32 : i32
      %add3A_1168 = arith.addi %mul3A_1154, %add3A_1167 : i32
      %get3A_1169 = arith.index_cast %add3A_1168 : i32 to index
      %get3A_1170 = tpu.vector_load %arg11[%get3A_1169] {strides = array<i32>} : memref<4000xi32, #tpu.memory_space<vmem>>, vector<16xi32>,
      %swap3A_1171 = arith.constant 32 : index
      %swap3A_1172 = tpu.vector_load %arg16[%swap3A_1171] {strides = array<i32>} : memref<160xi32, #tpu.memory_space<vmem>>, vector<16xi32>,
      tpu.vector_store %arg16[%swap3A_1171], %get3A_1170 {strides = array<i32>} : memref<160xi32, #tpu.memory_space<vmem>>, vector<16xi32>,
      tpu.vector_store_idx %arg7[%get3A_1170], %broadcast_in_dim3A_5 {add = true} : memref<10240xf32, #tpu.memory_space<vmem>>[vector<16xi32>], vector<16xf32>,
      %add3A_1173 = arith.constant 48 : i32
      %add3A_1174 = arith.addi %mul3A_1154, %add3A_1173 : i32
      %get3A_1175 = arith.index_cast %add3A_1174 : i32 to index
      %get3A_1176 = tpu.vector_load %arg11[%get3A_1175] {strides = array<i32>} : memref<4000xi32, #tpu.memory_space<vmem>>, vector<16xi32>,
      %swap3A_1177 = arith.constant 48 : index
      %swap3A_1178 = tpu.vector_load %arg16[%swap3A_1177] {strides = array<i32>} : memref<160xi32, #tpu.memory_space<vmem>>, vector<16xi32>,
      tpu.vector_store %arg16[%swap3A_1177], %get3A_1176 {strides = array<i32>} : memref<160xi32, #tpu.memory_space<vmem>>, vector<16xi32>,
      tpu.vector_store_idx %arg7[%get3A_1176], %broadcast_in_dim3A_5 {add = true} : memref<10240xf32, #tpu.memory_space<vmem>>[vector<16xi32>], vector<16xf32>,
      %add3A_1179 = arith.constant 64 : i32
      %add3A_1180 = arith.addi %mul3A_1154, %add3A_1179 : i32
      %get3A_1181 = arith.index_cast %add3A_1180 : i32 to index
      %get3A_1182 = tpu.vector_load %arg11[%get3A_1181] {strides = array<i32>} : memref<4000xi32, #tpu.memory_space<vmem>>, vector<16xi32>,
      %swap3A_1183 = arith.constant 64 : index
      %swap3A_1184 = tpu.vector_load %arg16[%swap3A_1183] {strides = array<i32>} : memref<160xi32, #tpu.memory_space<vmem>>, vector<16xi32>,
      tpu.vector_store %arg16[%swap3A_1183], %get3A_1182 {strides = array<i32>} : memref<160xi32, #tpu.memory_space<vmem>>, vector<16xi32>,
      tpu.vector_store_idx %arg7[%get3A_1182], %broadcast_in_dim3A_5 {add = true} : memref<10240xf32, #tpu.memory_space<vmem>>[vector<16xi32>], vector<16xf32>,
      %add3A_1185 = arith.constant 80 : i32
      %add3A_1186 = arith.addi %mul3A_1154, %add3A_1185 : i32
      %get3A_1187 = arith.index_cast %add3A_1186 : i32 to index
      %get3A_1188 = tpu.vector_load %arg11[%get3A_1187] {strides = array<i32>} : memref<4000xi32, #tpu.memory_space<vmem>>, vector<16xi32>,
      %swap3A_1189 = arith.constant 80 : index
      %swap3A_1190 = tpu.vector_load %arg16[%swap3A_1189] {strides = array<i32>} : memref<160xi32, #tpu.memory_space<vmem>>, vector<16xi32>,
      tpu.vector_store %arg16[%swap3A_1189], %get3A_1188 {strides = array<i32>} : memref<160xi32, #tpu.memory_space<vmem>>, vector<16xi32>,
      tpu.vector_store_idx %arg7[%get3A_1188], %broadcast_in_dim3A_5 {add = true} : memref<10240xf32, #tpu.memory_space<vmem>>[vector<16xi32>], vector<16xf32>,
      %add3A_1191 = arith.constant 96 : i32
      %add3A_1192 = arith.addi %mul3A_1154, %add3A_1191 : i32
      %get3A_1193 = arith.index_cast %add3A_1192 : i32 to index
      %get3A_1194 = tpu.vector_load %arg11[%get3A_1193] {strides = array<i32>} : memref<4000xi32, #tpu.memory_space<vmem>>, vector<16xi32>,
      %swap3A_1195 = arith.constant 96 : index
      %swap3A_1196 = tpu.vector_load %arg16[%swap3A_1195] {strides = array<i32>} : memref<160xi32, #tpu.memory_space<vmem>>, vector<16xi32>,
      tpu.vector_store %arg16[%swap3A_1195], %get3A_1194 {strides = array<i32>} : memref<160xi32, #tpu.memory_space<vmem>>, vector<16xi32>,
      tpu.vector_store_idx %arg7[%get3A_1194], %broadcast_in_dim3A_5 {add = true} : memref<10240xf32, #tpu.memory_space<vmem>>[vector<16xi32>], vector<16xf32>,
      %add3A_1197 = arith.constant 112 : i32
      %add3A_1198 = arith.addi %mul3A_1154, %add3A_1197 : i32
      %get3A_1199 = arith.index_cast %add3A_1198 : i32 to index
      %get3A_1200 = tpu.vector_load %arg11[%get3A_1199] {strides = array<i32>} : memref<4000xi32, #tpu.memory_space<vmem>>, vector<16xi32>,
      %swap3A_1201 = arith.constant 112 : index
      %swap3A_1202 = tpu.vector_load %arg16[%swap3A_1201] {strides = array<i32>} : memref<160xi32, #tpu.memory_space<vmem>>, vector<16xi32>,
      tpu.vector_store %arg16[%swap3A_1201], %get3A_1200 {strides = array<i32>} : memref<160xi32, #tpu.memory_space<vmem>>, vector<16xi32>,
      tpu.vector_store_idx %arg7[%get3A_1200], %broadcast_in_dim3A_5 {add = true} : memref<10240xf32, #tpu.memory_space<vmem>>[vector<16xi32>], vector<16xf32>,
      %add3A_1203 = arith.constant 128 : i32
      %add3A_1204 = arith.addi %mul3A_1154, %add3A_1203 : i32
      %get3A_1205 = arith.index_cast %add3A_1204 : i32 to index
      %get3A_1206 = tpu.vector_load %arg11[%get3A_1205] {strides = array<i32>} : memref<4000xi32, #tpu.memory_space<vmem>>, vector<16xi32>,
      %swap3A_1207 = arith.constant 128 : index
      %swap3A_1208 = tpu.vector_load %arg16[%swap3A_1207] {strides = array<i32>} : memref<160xi32, #tpu.memory_space<vmem>>, vector<16xi32>,
      tpu.vector_store %arg16[%swap3A_1207], %get3A_1206 {strides = array<i32>} : memref<160xi32, #tpu.memory_space<vmem>>, vector<16xi32>,
      tpu.vector_store_idx %arg7[%get3A_1206], %broadcast_in_dim3A_5 {add = true} : memref<10240xf32, #tpu.memory_space<vmem>>[vector<16xi32>], vector<16xf32>,
      %add3A_1209 = arith.constant 144 : i32
      %add3A_1210 = arith.addi %mul3A_1154, %add3A_1209 : i32
      %get3A_1211 = arith.index_cast %add3A_1210 : i32 to index
      %get3A_1212 = tpu.vector_load %arg11[%get3A_1211] {strides = array<i32>} : memref<4000xi32, #tpu.memory_space<vmem>>, vector<16xi32>,
      %swap3A_1213 = arith.constant 144 : index
      %swap3A_1214 = tpu.vector_load %arg16[%swap3A_1213] {strides = array<i32>} : memref<160xi32, #tpu.memory_space<vmem>>, vector<16xi32>,
      tpu.vector_store %arg16[%swap3A_1213], %get3A_1212 {strides = array<i32>} : memref<160xi32, #tpu.memory_space<vmem>>, vector<16xi32>,
      tpu.vector_store_idx %arg7[%get3A_1212], %broadcast_in_dim3A_5 {add = true} : memref<10240xf32, #tpu.memory_space<vmem>>[vector<16xi32>], vector<16xf32>,
      %dma_start3A_1215 = tpu.memref_slice %arg12[%mul3A_1154] : memref<4000xi32, #tpu.memory_space<vmem>> -> memref<160xi32, #tpu.memory_space<vmem>>
      %dma_start3A_1216 = arith.constant 0 : i32
      %dma_start3A_1217 = arith.constant 0 : i32
      %dma_start3A_1218 = tpu.memref_slice %arg2[%dma_start3A_1216, %dma_start3A_1217] : memref<200000x64xf32, #tpu.memory_space<hbm>> -> memref<200000x64xf32, #tpu.memory_space<hbm>>
      tpu.enqueue_indirect_dma source(%dma_start3A_1218 : memref<200000x64xf32, #tpu.memory_space<hbm>>) target(%arg14 : memref<160x64xf32, #tpu.memory_space<vmem>>) offsets(%dma_start3A_1215 : memref<160xi32, #tpu.memory_space<vmem>>) semaphore(%arg18 : memref<!tpu.dma_semaphore, #tpu.memory_space<semaphore_mem>>)
      %mul3A_1219 = arith.constant 2 : i32
      %mul3A_1220 = arith.muli %mul3A_1219, %scan3A_1058 : i32
      %add3A_1221 = arith.constant 2 : i32
      %add3A_1222 = arith.addi %mul3A_1220, %add3A_1221 : i32
      %mul3A_1223 = arith.constant 160 : i32
      %mul3A_1224 = arith.muli %add3A_1222, %mul3A_1223 : i32
      %dma_wait3A_1225 = tpu.memref_slice %arg12[%mul3A_1224] : memref<4000xi32, #tpu.memory_space<vmem>> -> memref<160xi32, #tpu.memory_space<vmem>>
      %dma_wait3A_1226 = arith.constant 0 : i32
      %dma_wait3A_1227 = arith.constant 0 : i32
      %dma_wait3A_1228 = tpu.memref_slice %arg2[%dma_wait3A_1226, %dma_wait3A_1227] : memref<200000x64xf32, #tpu.memory_space<hbm>> -> memref<200000x64xf32, #tpu.memory_space<hbm>>
      tpu.wait_indirect_dma semaphore(%arg17 : memref<!tpu.dma_semaphore, #tpu.memory_space<semaphore_mem>>) src(%dma_wait3A_1228 : memref<200000x64xf32, #tpu.memory_space<hbm>>) dst(%arg13 : memref<160x64xf32, #tpu.memory_space<vmem>>)
      %dma_start3A_1229 = arith.constant 0 : i32
      %dma_start3A_1230 = arith.constant 0 : i32
      %dma_start3A_1231 = tpu.memref_slice %arg6[%dma_start3A_1229, %dma_start3A_1230] : memref<10240x64xf32, #tpu.memory_space<vmem_shared>> -> memref<10240x64xf32, #tpu.memory_space<vmem_shared>>
      tpu.enqueue_indirect_dma source(%arg13 : memref<160x64xf32, #tpu.memory_space<vmem>>) target(%dma_start3A_1231 : memref<10240x64xf32, #tpu.memory_space<vmem_shared>>) offsets(%arg15 : memref<160xi32, #tpu.memory_space<vmem>>) semaphore(%arg19 : memref<!tpu.dma_semaphore, #tpu.memory_space<semaphore_mem>>) {add = true}
      %scan3A_1232 = arith.constant 0 : i32
      scf.yield %scan3A_1232 : i32
    }
    %scan3A_758 = arith.constant 11 : i32
    %dma_wait3A_759 = arith.constant 0 : i32
    %dma_wait3A_760 = arith.constant 0 : i32
    %dma_wait3A_761 = tpu.memref_slice %arg6[%dma_wait3A_759, %dma_wait3A_760] : memref<10240x64xf32, #tpu.memory_space<vmem_shared>> -> memref<10240x64xf32, #tpu.memory_space<vmem_shared>>
    tpu.wait_indirect_dma semaphore(%arg19 : memref<!tpu.dma_semaphore, #tpu.memory_space<semaphore_mem>>) src(%arg13 : memref<160x64xf32, #tpu.memory_space<vmem>>) dst(%dma_wait3A_761 : memref<10240x64xf32, #tpu.memory_space<vmem_shared>>)
    %get3A_762 = arith.constant 3840 : index
    %get3A_763 = tpu.vector_load %arg11[%get3A_762] {strides = array<i32>} : memref<4000xi32, #tpu.memory_space<vmem>>, vector<16xi32>,
    %swap3A_764 = arith.constant 0 : index
    %swap3A_765 = tpu.vector_load %arg15[%swap3A_764] {strides = array<i32>} : memref<160xi32, #tpu.memory_space<vmem>>, vector<16xi32>,
    tpu.vector_store %arg15[%swap3A_764], %get3A_763 {strides = array<i32>} : memref<160xi32, #tpu.memory_space<vmem>>, vector<16xi32>,
    tpu.vector_store_idx %arg7[%get3A_763], %broadcast_in_dim3A_5 {add = true} : memref<10240xf32, #tpu.memory_space<vmem>>[vector<16xi32>], vector<16xf32>,
    %get3A_766 = arith.constant 3856 : index
    %get3A_767 = tpu.vector_load %arg11[%get3A_766] {strides = array<i32>} : memref<4000xi32, #tpu.memory_space<vmem>>, vector<16xi32>,
    %swap3A_768 = arith.constant 16 : index
    %swap3A_769 = tpu.vector_load %arg15[%swap3A_768] {strides = array<i32>} : memref<160xi32, #tpu.memory_space<vmem>>, vector<16xi32>,
    tpu.vector_store %arg15[%swap3A_768], %get3A_767 {strides = array<i32>} : memref<160xi32, #tpu.memory_space<vmem>>, vector<16xi32>,
    tpu.vector_store_idx %arg7[%get3A_767], %broadcast_in_dim3A_5 {add = true} : memref<10240xf32, #tpu.memory_space<vmem>>[vector<16xi32>], vector<16xf32>,
    %get3A_770 = arith.constant 3872 : index
    %get3A_771 = tpu.vector_load %arg11[%get3A_770] {strides = array<i32>} : memref<4000xi32, #tpu.memory_space<vmem>>, vector<16xi32>,
    %swap3A_772 = arith.constant 32 : index
    %swap3A_773 = tpu.vector_load %arg15[%swap3A_772] {strides = array<i32>} : memref<160xi32, #tpu.memory_space<vmem>>, vector<16xi32>,
    tpu.vector_store %arg15[%swap3A_772], %get3A_771 {strides = array<i32>} : memref<160xi32, #tpu.memory_space<vmem>>, vector<16xi32>,
    tpu.vector_store_idx %arg7[%get3A_771], %broadcast_in_dim3A_5 {add = true} : memref<10240xf32, #tpu.memory_space<vmem>>[vector<16xi32>], vector<16xf32>,
    %get3A_774 = arith.constant 3888 : index
    %get3A_775 = tpu.vector_load %arg11[%get3A_774] {strides = array<i32>} : memref<4000xi32, #tpu.memory_space<vmem>>, vector<16xi32>,
    %swap3A_776 = arith.constant 48 : index
    %swap3A_777 = tpu.vector_load %arg15[%swap3A_776] {strides = array<i32>} : memref<160xi32, #tpu.memory_space<vmem>>, vector<16xi32>,
    tpu.vector_store %arg15[%swap3A_776], %get3A_775 {strides = array<i32>} : memref<160xi32, #tpu.memory_space<vmem>>, vector<16xi32>,
    tpu.vector_store_idx %arg7[%get3A_775], %broadcast_in_dim3A_5 {add = true} : memref<10240xf32, #tpu.memory_space<vmem>>[vector<16xi32>], vector<16xf32>,
    %get3A_778 = arith.constant 3904 : index
    %get3A_779 = tpu.vector_load %arg11[%get3A_778] {strides = array<i32>} : memref<4000xi32, #tpu.memory_space<vmem>>, vector<16xi32>,
    %swap3A_780 = arith.constant 64 : index
    %swap3A_781 = tpu.vector_load %arg15[%swap3A_780] {strides = array<i32>} : memref<160xi32, #tpu.memory_space<vmem>>, vector<16xi32>,
    tpu.vector_store %arg15[%swap3A_780], %get3A_779 {strides = array<i32>} : memref<160xi32, #tpu.memory_space<vmem>>, vector<16xi32>,
    tpu.vector_store_idx %arg7[%get3A_779], %broadcast_in_dim3A_5 {add = true} : memref<10240xf32, #tpu.memory_space<vmem>>[vector<16xi32>], vector<16xf32>,
    %get3A_782 = arith.constant 3920 : index
    %get3A_783 = tpu.vector_load %arg11[%get3A_782] {strides = array<i32>} : memref<4000xi32, #tpu.memory_space<vmem>>, vector<16xi32>,
    %swap3A_784 = arith.constant 80 : index
    %swap3A_785 = tpu.vector_load %arg15[%swap3A_784] {strides = array<i32>} : memref<160xi32, #tpu.memory_space<vmem>>, vector<16xi32>,
    tpu.vector_store %arg15[%swap3A_784], %get3A_783 {strides = array<i32>} : memref<160xi32, #tpu.memory_space<vmem>>, vector<16xi32>,
    tpu.vector_store_idx %arg7[%get3A_783], %broadcast_in_dim3A_5 {add = true} : memref<10240xf32, #tpu.memory_space<vmem>>[vector<16xi32>], vector<16xf32>,
    %get3A_786 = arith.constant 3936 : index
    %get3A_787 = tpu.vector_load %arg11[%get3A_786] {strides = array<i32>} : memref<4000xi32, #tpu.memory_space<vmem>>, vector<16xi32>,
    %swap3A_788 = arith.constant 96 : index
    %swap3A_789 = tpu.vector_load %arg15[%swap3A_788] {strides = array<i32>} : memref<160xi32, #tpu.memory_space<vmem>>, vector<16xi32>,
    tpu.vector_store %arg15[%swap3A_788], %get3A_787 {strides = array<i32>} : memref<160xi32, #tpu.memory_space<vmem>>, vector<16xi32>,
    tpu.vector_store_idx %arg7[%get3A_787], %broadcast_in_dim3A_5 {add = true} : memref<10240xf32, #tpu.memory_space<vmem>>[vector<16xi32>], vector<16xf32>,
    %get3A_790 = arith.constant 3952 : index
    %get3A_791 = tpu.vector_load %arg11[%get3A_790] {strides = array<i32>} : memref<4000xi32, #tpu.memory_space<vmem>>, vector<16xi32>,
    %swap3A_792 = arith.constant 112 : index
    %swap3A_793 = tpu.vector_load %arg15[%swap3A_792] {strides = array<i32>} : memref<160xi32, #tpu.memory_space<vmem>>, vector<16xi32>,
    tpu.vector_store %arg15[%swap3A_792], %get3A_791 {strides = array<i32>} : memref<160xi32, #tpu.memory_space<vmem>>, vector<16xi32>,
    tpu.vector_store_idx %arg7[%get3A_791], %broadcast_in_dim3A_5 {add = true} : memref<10240xf32, #tpu.memory_space<vmem>>[vector<16xi32>], vector<16xf32>,
    %get3A_794 = arith.constant 3968 : index
    %get3A_795 = tpu.vector_load %arg11[%get3A_794] {strides = array<i32>} : memref<4000xi32, #tpu.memory_space<vmem>>, vector<16xi32>,
    %swap3A_796 = arith.constant 128 : index
    %swap3A_797 = tpu.vector_load %arg15[%swap3A_796] {strides = array<i32>} : memref<160xi32, #tpu.memory_space<vmem>>, vector<16xi32>,
    tpu.vector_store %arg15[%swap3A_796], %get3A_795 {strides = array<i32>} : memref<160xi32, #tpu.memory_space<vmem>>, vector<16xi32>,
    tpu.vector_store_idx %arg7[%get3A_795], %broadcast_in_dim3A_5 {add = true} : memref<10240xf32, #tpu.memory_space<vmem>>[vector<16xi32>], vector<16xf32>,
    %get3A_798 = arith.constant 3984 : index
    %get3A_799 = tpu.vector_load %arg11[%get3A_798] {strides = array<i32>} : memref<4000xi32, #tpu.memory_space<vmem>>, vector<16xi32>,
    %swap3A_800 = arith.constant 144 : index
    %swap3A_801 = tpu.vector_load %arg15[%swap3A_800] {strides = array<i32>} : memref<160xi32, #tpu.memory_space<vmem>>, vector<16xi32>,
    tpu.vector_store %arg15[%swap3A_800], %get3A_799 {strides = array<i32>} : memref<160xi32, #tpu.memory_space<vmem>>, vector<16xi32>,
    tpu.vector_store_idx %arg7[%get3A_799], %broadcast_in_dim3A_5 {add = true} : memref<10240xf32, #tpu.memory_space<vmem>>[vector<16xi32>], vector<16xf32>,
    %dma_start3A_802 = arith.constant 3840 : i32
    %dma_start3A_803 = tpu.memref_slice %arg12[%dma_start3A_802] : memref<4000xi32, #tpu.memory_space<vmem>> -> memref<160xi32, #tpu.memory_space<vmem>>
    %dma_start3A_804 = arith.constant 0 : i32
    %dma_start3A_805 = arith.constant 0 : i32
    %dma_start3A_806 = tpu.memref_slice %arg2[%dma_start3A_804, %dma_start3A_805] : memref<200000x64xf32, #tpu.memory_space<hbm>> -> memref<200000x64xf32, #tpu.memory_space<hbm>>
    tpu.enqueue_indirect_dma source(%dma_start3A_806 : memref<200000x64xf32, #tpu.memory_space<hbm>>) target(%arg13 : memref<160x64xf32, #tpu.memory_space<vmem>>) offsets(%dma_start3A_803 : memref<160xi32, #tpu.memory_space<vmem>>) semaphore(%arg17 : memref<!tpu.dma_semaphore, #tpu.memory_space<semaphore_mem>>)
    %dma_wait3A_807 = arith.constant 3680 : i32
    %dma_wait3A_808 = tpu.memref_slice %arg12[%dma_wait3A_807] : memref<4000xi32, #tpu.memory_space<vmem>> -> memref<160xi32, #tpu.memory_space<vmem>>
    %dma_wait3A_809 = arith.constant 0 : i32
    %dma_wait3A_810 = arith.constant 0 : i32
    %dma_wait3A_811 = tpu.memref_slice %arg2[%dma_wait3A_809, %dma_wait3A_810] : memref<200000x64xf32, #tpu.memory_space<hbm>> -> memref<200000x64xf32, #tpu.memory_space<hbm>>
    tpu.wait_indirect_dma semaphore(%arg18 : memref<!tpu.dma_semaphore, #tpu.memory_space<semaphore_mem>>) src(%dma_wait3A_811 : memref<200000x64xf32, #tpu.memory_space<hbm>>) dst(%arg14 : memref<160x64xf32, #tpu.memory_space<vmem>>)
    %dma_start3A_812 = arith.constant 0 : i32
    %dma_start3A_813 = arith.constant 0 : i32
    %dma_start3A_814 = tpu.memref_slice %arg6[%dma_start3A_812, %dma_start3A_813] : memref<10240x64xf32, #tpu.memory_space<vmem_shared>> -> memref<10240x64xf32, #tpu.memory_space<vmem_shared>>
    tpu.enqueue_indirect_dma source(%arg14 : memref<160x64xf32, #tpu.memory_space<vmem>>) target(%dma_start3A_814 : memref<10240x64xf32, #tpu.memory_space<vmem_shared>>) offsets(%arg16 : memref<160xi32, #tpu.memory_space<vmem>>) semaphore(%arg20 : memref<!tpu.dma_semaphore, #tpu.memory_space<semaphore_mem>>) {add = true}
    %dma_wait3A_815 = arith.constant 3840 : i32
    %dma_wait3A_816 = tpu.memref_slice %arg12[%dma_wait3A_815] : memref<4000xi32, #tpu.memory_space<vmem>> -> memref<160xi32, #tpu.memory_space<vmem>>
    %dma_wait3A_817 = arith.constant 0 : i32
    %dma_wait3A_818 = arith.constant 0 : i32
    %dma_wait3A_819 = tpu.memref_slice %arg2[%dma_wait3A_817, %dma_wait3A_818] : memref<200000x64xf32, #tpu.memory_space<hbm>> -> memref<200000x64xf32, #tpu.memory_space<hbm>>
    tpu.wait_indirect_dma semaphore(%arg17 : memref<!tpu.dma_semaphore, #tpu.memory_space<semaphore_mem>>) src(%dma_wait3A_819 : memref<200000x64xf32, #tpu.memory_space<hbm>>) dst(%arg13 : memref<160x64xf32, #tpu.memory_space<vmem>>)
    %dma_start3A_820 = arith.constant 0 : i32
    %dma_start3A_821 = arith.constant 0 : i32
    %dma_start3A_822 = tpu.memref_slice %arg6[%dma_start3A_820, %dma_start3A_821] : memref<10240x64xf32, #tpu.memory_space<vmem_shared>> -> memref<10240x64xf32, #tpu.memory_space<vmem_shared>>
    tpu.enqueue_indirect_dma source(%arg13 : memref<160x64xf32, #tpu.memory_space<vmem>>) target(%dma_start3A_822 : memref<10240x64xf32, #tpu.memory_space<vmem_shared>>) offsets(%arg15 : memref<160xi32, #tpu.memory_space<vmem>>) semaphore(%arg19 : memref<!tpu.dma_semaphore, #tpu.memory_space<semaphore_mem>>) {add = true}
    %dma_wait3A_823 = arith.constant 0 : i32
    %dma_wait3A_824 = arith.constant 0 : i32
    %dma_wait3A_825 = tpu.memref_slice %arg6[%dma_wait3A_823, %dma_wait3A_824] : memref<10240x64xf32, #tpu.memory_space<vmem_shared>> -> memref<10240x64xf32, #tpu.memory_space<vmem_shared>>
    tpu.wait_indirect_dma semaphore(%arg20 : memref<!tpu.dma_semaphore, #tpu.memory_space<semaphore_mem>>) src(%arg14 : memref<160x64xf32, #tpu.memory_space<vmem>>) dst(%dma_wait3A_825 : memref<10240x64xf32, #tpu.memory_space<vmem_shared>>)
    %dma_wait3A_826 = arith.constant 0 : i32
    %dma_wait3A_827 = arith.constant 0 : i32
    %dma_wait3A_828 = tpu.memref_slice %arg6[%dma_wait3A_826, %dma_wait3A_827] : memref<10240x64xf32, #tpu.memory_space<vmem_shared>> -> memref<10240x64xf32, #tpu.memory_space<vmem_shared>>
    tpu.wait_indirect_dma semaphore(%arg19 : memref<!tpu.dma_semaphore, #tpu.memory_space<semaphore_mem>>) src(%arg13 : memref<160x64xf32, #tpu.memory_space<vmem>>) dst(%dma_wait3A_828 : memref<10240x64xf32, #tpu.memory_space<vmem_shared>>)
    %add3A_829 = arith.constant 16000 : i32
    %add3A_830 = arith.addi %mul3A_0, %add3A_829 : i32
    %dma_wait3A_831 = arith.constant 0 : i32
    %dma_wait3A_832 = tpu.memref_slice %arg3[%dma_wait3A_831, %add3A_830] : memref<3x320000xi32, #tpu.memory_space<hbm>> -> memref<1x4000xi32, #tpu.memory_space<hbm>>
    %dma_wait3A_833 = tpu.memref_squeeze %dma_wait3A_832 : memref<1x4000xi32, #tpu.memory_space<hbm>> -> memref<4000xi32, #tpu.memory_space<hbm>>
    %dma_wait3A_834 = tpu.memref_slice %arg3[%dma_wait3A_831, %add3A_830] : memref<3x320000xi32, #tpu.memory_space<hbm>> -> memref<1x4000xi32, #tpu.memory_space<hbm>>
    %dma_wait3A_835 = tpu.memref_squeeze %dma_wait3A_834 : memref<1x4000xi32, #tpu.memory_space<hbm>> -> memref<4000xi32, #tpu.memory_space<hbm>>
    tpu.wait_dma2 semaphore(%arg21 : memref<!tpu.dma_semaphore, #tpu.memory_space<semaphore_mem>>) src(%dma_wait3A_835 : memref<4000xi32, #tpu.memory_space<hbm>>) dst(%arg9 : memref<4000xi32, #tpu.memory_space<vmem>>)
    %add3A_836 = arith.constant 1 : i32
    %add3A_837 = arith.addi %add3A_836, %arg0 : i32
    %dma_wait3A_838 = tpu.memref_slice %arg3[%add3A_837, %add3A_830] : memref<3x320000xi32, #tpu.memory_space<hbm>> -> memref<1x4000xi32, #tpu.memory_space<hbm>>
    %dma_wait3A_839 = tpu.memref_squeeze %dma_wait3A_838 : memref<1x4000xi32, #tpu.memory_space<hbm>> -> memref<4000xi32, #tpu.memory_space<hbm>>
    %dma_wait3A_840 = tpu.memref_slice %arg3[%add3A_837, %add3A_830] : memref<3x320000xi32, #tpu.memory_space<hbm>> -> memref<1x4000xi32, #tpu.memory_space<hbm>>
    %dma_wait3A_841 = tpu.memref_squeeze %dma_wait3A_840 : memref<1x4000xi32, #tpu.memory_space<hbm>> -> memref<4000xi32, #tpu.memory_space<hbm>>
    tpu.wait_dma2 semaphore(%arg21 : memref<!tpu.dma_semaphore, #tpu.memory_space<semaphore_mem>>) src(%dma_wait3A_841 : memref<4000xi32, #tpu.memory_space<hbm>>) dst(%arg10 : memref<4000xi32, #tpu.memory_space<vmem>>)
    %get3A_842 = arith.constant 0 : index
    %get3A_843 = tpu.vector_load %arg9[%get3A_842] {strides = array<i32>} : memref<4000xi32, #tpu.memory_space<vmem>>, vector<16xi32>,
    %swap3A_844 = arith.constant 0 : index
    %swap3A_845 = tpu.vector_load %arg15[%swap3A_844] {strides = array<i32>} : memref<160xi32, #tpu.memory_space<vmem>>, vector<16xi32>,
    tpu.vector_store %arg15[%swap3A_844], %get3A_843 {strides = array<i32>} : memref<160xi32, #tpu.memory_space<vmem>>, vector<16xi32>,
    tpu.vector_store_idx %arg7[%get3A_843], %broadcast_in_dim3A_5 {add = true} : memref<10240xf32, #tpu.memory_space<vmem>>[vector<16xi32>], vector<16xf32>,
    %get3A_846 = arith.constant 16 : index
    %get3A_847 = tpu.vector_load %arg9[%get3A_846] {strides = array<i32>} : memref<4000xi32, #tpu.memory_space<vmem>>, vector<16xi32>,
    %swap3A_848 = arith.constant 16 : index
    %swap3A_849 = tpu.vector_load %arg15[%swap3A_848] {strides = array<i32>} : memref<160xi32, #tpu.memory_space<vmem>>, vector<16xi32>,
    tpu.vector_store %arg15[%swap3A_848], %get3A_847 {strides = array<i32>} : memref<160xi32, #tpu.memory_space<vmem>>, vector<16xi32>,
    tpu.vector_store_idx %arg7[%get3A_847], %broadcast_in_dim3A_5 {add = true} : memref<10240xf32, #tpu.memory_space<vmem>>[vector<16xi32>], vector<16xf32>,
    %get3A_850 = arith.constant 32 : index
    %get3A_851 = tpu.vector_load %arg9[%get3A_850] {strides = array<i32>} : memref<4000xi32, #tpu.memory_space<vmem>>, vector<16xi32>,
    %swap3A_852 = arith.constant 32 : index
    %swap3A_853 = tpu.vector_load %arg15[%swap3A_852] {strides = array<i32>} : memref<160xi32, #tpu.memory_space<vmem>>, vector<16xi32>,
    tpu.vector_store %arg15[%swap3A_852], %get3A_851 {strides = array<i32>} : memref<160xi32, #tpu.memory_space<vmem>>, vector<16xi32>,
    tpu.vector_store_idx %arg7[%get3A_851], %broadcast_in_dim3A_5 {add = true} : memref<10240xf32, #tpu.memory_space<vmem>>[vector<16xi32>], vector<16xf32>,
    %get3A_854 = arith.constant 48 : index
    %get3A_855 = tpu.vector_load %arg9[%get3A_854] {strides = array<i32>} : memref<4000xi32, #tpu.memory_space<vmem>>, vector<16xi32>,
    %swap3A_856 = arith.constant 48 : index
    %swap3A_857 = tpu.vector_load %arg15[%swap3A_856] {strides = array<i32>} : memref<160xi32, #tpu.memory_space<vmem>>, vector<16xi32>,
    tpu.vector_store %arg15[%swap3A_856], %get3A_855 {strides = array<i32>} : memref<160xi32, #tpu.memory_space<vmem>>, vector<16xi32>,
    tpu.vector_store_idx %arg7[%get3A_855], %broadcast_in_dim3A_5 {add = true} : memref<10240xf32, #tpu.memory_space<vmem>>[vector<16xi32>], vector<16xf32>,
    %get3A_858 = arith.constant 64 : index
    %get3A_859 = tpu.vector_load %arg9[%get3A_858] {strides = array<i32>} : memref<4000xi32, #tpu.memory_space<vmem>>, vector<16xi32>,
    %swap3A_860 = arith.constant 64 : index
    %swap3A_861 = tpu.vector_load %arg15[%swap3A_860] {strides = array<i32>} : memref<160xi32, #tpu.memory_space<vmem>>, vector<16xi32>,
    tpu.vector_store %arg15[%swap3A_860], %get3A_859 {strides = array<i32>} : memref<160xi32, #tpu.memory_space<vmem>>, vector<16xi32>,
    tpu.vector_store_idx %arg7[%get3A_859], %broadcast_in_dim3A_5 {add = true} : memref<10240xf32, #tpu.memory_space<vmem>>[vector<16xi32>], vector<16xf32>,
    %get3A_862 = arith.constant 80 : index
    %get3A_863 = tpu.vector_load %arg9[%get3A_862] {strides = array<i32>} : memref<4000xi32, #tpu.memory_space<vmem>>, vector<16xi32>,
    %swap3A_864 = arith.constant 80 : index
    %swap3A_865 = tpu.vector_load %arg15[%swap3A_864] {strides = array<i32>} : memref<160xi32, #tpu.memory_space<vmem>>, vector<16xi32>,
    tpu.vector_store %arg15[%swap3A_864], %get3A_863 {strides = array<i32>} : memref<160xi32, #tpu.memory_space<vmem>>, vector<16xi32>,
    tpu.vector_store_idx %arg7[%get3A_863], %broadcast_in_dim3A_5 {add = true} : memref<10240xf32, #tpu.memory_space<vmem>>[vector<16xi32>], vector<16xf32>,
    %get3A_866 = arith.constant 96 : index
    %get3A_867 = tpu.vector_load %arg9[%get3A_866] {strides = array<i32>} : memref<4000xi32, #tpu.memory_space<vmem>>, vector<16xi32>,
    %swap3A_868 = arith.constant 96 : index
    %swap3A_869 = tpu.vector_load %arg15[%swap3A_868] {strides = array<i32>} : memref<160xi32, #tpu.memory_space<vmem>>, vector<16xi32>,
    tpu.vector_store %arg15[%swap3A_868], %get3A_867 {strides = array<i32>} : memref<160xi32, #tpu.memory_space<vmem>>, vector<16xi32>,
    tpu.vector_store_idx %arg7[%get3A_867], %broadcast_in_dim3A_5 {add = true} : memref<10240xf32, #tpu.memory_space<vmem>>[vector<16xi32>], vector<16xf32>,
    %get3A_870 = arith.constant 112 : index
    %get3A_871 = tpu.vector_load %arg9[%get3A_870] {strides = array<i32>} : memref<4000xi32, #tpu.memory_space<vmem>>, vector<16xi32>,
    %swap3A_872 = arith.constant 112 : index
    %swap3A_873 = tpu.vector_load %arg15[%swap3A_872] {strides = array<i32>} : memref<160xi32, #tpu.memory_space<vmem>>, vector<16xi32>,
    tpu.vector_store %arg15[%swap3A_872], %get3A_871 {strides = array<i32>} : memref<160xi32, #tpu.memory_space<vmem>>, vector<16xi32>,
    tpu.vector_store_idx %arg7[%get3A_871], %broadcast_in_dim3A_5 {add = true} : memref<10240xf32, #tpu.memory_space<vmem>>[vector<16xi32>], vector<16xf32>,
    %get3A_874 = arith.constant 128 : index
    %get3A_875 = tpu.vector_load %arg9[%get3A_874] {strides = array<i32>} : memref<4000xi32, #tpu.memory_space<vmem>>, vector<16xi32>,
    %swap3A_876 = arith.constant 128 : index
    %swap3A_877 = tpu.vector_load %arg15[%swap3A_876] {strides = array<i32>} : memref<160xi32, #tpu.memory_space<vmem>>, vector<16xi32>,
    tpu.vector_store %arg15[%swap3A_876], %get3A_875 {strides = array<i32>} : memref<160xi32, #tpu.memory_space<vmem>>, vector<16xi32>,
    tpu.vector_store_idx %arg7[%get3A_875], %broadcast_in_dim3A_5 {add = true} : memref<10240xf32, #tpu.memory_space<vmem>>[vector<16xi32>], vector<16xf32>,
    %get3A_878 = arith.constant 144 : index
    %get3A_879 = tpu.vector_load %arg9[%get3A_878] {strides = array<i32>} : memref<4000xi32, #tpu.memory_space<vmem>>, vector<16xi32>,
    %swap3A_880 = arith.constant 144 : index
    %swap3A_881 = tpu.vector_load %arg15[%swap3A_880] {strides = array<i32>} : memref<160xi32, #tpu.memory_space<vmem>>, vector<16xi32>,
    tpu.vector_store %arg15[%swap3A_880], %get3A_879 {strides = array<i32>} : memref<160xi32, #tpu.memory_space<vmem>>, vector<16xi32>,
    tpu.vector_store_idx %arg7[%get3A_879], %broadcast_in_dim3A_5 {add = true} : memref<10240xf32, #tpu.memory_space<vmem>>[vector<16xi32>], vector<16xf32>,
    %dma_start3A_882 = arith.constant 0 : i32
    %dma_start3A_883 = tpu.memref_slice %arg10[%dma_start3A_882] : memref<4000xi32, #tpu.memory_space<vmem>> -> memref<160xi32, #tpu.memory_space<vmem>>
    %dma_start3A_884 = arith.constant 0 : i32
    %dma_start3A_885 = arith.constant 0 : i32
    %dma_start3A_886 = tpu.memref_slice %arg2[%dma_start3A_884, %dma_start3A_885] : memref<200000x64xf32, #tpu.memory_space<hbm>> -> memref<200000x64xf32, #tpu.memory_space<hbm>>
    tpu.enqueue_indirect_dma source(%dma_start3A_886 : memref<200000x64xf32, #tpu.memory_space<hbm>>) target(%arg13 : memref<160x64xf32, #tpu.memory_space<vmem>>) offsets(%dma_start3A_883 : memref<160xi32, #tpu.memory_space<vmem>>) semaphore(%arg17 : memref<!tpu.dma_semaphore, #tpu.memory_space<semaphore_mem>>)
    %get3A_887 = arith.constant 160 : index
    %get3A_888 = tpu.vector_load %arg9[%get3A_887] {strides = array<i32>} : memref<4000xi32, #tpu.memory_space<vmem>>, vector<16xi32>,
    %swap3A_889 = arith.constant 0 : index
    %swap3A_890 = tpu.vector_load %arg16[%swap3A_889] {strides = array<i32>} : memref<160xi32, #tpu.memory_space<vmem>>, vector<16xi32>,
    tpu.vector_store %arg16[%swap3A_889], %get3A_888 {strides = array<i32>} : memref<160xi32, #tpu.memory_space<vmem>>, vector<16xi32>,
    tpu.vector_store_idx %arg7[%get3A_888], %broadcast_in_dim3A_5 {add = true} : memref<10240xf32, #tpu.memory_space<vmem>>[vector<16xi32>], vector<16xf32>,
    %get3A_891 = arith.constant 176 : index
    %get3A_892 = tpu.vector_load %arg9[%get3A_891] {strides = array<i32>} : memref<4000xi32, #tpu.memory_space<vmem>>, vector<16xi32>,
    %swap3A_893 = arith.constant 16 : index
    %swap3A_894 = tpu.vector_load %arg16[%swap3A_893] {strides = array<i32>} : memref<160xi32, #tpu.memory_space<vmem>>, vector<16xi32>,
    tpu.vector_store %arg16[%swap3A_893], %get3A_892 {strides = array<i32>} : memref<160xi32, #tpu.memory_space<vmem>>, vector<16xi32>,
    tpu.vector_store_idx %arg7[%get3A_892], %broadcast_in_dim3A_5 {add = true} : memref<10240xf32, #tpu.memory_space<vmem>>[vector<16xi32>], vector<16xf32>,
    %get3A_895 = arith.constant 192 : index
    %get3A_896 = tpu.vector_load %arg9[%get3A_895] {strides = array<i32>} : memref<4000xi32, #tpu.memory_space<vmem>>, vector<16xi32>,
    %swap3A_897 = arith.constant 32 : index
    %swap3A_898 = tpu.vector_load %arg16[%swap3A_897] {strides = array<i32>} : memref<160xi32, #tpu.memory_space<vmem>>, vector<16xi32>,
    tpu.vector_store %arg16[%swap3A_897], %get3A_896 {strides = array<i32>} : memref<160xi32, #tpu.memory_space<vmem>>, vector<16xi32>,
    tpu.vector_store_idx %arg7[%get3A_896], %broadcast_in_dim3A_5 {add = true} : memref<10240xf32, #tpu.memory_space<vmem>>[vector<16xi32>], vector<16xf32>,
    %get3A_899 = arith.constant 208 : index
    %get3A_900 = tpu.vector_load %arg9[%get3A_899] {strides = array<i32>} : memref<4000xi32, #tpu.memory_space<vmem>>, vector<16xi32>,
    %swap3A_901 = arith.constant 48 : index
    %swap3A_902 = tpu.vector_load %arg16[%swap3A_901] {strides = array<i32>} : memref<160xi32, #tpu.memory_space<vmem>>, vector<16xi32>,
    tpu.vector_store %arg16[%swap3A_901], %get3A_900 {strides = array<i32>} : memref<160xi32, #tpu.memory_space<vmem>>, vector<16xi32>,
    tpu.vector_store_idx %arg7[%get3A_900], %broadcast_in_dim3A_5 {add = true} : memref<10240xf32, #tpu.memory_space<vmem>>[vector<16xi32>], vector<16xf32>,
    %get3A_903 = arith.constant 224 : index
    %get3A_904 = tpu.vector_load %arg9[%get3A_903] {strides = array<i32>} : memref<4000xi32, #tpu.memory_space<vmem>>, vector<16xi32>,
    %swap3A_905 = arith.constant 64 : index
    %swap3A_906 = tpu.vector_load %arg16[%swap3A_905] {strides = array<i32>} : memref<160xi32, #tpu.memory_space<vmem>>, vector<16xi32>,
    tpu.vector_store %arg16[%swap3A_905], %get3A_904 {strides = array<i32>} : memref<160xi32, #tpu.memory_space<vmem>>, vector<16xi32>,
    tpu.vector_store_idx %arg7[%get3A_904], %broadcast_in_dim3A_5 {add = true} : memref<10240xf32, #tpu.memory_space<vmem>>[vector<16xi32>], vector<16xf32>,
    %get3A_907 = arith.constant 240 : index
    %get3A_908 = tpu.vector_load %arg9[%get3A_907] {strides = array<i32>} : memref<4000xi32, #tpu.memory_space<vmem>>, vector<16xi32>,
    %swap3A_909 = arith.constant 80 : index
    %swap3A_910 = tpu.vector_load %arg16[%swap3A_909] {strides = array<i32>} : memref<160xi32, #tpu.memory_space<vmem>>, vector<16xi32>,
    tpu.vector_store %arg16[%swap3A_909], %get3A_908 {strides = array<i32>} : memref<160xi32, #tpu.memory_space<vmem>>, vector<16xi32>,
    tpu.vector_store_idx %arg7[%get3A_908], %broadcast_in_dim3A_5 {add = true} : memref<10240xf32, #tpu.memory_space<vmem>>[vector<16xi32>], vector<16xf32>,
    %get3A_911 = arith.constant 256 : index
    %get3A_912 = tpu.vector_load %arg9[%get3A_911] {strides = array<i32>} : memref<4000xi32, #tpu.memory_space<vmem>>, vector<16xi32>,
    %swap3A_913 = arith.constant 96 : index
    %swap3A_914 = tpu.vector_load %arg16[%swap3A_913] {strides = array<i32>} : memref<160xi32, #tpu.memory_space<vmem>>, vector<16xi32>,
    tpu.vector_store %arg16[%swap3A_913], %get3A_912 {strides = array<i32>} : memref<160xi32, #tpu.memory_space<vmem>>, vector<16xi32>,
    tpu.vector_store_idx %arg7[%get3A_912], %broadcast_in_dim3A_5 {add = true} : memref<10240xf32, #tpu.memory_space<vmem>>[vector<16xi32>], vector<16xf32>,
    %get3A_915 = arith.constant 272 : index
    %get3A_916 = tpu.vector_load %arg9[%get3A_915] {strides = array<i32>} : memref<4000xi32, #tpu.memory_space<vmem>>, vector<16xi32>,
    %swap3A_917 = arith.constant 112 : index
    %swap3A_918 = tpu.vector_load %arg16[%swap3A_917] {strides = array<i32>} : memref<160xi32, #tpu.memory_space<vmem>>, vector<16xi32>,
    tpu.vector_store %arg16[%swap3A_917], %get3A_916 {strides = array<i32>} : memref<160xi32, #tpu.memory_space<vmem>>, vector<16xi32>,
    tpu.vector_store_idx %arg7[%get3A_916], %broadcast_in_dim3A_5 {add = true} : memref<10240xf32, #tpu.memory_space<vmem>>[vector<16xi32>], vector<16xf32>,
    %get3A_919 = arith.constant 288 : index
    %get3A_920 = tpu.vector_load %arg9[%get3A_919] {strides = array<i32>} : memref<4000xi32, #tpu.memory_space<vmem>>, vector<16xi32>,
    %swap3A_921 = arith.constant 128 : index
    %swap3A_922 = tpu.vector_load %arg16[%swap3A_921] {strides = array<i32>} : memref<160xi32, #tpu.memory_space<vmem>>, vector<16xi32>,
    tpu.vector_store %arg16[%swap3A_921], %get3A_920 {strides = array<i32>} : memref<160xi32, #tpu.memory_space<vmem>>, vector<16xi32>,
    tpu.vector_store_idx %arg7[%get3A_920], %broadcast_in_dim3A_5 {add = true} : memref<10240xf32, #tpu.memory_space<vmem>>[vector<16xi32>], vector<16xf32>,
    %get3A_923 = arith.constant 304 : index
    %get3A_924 = tpu.vector_load %arg9[%get3A_923] {strides = array<i32>} : memref<4000xi32, #tpu.memory_space<vmem>>, vector<16xi32>,
    %swap3A_925 = arith.constant 144 : index
    %swap3A_926 = tpu.vector_load %arg16[%swap3A_925] {strides = array<i32>} : memref<160xi32, #tpu.memory_space<vmem>>, vector<16xi32>,
    tpu.vector_store %arg16[%swap3A_925], %get3A_924 {strides = array<i32>} : memref<160xi32, #tpu.memory_space<vmem>>, vector<16xi32>,
    tpu.vector_store_idx %arg7[%get3A_924], %broadcast_in_dim3A_5 {add = true} : memref<10240xf32, #tpu.memory_space<vmem>>[vector<16xi32>], vector<16xf32>,
    %dma_start3A_927 = arith.constant 160 : i32
    %dma_start3A_928 = tpu.memref_slice %arg10[%dma_start3A_927] : memref<4000xi32, #tpu.memory_space<vmem>> -> memref<160xi32, #tpu.memory_space<vmem>>
    %dma_start3A_929 = arith.constant 0 : i32
    %dma_start3A_930 = arith.constant 0 : i32
    %dma_start3A_931 = tpu.memref_slice %arg2[%dma_start3A_929, %dma_start3A_930] : memref<200000x64xf32, #tpu.memory_space<hbm>> -> memref<200000x64xf32, #tpu.memory_space<hbm>>
    tpu.enqueue_indirect_dma source(%dma_start3A_931 : memref<200000x64xf32, #tpu.memory_space<hbm>>) target(%arg14 : memref<160x64xf32, #tpu.memory_space<vmem>>) offsets(%dma_start3A_928 : memref<160xi32, #tpu.memory_space<vmem>>) semaphore(%arg18 : memref<!tpu.dma_semaphore, #tpu.memory_space<semaphore_mem>>)
    %dma_wait3A_932 = arith.constant 0 : i32
    %dma_wait3A_933 = tpu.memref_slice %arg10[%dma_wait3A_932] : memref<4000xi32, #tpu.memory_space<vmem>> -> memref<160xi32, #tpu.memory_space<vmem>>
    %dma_wait3A_934 = arith.constant 0 : i32
    %dma_wait3A_935 = arith.constant 0 : i32
    %dma_wait3A_936 = tpu.memref_slice %arg2[%dma_wait3A_934, %dma_wait3A_935] : memref<200000x64xf32, #tpu.memory_space<hbm>> -> memref<200000x64xf32, #tpu.memory_space<hbm>>
    tpu.wait_indirect_dma semaphore(%arg17 : memref<!tpu.dma_semaphore, #tpu.memory_space<semaphore_mem>>) src(%dma_wait3A_936 : memref<200000x64xf32, #tpu.memory_space<hbm>>) dst(%arg13 : memref<160x64xf32, #tpu.memory_space<vmem>>)
    %dma_start3A_937 = arith.constant 0 : i32
    %dma_start3A_938 = arith.constant 0 : i32
    %dma_start3A_939 = tpu.memref_slice %arg6[%dma_start3A_937, %dma_start3A_938] : memref<10240x64xf32, #tpu.memory_space<vmem_shared>> -> memref<10240x64xf32, #tpu.memory_space<vmem_shared>>
    tpu.enqueue_indirect_dma source(%arg13 : memref<160x64xf32, #tpu.memory_space<vmem>>) target(%dma_start3A_939 : memref<10240x64xf32, #tpu.memory_space<vmem_shared>>) offsets(%arg15 : memref<160xi32, #tpu.memory_space<vmem>>) semaphore(%arg19 : memref<!tpu.dma_semaphore, #tpu.memory_space<semaphore_mem>>) {add = true}
    %scan3A_940 = arith.constant 0 : i32
    %scan3A_941 = arith.constant 0 : i32
    %scan3A_942 = arith.constant 11 : i32
    %scan3A_943 = arith.addi %scan3A_941, %scan3A_942 : i32
    %scan3A_944 = arith.constant 1 : i32
    %scan3A_945 = scf.for %scan3A_1058 = %scan3A_941 to %scan3A_943 step %scan3A_944 iter_args(%scan3A_1059 = %scan3A_940) -> (i32)  : i32 {
      %dma_wait3A_1060 = arith.constant 0 : i32
      %dma_wait3A_1061 = arith.constant 0 : i32
      %dma_wait3A_1062 = tpu.memref_slice %arg6[%dma_wait3A_1060, %dma_wait3A_1061] : memref<10240x64xf32, #tpu.memory_space<vmem_shared>> -> memref<10240x64xf32, #tpu.memory_space<vmem_shared>>
      tpu.wait_indirect_dma semaphore(%arg19 : memref<!tpu.dma_semaphore, #tpu.memory_space<semaphore_mem>>) src(%arg13 : memref<160x64xf32, #tpu.memory_space<vmem>>) dst(%dma_wait3A_1062 : memref<10240x64xf32, #tpu.memory_space<vmem_shared>>)
      %mul3A_1063 = arith.constant 2 : i32
      %mul3A_1064 = arith.muli %mul3A_1063, %scan3A_1058 : i32
      %add3A_1065 = arith.constant 2 : i32
      %add3A_1066 = arith.addi %mul3A_1064, %add3A_1065 : i32
      %mul3A_1067 = arith.constant 160 : i32
      %mul3A_1068 = arith.muli %add3A_1066, %mul3A_1067 : i32
      %add3A_1069 = arith.constant 0 : i32
      %add3A_1070 = arith.addi %mul3A_1068, %add3A_1069 : i32
      %get3A_1071 = arith.index_cast %add3A_1070 : i32 to index
      %get3A_1072 = tpu.vector_load %arg9[%get3A_1071] {strides = array<i32>} : memref<4000xi32, #tpu.memory_space<vmem>>, vector<16xi32>,
      %swap3A_1073 = arith.constant 0 : index
      %swap3A_1074 = tpu.vector_load %arg15[%swap3A_1073] {strides = array<i32>} : memref<160xi32, #tpu.memory_space<vmem>>, vector<16xi32>,
      tpu.vector_store %arg15[%swap3A_1073], %get3A_1072 {strides = array<i32>} : memref<160xi32, #tpu.memory_space<vmem>>, vector<16xi32>,
      tpu.vector_store_idx %arg7[%get3A_1072], %broadcast_in_dim3A_5 {add = true} : memref<10240xf32, #tpu.memory_space<vmem>>[vector<16xi32>], vector<16xf32>,
      %add3A_1075 = arith.constant 16 : i32
      %add3A_1076 = arith.addi %mul3A_1068, %add3A_1075 : i32
      %get3A_1077 = arith.index_cast %add3A_1076 : i32 to index
      %get3A_1078 = tpu.vector_load %arg9[%get3A_1077] {strides = array<i32>} : memref<4000xi32, #tpu.memory_space<vmem>>, vector<16xi32>,
      %swap3A_1079 = arith.constant 16 : index
      %swap3A_1080 = tpu.vector_load %arg15[%swap3A_1079] {strides = array<i32>} : memref<160xi32, #tpu.memory_space<vmem>>, vector<16xi32>,
      tpu.vector_store %arg15[%swap3A_1079], %get3A_1078 {strides = array<i32>} : memref<160xi32, #tpu.memory_space<vmem>>, vector<16xi32>,
      tpu.vector_store_idx %arg7[%get3A_1078], %broadcast_in_dim3A_5 {add = true} : memref<10240xf32, #tpu.memory_space<vmem>>[vector<16xi32>], vector<16xf32>,
      %add3A_1081 = arith.constant 32 : i32
      %add3A_1082 = arith.addi %mul3A_1068, %add3A_1081 : i32
      %get3A_1083 = arith.index_cast %add3A_1082 : i32 to index
      %get3A_1084 = tpu.vector_load %arg9[%get3A_1083] {strides = array<i32>} : memref<4000xi32, #tpu.memory_space<vmem>>, vector<16xi32>,
      %swap3A_1085 = arith.constant 32 : index
      %swap3A_1086 = tpu.vector_load %arg15[%swap3A_1085] {strides = array<i32>} : memref<160xi32, #tpu.memory_space<vmem>>, vector<16xi32>,
      tpu.vector_store %arg15[%swap3A_1085], %get3A_1084 {strides = array<i32>} : memref<160xi32, #tpu.memory_space<vmem>>, vector<16xi32>,
      tpu.vector_store_idx %arg7[%get3A_1084], %broadcast_in_dim3A_5 {add = true} : memref<10240xf32, #tpu.memory_space<vmem>>[vector<16xi32>], vector<16xf32>,
      %add3A_1087 = arith.constant 48 : i32
      %add3A_1088 = arith.addi %mul3A_1068, %add3A_1087 : i32
      %get3A_1089 = arith.index_cast %add3A_1088 : i32 to index
      %get3A_1090 = tpu.vector_load %arg9[%get3A_1089] {strides = array<i32>} : memref<4000xi32, #tpu.memory_space<vmem>>, vector<16xi32>,
      %swap3A_1091 = arith.constant 48 : index
      %swap3A_1092 = tpu.vector_load %arg15[%swap3A_1091] {strides = array<i32>} : memref<160xi32, #tpu.memory_space<vmem>>, vector<16xi32>,
      tpu.vector_store %arg15[%swap3A_1091], %get3A_1090 {strides = array<i32>} : memref<160xi32, #tpu.memory_space<vmem>>, vector<16xi32>,
      tpu.vector_store_idx %arg7[%get3A_1090], %broadcast_in_dim3A_5 {add = true} : memref<10240xf32, #tpu.memory_space<vmem>>[vector<16xi32>], vector<16xf32>,
      %add3A_1093 = arith.constant 64 : i32
      %add3A_1094 = arith.addi %mul3A_1068, %add3A_1093 : i32
      %get3A_1095 = arith.index_cast %add3A_1094 : i32 to index
      %get3A_1096 = tpu.vector_load %arg9[%get3A_1095] {strides = array<i32>} : memref<4000xi32, #tpu.memory_space<vmem>>, vector<16xi32>,
      %swap3A_1097 = arith.constant 64 : index
      %swap3A_1098 = tpu.vector_load %arg15[%swap3A_1097] {strides = array<i32>} : memref<160xi32, #tpu.memory_space<vmem>>, vector<16xi32>,
      tpu.vector_store %arg15[%swap3A_1097], %get3A_1096 {strides = array<i32>} : memref<160xi32, #tpu.memory_space<vmem>>, vector<16xi32>,
      tpu.vector_store_idx %arg7[%get3A_1096], %broadcast_in_dim3A_5 {add = true} : memref<10240xf32, #tpu.memory_space<vmem>>[vector<16xi32>], vector<16xf32>,
      %add3A_1099 = arith.constant 80 : i32
      %add3A_1100 = arith.addi %mul3A_1068, %add3A_1099 : i32
      %get3A_1101 = arith.index_cast %add3A_1100 : i32 to index
      %get3A_1102 = tpu.vector_load %arg9[%get3A_1101] {strides = array<i32>} : memref<4000xi32, #tpu.memory_space<vmem>>, vector<16xi32>,
      %swap3A_1103 = arith.constant 80 : index
      %swap3A_1104 = tpu.vector_load %arg15[%swap3A_1103] {strides = array<i32>} : memref<160xi32, #tpu.memory_space<vmem>>, vector<16xi32>,
      tpu.vector_store %arg15[%swap3A_1103], %get3A_1102 {strides = array<i32>} : memref<160xi32, #tpu.memory_space<vmem>>, vector<16xi32>,
      tpu.vector_store_idx %arg7[%get3A_1102], %broadcast_in_dim3A_5 {add = true} : memref<10240xf32, #tpu.memory_space<vmem>>[vector<16xi32>], vector<16xf32>,
      %add3A_1105 = arith.constant 96 : i32
      %add3A_1106 = arith.addi %mul3A_1068, %add3A_1105 : i32
      %get3A_1107 = arith.index_cast %add3A_1106 : i32 to index
      %get3A_1108 = tpu.vector_load %arg9[%get3A_1107] {strides = array<i32>} : memref<4000xi32, #tpu.memory_space<vmem>>, vector<16xi32>,
      %swap3A_1109 = arith.constant 96 : index
      %swap3A_1110 = tpu.vector_load %arg15[%swap3A_1109] {strides = array<i32>} : memref<160xi32, #tpu.memory_space<vmem>>, vector<16xi32>,
      tpu.vector_store %arg15[%swap3A_1109], %get3A_1108 {strides = array<i32>} : memref<160xi32, #tpu.memory_space<vmem>>, vector<16xi32>,
      tpu.vector_store_idx %arg7[%get3A_1108], %broadcast_in_dim3A_5 {add = true} : memref<10240xf32, #tpu.memory_space<vmem>>[vector<16xi32>], vector<16xf32>,
      %add3A_1111 = arith.constant 112 : i32
      %add3A_1112 = arith.addi %mul3A_1068, %add3A_1111 : i32
      %get3A_1113 = arith.index_cast %add3A_1112 : i32 to index
      %get3A_1114 = tpu.vector_load %arg9[%get3A_1113] {strides = array<i32>} : memref<4000xi32, #tpu.memory_space<vmem>>, vector<16xi32>,
      %swap3A_1115 = arith.constant 112 : index
      %swap3A_1116 = tpu.vector_load %arg15[%swap3A_1115] {strides = array<i32>} : memref<160xi32, #tpu.memory_space<vmem>>, vector<16xi32>,
      tpu.vector_store %arg15[%swap3A_1115], %get3A_1114 {strides = array<i32>} : memref<160xi32, #tpu.memory_space<vmem>>, vector<16xi32>,
      tpu.vector_store_idx %arg7[%get3A_1114], %broadcast_in_dim3A_5 {add = true} : memref<10240xf32, #tpu.memory_space<vmem>>[vector<16xi32>], vector<16xf32>,
      %add3A_1117 = arith.constant 128 : i32
      %add3A_1118 = arith.addi %mul3A_1068, %add3A_1117 : i32
      %get3A_1119 = arith.index_cast %add3A_1118 : i32 to index
      %get3A_1120 = tpu.vector_load %arg9[%get3A_1119] {strides = array<i32>} : memref<4000xi32, #tpu.memory_space<vmem>>, vector<16xi32>,
      %swap3A_1121 = arith.constant 128 : index
      %swap3A_1122 = tpu.vector_load %arg15[%swap3A_1121] {strides = array<i32>} : memref<160xi32, #tpu.memory_space<vmem>>, vector<16xi32>,
      tpu.vector_store %arg15[%swap3A_1121], %get3A_1120 {strides = array<i32>} : memref<160xi32, #tpu.memory_space<vmem>>, vector<16xi32>,
      tpu.vector_store_idx %arg7[%get3A_1120], %broadcast_in_dim3A_5 {add = true} : memref<10240xf32, #tpu.memory_space<vmem>>[vector<16xi32>], vector<16xf32>,
      %add3A_1123 = arith.constant 144 : i32
      %add3A_1124 = arith.addi %mul3A_1068, %add3A_1123 : i32
      %get3A_1125 = arith.index_cast %add3A_1124 : i32 to index
      %get3A_1126 = tpu.vector_load %arg9[%get3A_1125] {strides = array<i32>} : memref<4000xi32, #tpu.memory_space<vmem>>, vector<16xi32>,
      %swap3A_1127 = arith.constant 144 : index
      %swap3A_1128 = tpu.vector_load %arg15[%swap3A_1127] {strides = array<i32>} : memref<160xi32, #tpu.memory_space<vmem>>, vector<16xi32>,
      tpu.vector_store %arg15[%swap3A_1127], %get3A_1126 {strides = array<i32>} : memref<160xi32, #tpu.memory_space<vmem>>, vector<16xi32>,
      tpu.vector_store_idx %arg7[%get3A_1126], %broadcast_in_dim3A_5 {add = true} : memref<10240xf32, #tpu.memory_space<vmem>>[vector<16xi32>], vector<16xf32>,
      %dma_start3A_1129 = tpu.memref_slice %arg10[%mul3A_1068] : memref<4000xi32, #tpu.memory_space<vmem>> -> memref<160xi32, #tpu.memory_space<vmem>>
      %dma_start3A_1130 = arith.constant 0 : i32
      %dma_start3A_1131 = arith.constant 0 : i32
      %dma_start3A_1132 = tpu.memref_slice %arg2[%dma_start3A_1130, %dma_start3A_1131] : memref<200000x64xf32, #tpu.memory_space<hbm>> -> memref<200000x64xf32, #tpu.memory_space<hbm>>
      tpu.enqueue_indirect_dma source(%dma_start3A_1132 : memref<200000x64xf32, #tpu.memory_space<hbm>>) target(%arg13 : memref<160x64xf32, #tpu.memory_space<vmem>>) offsets(%dma_start3A_1129 : memref<160xi32, #tpu.memory_space<vmem>>) semaphore(%arg17 : memref<!tpu.dma_semaphore, #tpu.memory_space<semaphore_mem>>)
      %mul3A_1133 = arith.constant 2 : i32
      %mul3A_1134 = arith.muli %mul3A_1133, %scan3A_1058 : i32
      %add3A_1135 = arith.constant 1 : i32
      %add3A_1136 = arith.addi %mul3A_1134, %add3A_1135 : i32
      %mul3A_1137 = arith.constant 160 : i32
      %mul3A_1138 = arith.muli %add3A_1136, %mul3A_1137 : i32
      %dma_wait3A_1139 = tpu.memref_slice %arg10[%mul3A_1138] : memref<4000xi32, #tpu.memory_space<vmem>> -> memref<160xi32, #tpu.memory_space<vmem>>
      %dma_wait3A_1140 = arith.constant 0 : i32
      %dma_wait3A_1141 = arith.constant 0 : i32
      %dma_wait3A_1142 = tpu.memref_slice %arg2[%dma_wait3A_1140, %dma_wait3A_1141] : memref<200000x64xf32, #tpu.memory_space<hbm>> -> memref<200000x64xf32, #tpu.memory_space<hbm>>
      tpu.wait_indirect_dma semaphore(%arg18 : memref<!tpu.dma_semaphore, #tpu.memory_space<semaphore_mem>>) src(%dma_wait3A_1142 : memref<200000x64xf32, #tpu.memory_space<hbm>>) dst(%arg14 : memref<160x64xf32, #tpu.memory_space<vmem>>)
      %dma_start3A_1143 = arith.constant 0 : i32
      %dma_start3A_1144 = arith.constant 0 : i32
      %dma_start3A_1145 = tpu.memref_slice %arg6[%dma_start3A_1143, %dma_start3A_1144] : memref<10240x64xf32, #tpu.memory_space<vmem_shared>> -> memref<10240x64xf32, #tpu.memory_space<vmem_shared>>
      tpu.enqueue_indirect_dma source(%arg14 : memref<160x64xf32, #tpu.memory_space<vmem>>) target(%dma_start3A_1145 : memref<10240x64xf32, #tpu.memory_space<vmem_shared>>) offsets(%arg16 : memref<160xi32, #tpu.memory_space<vmem>>) semaphore(%arg20 : memref<!tpu.dma_semaphore, #tpu.memory_space<semaphore_mem>>) {add = true}
      %dma_wait3A_1146 = arith.constant 0 : i32
      %dma_wait3A_1147 = arith.constant 0 : i32
      %dma_wait3A_1148 = tpu.memref_slice %arg6[%dma_wait3A_1146, %dma_wait3A_1147] : memref<10240x64xf32, #tpu.memory_space<vmem_shared>> -> memref<10240x64xf32, #tpu.memory_space<vmem_shared>>
      tpu.wait_indirect_dma semaphore(%arg20 : memref<!tpu.dma_semaphore, #tpu.memory_space<semaphore_mem>>) src(%arg14 : memref<160x64xf32, #tpu.memory_space<vmem>>) dst(%dma_wait3A_1148 : memref<10240x64xf32, #tpu.memory_space<vmem_shared>>)
      %mul3A_1149 = arith.constant 2 : i32
      %mul3A_1150 = arith.muli %mul3A_1149, %scan3A_1058 : i32
      %add3A_1151 = arith.constant 3 : i32
      %add3A_1152 = arith.addi %mul3A_1150, %add3A_1151 : i32
      %mul3A_1153 = arith.constant 160 : i32
      %mul3A_1154 = arith.muli %add3A_1152, %mul3A_1153 : i32
      %add3A_1155 = arith.constant 0 : i32
      %add3A_1156 = arith.addi %mul3A_1154, %add3A_1155 : i32
      %get3A_1157 = arith.index_cast %add3A_1156 : i32 to index
      %get3A_1158 = tpu.vector_load %arg9[%get3A_1157] {strides = array<i32>} : memref<4000xi32, #tpu.memory_space<vmem>>, vector<16xi32>,
      %swap3A_1159 = arith.constant 0 : index
      %swap3A_1160 = tpu.vector_load %arg16[%swap3A_1159] {strides = array<i32>} : memref<160xi32, #tpu.memory_space<vmem>>, vector<16xi32>,
      tpu.vector_store %arg16[%swap3A_1159], %get3A_1158 {strides = array<i32>} : memref<160xi32, #tpu.memory_space<vmem>>, vector<16xi32>,
      tpu.vector_store_idx %arg7[%get3A_1158], %broadcast_in_dim3A_5 {add = true} : memref<10240xf32, #tpu.memory_space<vmem>>[vector<16xi32>], vector<16xf32>,
      %add3A_1161 = arith.constant 16 : i32
      %add3A_1162 = arith.addi %mul3A_1154, %add3A_1161 : i32
      %get3A_1163 = arith.index_cast %add3A_1162 : i32 to index
      %get3A_1164 = tpu.vector_load %arg9[%get3A_1163] {strides = array<i32>} : memref<4000xi32, #tpu.memory_space<vmem>>, vector<16xi32>,
      %swap3A_1165 = arith.constant 16 : index
      %swap3A_1166 = tpu.vector_load %arg16[%swap3A_1165] {strides = array<i32>} : memref<160xi32, #tpu.memory_space<vmem>>, vector<16xi32>,
      tpu.vector_store %arg16[%swap3A_1165], %get3A_1164 {strides = array<i32>} : memref<160xi32, #tpu.memory_space<vmem>>, vector<16xi32>,
      tpu.vector_store_idx %arg7[%get3A_1164], %broadcast_in_dim3A_5 {add = true} : memref<10240xf32, #tpu.memory_space<vmem>>[vector<16xi32>], vector<16xf32>,
      %add3A_1167 = arith.constant 32 : i32
      %add3A_1168 = arith.addi %mul3A_1154, %add3A_1167 : i32
      %get3A_1169 = arith.index_cast %add3A_1168 : i32 to index
      %get3A_1170 = tpu.vector_load %arg9[%get3A_1169] {strides = array<i32>} : memref<4000xi32, #tpu.memory_space<vmem>>, vector<16xi32>,
      %swap3A_1171 = arith.constant 32 : index
      %swap3A_1172 = tpu.vector_load %arg16[%swap3A_1171] {strides = array<i32>} : memref<160xi32, #tpu.memory_space<vmem>>, vector<16xi32>,
      tpu.vector_store %arg16[%swap3A_1171], %get3A_1170 {strides = array<i32>} : memref<160xi32, #tpu.memory_space<vmem>>, vector<16xi32>,
      tpu.vector_store_idx %arg7[%get3A_1170], %broadcast_in_dim3A_5 {add = true} : memref<10240xf32, #tpu.memory_space<vmem>>[vector<16xi32>], vector<16xf32>,
      %add3A_1173 = arith.constant 48 : i32
      %add3A_1174 = arith.addi %mul3A_1154, %add3A_1173 : i32
      %get3A_1175 = arith.index_cast %add3A_1174 : i32 to index
      %get3A_1176 = tpu.vector_load %arg9[%get3A_1175] {strides = array<i32>} : memref<4000xi32, #tpu.memory_space<vmem>>, vector<16xi32>,
      %swap3A_1177 = arith.constant 48 : index
      %swap3A_1178 = tpu.vector_load %arg16[%swap3A_1177] {strides = array<i32>} : memref<160xi32, #tpu.memory_space<vmem>>, vector<16xi32>,
      tpu.vector_store %arg16[%swap3A_1177], %get3A_1176 {strides = array<i32>} : memref<160xi32, #tpu.memory_space<vmem>>, vector<16xi32>,
      tpu.vector_store_idx %arg7[%get3A_1176], %broadcast_in_dim3A_5 {add = true} : memref<10240xf32, #tpu.memory_space<vmem>>[vector<16xi32>], vector<16xf32>,
      %add3A_1179 = arith.constant 64 : i32
      %add3A_1180 = arith.addi %mul3A_1154, %add3A_1179 : i32
      %get3A_1181 = arith.index_cast %add3A_1180 : i32 to index
      %get3A_1182 = tpu.vector_load %arg9[%get3A_1181] {strides = array<i32>} : memref<4000xi32, #tpu.memory_space<vmem>>, vector<16xi32>,
      %swap3A_1183 = arith.constant 64 : index
      %swap3A_1184 = tpu.vector_load %arg16[%swap3A_1183] {strides = array<i32>} : memref<160xi32, #tpu.memory_space<vmem>>, vector<16xi32>,
      tpu.vector_store %arg16[%swap3A_1183], %get3A_1182 {strides = array<i32>} : memref<160xi32, #tpu.memory_space<vmem>>, vector<16xi32>,
      tpu.vector_store_idx %arg7[%get3A_1182], %broadcast_in_dim3A_5 {add = true} : memref<10240xf32, #tpu.memory_space<vmem>>[vector<16xi32>], vector<16xf32>,
      %add3A_1185 = arith.constant 80 : i32
      %add3A_1186 = arith.addi %mul3A_1154, %add3A_1185 : i32
      %get3A_1187 = arith.index_cast %add3A_1186 : i32 to index
      %get3A_1188 = tpu.vector_load %arg9[%get3A_1187] {strides = array<i32>} : memref<4000xi32, #tpu.memory_space<vmem>>, vector<16xi32>,
      %swap3A_1189 = arith.constant 80 : index
      %swap3A_1190 = tpu.vector_load %arg16[%swap3A_1189] {strides = array<i32>} : memref<160xi32, #tpu.memory_space<vmem>>, vector<16xi32>,
      tpu.vector_store %arg16[%swap3A_1189], %get3A_1188 {strides = array<i32>} : memref<160xi32, #tpu.memory_space<vmem>>, vector<16xi32>,
      tpu.vector_store_idx %arg7[%get3A_1188], %broadcast_in_dim3A_5 {add = true} : memref<10240xf32, #tpu.memory_space<vmem>>[vector<16xi32>], vector<16xf32>,
      %add3A_1191 = arith.constant 96 : i32
      %add3A_1192 = arith.addi %mul3A_1154, %add3A_1191 : i32
      %get3A_1193 = arith.index_cast %add3A_1192 : i32 to index
      %get3A_1194 = tpu.vector_load %arg9[%get3A_1193] {strides = array<i32>} : memref<4000xi32, #tpu.memory_space<vmem>>, vector<16xi32>,
      %swap3A_1195 = arith.constant 96 : index
      %swap3A_1196 = tpu.vector_load %arg16[%swap3A_1195] {strides = array<i32>} : memref<160xi32, #tpu.memory_space<vmem>>, vector<16xi32>,
      tpu.vector_store %arg16[%swap3A_1195], %get3A_1194 {strides = array<i32>} : memref<160xi32, #tpu.memory_space<vmem>>, vector<16xi32>,
      tpu.vector_store_idx %arg7[%get3A_1194], %broadcast_in_dim3A_5 {add = true} : memref<10240xf32, #tpu.memory_space<vmem>>[vector<16xi32>], vector<16xf32>,
      %add3A_1197 = arith.constant 112 : i32
      %add3A_1198 = arith.addi %mul3A_1154, %add3A_1197 : i32
      %get3A_1199 = arith.index_cast %add3A_1198 : i32 to index
      %get3A_1200 = tpu.vector_load %arg9[%get3A_1199] {strides = array<i32>} : memref<4000xi32, #tpu.memory_space<vmem>>, vector<16xi32>,
      %swap3A_1201 = arith.constant 112 : index
      %swap3A_1202 = tpu.vector_load %arg16[%swap3A_1201] {strides = array<i32>} : memref<160xi32, #tpu.memory_space<vmem>>, vector<16xi32>,
      tpu.vector_store %arg16[%swap3A_1201], %get3A_1200 {strides = array<i32>} : memref<160xi32, #tpu.memory_space<vmem>>, vector<16xi32>,
      tpu.vector_store_idx %arg7[%get3A_1200], %broadcast_in_dim3A_5 {add = true} : memref<10240xf32, #tpu.memory_space<vmem>>[vector<16xi32>], vector<16xf32>,
      %add3A_1203 = arith.constant 128 : i32
      %add3A_1204 = arith.addi %mul3A_1154, %add3A_1203 : i32
      %get3A_1205 = arith.index_cast %add3A_1204 : i32 to index
      %get3A_1206 = tpu.vector_load %arg9[%get3A_1205] {strides = array<i32>} : memref<4000xi32, #tpu.memory_space<vmem>>, vector<16xi32>,
      %swap3A_1207 = arith.constant 128 : index
      %swap3A_1208 = tpu.vector_load %arg16[%swap3A_1207] {strides = array<i32>} : memref<160xi32, #tpu.memory_space<vmem>>, vector<16xi32>,
      tpu.vector_store %arg16[%swap3A_1207], %get3A_1206 {strides = array<i32>} : memref<160xi32, #tpu.memory_space<vmem>>, vector<16xi32>,
      tpu.vector_store_idx %arg7[%get3A_1206], %broadcast_in_dim3A_5 {add = true} : memref<10240xf32, #tpu.memory_space<vmem>>[vector<16xi32>], vector<16xf32>,
      %add3A_1209 = arith.constant 144 : i32
      %add3A_1210 = arith.addi %mul3A_1154, %add3A_1209 : i32
      %get3A_1211 = arith.index_cast %add3A_1210 : i32 to index
      %get3A_1212 = tpu.vector_load %arg9[%get3A_1211] {strides = array<i32>} : memref<4000xi32, #tpu.memory_space<vmem>>, vector<16xi32>,
      %swap3A_1213 = arith.constant 144 : index
      %swap3A_1214 = tpu.vector_load %arg16[%swap3A_1213] {strides = array<i32>} : memref<160xi32, #tpu.memory_space<vmem>>, vector<16xi32>,
      tpu.vector_store %arg16[%swap3A_1213], %get3A_1212 {strides = array<i32>} : memref<160xi32, #tpu.memory_space<vmem>>, vector<16xi32>,
      tpu.vector_store_idx %arg7[%get3A_1212], %broadcast_in_dim3A_5 {add = true} : memref<10240xf32, #tpu.memory_space<vmem>>[vector<16xi32>], vector<16xf32>,
      %dma_start3A_1215 = tpu.memref_slice %arg10[%mul3A_1154] : memref<4000xi32, #tpu.memory_space<vmem>> -> memref<160xi32, #tpu.memory_space<vmem>>
      %dma_start3A_1216 = arith.constant 0 : i32
      %dma_start3A_1217 = arith.constant 0 : i32
      %dma_start3A_1218 = tpu.memref_slice %arg2[%dma_start3A_1216, %dma_start3A_1217] : memref<200000x64xf32, #tpu.memory_space<hbm>> -> memref<200000x64xf32, #tpu.memory_space<hbm>>
      tpu.enqueue_indirect_dma source(%dma_start3A_1218 : memref<200000x64xf32, #tpu.memory_space<hbm>>) target(%arg14 : memref<160x64xf32, #tpu.memory_space<vmem>>) offsets(%dma_start3A_1215 : memref<160xi32, #tpu.memory_space<vmem>>) semaphore(%arg18 : memref<!tpu.dma_semaphore, #tpu.memory_space<semaphore_mem>>)
      %mul3A_1219 = arith.constant 2 : i32
      %mul3A_1220 = arith.muli %mul3A_1219, %scan3A_1058 : i32
      %add3A_1221 = arith.constant 2 : i32
      %add3A_1222 = arith.addi %mul3A_1220, %add3A_1221 : i32
      %mul3A_1223 = arith.constant 160 : i32
      %mul3A_1224 = arith.muli %add3A_1222, %mul3A_1223 : i32
      %dma_wait3A_1225 = tpu.memref_slice %arg10[%mul3A_1224] : memref<4000xi32, #tpu.memory_space<vmem>> -> memref<160xi32, #tpu.memory_space<vmem>>
      %dma_wait3A_1226 = arith.constant 0 : i32
      %dma_wait3A_1227 = arith.constant 0 : i32
      %dma_wait3A_1228 = tpu.memref_slice %arg2[%dma_wait3A_1226, %dma_wait3A_1227] : memref<200000x64xf32, #tpu.memory_space<hbm>> -> memref<200000x64xf32, #tpu.memory_space<hbm>>
      tpu.wait_indirect_dma semaphore(%arg17 : memref<!tpu.dma_semaphore, #tpu.memory_space<semaphore_mem>>) src(%dma_wait3A_1228 : memref<200000x64xf32, #tpu.memory_space<hbm>>) dst(%arg13 : memref<160x64xf32, #tpu.memory_space<vmem>>)
      %dma_start3A_1229 = arith.constant 0 : i32
      %dma_start3A_1230 = arith.constant 0 : i32
      %dma_start3A_1231 = tpu.memref_slice %arg6[%dma_start3A_1229, %dma_start3A_1230] : memref<10240x64xf32, #tpu.memory_space<vmem_shared>> -> memref<10240x64xf32, #tpu.memory_space<vmem_shared>>
      tpu.enqueue_indirect_dma source(%arg13 : memref<160x64xf32, #tpu.memory_space<vmem>>) target(%dma_start3A_1231 : memref<10240x64xf32, #tpu.memory_space<vmem_shared>>) offsets(%arg15 : memref<160xi32, #tpu.memory_space<vmem>>) semaphore(%arg19 : memref<!tpu.dma_semaphore, #tpu.memory_space<semaphore_mem>>) {add = true}
      %scan3A_1232 = arith.constant 0 : i32
      scf.yield %scan3A_1232 : i32
    }
    %scan3A_946 = arith.constant 11 : i32
    %dma_wait3A_947 = arith.constant 0 : i32
    %dma_wait3A_948 = arith.constant 0 : i32
    %dma_wait3A_949 = tpu.memref_slice %arg6[%dma_wait3A_947, %dma_wait3A_948] : memref<10240x64xf32, #tpu.memory_space<vmem_shared>> -> memref<10240x64xf32, #tpu.memory_space<vmem_shared>>
    tpu.wait_indirect_dma semaphore(%arg19 : memref<!tpu.dma_semaphore, #tpu.memory_space<semaphore_mem>>) src(%arg13 : memref<160x64xf32, #tpu.memory_space<vmem>>) dst(%dma_wait3A_949 : memref<10240x64xf32, #tpu.memory_space<vmem_shared>>)
    %get3A_950 = arith.constant 3840 : index
    %get3A_951 = tpu.vector_load %arg9[%get3A_950] {strides = array<i32>} : memref<4000xi32, #tpu.memory_space<vmem>>, vector<16xi32>,
    %swap3A_952 = arith.constant 0 : index
    %swap3A_953 = tpu.vector_load %arg15[%swap3A_952] {strides = array<i32>} : memref<160xi32, #tpu.memory_space<vmem>>, vector<16xi32>,
    tpu.vector_store %arg15[%swap3A_952], %get3A_951 {strides = array<i32>} : memref<160xi32, #tpu.memory_space<vmem>>, vector<16xi32>,
    tpu.vector_store_idx %arg7[%get3A_951], %broadcast_in_dim3A_5 {add = true} : memref<10240xf32, #tpu.memory_space<vmem>>[vector<16xi32>], vector<16xf32>,
    %get3A_954 = arith.constant 3856 : index
    %get3A_955 = tpu.vector_load %arg9[%get3A_954] {strides = array<i32>} : memref<4000xi32, #tpu.memory_space<vmem>>, vector<16xi32>,
    %swap3A_956 = arith.constant 16 : index
    %swap3A_957 = tpu.vector_load %arg15[%swap3A_956] {strides = array<i32>} : memref<160xi32, #tpu.memory_space<vmem>>, vector<16xi32>,
    tpu.vector_store %arg15[%swap3A_956], %get3A_955 {strides = array<i32>} : memref<160xi32, #tpu.memory_space<vmem>>, vector<16xi32>,
    tpu.vector_store_idx %arg7[%get3A_955], %broadcast_in_dim3A_5 {add = true} : memref<10240xf32, #tpu.memory_space<vmem>>[vector<16xi32>], vector<16xf32>,
    %get3A_958 = arith.constant 3872 : index
    %get3A_959 = tpu.vector_load %arg9[%get3A_958] {strides = array<i32>} : memref<4000xi32, #tpu.memory_space<vmem>>, vector<16xi32>,
    %swap3A_960 = arith.constant 32 : index
    %swap3A_961 = tpu.vector_load %arg15[%swap3A_960] {strides = array<i32>} : memref<160xi32, #tpu.memory_space<vmem>>, vector<16xi32>,
    tpu.vector_store %arg15[%swap3A_960], %get3A_959 {strides = array<i32>} : memref<160xi32, #tpu.memory_space<vmem>>, vector<16xi32>,
    tpu.vector_store_idx %arg7[%get3A_959], %broadcast_in_dim3A_5 {add = true} : memref<10240xf32, #tpu.memory_space<vmem>>[vector<16xi32>], vector<16xf32>,
    %get3A_962 = arith.constant 3888 : index
    %get3A_963 = tpu.vector_load %arg9[%get3A_962] {strides = array<i32>} : memref<4000xi32, #tpu.memory_space<vmem>>, vector<16xi32>,
    %swap3A_964 = arith.constant 48 : index
    %swap3A_965 = tpu.vector_load %arg15[%swap3A_964] {strides = array<i32>} : memref<160xi32, #tpu.memory_space<vmem>>, vector<16xi32>,
    tpu.vector_store %arg15[%swap3A_964], %get3A_963 {strides = array<i32>} : memref<160xi32, #tpu.memory_space<vmem>>, vector<16xi32>,
    tpu.vector_store_idx %arg7[%get3A_963], %broadcast_in_dim3A_5 {add = true} : memref<10240xf32, #tpu.memory_space<vmem>>[vector<16xi32>], vector<16xf32>,
    %get3A_966 = arith.constant 3904 : index
    %get3A_967 = tpu.vector_load %arg9[%get3A_966] {strides = array<i32>} : memref<4000xi32, #tpu.memory_space<vmem>>, vector<16xi32>,
    %swap3A_968 = arith.constant 64 : index
    %swap3A_969 = tpu.vector_load %arg15[%swap3A_968] {strides = array<i32>} : memref<160xi32, #tpu.memory_space<vmem>>, vector<16xi32>,
    tpu.vector_store %arg15[%swap3A_968], %get3A_967 {strides = array<i32>} : memref<160xi32, #tpu.memory_space<vmem>>, vector<16xi32>,
    tpu.vector_store_idx %arg7[%get3A_967], %broadcast_in_dim3A_5 {add = true} : memref<10240xf32, #tpu.memory_space<vmem>>[vector<16xi32>], vector<16xf32>,
    %get3A_970 = arith.constant 3920 : index
    %get3A_971 = tpu.vector_load %arg9[%get3A_970] {strides = array<i32>} : memref<4000xi32, #tpu.memory_space<vmem>>, vector<16xi32>,
    %swap3A_972 = arith.constant 80 : index
    %swap3A_973 = tpu.vector_load %arg15[%swap3A_972] {strides = array<i32>} : memref<160xi32, #tpu.memory_space<vmem>>, vector<16xi32>,
    tpu.vector_store %arg15[%swap3A_972], %get3A_971 {strides = array<i32>} : memref<160xi32, #tpu.memory_space<vmem>>, vector<16xi32>,
    tpu.vector_store_idx %arg7[%get3A_971], %broadcast_in_dim3A_5 {add = true} : memref<10240xf32, #tpu.memory_space<vmem>>[vector<16xi32>], vector<16xf32>,
    %get3A_974 = arith.constant 3936 : index
    %get3A_975 = tpu.vector_load %arg9[%get3A_974] {strides = array<i32>} : memref<4000xi32, #tpu.memory_space<vmem>>, vector<16xi32>,
    %swap3A_976 = arith.constant 96 : index
    %swap3A_977 = tpu.vector_load %arg15[%swap3A_976] {strides = array<i32>} : memref<160xi32, #tpu.memory_space<vmem>>, vector<16xi32>,
    tpu.vector_store %arg15[%swap3A_976], %get3A_975 {strides = array<i32>} : memref<160xi32, #tpu.memory_space<vmem>>, vector<16xi32>,
    tpu.vector_store_idx %arg7[%get3A_975], %broadcast_in_dim3A_5 {add = true} : memref<10240xf32, #tpu.memory_space<vmem>>[vector<16xi32>], vector<16xf32>,
    %get3A_978 = arith.constant 3952 : index
    %get3A_979 = tpu.vector_load %arg9[%get3A_978] {strides = array<i32>} : memref<4000xi32, #tpu.memory_space<vmem>>, vector<16xi32>,
    %swap3A_980 = arith.constant 112 : index
    %swap3A_981 = tpu.vector_load %arg15[%swap3A_980] {strides = array<i32>} : memref<160xi32, #tpu.memory_space<vmem>>, vector<16xi32>,
    tpu.vector_store %arg15[%swap3A_980], %get3A_979 {strides = array<i32>} : memref<160xi32, #tpu.memory_space<vmem>>, vector<16xi32>,
    tpu.vector_store_idx %arg7[%get3A_979], %broadcast_in_dim3A_5 {add = true} : memref<10240xf32, #tpu.memory_space<vmem>>[vector<16xi32>], vector<16xf32>,
    %get3A_982 = arith.constant 3968 : index
    %get3A_983 = tpu.vector_load %arg9[%get3A_982] {strides = array<i32>} : memref<4000xi32, #tpu.memory_space<vmem>>, vector<16xi32>,
    %swap3A_984 = arith.constant 128 : index
    %swap3A_985 = tpu.vector_load %arg15[%swap3A_984] {strides = array<i32>} : memref<160xi32, #tpu.memory_space<vmem>>, vector<16xi32>,
    tpu.vector_store %arg15[%swap3A_984], %get3A_983 {strides = array<i32>} : memref<160xi32, #tpu.memory_space<vmem>>, vector<16xi32>,
    tpu.vector_store_idx %arg7[%get3A_983], %broadcast_in_dim3A_5 {add = true} : memref<10240xf32, #tpu.memory_space<vmem>>[vector<16xi32>], vector<16xf32>,
    %get3A_986 = arith.constant 3984 : index
    %get3A_987 = tpu.vector_load %arg9[%get3A_986] {strides = array<i32>} : memref<4000xi32, #tpu.memory_space<vmem>>, vector<16xi32>,
    %swap3A_988 = arith.constant 144 : index
    %swap3A_989 = tpu.vector_load %arg15[%swap3A_988] {strides = array<i32>} : memref<160xi32, #tpu.memory_space<vmem>>, vector<16xi32>,
    tpu.vector_store %arg15[%swap3A_988], %get3A_987 {strides = array<i32>} : memref<160xi32, #tpu.memory_space<vmem>>, vector<16xi32>,
    tpu.vector_store_idx %arg7[%get3A_987], %broadcast_in_dim3A_5 {add = true} : memref<10240xf32, #tpu.memory_space<vmem>>[vector<16xi32>], vector<16xf32>,
    %dma_start3A_990 = arith.constant 3840 : i32
    %dma_start3A_991 = tpu.memref_slice %arg10[%dma_start3A_990] : memref<4000xi32, #tpu.memory_space<vmem>> -> memref<160xi32, #tpu.memory_space<vmem>>
    %dma_start3A_992 = arith.constant 0 : i32
    %dma_start3A_993 = arith.constant 0 : i32
    %dma_start3A_994 = tpu.memref_slice %arg2[%dma_start3A_992, %dma_start3A_993] : memref<200000x64xf32, #tpu.memory_space<hbm>> -> memref<200000x64xf32, #tpu.memory_space<hbm>>
    tpu.enqueue_indirect_dma source(%dma_start3A_994 : memref<200000x64xf32, #tpu.memory_space<hbm>>) target(%arg13 : memref<160x64xf32, #tpu.memory_space<vmem>>) offsets(%dma_start3A_991 : memref<160xi32, #tpu.memory_space<vmem>>) semaphore(%arg17 : memref<!tpu.dma_semaphore, #tpu.memory_space<semaphore_mem>>)
    %dma_wait3A_995 = arith.constant 3680 : i32
    %dma_wait3A_996 = tpu.memref_slice %arg10[%dma_wait3A_995] : memref<4000xi32, #tpu.memory_space<vmem>> -> memref<160xi32, #tpu.memory_space<vmem>>
    %dma_wait3A_997 = arith.constant 0 : i32
    %dma_wait3A_998 = arith.constant 0 : i32
    %dma_wait3A_999 = tpu.memref_slice %arg2[%dma_wait3A_997, %dma_wait3A_998] : memref<200000x64xf32, #tpu.memory_space<hbm>> -> memref<200000x64xf32, #tpu.memory_space<hbm>>
    tpu.wait_indirect_dma semaphore(%arg18 : memref<!tpu.dma_semaphore, #tpu.memory_space<semaphore_mem>>) src(%dma_wait3A_999 : memref<200000x64xf32, #tpu.memory_space<hbm>>) dst(%arg14 : memref<160x64xf32, #tpu.memory_space<vmem>>)
    %dma_start3A_1000 = arith.constant 0 : i32
    %dma_start3A_1001 = arith.constant 0 : i32
    %dma_start3A_1002 = tpu.memref_slice %arg6[%dma_start3A_1000, %dma_start3A_1001] : memref<10240x64xf32, #tpu.memory_space<vmem_shared>> -> memref<10240x64xf32, #tpu.memory_space<vmem_shared>>
    tpu.enqueue_indirect_dma source(%arg14 : memref<160x64xf32, #tpu.memory_space<vmem>>) target(%dma_start3A_1002 : memref<10240x64xf32, #tpu.memory_space<vmem_shared>>) offsets(%arg16 : memref<160xi32, #tpu.memory_space<vmem>>) semaphore(%arg20 : memref<!tpu.dma_semaphore, #tpu.memory_space<semaphore_mem>>) {add = true}
    %dma_wait3A_1003 = arith.constant 3840 : i32
    %dma_wait3A_1004 = tpu.memref_slice %arg10[%dma_wait3A_1003] : memref<4000xi32, #tpu.memory_space<vmem>> -> memref<160xi32, #tpu.memory_space<vmem>>
    %dma_wait3A_1005 = arith.constant 0 : i32
    %dma_wait3A_1006 = arith.constant 0 : i32
    %dma_wait3A_1007 = tpu.memref_slice %arg2[%dma_wait3A_1005, %dma_wait3A_1006] : memref<200000x64xf32, #tpu.memory_space<hbm>> -> memref<200000x64xf32, #tpu.memory_space<hbm>>
    tpu.wait_indirect_dma semaphore(%arg17 : memref<!tpu.dma_semaphore, #tpu.memory_space<semaphore_mem>>) src(%dma_wait3A_1007 : memref<200000x64xf32, #tpu.memory_space<hbm>>) dst(%arg13 : memref<160x64xf32, #tpu.memory_space<vmem>>)
    %dma_start3A_1008 = arith.constant 0 : i32
    %dma_start3A_1009 = arith.constant 0 : i32
    %dma_start3A_1010 = tpu.memref_slice %arg6[%dma_start3A_1008, %dma_start3A_1009] : memref<10240x64xf32, #tpu.memory_space<vmem_shared>> -> memref<10240x64xf32, #tpu.memory_space<vmem_shared>>
    tpu.enqueue_indirect_dma source(%arg13 : memref<160x64xf32, #tpu.memory_space<vmem>>) target(%dma_start3A_1010 : memref<10240x64xf32, #tpu.memory_space<vmem_shared>>) offsets(%arg15 : memref<160xi32, #tpu.memory_space<vmem>>) semaphore(%arg19 : memref<!tpu.dma_semaphore, #tpu.memory_space<semaphore_mem>>) {add = true}
    %dma_wait3A_1011 = arith.constant 0 : i32
    %dma_wait3A_1012 = arith.constant 0 : i32
    %dma_wait3A_1013 = tpu.memref_slice %arg6[%dma_wait3A_1011, %dma_wait3A_1012] : memref<10240x64xf32, #tpu.memory_space<vmem_shared>> -> memref<10240x64xf32, #tpu.memory_space<vmem_shared>>
    tpu.wait_indirect_dma semaphore(%arg20 : memref<!tpu.dma_semaphore, #tpu.memory_space<semaphore_mem>>) src(%arg14 : memref<160x64xf32, #tpu.memory_space<vmem>>) dst(%dma_wait3A_1013 : memref<10240x64xf32, #tpu.memory_space<vmem_shared>>)
    %dma_wait3A_1014 = arith.constant 0 : i32
    %dma_wait3A_1015 = arith.constant 0 : i32
    %dma_wait3A_1016 = tpu.memref_slice %arg6[%dma_wait3A_1014, %dma_wait3A_1015] : memref<10240x64xf32, #tpu.memory_space<vmem_shared>> -> memref<10240x64xf32, #tpu.memory_space<vmem_shared>>
    tpu.wait_indirect_dma semaphore(%arg19 : memref<!tpu.dma_semaphore, #tpu.memory_space<semaphore_mem>>) src(%arg13 : memref<160x64xf32, #tpu.memory_space<vmem>>) dst(%dma_wait3A_1016 : memref<10240x64xf32, #tpu.memory_space<vmem_shared>>)
    %barrier3A_1017 = arith.constant 0 : index
    tpu.barrier barrier_id(%barrier3A_1017)
    %add3A_1018 = arith.constant 0 : i32
    %add3A_1019 = arith.addi %mul3A_2, %add3A_1018 : i32
    "tpu.region"() ({
      %run_scoped3A_1058 = tpu.sem_alloc : memref<!tpu.dma_semaphore, #tpu.memory_space<semaphore_mem>>
      %dma_start3A_1059 = arith.constant 0 : i32
      %dma_start3A_1060 = tpu.memref_slice %arg6[%add3A_1019, %dma_start3A_1059] : memref<10240x64xf32, #tpu.memory_space<vmem_shared>> -> memref<64x64xf32, #tpu.memory_space<vmem_shared>>
      %dma_start3A_1061 = arith.constant 0 : i32
      %dma_start3A_1062 = tpu.memref_slice %arg6[%add3A_1019, %dma_start3A_1061] : memref<10240x64xf32, #tpu.memory_space<vmem_shared>> -> memref<64x64xf32, #tpu.memory_space<vmem_shared>>
      tpu.enqueue_dma source(%dma_start3A_1062 : memref<64x64xf32, #tpu.memory_space<vmem_shared>>) target(%arg8 : memref<64x64xf32, #tpu.memory_space<vmem>>) target_semaphore(%run_scoped3A_1058 : memref<!tpu.dma_semaphore, #tpu.memory_space<semaphore_mem>>)
      %dma_wait3A_1063 = arith.constant 0 : i32
      %dma_wait3A_1064 = tpu.memref_slice %arg6[%add3A_1019, %dma_wait3A_1063] : memref<10240x64xf32, #tpu.memory_space<vmem_shared>> -> memref<64x64xf32, #tpu.memory_space<vmem_shared>>
      %dma_wait3A_1065 = arith.constant 0 : i32
      %dma_wait3A_1066 = tpu.memref_slice %arg6[%add3A_1019, %dma_wait3A_1065] : memref<10240x64xf32, #tpu.memory_space<vmem_shared>> -> memref<64x64xf32, #tpu.memory_space<vmem_shared>>
      tpu.wait_dma2 semaphore(%run_scoped3A_1058 : memref<!tpu.dma_semaphore, #tpu.memory_space<semaphore_mem>>) src(%dma_wait3A_1066 : memref<64x64xf32, #tpu.memory_space<vmem_shared>>) dst(%arg8 : memref<64x64xf32, #tpu.memory_space<vmem>>)
      tpu.yield
    }) : () -> ()
    %add3A_1020 = arith.constant 0 : i32
    %add3A_1021 = arith.addi %mul3A_2, %add3A_1020 : i32
    "tpu.region"() ({
      %run_scoped3A_1058 = tpu.sem_alloc : memref<!tpu.dma_semaphore, #tpu.memory_space<semaphore_mem>>
      %dma_start3A_1059 = arith.constant 0 : i32
      %dma_start3A_1060 = tpu.memref_slice %arg4[%arg0, %add3A_1021, %dma_start3A_1059] : memref<2x10240x64xf32, #tpu.memory_space<hbm>> -> memref<1x64x64xf32, #tpu.memory_space<hbm>>
      %dma_start3A_1061 = tpu.memref_squeeze %dma_start3A_1060 : memref<1x64x64xf32, #tpu.memory_space<hbm>> -> memref<64x64xf32, #tpu.memory_space<hbm>>
      %dma_start3A_1062 = arith.constant 0 : i32
      %dma_start3A_1063 = tpu.memref_slice %arg4[%arg0, %add3A_1021, %dma_start3A_1062] : memref<2x10240x64xf32, #tpu.memory_space<hbm>> -> memref<1x64x64xf32, #tpu.memory_space<hbm>>
      %dma_start3A_1064 = tpu.memref_squeeze %dma_start3A_1063 : memref<1x64x64xf32, #tpu.memory_space<hbm>> -> memref<64x64xf32, #tpu.memory_space<hbm>>
      tpu.enqueue_dma source(%arg8 : memref<64x64xf32, #tpu.memory_space<vmem>>) target(%dma_start3A_1064 : memref<64x64xf32, #tpu.memory_space<hbm>>) target_semaphore(%run_scoped3A_1058 : memref<!tpu.dma_semaphore, #tpu.memory_space<semaphore_mem>>)
      %dma_wait3A_1065 = arith.constant 0 : i32
      %dma_wait3A_1066 = tpu.memref_slice %arg4[%arg0, %add3A_1021, %dma_wait3A_1065] : memref<2x10240x64xf32, #tpu.memory_space<hbm>> -> memref<1x64x64xf32, #tpu.memory_space<hbm>>
      %dma_wait3A_1067 = tpu.memref_squeeze %dma_wait3A_1066 : memref<1x64x64xf32, #tpu.memory_space<hbm>> -> memref<64x64xf32, #tpu.memory_space<hbm>>
      %dma_wait3A_1068 = arith.constant 0 : i32
      %dma_wait3A_1069 = tpu.memref_slice %arg4[%arg0, %add3A_1021, %dma_wait3A_1068] : memref<2x10240x64xf32, #tpu.memory_space<hbm>> -> memref<1x64x64xf32, #tpu.memory_space<hbm>>
      %dma_wait3A_1070 = tpu.memref_squeeze %dma_wait3A_1069 : memref<1x64x64xf32, #tpu.memory_space<hbm>> -> memref<64x64xf32, #tpu.memory_space<hbm>>
      tpu.wait_dma2 semaphore(%run_scoped3A_1058 : memref<!tpu.dma_semaphore, #tpu.memory_space<semaphore_mem>>) src(%arg8 : memref<64x64xf32, #tpu.memory_space<vmem>>) dst(%dma_wait3A_1070 : memref<64x64xf32, #tpu.memory_space<hbm>>)
      tpu.yield
    }) : () -> ()
    %add3A_1022 = arith.constant 64 : i32
    %add3A_1023 = arith.addi %mul3A_2, %add3A_1022 : i32
    "tpu.region"() ({
      %run_scoped3A_1058 = tpu.sem_alloc : memref<!tpu.dma_semaphore, #tpu.memory_space<semaphore_mem>>
      %dma_start3A_1059 = arith.constant 0 : i32
      %dma_start3A_1060 = tpu.memref_slice %arg6[%add3A_1023, %dma_start3A_1059] : memref<10240x64xf32, #tpu.memory_space<vmem_shared>> -> memref<64x64xf32, #tpu.memory_space<vmem_shared>>
      %dma_start3A_1061 = arith.constant 0 : i32
      %dma_start3A_1062 = tpu.memref_slice %arg6[%add3A_1023, %dma_start3A_1061] : memref<10240x64xf32, #tpu.memory_space<vmem_shared>> -> memref<64x64xf32, #tpu.memory_space<vmem_shared>>
      tpu.enqueue_dma source(%dma_start3A_1062 : memref<64x64xf32, #tpu.memory_space<vmem_shared>>) target(%arg8 : memref<64x64xf32, #tpu.memory_space<vmem>>) target_semaphore(%run_scoped3A_1058 : memref<!tpu.dma_semaphore, #tpu.memory_space<semaphore_mem>>)
      %dma_wait3A_1063 = arith.constant 0 : i32
      %dma_wait3A_1064 = tpu.memref_slice %arg6[%add3A_1023, %dma_wait3A_1063] : memref<10240x64xf32, #tpu.memory_space<vmem_shared>> -> memref<64x64xf32, #tpu.memory_space<vmem_shared>>
      %dma_wait3A_1065 = arith.constant 0 : i32
      %dma_wait3A_1066 = tpu.memref_slice %arg6[%add3A_1023, %dma_wait3A_1065] : memref<10240x64xf32, #tpu.memory_space<vmem_shared>> -> memref<64x64xf32, #tpu.memory_space<vmem_shared>>
      tpu.wait_dma2 semaphore(%run_scoped3A_1058 : memref<!tpu.dma_semaphore, #tpu.memory_space<semaphore_mem>>) src(%dma_wait3A_1066 : memref<64x64xf32, #tpu.memory_space<vmem_shared>>) dst(%arg8 : memref<64x64xf32, #tpu.memory_space<vmem>>)
      tpu.yield
    }) : () -> ()
    %add3A_1024 = arith.constant 64 : i32
    %add3A_1025 = arith.addi %mul3A_2, %add3A_1024 : i32
    "tpu.region"() ({
      %run_scoped3A_1058 = tpu.sem_alloc : memref<!tpu.dma_semaphore, #tpu.memory_space<semaphore_mem>>
      %dma_start3A_1059 = arith.constant 0 : i32
      %dma_start3A_1060 = tpu.memref_slice %arg4[%arg0, %add3A_1025, %dma_start3A_1059] : memref<2x10240x64xf32, #tpu.memory_space<hbm>> -> memref<1x64x64xf32, #tpu.memory_space<hbm>>
      %dma_start3A_1061 = tpu.memref_squeeze %dma_start3A_1060 : memref<1x64x64xf32, #tpu.memory_space<hbm>> -> memref<64x64xf32, #tpu.memory_space<hbm>>
      %dma_start3A_1062 = arith.constant 0 : i32
      %dma_start3A_1063 = tpu.memref_slice %arg4[%arg0, %add3A_1025, %dma_start3A_1062] : memref<2x10240x64xf32, #tpu.memory_space<hbm>> -> memref<1x64x64xf32, #tpu.memory_space<hbm>>
      %dma_start3A_1064 = tpu.memref_squeeze %dma_start3A_1063 : memref<1x64x64xf32, #tpu.memory_space<hbm>> -> memref<64x64xf32, #tpu.memory_space<hbm>>
      tpu.enqueue_dma source(%arg8 : memref<64x64xf32, #tpu.memory_space<vmem>>) target(%dma_start3A_1064 : memref<64x64xf32, #tpu.memory_space<hbm>>) target_semaphore(%run_scoped3A_1058 : memref<!tpu.dma_semaphore, #tpu.memory_space<semaphore_mem>>)
      %dma_wait3A_1065 = arith.constant 0 : i32
      %dma_wait3A_1066 = tpu.memref_slice %arg4[%arg0, %add3A_1025, %dma_wait3A_1065] : memref<2x10240x64xf32, #tpu.memory_space<hbm>> -> memref<1x64x64xf32, #tpu.memory_space<hbm>>
      %dma_wait3A_1067 = tpu.memref_squeeze %dma_wait3A_1066 : memref<1x64x64xf32, #tpu.memory_space<hbm>> -> memref<64x64xf32, #tpu.memory_space<hbm>>
      %dma_wait3A_1068 = arith.constant 0 : i32
      %dma_wait3A_1069 = tpu.memref_slice %arg4[%arg0, %add3A_1025, %dma_wait3A_1068] : memref<2x10240x64xf32, #tpu.memory_space<hbm>> -> memref<1x64x64xf32, #tpu.memory_space<hbm>>
      %dma_wait3A_1070 = tpu.memref_squeeze %dma_wait3A_1069 : memref<1x64x64xf32, #tpu.memory_space<hbm>> -> memref<64x64xf32, #tpu.memory_space<hbm>>
      tpu.wait_dma2 semaphore(%run_scoped3A_1058 : memref<!tpu.dma_semaphore, #tpu.memory_space<semaphore_mem>>) src(%arg8 : memref<64x64xf32, #tpu.memory_space<vmem>>) dst(%dma_wait3A_1070 : memref<64x64xf32, #tpu.memory_space<hbm>>)
      tpu.yield
    }) : () -> ()
    %add3A_1026 = arith.constant 128 : i32
    %add3A_1027 = arith.addi %mul3A_2, %add3A_1026 : i32
    "tpu.region"() ({
      %run_scoped3A_1058 = tpu.sem_alloc : memref<!tpu.dma_semaphore, #tpu.memory_space<semaphore_mem>>
      %dma_start3A_1059 = arith.constant 0 : i32
      %dma_start3A_1060 = tpu.memref_slice %arg6[%add3A_1027, %dma_start3A_1059] : memref<10240x64xf32, #tpu.memory_space<vmem_shared>> -> memref<64x64xf32, #tpu.memory_space<vmem_shared>>
      %dma_start3A_1061 = arith.constant 0 : i32
      %dma_start3A_1062 = tpu.memref_slice %arg6[%add3A_1027, %dma_start3A_1061] : memref<10240x64xf32, #tpu.memory_space<vmem_shared>> -> memref<64x64xf32, #tpu.memory_space<vmem_shared>>
      tpu.enqueue_dma source(%dma_start3A_1062 : memref<64x64xf32, #tpu.memory_space<vmem_shared>>) target(%arg8 : memref<64x64xf32, #tpu.memory_space<vmem>>) target_semaphore(%run_scoped3A_1058 : memref<!tpu.dma_semaphore, #tpu.memory_space<semaphore_mem>>)
      %dma_wait3A_1063 = arith.constant 0 : i32
      %dma_wait3A_1064 = tpu.memref_slice %arg6[%add3A_1027, %dma_wait3A_1063] : memref<10240x64xf32, #tpu.memory_space<vmem_shared>> -> memref<64x64xf32, #tpu.memory_space<vmem_shared>>
      %dma_wait3A_1065 = arith.constant 0 : i32
      %dma_wait3A_1066 = tpu.memref_slice %arg6[%add3A_1027, %dma_wait3A_1065] : memref<10240x64xf32, #tpu.memory_space<vmem_shared>> -> memref<64x64xf32, #tpu.memory_space<vmem_shared>>
      tpu.wait_dma2 semaphore(%run_scoped3A_1058 : memref<!tpu.dma_semaphore, #tpu.memory_space<semaphore_mem>>) src(%dma_wait3A_1066 : memref<64x64xf32, #tpu.memory_space<vmem_shared>>) dst(%arg8 : memref<64x64xf32, #tpu.memory_space<vmem>>)
      tpu.yield
    }) : () -> ()
    %add3A_1028 = arith.constant 128 : i32
    %add3A_1029 = arith.addi %mul3A_2, %add3A_1028 : i32
    "tpu.region"() ({
      %run_scoped3A_1058 = tpu.sem_alloc : memref<!tpu.dma_semaphore, #tpu.memory_space<semaphore_mem>>
      %dma_start3A_1059 = arith.constant 0 : i32
      %dma_start3A_1060 = tpu.memref_slice %arg4[%arg0, %add3A_1029, %dma_start3A_1059] : memref<2x10240x64xf32, #tpu.memory_space<hbm>> -> memref<1x64x64xf32, #tpu.memory_space<hbm>>
      %dma_start3A_1061 = tpu.memref_squeeze %dma_start3A_1060 : memref<1x64x64xf32, #tpu.memory_space<hbm>> -> memref<64x64xf32, #tpu.memory_space<hbm>>
      %dma_start3A_1062 = arith.constant 0 : i32
      %dma_start3A_1063 = tpu.memref_slice %arg4[%arg0, %add3A_1029, %dma_start3A_1062] : memref<2x10240x64xf32, #tpu.memory_space<hbm>> -> memref<1x64x64xf32, #tpu.memory_space<hbm>>
      %dma_start3A_1064 = tpu.memref_squeeze %dma_start3A_1063 : memref<1x64x64xf32, #tpu.memory_space<hbm>> -> memref<64x64xf32, #tpu.memory_space<hbm>>
      tpu.enqueue_dma source(%arg8 : memref<64x64xf32, #tpu.memory_space<vmem>>) target(%dma_start3A_1064 : memref<64x64xf32, #tpu.memory_space<hbm>>) target_semaphore(%run_scoped3A_1058 : memref<!tpu.dma_semaphore, #tpu.memory_space<semaphore_mem>>)
      %dma_wait3A_1065 = arith.constant 0 : i32
      %dma_wait3A_1066 = tpu.memref_slice %arg4[%arg0, %add3A_1029, %dma_wait3A_1065] : memref<2x10240x64xf32, #tpu.memory_space<hbm>> -> memref<1x64x64xf32, #tpu.memory_space<hbm>>
      %dma_wait3A_1067 = tpu.memref_squeeze %dma_wait3A_1066 : memref<1x64x64xf32, #tpu.memory_space<hbm>> -> memref<64x64xf32, #tpu.memory_space<hbm>>
      %dma_wait3A_1068 = arith.constant 0 : i32
      %dma_wait3A_1069 = tpu.memref_slice %arg4[%arg0, %add3A_1029, %dma_wait3A_1068] : memref<2x10240x64xf32, #tpu.memory_space<hbm>> -> memref<1x64x64xf32, #tpu.memory_space<hbm>>
      %dma_wait3A_1070 = tpu.memref_squeeze %dma_wait3A_1069 : memref<1x64x64xf32, #tpu.memory_space<hbm>> -> memref<64x64xf32, #tpu.memory_space<hbm>>
      tpu.wait_dma2 semaphore(%run_scoped3A_1058 : memref<!tpu.dma_semaphore, #tpu.memory_space<semaphore_mem>>) src(%arg8 : memref<64x64xf32, #tpu.memory_space<vmem>>) dst(%dma_wait3A_1070 : memref<64x64xf32, #tpu.memory_space<hbm>>)
      tpu.yield
    }) : () -> ()
    %add3A_1030 = arith.constant 192 : i32
    %add3A_1031 = arith.addi %mul3A_2, %add3A_1030 : i32
    "tpu.region"() ({
      %run_scoped3A_1058 = tpu.sem_alloc : memref<!tpu.dma_semaphore, #tpu.memory_space<semaphore_mem>>
      %dma_start3A_1059 = arith.constant 0 : i32
      %dma_start3A_1060 = tpu.memref_slice %arg6[%add3A_1031, %dma_start3A_1059] : memref<10240x64xf32, #tpu.memory_space<vmem_shared>> -> memref<64x64xf32, #tpu.memory_space<vmem_shared>>
      %dma_start3A_1061 = arith.constant 0 : i32
      %dma_start3A_1062 = tpu.memref_slice %arg6[%add3A_1031, %dma_start3A_1061] : memref<10240x64xf32, #tpu.memory_space<vmem_shared>> -> memref<64x64xf32, #tpu.memory_space<vmem_shared>>
      tpu.enqueue_dma source(%dma_start3A_1062 : memref<64x64xf32, #tpu.memory_space<vmem_shared>>) target(%arg8 : memref<64x64xf32, #tpu.memory_space<vmem>>) target_semaphore(%run_scoped3A_1058 : memref<!tpu.dma_semaphore, #tpu.memory_space<semaphore_mem>>)
      %dma_wait3A_1063 = arith.constant 0 : i32
      %dma_wait3A_1064 = tpu.memref_slice %arg6[%add3A_1031, %dma_wait3A_1063] : memref<10240x64xf32, #tpu.memory_space<vmem_shared>> -> memref<64x64xf32, #tpu.memory_space<vmem_shared>>
      %dma_wait3A_1065 = arith.constant 0 : i32
      %dma_wait3A_1066 = tpu.memref_slice %arg6[%add3A_1031, %dma_wait3A_1065] : memref<10240x64xf32, #tpu.memory_space<vmem_shared>> -> memref<64x64xf32, #tpu.memory_space<vmem_shared>>
      tpu.wait_dma2 semaphore(%run_scoped3A_1058 : memref<!tpu.dma_semaphore, #tpu.memory_space<semaphore_mem>>) src(%dma_wait3A_1066 : memref<64x64xf32, #tpu.memory_space<vmem_shared>>) dst(%arg8 : memref<64x64xf32, #tpu.memory_space<vmem>>)
      tpu.yield
    }) : () -> ()
    %add3A_1032 = arith.constant 192 : i32
    %add3A_1033 = arith.addi %mul3A_2, %add3A_1032 : i32
    "tpu.region"() ({
      %run_scoped3A_1058 = tpu.sem_alloc : memref<!tpu.dma_semaphore, #tpu.memory_space<semaphore_mem>>
      %dma_start3A_1059 = arith.constant 0 : i32
      %dma_start3A_1060 = tpu.memref_slice %arg4[%arg0, %add3A_1033, %dma_start3A_1059] : memref<2x10240x64xf32, #tpu.memory_space<hbm>> -> memref<1x64x64xf32, #tpu.memory_space<hbm>>
      %dma_start3A_1061 = tpu.memref_squeeze %dma_start3A_1060 : memref<1x64x64xf32, #tpu.memory_space<hbm>> -> memref<64x64xf32, #tpu.memory_space<hbm>>
      %dma_start3A_1062 = arith.constant 0 : i32
      %dma_start3A_1063 = tpu.memref_slice %arg4[%arg0, %add3A_1033, %dma_start3A_1062] : memref<2x10240x64xf32, #tpu.memory_space<hbm>> -> memref<1x64x64xf32, #tpu.memory_space<hbm>>
      %dma_start3A_1064 = tpu.memref_squeeze %dma_start3A_1063 : memref<1x64x64xf32, #tpu.memory_space<hbm>> -> memref<64x64xf32, #tpu.memory_space<hbm>>
      tpu.enqueue_dma source(%arg8 : memref<64x64xf32, #tpu.memory_space<vmem>>) target(%dma_start3A_1064 : memref<64x64xf32, #tpu.memory_space<hbm>>) target_semaphore(%run_scoped3A_1058 : memref<!tpu.dma_semaphore, #tpu.memory_space<semaphore_mem>>)
      %dma_wait3A_1065 = arith.constant 0 : i32
      %dma_wait3A_1066 = tpu.memref_slice %arg4[%arg0, %add3A_1033, %dma_wait3A_1065] : memref<2x10240x64xf32, #tpu.memory_space<hbm>> -> memref<1x64x64xf32, #tpu.memory_space<hbm>>
      %dma_wait3A_1067 = tpu.memref_squeeze %dma_wait3A_1066 : memref<1x64x64xf32, #tpu.memory_space<hbm>> -> memref<64x64xf32, #tpu.memory_space<hbm>>
      %dma_wait3A_1068 = arith.constant 0 : i32
      %dma_wait3A_1069 = tpu.memref_slice %arg4[%arg0, %add3A_1033, %dma_wait3A_1068] : memref<2x10240x64xf32, #tpu.memory_space<hbm>> -> memref<1x64x64xf32, #tpu.memory_space<hbm>>
      %dma_wait3A_1070 = tpu.memref_squeeze %dma_wait3A_1069 : memref<1x64x64xf32, #tpu.memory_space<hbm>> -> memref<64x64xf32, #tpu.memory_space<hbm>>
      tpu.wait_dma2 semaphore(%run_scoped3A_1058 : memref<!tpu.dma_semaphore, #tpu.memory_space<semaphore_mem>>) src(%arg8 : memref<64x64xf32, #tpu.memory_space<vmem>>) dst(%dma_wait3A_1070 : memref<64x64xf32, #tpu.memory_space<hbm>>)
      tpu.yield
    }) : () -> ()
    %add3A_1034 = arith.constant 256 : i32
    %add3A_1035 = arith.addi %mul3A_2, %add3A_1034 : i32
    "tpu.region"() ({
      %run_scoped3A_1058 = tpu.sem_alloc : memref<!tpu.dma_semaphore, #tpu.memory_space<semaphore_mem>>
      %dma_start3A_1059 = arith.constant 0 : i32
      %dma_start3A_1060 = tpu.memref_slice %arg6[%add3A_1035, %dma_start3A_1059] : memref<10240x64xf32, #tpu.memory_space<vmem_shared>> -> memref<64x64xf32, #tpu.memory_space<vmem_shared>>
      %dma_start3A_1061 = arith.constant 0 : i32
      %dma_start3A_1062 = tpu.memref_slice %arg6[%add3A_1035, %dma_start3A_1061] : memref<10240x64xf32, #tpu.memory_space<vmem_shared>> -> memref<64x64xf32, #tpu.memory_space<vmem_shared>>
      tpu.enqueue_dma source(%dma_start3A_1062 : memref<64x64xf32, #tpu.memory_space<vmem_shared>>) target(%arg8 : memref<64x64xf32, #tpu.memory_space<vmem>>) target_semaphore(%run_scoped3A_1058 : memref<!tpu.dma_semaphore, #tpu.memory_space<semaphore_mem>>)
      %dma_wait3A_1063 = arith.constant 0 : i32
      %dma_wait3A_1064 = tpu.memref_slice %arg6[%add3A_1035, %dma_wait3A_1063] : memref<10240x64xf32, #tpu.memory_space<vmem_shared>> -> memref<64x64xf32, #tpu.memory_space<vmem_shared>>
      %dma_wait3A_1065 = arith.constant 0 : i32
      %dma_wait3A_1066 = tpu.memref_slice %arg6[%add3A_1035, %dma_wait3A_1065] : memref<10240x64xf32, #tpu.memory_space<vmem_shared>> -> memref<64x64xf32, #tpu.memory_space<vmem_shared>>
      tpu.wait_dma2 semaphore(%run_scoped3A_1058 : memref<!tpu.dma_semaphore, #tpu.memory_space<semaphore_mem>>) src(%dma_wait3A_1066 : memref<64x64xf32, #tpu.memory_space<vmem_shared>>) dst(%arg8 : memref<64x64xf32, #tpu.memory_space<vmem>>)
      tpu.yield
    }) : () -> ()
    %add3A_1036 = arith.constant 256 : i32
    %add3A_1037 = arith.addi %mul3A_2, %add3A_1036 : i32
    "tpu.region"() ({
      %run_scoped3A_1058 = tpu.sem_alloc : memref<!tpu.dma_semaphore, #tpu.memory_space<semaphore_mem>>
      %dma_start3A_1059 = arith.constant 0 : i32
      %dma_start3A_1060 = tpu.memref_slice %arg4[%arg0, %add3A_1037, %dma_start3A_1059] : memref<2x10240x64xf32, #tpu.memory_space<hbm>> -> memref<1x64x64xf32, #tpu.memory_space<hbm>>
      %dma_start3A_1061 = tpu.memref_squeeze %dma_start3A_1060 : memref<1x64x64xf32, #tpu.memory_space<hbm>> -> memref<64x64xf32, #tpu.memory_space<hbm>>
      %dma_start3A_1062 = arith.constant 0 : i32
      %dma_start3A_1063 = tpu.memref_slice %arg4[%arg0, %add3A_1037, %dma_start3A_1062] : memref<2x10240x64xf32, #tpu.memory_space<hbm>> -> memref<1x64x64xf32, #tpu.memory_space<hbm>>
      %dma_start3A_1064 = tpu.memref_squeeze %dma_start3A_1063 : memref<1x64x64xf32, #tpu.memory_space<hbm>> -> memref<64x64xf32, #tpu.memory_space<hbm>>
      tpu.enqueue_dma source(%arg8 : memref<64x64xf32, #tpu.memory_space<vmem>>) target(%dma_start3A_1064 : memref<64x64xf32, #tpu.memory_space<hbm>>) target_semaphore(%run_scoped3A_1058 : memref<!tpu.dma_semaphore, #tpu.memory_space<semaphore_mem>>)
      %dma_wait3A_1065 = arith.constant 0 : i32
      %dma_wait3A_1066 = tpu.memref_slice %arg4[%arg0, %add3A_1037, %dma_wait3A_1065] : memref<2x10240x64xf32, #tpu.memory_space<hbm>> -> memref<1x64x64xf32, #tpu.memory_space<hbm>>
      %dma_wait3A_1067 = tpu.memref_squeeze %dma_wait3A_1066 : memref<1x64x64xf32, #tpu.memory_space<hbm>> -> memref<64x64xf32, #tpu.memory_space<hbm>>
      %dma_wait3A_1068 = arith.constant 0 : i32
      %dma_wait3A_1069 = tpu.memref_slice %arg4[%arg0, %add3A_1037, %dma_wait3A_1068] : memref<2x10240x64xf32, #tpu.memory_space<hbm>> -> memref<1x64x64xf32, #tpu.memory_space<hbm>>
      %dma_wait3A_1070 = tpu.memref_squeeze %dma_wait3A_1069 : memref<1x64x64xf32, #tpu.memory_space<hbm>> -> memref<64x64xf32, #tpu.memory_space<hbm>>
      tpu.wait_dma2 semaphore(%run_scoped3A_1058 : memref<!tpu.dma_semaphore, #tpu.memory_space<semaphore_mem>>) src(%arg8 : memref<64x64xf32, #tpu.memory_space<vmem>>) dst(%dma_wait3A_1070 : memref<64x64xf32, #tpu.memory_space<hbm>>)
      tpu.yield
    }) : () -> ()
    %add3A_1038 = arith.constant 320 : i32
    %add3A_1039 = arith.addi %mul3A_2, %add3A_1038 : i32
    "tpu.region"() ({
      %run_scoped3A_1058 = tpu.sem_alloc : memref<!tpu.dma_semaphore, #tpu.memory_space<semaphore_mem>>
      %dma_start3A_1059 = arith.constant 0 : i32
      %dma_start3A_1060 = tpu.memref_slice %arg6[%add3A_1039, %dma_start3A_1059] : memref<10240x64xf32, #tpu.memory_space<vmem_shared>> -> memref<64x64xf32, #tpu.memory_space<vmem_shared>>
      %dma_start3A_1061 = arith.constant 0 : i32
      %dma_start3A_1062 = tpu.memref_slice %arg6[%add3A_1039, %dma_start3A_1061] : memref<10240x64xf32, #tpu.memory_space<vmem_shared>> -> memref<64x64xf32, #tpu.memory_space<vmem_shared>>
      tpu.enqueue_dma source(%dma_start3A_1062 : memref<64x64xf32, #tpu.memory_space<vmem_shared>>) target(%arg8 : memref<64x64xf32, #tpu.memory_space<vmem>>) target_semaphore(%run_scoped3A_1058 : memref<!tpu.dma_semaphore, #tpu.memory_space<semaphore_mem>>)
      %dma_wait3A_1063 = arith.constant 0 : i32
      %dma_wait3A_1064 = tpu.memref_slice %arg6[%add3A_1039, %dma_wait3A_1063] : memref<10240x64xf32, #tpu.memory_space<vmem_shared>> -> memref<64x64xf32, #tpu.memory_space<vmem_shared>>
      %dma_wait3A_1065 = arith.constant 0 : i32
      %dma_wait3A_1066 = tpu.memref_slice %arg6[%add3A_1039, %dma_wait3A_1065] : memref<10240x64xf32, #tpu.memory_space<vmem_shared>> -> memref<64x64xf32, #tpu.memory_space<vmem_shared>>
      tpu.wait_dma2 semaphore(%run_scoped3A_1058 : memref<!tpu.dma_semaphore, #tpu.memory_space<semaphore_mem>>) src(%dma_wait3A_1066 : memref<64x64xf32, #tpu.memory_space<vmem_shared>>) dst(%arg8 : memref<64x64xf32, #tpu.memory_space<vmem>>)
      tpu.yield
    }) : () -> ()
    %add3A_1040 = arith.constant 320 : i32
    %add3A_1041 = arith.addi %mul3A_2, %add3A_1040 : i32
    "tpu.region"() ({
      %run_scoped3A_1058 = tpu.sem_alloc : memref<!tpu.dma_semaphore, #tpu.memory_space<semaphore_mem>>
      %dma_start3A_1059 = arith.constant 0 : i32
      %dma_start3A_1060 = tpu.memref_slice %arg4[%arg0, %add3A_1041, %dma_start3A_1059] : memref<2x10240x64xf32, #tpu.memory_space<hbm>> -> memref<1x64x64xf32, #tpu.memory_space<hbm>>
      %dma_start3A_1061 = tpu.memref_squeeze %dma_start3A_1060 : memref<1x64x64xf32, #tpu.memory_space<hbm>> -> memref<64x64xf32, #tpu.memory_space<hbm>>
      %dma_start3A_1062 = arith.constant 0 : i32
      %dma_start3A_1063 = tpu.memref_slice %arg4[%arg0, %add3A_1041, %dma_start3A_1062] : memref<2x10240x64xf32, #tpu.memory_space<hbm>> -> memref<1x64x64xf32, #tpu.memory_space<hbm>>
      %dma_start3A_1064 = tpu.memref_squeeze %dma_start3A_1063 : memref<1x64x64xf32, #tpu.memory_space<hbm>> -> memref<64x64xf32, #tpu.memory_space<hbm>>
      tpu.enqueue_dma source(%arg8 : memref<64x64xf32, #tpu.memory_space<vmem>>) target(%dma_start3A_1064 : memref<64x64xf32, #tpu.memory_space<hbm>>) target_semaphore(%run_scoped3A_1058 : memref<!tpu.dma_semaphore, #tpu.memory_space<semaphore_mem>>)
      %dma_wait3A_1065 = arith.constant 0 : i32
      %dma_wait3A_1066 = tpu.memref_slice %arg4[%arg0, %add3A_1041, %dma_wait3A_1065] : memref<2x10240x64xf32, #tpu.memory_space<hbm>> -> memref<1x64x64xf32, #tpu.memory_space<hbm>>
      %dma_wait3A_1067 = tpu.memref_squeeze %dma_wait3A_1066 : memref<1x64x64xf32, #tpu.memory_space<hbm>> -> memref<64x64xf32, #tpu.memory_space<hbm>>
      %dma_wait3A_1068 = arith.constant 0 : i32
      %dma_wait3A_1069 = tpu.memref_slice %arg4[%arg0, %add3A_1041, %dma_wait3A_1068] : memref<2x10240x64xf32, #tpu.memory_space<hbm>> -> memref<1x64x64xf32, #tpu.memory_space<hbm>>
      %dma_wait3A_1070 = tpu.memref_squeeze %dma_wait3A_1069 : memref<1x64x64xf32, #tpu.memory_space<hbm>> -> memref<64x64xf32, #tpu.memory_space<hbm>>
      tpu.wait_dma2 semaphore(%run_scoped3A_1058 : memref<!tpu.dma_semaphore, #tpu.memory_space<semaphore_mem>>) src(%arg8 : memref<64x64xf32, #tpu.memory_space<vmem>>) dst(%dma_wait3A_1070 : memref<64x64xf32, #tpu.memory_space<hbm>>)
      tpu.yield
    }) : () -> ()
    %add3A_1042 = arith.constant 384 : i32
    %add3A_1043 = arith.addi %mul3A_2, %add3A_1042 : i32
    "tpu.region"() ({
      %run_scoped3A_1058 = tpu.sem_alloc : memref<!tpu.dma_semaphore, #tpu.memory_space<semaphore_mem>>
      %dma_start3A_1059 = arith.constant 0 : i32
      %dma_start3A_1060 = tpu.memref_slice %arg6[%add3A_1043, %dma_start3A_1059] : memref<10240x64xf32, #tpu.memory_space<vmem_shared>> -> memref<64x64xf32, #tpu.memory_space<vmem_shared>>
      %dma_start3A_1061 = arith.constant 0 : i32
      %dma_start3A_1062 = tpu.memref_slice %arg6[%add3A_1043, %dma_start3A_1061] : memref<10240x64xf32, #tpu.memory_space<vmem_shared>> -> memref<64x64xf32, #tpu.memory_space<vmem_shared>>
      tpu.enqueue_dma source(%dma_start3A_1062 : memref<64x64xf32, #tpu.memory_space<vmem_shared>>) target(%arg8 : memref<64x64xf32, #tpu.memory_space<vmem>>) target_semaphore(%run_scoped3A_1058 : memref<!tpu.dma_semaphore, #tpu.memory_space<semaphore_mem>>)
      %dma_wait3A_1063 = arith.constant 0 : i32
      %dma_wait3A_1064 = tpu.memref_slice %arg6[%add3A_1043, %dma_wait3A_1063] : memref<10240x64xf32, #tpu.memory_space<vmem_shared>> -> memref<64x64xf32, #tpu.memory_space<vmem_shared>>
      %dma_wait3A_1065 = arith.constant 0 : i32
      %dma_wait3A_1066 = tpu.memref_slice %arg6[%add3A_1043, %dma_wait3A_1065] : memref<10240x64xf32, #tpu.memory_space<vmem_shared>> -> memref<64x64xf32, #tpu.memory_space<vmem_shared>>
      tpu.wait_dma2 semaphore(%run_scoped3A_1058 : memref<!tpu.dma_semaphore, #tpu.memory_space<semaphore_mem>>) src(%dma_wait3A_1066 : memref<64x64xf32, #tpu.memory_space<vmem_shared>>) dst(%arg8 : memref<64x64xf32, #tpu.memory_space<vmem>>)
      tpu.yield
    }) : () -> ()
    %add3A_1044 = arith.constant 384 : i32
    %add3A_1045 = arith.addi %mul3A_2, %add3A_1044 : i32
    "tpu.region"() ({
      %run_scoped3A_1058 = tpu.sem_alloc : memref<!tpu.dma_semaphore, #tpu.memory_space<semaphore_mem>>
      %dma_start3A_1059 = arith.constant 0 : i32
      %dma_start3A_1060 = tpu.memref_slice %arg4[%arg0, %add3A_1045, %dma_start3A_1059] : memref<2x10240x64xf32, #tpu.memory_space<hbm>> -> memref<1x64x64xf32, #tpu.memory_space<hbm>>
      %dma_start3A_1061 = tpu.memref_squeeze %dma_start3A_1060 : memref<1x64x64xf32, #tpu.memory_space<hbm>> -> memref<64x64xf32, #tpu.memory_space<hbm>>
      %dma_start3A_1062 = arith.constant 0 : i32
      %dma_start3A_1063 = tpu.memref_slice %arg4[%arg0, %add3A_1045, %dma_start3A_1062] : memref<2x10240x64xf32, #tpu.memory_space<hbm>> -> memref<1x64x64xf32, #tpu.memory_space<hbm>>
      %dma_start3A_1064 = tpu.memref_squeeze %dma_start3A_1063 : memref<1x64x64xf32, #tpu.memory_space<hbm>> -> memref<64x64xf32, #tpu.memory_space<hbm>>
      tpu.enqueue_dma source(%arg8 : memref<64x64xf32, #tpu.memory_space<vmem>>) target(%dma_start3A_1064 : memref<64x64xf32, #tpu.memory_space<hbm>>) target_semaphore(%run_scoped3A_1058 : memref<!tpu.dma_semaphore, #tpu.memory_space<semaphore_mem>>)
      %dma_wait3A_1065 = arith.constant 0 : i32
      %dma_wait3A_1066 = tpu.memref_slice %arg4[%arg0, %add3A_1045, %dma_wait3A_1065] : memref<2x10240x64xf32, #tpu.memory_space<hbm>> -> memref<1x64x64xf32, #tpu.memory_space<hbm>>
      %dma_wait3A_1067 = tpu.memref_squeeze %dma_wait3A_1066 : memref<1x64x64xf32, #tpu.memory_space<hbm>> -> memref<64x64xf32, #tpu.memory_space<hbm>>
      %dma_wait3A_1068 = arith.constant 0 : i32
      %dma_wait3A_1069 = tpu.memref_slice %arg4[%arg0, %add3A_1045, %dma_wait3A_1068] : memref<2x10240x64xf32, #tpu.memory_space<hbm>> -> memref<1x64x64xf32, #tpu.memory_space<hbm>>
      %dma_wait3A_1070 = tpu.memref_squeeze %dma_wait3A_1069 : memref<1x64x64xf32, #tpu.memory_space<hbm>> -> memref<64x64xf32, #tpu.memory_space<hbm>>
      tpu.wait_dma2 semaphore(%run_scoped3A_1058 : memref<!tpu.dma_semaphore, #tpu.memory_space<semaphore_mem>>) src(%arg8 : memref<64x64xf32, #tpu.memory_space<vmem>>) dst(%dma_wait3A_1070 : memref<64x64xf32, #tpu.memory_space<hbm>>)
      tpu.yield
    }) : () -> ()
    %add3A_1046 = arith.constant 448 : i32
    %add3A_1047 = arith.addi %mul3A_2, %add3A_1046 : i32
    "tpu.region"() ({
      %run_scoped3A_1058 = tpu.sem_alloc : memref<!tpu.dma_semaphore, #tpu.memory_space<semaphore_mem>>
      %dma_start3A_1059 = arith.constant 0 : i32
      %dma_start3A_1060 = tpu.memref_slice %arg6[%add3A_1047, %dma_start3A_1059] : memref<10240x64xf32, #tpu.memory_space<vmem_shared>> -> memref<64x64xf32, #tpu.memory_space<vmem_shared>>
      %dma_start3A_1061 = arith.constant 0 : i32
      %dma_start3A_1062 = tpu.memref_slice %arg6[%add3A_1047, %dma_start3A_1061] : memref<10240x64xf32, #tpu.memory_space<vmem_shared>> -> memref<64x64xf32, #tpu.memory_space<vmem_shared>>
      tpu.enqueue_dma source(%dma_start3A_1062 : memref<64x64xf32, #tpu.memory_space<vmem_shared>>) target(%arg8 : memref<64x64xf32, #tpu.memory_space<vmem>>) target_semaphore(%run_scoped3A_1058 : memref<!tpu.dma_semaphore, #tpu.memory_space<semaphore_mem>>)
      %dma_wait3A_1063 = arith.constant 0 : i32
      %dma_wait3A_1064 = tpu.memref_slice %arg6[%add3A_1047, %dma_wait3A_1063] : memref<10240x64xf32, #tpu.memory_space<vmem_shared>> -> memref<64x64xf32, #tpu.memory_space<vmem_shared>>
      %dma_wait3A_1065 = arith.constant 0 : i32
      %dma_wait3A_1066 = tpu.memref_slice %arg6[%add3A_1047, %dma_wait3A_1065] : memref<10240x64xf32, #tpu.memory_space<vmem_shared>> -> memref<64x64xf32, #tpu.memory_space<vmem_shared>>
      tpu.wait_dma2 semaphore(%run_scoped3A_1058 : memref<!tpu.dma_semaphore, #tpu.memory_space<semaphore_mem>>) src(%dma_wait3A_1066 : memref<64x64xf32, #tpu.memory_space<vmem_shared>>) dst(%arg8 : memref<64x64xf32, #tpu.memory_space<vmem>>)
      tpu.yield
    }) : () -> ()
    %add3A_1048 = arith.constant 448 : i32
    %add3A_1049 = arith.addi %mul3A_2, %add3A_1048 : i32
    "tpu.region"() ({
      %run_scoped3A_1058 = tpu.sem_alloc : memref<!tpu.dma_semaphore, #tpu.memory_space<semaphore_mem>>
      %dma_start3A_1059 = arith.constant 0 : i32
      %dma_start3A_1060 = tpu.memref_slice %arg4[%arg0, %add3A_1049, %dma_start3A_1059] : memref<2x10240x64xf32, #tpu.memory_space<hbm>> -> memref<1x64x64xf32, #tpu.memory_space<hbm>>
      %dma_start3A_1061 = tpu.memref_squeeze %dma_start3A_1060 : memref<1x64x64xf32, #tpu.memory_space<hbm>> -> memref<64x64xf32, #tpu.memory_space<hbm>>
      %dma_start3A_1062 = arith.constant 0 : i32
      %dma_start3A_1063 = tpu.memref_slice %arg4[%arg0, %add3A_1049, %dma_start3A_1062] : memref<2x10240x64xf32, #tpu.memory_space<hbm>> -> memref<1x64x64xf32, #tpu.memory_space<hbm>>
      %dma_start3A_1064 = tpu.memref_squeeze %dma_start3A_1063 : memref<1x64x64xf32, #tpu.memory_space<hbm>> -> memref<64x64xf32, #tpu.memory_space<hbm>>
      tpu.enqueue_dma source(%arg8 : memref<64x64xf32, #tpu.memory_space<vmem>>) target(%dma_start3A_1064 : memref<64x64xf32, #tpu.memory_space<hbm>>) target_semaphore(%run_scoped3A_1058 : memref<!tpu.dma_semaphore, #tpu.memory_space<semaphore_mem>>)
      %dma_wait3A_1065 = arith.constant 0 : i32
      %dma_wait3A_1066 = tpu.memref_slice %arg4[%arg0, %add3A_1049, %dma_wait3A_1065] : memref<2x10240x64xf32, #tpu.memory_space<hbm>> -> memref<1x64x64xf32, #tpu.memory_space<hbm>>
      %dma_wait3A_1067 = tpu.memref_squeeze %dma_wait3A_1066 : memref<1x64x64xf32, #tpu.memory_space<hbm>> -> memref<64x64xf32, #tpu.memory_space<hbm>>
      %dma_wait3A_1068 = arith.constant 0 : i32
      %dma_wait3A_1069 = tpu.memref_slice %arg4[%arg0, %add3A_1049, %dma_wait3A_1068] : memref<2x10240x64xf32, #tpu.memory_space<hbm>> -> memref<1x64x64xf32, #tpu.memory_space<hbm>>
      %dma_wait3A_1070 = tpu.memref_squeeze %dma_wait3A_1069 : memref<1x64x64xf32, #tpu.memory_space<hbm>> -> memref<64x64xf32, #tpu.memory_space<hbm>>
      tpu.wait_dma2 semaphore(%run_scoped3A_1058 : memref<!tpu.dma_semaphore, #tpu.memory_space<semaphore_mem>>) src(%arg8 : memref<64x64xf32, #tpu.memory_space<vmem>>) dst(%dma_wait3A_1070 : memref<64x64xf32, #tpu.memory_space<hbm>>)
      tpu.yield
    }) : () -> ()
    %add3A_1050 = arith.constant 512 : i32
    %add3A_1051 = arith.addi %mul3A_2, %add3A_1050 : i32
    "tpu.region"() ({
      %run_scoped3A_1058 = tpu.sem_alloc : memref<!tpu.dma_semaphore, #tpu.memory_space<semaphore_mem>>
      %dma_start3A_1059 = arith.constant 0 : i32
      %dma_start3A_1060 = tpu.memref_slice %arg6[%add3A_1051, %dma_start3A_1059] : memref<10240x64xf32, #tpu.memory_space<vmem_shared>> -> memref<64x64xf32, #tpu.memory_space<vmem_shared>>
      %dma_start3A_1061 = arith.constant 0 : i32
      %dma_start3A_1062 = tpu.memref_slice %arg6[%add3A_1051, %dma_start3A_1061] : memref<10240x64xf32, #tpu.memory_space<vmem_shared>> -> memref<64x64xf32, #tpu.memory_space<vmem_shared>>
      tpu.enqueue_dma source(%dma_start3A_1062 : memref<64x64xf32, #tpu.memory_space<vmem_shared>>) target(%arg8 : memref<64x64xf32, #tpu.memory_space<vmem>>) target_semaphore(%run_scoped3A_1058 : memref<!tpu.dma_semaphore, #tpu.memory_space<semaphore_mem>>)
      %dma_wait3A_1063 = arith.constant 0 : i32
      %dma_wait3A_1064 = tpu.memref_slice %arg6[%add3A_1051, %dma_wait3A_1063] : memref<10240x64xf32, #tpu.memory_space<vmem_shared>> -> memref<64x64xf32, #tpu.memory_space<vmem_shared>>
      %dma_wait3A_1065 = arith.constant 0 : i32
      %dma_wait3A_1066 = tpu.memref_slice %arg6[%add3A_1051, %dma_wait3A_1065] : memref<10240x64xf32, #tpu.memory_space<vmem_shared>> -> memref<64x64xf32, #tpu.memory_space<vmem_shared>>
      tpu.wait_dma2 semaphore(%run_scoped3A_1058 : memref<!tpu.dma_semaphore, #tpu.memory_space<semaphore_mem>>) src(%dma_wait3A_1066 : memref<64x64xf32, #tpu.memory_space<vmem_shared>>) dst(%arg8 : memref<64x64xf32, #tpu.memory_space<vmem>>)
      tpu.yield
    }) : () -> ()
    %add3A_1052 = arith.constant 512 : i32
    %add3A_1053 = arith.addi %mul3A_2, %add3A_1052 : i32
    "tpu.region"() ({
      %run_scoped3A_1058 = tpu.sem_alloc : memref<!tpu.dma_semaphore, #tpu.memory_space<semaphore_mem>>
      %dma_start3A_1059 = arith.constant 0 : i32
      %dma_start3A_1060 = tpu.memref_slice %arg4[%arg0, %add3A_1053, %dma_start3A_1059] : memref<2x10240x64xf32, #tpu.memory_space<hbm>> -> memref<1x64x64xf32, #tpu.memory_space<hbm>>
      %dma_start3A_1061 = tpu.memref_squeeze %dma_start3A_1060 : memref<1x64x64xf32, #tpu.memory_space<hbm>> -> memref<64x64xf32, #tpu.memory_space<hbm>>
      %dma_start3A_1062 = arith.constant 0 : i32
      %dma_start3A_1063 = tpu.memref_slice %arg4[%arg0, %add3A_1053, %dma_start3A_1062] : memref<2x10240x64xf32, #tpu.memory_space<hbm>> -> memref<1x64x64xf32, #tpu.memory_space<hbm>>
      %dma_start3A_1064 = tpu.memref_squeeze %dma_start3A_1063 : memref<1x64x64xf32, #tpu.memory_space<hbm>> -> memref<64x64xf32, #tpu.memory_space<hbm>>
      tpu.enqueue_dma source(%arg8 : memref<64x64xf32, #tpu.memory_space<vmem>>) target(%dma_start3A_1064 : memref<64x64xf32, #tpu.memory_space<hbm>>) target_semaphore(%run_scoped3A_1058 : memref<!tpu.dma_semaphore, #tpu.memory_space<semaphore_mem>>)
      %dma_wait3A_1065 = arith.constant 0 : i32
      %dma_wait3A_1066 = tpu.memref_slice %arg4[%arg0, %add3A_1053, %dma_wait3A_1065] : memref<2x10240x64xf32, #tpu.memory_space<hbm>> -> memref<1x64x64xf32, #tpu.memory_space<hbm>>
      %dma_wait3A_1067 = tpu.memref_squeeze %dma_wait3A_1066 : memref<1x64x64xf32, #tpu.memory_space<hbm>> -> memref<64x64xf32, #tpu.memory_space<hbm>>
      %dma_wait3A_1068 = arith.constant 0 : i32
      %dma_wait3A_1069 = tpu.memref_slice %arg4[%arg0, %add3A_1053, %dma_wait3A_1068] : memref<2x10240x64xf32, #tpu.memory_space<hbm>> -> memref<1x64x64xf32, #tpu.memory_space<hbm>>
      %dma_wait3A_1070 = tpu.memref_squeeze %dma_wait3A_1069 : memref<1x64x64xf32, #tpu.memory_space<hbm>> -> memref<64x64xf32, #tpu.memory_space<hbm>>
      tpu.wait_dma2 semaphore(%run_scoped3A_1058 : memref<!tpu.dma_semaphore, #tpu.memory_space<semaphore_mem>>) src(%arg8 : memref<64x64xf32, #tpu.memory_space<vmem>>) dst(%dma_wait3A_1070 : memref<64x64xf32, #tpu.memory_space<hbm>>)
      tpu.yield
    }) : () -> ()
    %add3A_1054 = arith.constant 576 : i32
    %add3A_1055 = arith.addi %mul3A_2, %add3A_1054 : i32
    "tpu.region"() ({
      %run_scoped3A_1058 = tpu.sem_alloc : memref<!tpu.dma_semaphore, #tpu.memory_space<semaphore_mem>>
      %dma_start3A_1059 = arith.constant 0 : i32
      %dma_start3A_1060 = tpu.memref_slice %arg6[%add3A_1055, %dma_start3A_1059] : memref<10240x64xf32, #tpu.memory_space<vmem_shared>> -> memref<64x64xf32, #tpu.memory_space<vmem_shared>>
      %dma_start3A_1061 = arith.constant 0 : i32
      %dma_start3A_1062 = tpu.memref_slice %arg6[%add3A_1055, %dma_start3A_1061] : memref<10240x64xf32, #tpu.memory_space<vmem_shared>> -> memref<64x64xf32, #tpu.memory_space<vmem_shared>>
      tpu.enqueue_dma source(%dma_start3A_1062 : memref<64x64xf32, #tpu.memory_space<vmem_shared>>) target(%arg8 : memref<64x64xf32, #tpu.memory_space<vmem>>) target_semaphore(%run_scoped3A_1058 : memref<!tpu.dma_semaphore, #tpu.memory_space<semaphore_mem>>)
      %dma_wait3A_1063 = arith.constant 0 : i32
      %dma_wait3A_1064 = tpu.memref_slice %arg6[%add3A_1055, %dma_wait3A_1063] : memref<10240x64xf32, #tpu.memory_space<vmem_shared>> -> memref<64x64xf32, #tpu.memory_space<vmem_shared>>
      %dma_wait3A_1065 = arith.constant 0 : i32
      %dma_wait3A_1066 = tpu.memref_slice %arg6[%add3A_1055, %dma_wait3A_1065] : memref<10240x64xf32, #tpu.memory_space<vmem_shared>> -> memref<64x64xf32, #tpu.memory_space<vmem_shared>>
      tpu.wait_dma2 semaphore(%run_scoped3A_1058 : memref<!tpu.dma_semaphore, #tpu.memory_space<semaphore_mem>>) src(%dma_wait3A_1066 : memref<64x64xf32, #tpu.memory_space<vmem_shared>>) dst(%arg8 : memref<64x64xf32, #tpu.memory_space<vmem>>)
      tpu.yield
    }) : () -> ()
    %add3A_1056 = arith.constant 576 : i32
    %add3A_1057 = arith.addi %mul3A_2, %add3A_1056 : i32
    "tpu.region"() ({
      %run_scoped3A_1058 = tpu.sem_alloc : memref<!tpu.dma_semaphore, #tpu.memory_space<semaphore_mem>>
      %dma_start3A_1059 = arith.constant 0 : i32
      %dma_start3A_1060 = tpu.memref_slice %arg4[%arg0, %add3A_1057, %dma_start3A_1059] : memref<2x10240x64xf32, #tpu.memory_space<hbm>> -> memref<1x64x64xf32, #tpu.memory_space<hbm>>
      %dma_start3A_1061 = tpu.memref_squeeze %dma_start3A_1060 : memref<1x64x64xf32, #tpu.memory_space<hbm>> -> memref<64x64xf32, #tpu.memory_space<hbm>>
      %dma_start3A_1062 = arith.constant 0 : i32
      %dma_start3A_1063 = tpu.memref_slice %arg4[%arg0, %add3A_1057, %dma_start3A_1062] : memref<2x10240x64xf32, #tpu.memory_space<hbm>> -> memref<1x64x64xf32, #tpu.memory_space<hbm>>
      %dma_start3A_1064 = tpu.memref_squeeze %dma_start3A_1063 : memref<1x64x64xf32, #tpu.memory_space<hbm>> -> memref<64x64xf32, #tpu.memory_space<hbm>>
      tpu.enqueue_dma source(%arg8 : memref<64x64xf32, #tpu.memory_space<vmem>>) target(%dma_start3A_1064 : memref<64x64xf32, #tpu.memory_space<hbm>>) target_semaphore(%run_scoped3A_1058 : memref<!tpu.dma_semaphore, #tpu.memory_space<semaphore_mem>>)
      %dma_wait3A_1065 = arith.constant 0 : i32
      %dma_wait3A_1066 = tpu.memref_slice %arg4[%arg0, %add3A_1057, %dma_wait3A_1065] : memref<2x10240x64xf32, #tpu.memory_space<hbm>> -> memref<1x64x64xf32, #tpu.memory_space<hbm>>
      %dma_wait3A_1067 = tpu.memref_squeeze %dma_wait3A_1066 : memref<1x64x64xf32, #tpu.memory_space<hbm>> -> memref<64x64xf32, #tpu.memory_space<hbm>>
      %dma_wait3A_1068 = arith.constant 0 : i32
      %dma_wait3A_1069 = tpu.memref_slice %arg4[%arg0, %add3A_1057, %dma_wait3A_1068] : memref<2x10240x64xf32, #tpu.memory_space<hbm>> -> memref<1x64x64xf32, #tpu.memory_space<hbm>>
      %dma_wait3A_1070 = tpu.memref_squeeze %dma_wait3A_1069 : memref<1x64x64xf32, #tpu.memory_space<hbm>> -> memref<64x64xf32, #tpu.memory_space<hbm>>
      tpu.wait_dma2 semaphore(%run_scoped3A_1058 : memref<!tpu.dma_semaphore, #tpu.memory_space<semaphore_mem>>) src(%arg8 : memref<64x64xf32, #tpu.memory_space<vmem>>) dst(%dma_wait3A_1070 : memref<64x64xf32, #tpu.memory_space<hbm>>)
      tpu.yield
    }) : () -> ()
    "tpu.region"() ({
      %run_scoped3A_1058 = tpu.sem_alloc : memref<!tpu.dma_semaphore, #tpu.memory_space<semaphore_mem>>
      %dma_start3A_1059 = arith.constant 0 : i32
      %dma_start3A_1060 = tpu.memref_slice %arg5[%arg0, %arg1, %dma_start3A_1059] : memref<2x16x10240xf32, #tpu.memory_space<hbm>> -> memref<1x1x10240xf32, #tpu.memory_space<hbm>>
      %dma_start3A_1061 = tpu.memref_squeeze %dma_start3A_1060 : memref<1x1x10240xf32, #tpu.memory_space<hbm>> -> memref<10240xf32, #tpu.memory_space<hbm>>
      %dma_start3A_1062 = arith.constant 0 : i32
      %dma_start3A_1063 = tpu.memref_slice %arg5[%arg0, %arg1, %dma_start3A_1062] : memref<2x16x10240xf32, #tpu.memory_space<hbm>> -> memref<1x1x10240xf32, #tpu.memory_space<hbm>>
      %dma_start3A_1064 = tpu.memref_squeeze %dma_start3A_1063 : memref<1x1x10240xf32, #tpu.memory_space<hbm>> -> memref<10240xf32, #tpu.memory_space<hbm>>
      tpu.enqueue_dma source(%arg7 : memref<10240xf32, #tpu.memory_space<vmem>>) target(%dma_start3A_1064 : memref<10240xf32, #tpu.memory_space<hbm>>) target_semaphore(%run_scoped3A_1058 : memref<!tpu.dma_semaphore, #tpu.memory_space<semaphore_mem>>)
      %dma_wait3A_1065 = arith.constant 0 : i32
      %dma_wait3A_1066 = tpu.memref_slice %arg5[%arg0, %arg1, %dma_wait3A_1065] : memref<2x16x10240xf32, #tpu.memory_space<hbm>> -> memref<1x1x10240xf32, #tpu.memory_space<hbm>>
      %dma_wait3A_1067 = tpu.memref_squeeze %dma_wait3A_1066 : memref<1x1x10240xf32, #tpu.memory_space<hbm>> -> memref<10240xf32, #tpu.memory_space<hbm>>
      %dma_wait3A_1068 = arith.constant 0 : i32
      %dma_wait3A_1069 = tpu.memref_slice %arg5[%arg0, %arg1, %dma_wait3A_1068] : memref<2x16x10240xf32, #tpu.memory_space<hbm>> -> memref<1x1x10240xf32, #tpu.memory_space<hbm>>
      %dma_wait3A_1070 = tpu.memref_squeeze %dma_wait3A_1069 : memref<1x1x10240xf32, #tpu.memory_space<hbm>> -> memref<10240xf32, #tpu.memory_space<hbm>>
      tpu.wait_dma2 semaphore(%run_scoped3A_1058 : memref<!tpu.dma_semaphore, #tpu.memory_space<semaphore_mem>>) src(%arg7 : memref<10240xf32, #tpu.memory_space<vmem>>) dst(%dma_wait3A_1070 : memref<10240xf32, #tpu.memory_space<hbm>>)
      tpu.yield
    }) : () -> ()
    return
  }
}

module attributes {stable_mosaic.version = 14 : i64} {
  func.func @_scale_body(%arg0: i32, %arg1: i32, %arg2: memref<5000x128xf32, #tpu.memory_space<vmem>>, %arg3: memref<10x128xf32, #tpu.memory_space<vmem>>, %arg4: memref<640000xf32, #tpu.memory_space<vmem>>) attributes {dimension_semantics = [#tpu.dimension_semantics<arbitrary>, #tpu.dimension_semantics<arbitrary>], iteration_bounds = array<i64: 2, 10>, scalar_prefetch = 0 : i64, scratch_operands = 0 : i64, tpu.core_type = #tpu.core_type<tc>, window_params = [{transform_indices = @transform_0, window_bounds = array<i64: 5000, 128>}, {pipeline_mode = #tpu.pipeline_mode<synchronous>, transform_indices = @transform_1, window_bounds = array<i64: 10, 128>}, {transform_indices = @transform_2, window_bounds = array<i64: 640000>}]} {
    %get3A = arith.index_cast %arg1 : i32 to index
    %get3A_0 = arith.constant 0 : index
    %get3A_1 = vector.load %arg3[%get3A, %get3A_0] : memref<10x128xf32, #tpu.memory_space<vmem>>, vector<1x128xf32>
    %get3A_2 = arith.constant 0 : index
    %get3A_3 = arith.constant 0 : index
    %get3A_4 = vector.load %arg2[%get3A_2, %get3A_3] : memref<5000x128xf32, #tpu.memory_space<vmem>>, vector<5000x128xf32>
    %mul3A = vector.broadcast %get3A_1 : vector<1x128xf32> to vector<5000x128xf32>
    %mul3A_5 = arith.mulf %get3A_4, %mul3A : vector<5000x128xf32>
    %reshape3A = vector.shape_cast %mul3A_5 : vector<5000x128xf32> to vector<640000xf32>
    %swap3A = arith.constant 0 : index
    %swap3A_6 = vector.load %arg4[%swap3A] : memref<640000xf32, #tpu.memory_space<vmem>>, vector<640000xf32>
    tpu.vector_store %arg4[%swap3A], %reshape3A {strides = array<i32>} : memref<640000xf32, #tpu.memory_space<vmem>>, vector<640000xf32>,
    return
  }
  func.func @transform_0(%arg0: i32, %arg1: i32) -> (i32, i32) {
    %c0_i32 = arith.constant 0 : i32
    %c0_i32_0 = arith.constant 0 : i32
    return %arg0, %c0_i32 : i32, i32
  }
  func.func @transform_1(%arg0: i32, %arg1: i32) -> (i32, i32) {
    %c0_i32 = arith.constant 0 : i32
    %c0_i32_0 = arith.constant 0 : i32
    %c0_i32_1 = arith.constant 0 : i32
    return %c0_i32, %c0_i32_0 : i32, i32
  }
  func.func @transform_2(%arg0: i32, %arg1: i32) -> i32 {
    %mul3A = arith.constant 2 : i32
    %mul3A_0 = arith.muli %arg1, %mul3A : i32
    %add3A = arith.addi %mul3A_0, %arg0 : i32
    %c0_i32 = arith.constant 0 : i32
    return %add3A : i32
  }
}

module attributes {stable_mosaic.version = 14 : i64} {
  func.func @_edge_idx_body(%arg0: i32, %arg1: memref<2x32000xi32, #tpu.memory_space<vmem>>, %arg2: memref<1x32000xi32, #tpu.memory_space<vmem>>, %arg3: memref<3x32000xi32, #tpu.memory_space<vmem>>) attributes {dimension_semantics = [#tpu.dimension_semantics<arbitrary>], iteration_bounds = array<i64: 10>, scalar_prefetch = 0 : i64, scratch_operands = 0 : i64, tpu.core_type = #tpu.core_type<tc>, window_params = [{transform_indices = @transform_0, window_bounds = array<i64: 2, 32000>}, {transform_indices = @transform_1, window_bounds = array<i64: 1, 32000>}, {transform_indices = @transform_2, window_bounds = array<i64: 3, 32000>}]} {
    %get3A = arith.constant 0 : index
    %get3A_0 = arith.constant 0 : index
    %get3A_1 = vector.load %arg2[%get3A, %get3A_0] : memref<1x32000xi32, #tpu.memory_space<vmem>>, vector<1x32000xi32>
    %get3A_2 = vector.shape_cast %get3A_1 : vector<1x32000xi32> to vector<32000xi32>
    %add3A = arith.constant 8 : i32
    %add3A_3 = vector.broadcast %add3A : i32 to vector<32000xi32>
    %add3A_4 = arith.addi %get3A_2, %add3A_3 : vector<32000xi32>
    %ge3A = arith.constant 10 : i32
    %ge3A_5 = vector.broadcast %ge3A : i32 to vector<32000xi32>
    %ge3A_6 = arith.cmpi sge, %add3A_4, %ge3A_5 : vector<32000xi32>
    %sub3A = arith.constant 10 : i32
    %sub3A_7 = vector.broadcast %sub3A : i32 to vector<32000xi32>
    %sub3A_8 = arith.subi %add3A_4, %sub3A_7 : vector<32000xi32>
    %select_n3A = arith.select %ge3A_6, %sub3A_8, %add3A_4 : vector<32000xi1>, vector<32000xi32>
    %mul3A = arith.constant 10000 : i32
    %mul3A_9 = vector.broadcast %mul3A : i32 to vector<32000xi32>
    %mul3A_10 = arith.muli %select_n3A, %mul3A_9 : vector<32000xi32>
    %get3A_11 = arith.constant 1 : index
    %get3A_12 = arith.constant 0 : index
    %get3A_13 = vector.load %arg1[%get3A_11, %get3A_12] : memref<2x32000xi32, #tpu.memory_space<vmem>>, vector<1x32000xi32>
    %get3A_14 = vector.shape_cast %get3A_13 : vector<1x32000xi32> to vector<32000xi32>
    %add3A_15 = arith.addi %mul3A_10, %get3A_14 : vector<32000xi32>
    %mul3A_16 = arith.constant 2 : i32
    %mul3A_17 = vector.broadcast %mul3A_16 : i32 to vector<32000xi32>
    %mul3A_18 = arith.muli %add3A_15, %mul3A_17 : vector<32000xi32>
    %get3A_19 = arith.constant 0 : index
    %get3A_20 = arith.constant 0 : index
    %get3A_21 = vector.load %arg1[%get3A_19, %get3A_20] : memref<2x32000xi32, #tpu.memory_space<vmem>>, vector<1x32000xi32>
    %get3A_22 = vector.shape_cast %get3A_21 : vector<1x32000xi32> to vector<32000xi32>
    %swap3A = arith.constant 0 : index
    %swap3A_23 = arith.constant 0 : index
    %swap3A_24 = vector.load %arg3[%swap3A, %swap3A_23] : memref<3x32000xi32, #tpu.memory_space<vmem>>, vector<1x32000xi32>
    %swap3A_25 = vector.shape_cast %swap3A_24 : vector<1x32000xi32> to vector<32000xi32>
    %swap3A_26 = vector.shape_cast %get3A_22 : vector<32000xi32> to vector<1x32000xi32>
    tpu.vector_store %arg3[%swap3A, %swap3A_23], %swap3A_26 {strides = array<i32>} : memref<3x32000xi32, #tpu.memory_space<vmem>>, vector<1x32000xi32>,
    %swap3A_27 = arith.constant 1 : index
    %swap3A_28 = arith.constant 0 : index
    %swap3A_29 = vector.load %arg3[%swap3A_27, %swap3A_28] : memref<3x32000xi32, #tpu.memory_space<vmem>>, vector<1x32000xi32>
    %swap3A_30 = vector.shape_cast %swap3A_29 : vector<1x32000xi32> to vector<32000xi32>
    %swap3A_31 = vector.shape_cast %mul3A_18 : vector<32000xi32> to vector<1x32000xi32>
    tpu.vector_store %arg3[%swap3A_27, %swap3A_28], %swap3A_31 {strides = array<i32>} : memref<3x32000xi32, #tpu.memory_space<vmem>>, vector<1x32000xi32>,
    %add3A_32 = arith.constant 1 : i32
    %add3A_33 = vector.broadcast %add3A_32 : i32 to vector<32000xi32>
    %add3A_34 = arith.addi %mul3A_18, %add3A_33 : vector<32000xi32>
    %swap3A_35 = arith.constant 2 : index
    %swap3A_36 = arith.constant 0 : index
    %swap3A_37 = vector.load %arg3[%swap3A_35, %swap3A_36] : memref<3x32000xi32, #tpu.memory_space<vmem>>, vector<1x32000xi32>
    %swap3A_38 = vector.shape_cast %swap3A_37 : vector<1x32000xi32> to vector<32000xi32>
    %swap3A_39 = vector.shape_cast %add3A_34 : vector<32000xi32> to vector<1x32000xi32>
    tpu.vector_store %arg3[%swap3A_35, %swap3A_36], %swap3A_39 {strides = array<i32>} : memref<3x32000xi32, #tpu.memory_space<vmem>>, vector<1x32000xi32>,
    return
  }
  func.func @transform_0(%arg0: i32) -> (i32, i32) {
    %c0_i32 = arith.constant 0 : i32
    %c0_i32_0 = arith.constant 0 : i32
    return %c0_i32, %arg0 : i32, i32
  }
  func.func @transform_1(%arg0: i32) -> (i32, i32) {
    %c0_i32 = arith.constant 0 : i32
    %c0_i32_0 = arith.constant 0 : i32
    return %c0_i32, %arg0 : i32, i32
  }
  func.func @transform_2(%arg0: i32) -> (i32, i32) {
    %c0_i32 = arith.constant 0 : i32
    %c0_i32_0 = arith.constant 0 : i32
    return %c0_i32, %arg0 : i32, i32
  }
}

module attributes {stable_mosaic.version = 14 : i64} {
  func.func @_combine_body(%arg0: i32, %arg1: memref<2x2048x64xf32, #tpu.memory_space<vmem>>, %arg2: memref<1x16x2048xf32, #tpu.memory_space<vmem>>, %arg3: memref<2048x128xf32, #tpu.memory_space<vmem>>) attributes {dimension_semantics = [#tpu.dimension_semantics<arbitrary>], iteration_bounds = array<i64: 5>, scalar_prefetch = 0 : i64, scratch_operands = 0 : i64, tpu.core_type = #tpu.core_type<tc>, window_params = [{transform_indices = @transform_0, window_bounds = array<i64: 2, 2048, 64>}, {transform_indices = @transform_1, window_bounds = array<i64: 1, 16, 2048>}, {transform_indices = @transform_2, window_bounds = array<i64: 2048, 128>}]} {
    %get3A = arith.constant 0 : index
    %get3A_0 = arith.constant 0 : index
    %get3A_1 = arith.constant 0 : index
    %get3A_2 = vector.load %arg2[%get3A, %get3A_0, %get3A_1] : memref<1x16x2048xf32, #tpu.memory_space<vmem>>, vector<1x16x2048xf32>
    %get3A_3 = vector.shape_cast %get3A_2 : vector<1x16x2048xf32> to vector<16x2048xf32>
    %reduce_sum3A = arith.constant dense<0.000000e+00> : vector<2048xf32>
    %reduce_sum3A_4 = vector.multi_reduction <add>, %get3A_3, %reduce_sum3A [0] : vector<16x2048xf32> to vector<2048xf32>
    %broadcast_in_dim3A = vector.shape_cast %reduce_sum3A_4 : vector<2048xf32> to vector<2048x1xf32>
    %get3A_5 = arith.constant 0 : index
    %get3A_6 = arith.constant 0 : index
    %get3A_7 = arith.constant 0 : index
    %get3A_8 = vector.load %arg1[%get3A_5, %get3A_6, %get3A_7] : memref<2x2048x64xf32, #tpu.memory_space<vmem>>, vector<1x2048x64xf32>
    %get3A_9 = vector.shape_cast %get3A_8 : vector<1x2048x64xf32> to vector<2048x64xf32>
    %get3A_10 = arith.constant 1 : index
    %get3A_11 = arith.constant 0 : index
    %get3A_12 = arith.constant 0 : index
    %get3A_13 = vector.load %arg1[%get3A_10, %get3A_11, %get3A_12] : memref<2x2048x64xf32, #tpu.memory_space<vmem>>, vector<1x2048x64xf32>
    %get3A_14 = vector.shape_cast %get3A_13 : vector<1x2048x64xf32> to vector<2048x64xf32>
    %concatenate3A = tpu.concatenate %get3A_9, %get3A_14 in 1 : vector<2048x64xf32>, vector<2048x64xf32> -> vector<2048x128xf32>
    %max3A = arith.constant 1.000000e+00 : f32
    %max3A_15 = vector.broadcast %max3A : f32 to vector<2048x1xf32>
    %max3A_16 = arith.maximumf %broadcast_in_dim3A, %max3A_15 : vector<2048x1xf32>
    %div3A = vector.broadcast %max3A_16 : vector<2048x1xf32> to vector<2048x128xf32>
    %div3A_17 = arith.divf %concatenate3A, %div3A : vector<2048x128xf32>
    %swap3A = arith.constant 0 : index
    %swap3A_18 = arith.constant 0 : index
    %swap3A_19 = vector.load %arg3[%swap3A, %swap3A_18] : memref<2048x128xf32, #tpu.memory_space<vmem>>, vector<2048x128xf32>
    tpu.vector_store %arg3[%swap3A, %swap3A_18], %div3A_17 {strides = array<i32>} : memref<2048x128xf32, #tpu.memory_space<vmem>>, vector<2048x128xf32>,
    return
  }
  func.func @transform_0(%arg0: i32) -> (i32, i32, i32) {
    %c0_i32 = arith.constant 0 : i32
    %c0_i32_0 = arith.constant 0 : i32
    %c0_i32_1 = arith.constant 0 : i32
    return %c0_i32, %arg0, %c0_i32_0 : i32, i32, i32
  }
  func.func @transform_1(%arg0: i32) -> (i32, i32, i32) {
    %c0_i32 = arith.constant 0 : i32
    %c0_i32_0 = arith.constant 0 : i32
    %c0_i32_1 = arith.constant 0 : i32
    return %c0_i32, %c0_i32_0, %arg0 : i32, i32, i32
  }
  func.func @transform_2(%arg0: i32) -> (i32, i32) {
    %c0_i32 = arith.constant 0 : i32
    %c0_i32_0 = arith.constant 0 : i32
    return %arg0, %c0_i32 : i32, i32
  }
}

module attributes {stable_mosaic.version = 14 : i64} {
  func.func @_mm2_body(%arg0: i32, %arg1: memref<4000x32xf32, #tpu.memory_space<vmem>>, %arg2: memref<32x128xf32, #tpu.memory_space<vmem>>, %arg3: memref<4000x128xf32, #tpu.memory_space<vmem>>) attributes {dimension_semantics = [#tpu.dimension_semantics<arbitrary>], iteration_bounds = array<i64: 25>, scalar_prefetch = 0 : i64, scratch_operands = 0 : i64, tpu.core_type = #tpu.core_type<tc>, window_params = [{transform_indices = @transform_0, window_bounds = array<i64: 4000, 32>}, {pipeline_mode = #tpu.pipeline_mode<synchronous>, transform_indices = @transform_1, window_bounds = array<i64: 32, 128>}, {transform_indices = @transform_2, window_bounds = array<i64: 4000, 128>}]} {
    %get3A = arith.constant 0 : index
    %get3A_0 = arith.constant 0 : index
    %get3A_1 = vector.load %arg1[%get3A, %get3A_0] : memref<4000x32xf32, #tpu.memory_space<vmem>>, vector<4000x32xf32>
    %get3A_2 = arith.constant 0 : index
    %get3A_3 = arith.constant 0 : index
    %get3A_4 = vector.load %arg2[%get3A_2, %get3A_3] : memref<32x128xf32, #tpu.memory_space<vmem>>, vector<32x128xf32>
    %dot_general3A = arith.constant dense<0.000000e+00> : vector<4000x128xf32>
    %dot_general3A_5 = tpu.matmul %get3A_1, %get3A_4, %dot_general3A {dimension_numbers = #tpu.dot_dimension_numbers<[1], [0], [0], [1], [0, 0, 1, 1], [], []>, transpose_lhs_hint = false} : vector<4000x32xf32>, vector<32x128xf32>, vector<4000x128xf32> -> vector<4000x128xf32>
    %mul3A = arith.constant 2.000000e+00 : f32
    %mul3A_6 = vector.broadcast %mul3A : f32 to vector<4000x128xf32>
    %mul3A_7 = arith.mulf %mul3A_6, %dot_general3A_5 : vector<4000x128xf32>
    %swap3A = arith.constant 0 : index
    %swap3A_8 = arith.constant 0 : index
    %swap3A_9 = vector.load %arg3[%swap3A, %swap3A_8] : memref<4000x128xf32, #tpu.memory_space<vmem>>, vector<4000x128xf32>
    tpu.vector_store %arg3[%swap3A, %swap3A_8], %mul3A_7 {strides = array<i32>} : memref<4000x128xf32, #tpu.memory_space<vmem>>, vector<4000x128xf32>,
    return
  }
  func.func @transform_0(%arg0: i32) -> (i32, i32) {
    %c0_i32 = arith.constant 0 : i32
    %c0_i32_0 = arith.constant 0 : i32
    return %arg0, %c0_i32 : i32, i32
  }
  func.func @transform_1(%arg0: i32) -> (i32, i32) {
    %c0_i32 = arith.constant 0 : i32
    %c0_i32_0 = arith.constant 0 : i32
    %c0_i32_1 = arith.constant 0 : i32
    return %c0_i32, %c0_i32_0 : i32, i32
  }
  func.func @transform_2(%arg0: i32) -> (i32, i32) {
    %c0_i32 = arith.constant 0 : i32
    %c0_i32_0 = arith.constant 0 : i32
    return %arg0, %c0_i32 : i32, i32
  }
}

</mosaic_0001>

<sc_bundles>
// kernel: kernel.8.cloned.1.call-start
scs
__scs_entry_jumppad:
0x0: {  	(pc) =	sbr.rel $0x88, $3  }
0x1: {  	(tag) =	ssettag $0x0;
	lr =	simm.s32 $0x1  }
0x2: {  	[smem:$0x3F9A] =	sst lr;
	_ =	strace $0xD0000000  }
0x3: {  	_ = 	snop  }
0x4: {  	_ = 	snop  }
0x5: {  	_ = 	snop  }
0x6: {  	_ = 	snop  }
0x7: {  	_ = 	snop  }
__scs_overlays_trampoline_lowered:
0x8: {  	[smem:$0x3FA9] =	sst s0  }
0x9: {  	[smem:$0x3FAA] =	sst s1  }
0xa: {  	[smem:$0x3FAB] =	sst s2  }
0xb: {  	[smem:$0x3FAC] =	sst s3  }
0xc: {  	[smem:$0x3FAD] =	sst s4  }
0xd: {  	[smem:$0x3FAE] =	sst s5  }
0xe: {  	[smem:$0x3FAF] =	sst s6  }
0xf: {  	[smem:$0x3FB0] =	sst s7  }
0x10: {  	[smem:$0x3FB1] =	sst s8  }
0x11: {  	[smem:$0x3FB2] =	sst s9;
	s0 =	simm.s32 @!p0 $0x0  }
0x12: {  	s1 =	sld [smem:$0x3F98];
	s0 =	simm.s32 @p0 $0x1  }
0x13: {  	[smem:$0x3FB3] =	sst s0;
	s0 =	simm.s32 @!p1 $0x0  }
0x14: {  	s2 =	sld [smem:$0x3F97];
	s0 =	simm.s32 @p1 $0x1  }
0x15: {  	[smem:$0x3FB4] =	sst s0;
	s0 =	simm.s32 @!p2 $0x0  }
0x16: {  	s3 =	sld [smem:$0x3FDB];
	s0 =	simm.s32 @p2 $0x1  }
0x17: {  	s4 =	simm.s32 $0x1BF5;
	[smem:$0x3FB6] =	sst s0  }
0x18: {  	s0 =	sld [smem:$0x3F99];
	_ =	swait.ge [sflag:s4], $0x0  }
0x19: {  	s7 =	sld [smem:$0x3F9A]  }
0x1a: {  	s8 =	sadd.s32 $0xFFFFE003, lr  }
0x1b: {  	s9 =	sadd.s32 $0xFFFFFEF7, lr;
	s5 =	simm.s32 $0xFFFFFFFF;
	p2 =	slt.u32 s8, $0xFFFFF086  }
0x1c: {  	p1 =	slt.u32 s9, $0xF7A;
	s5 =	simm.s32 @!p2 $0x0  }
0x1d: {  	s5 =	simm.s32 @p1 $0x1;
	p0 =	seq.s32 s7, s2  }
0x1e: {  	s7 =	smul.u32 @!p0 $0xF7A, s2;
	p2 =	seq.s32 @!p0 s5, $0x0  }
0x1f: {  	s9 =	smul.u32 $0xF7A, s1;
	s8 =	simm.s32 @!p0 $0x1BF5;
	p2 =	por !p2, p0  }
0x20: {  	[sflag:s8] =	ssyncset.s32 @!p0 $0xFFFFF086;
	s6 =	sadd.s32 @!p0 s3, s7;
	s7 =	simm.s32 @!p0 $0x108  }
0x21: {  	s3 =	sadd.s32 s3, s9;
	s6 =	sadd.s32 @!p0 $0x88, s6;
	s7 =	simm.s32 @p2 $0x1082  }
0x22: {  	[simem:s7], [sflag:s8] =	dma.local @!p0 [hbm:s6], $0xF7A  }
0x23: {  	s9 =	sor.u32 $0xD0000000, s2;
	s6 =	simm.s32 $0x108;
	_ =	swait.ge @!p0 [sflag:s8], $0x0  }
0x24: {  	s3 =	sadd.s32 $0x88, s3;
	s6 =	simm.s32 @!p1 $0x1082;
	[sflag:s4] =	ssyncset.s32 $0xFFFFF086  }
0x25: {  	[simem:s6], [sflag:s4] =	dma.local [hbm:s3], $0xF7A  }
0x26: {  	[smem:$0x3F9A] =	sst s1;
	(tag) =	ssettag s2;
	_ =	strace s9  }
0x27: {  	s1 =	sld [smem:$0x3FAA]  }
0x28: {  	s2 =	sld [smem:$0x3FAB]  }
0x29: {  	s4 =	sld [smem:$0x3FAD]  }
0x2a: {  	p0 =	seq.s32 s5, $0x0;
	s5 =	sld [smem:$0x3FAE]  }
0x2b: {  	s6 =	sld [smem:$0x3FAF]  }
0x2c: {  	s7 =	sld [smem:$0x3FB0]  }
0x2d: {  	s3 =	simm.s32 $0x108;
	s8 =	sld [smem:$0x3FB1]  }
0x2e: {  	s3 =	simm.s32 @!p0 $0x1082;
	s9 =	sld [smem:$0x3FB2]  }
0x2f: {  	lr =	sadd.s32 s0, s3;
	s0 =	sld [smem:$0x3FA9]  }
0x30: {  	s3 =	sld [smem:$0x3FAC]  }
0x31: {  	[smem:$0x3FB5] =	sst s10  }
0x32: {  	s10 =	sld [smem:$0x3FB3];
	_ =	sdelay $0x3  }
0x33: {  	p0 =	seq.s32 s10, $0x1;
	s10 =	sld [smem:$0x3FB5];
	_ =	sdelay $0x3  }
0x34: {  	[smem:$0x3FB5] =	sst s10  }
0x35: {  	s10 =	sld [smem:$0x3FB4];
	_ =	sdelay $0x3  }
0x36: {  	p1 =	seq.s32 s10, $0x1;
	s10 =	sld [smem:$0x3FB5];
	_ =	sdelay $0x3  }
0x37: {  	[smem:$0x3FB5] =	sst s10  }
0x38: {  	s10 =	sld [smem:$0x3FB6]  }
0x39: {  	_ = 	snop;
	(pc) =	sbr.ind lr, $3  }
0x3a: {  	_ = 	snop  }
0x3b: {  	_ = 	snop  }
0x3c: {  	p2 =	seq.s32 s10, $0x1;
	s10 =	sld [smem:$0x3FB5]  }
0x3d: {  	_ =	shalt  }
0x3e: {  	_ =	shalt  }
0x3f: {  	_ =	shalt  }
0x40: {  	_ =	shalt  }
0x41: {  	_ =	shalt  }
0x42: {  	_ =	shalt  }
0x43: {  	_ =	shalt  }
0x44: {  	_ =	shalt  }
0x45: {  	_ =	shalt  }
0x46: {  	_ =	shalt  }
0x47: {  	_ =	shalt  }
0x48: {  	_ =	shalt  }
0x49: {  	_ =	shalt  }
0x4a: {  	_ =	shalt  }
0x4b: {  	_ =	shalt  }
0x4c: {  	_ =	shalt  }
0x4d: {  	_ =	shalt  }
0x4e: {  	_ =	shalt  }
0x4f: {  	_ =	shalt  }
0x50: {  	_ =	shalt  }
0x51: {  	_ =	shalt  }
0x52: {  	_ =	shalt  }
0x53: {  	_ =	shalt  }
0x54: {  	_ =	shalt  }
0x55: {  	_ =	shalt  }
0x56: {  	_ =	shalt  }
0x57: {  	_ =	shalt  }
0x58: {  	_ =	shalt  }
0x59: {  	_ =	shalt  }
0x5a: {  	_ =	shalt  }
0x5b: {  	_ =	shalt  }
0x5c: {  	_ =	shalt  }
0x5d: {  	_ =	shalt  }
0x5e: {  	_ =	shalt  }
0x5f: {  	_ =	shalt  }
0x60: {  	_ =	shalt  }
0x61: {  	_ =	shalt  }
0x62: {  	_ =	shalt  }
0x63: {  	_ =	shalt  }
0x64: {  	_ =	shalt  }
0x65: {  	_ =	shalt  }
0x66: {  	_ =	shalt  }
0x67: {  	_ =	shalt  }
0x68: {  	_ =	shalt  }
0x69: {  	_ =	shalt  }
0x6a: {  	_ =	shalt  }
0x6b: {  	_ =	shalt  }
0x6c: {  	_ =	shalt  }
0x6d: {  	_ =	shalt  }
0x6e: {  	_ =	shalt  }
0x6f: {  	_ =	shalt  }
0x70: {  	_ =	shalt  }
0x71: {  	_ =	shalt  }
0x72: {  	_ =	shalt  }
0x73: {  	_ =	shalt  }
0x74: {  	_ =	shalt  }
0x75: {  	_ =	shalt  }
0x76: {  	_ =	shalt  }
0x77: {  	_ =	shalt  }
0x78: {  	_ =	shalt  }
0x79: {  	_ =	shalt  }
0x7a: {  	_ =	shalt  }
0x7b: {  	_ =	shalt  }
0x7c: {  	_ =	shalt  }
0x7d: {  	_ =	shalt  }
0x7e: {  	_ =	shalt  }
0x7f: {  	_ =	shalt  }
0x80: {  	_ =	shalt  }
0x81: {  	_ =	shalt  }
0x82: {  	_ =	shalt  }
0x83: {  	_ =	shalt  }
0x84: {  	_ =	shalt  }
0x85: {  	_ =	shalt  }
0x86: {  	_ =	shalt  }
0x87: {  	_ =	shalt  }
.Lfunc_end0:
.L_simem_size_0:
called_computation_lowered:
.L_overlay_start_0:
0x88: {  	s2 =	sld [smem:$0x3FD9]  }
0x89: {  	s3 =	sld [smem:$0x3FFE];
	_ =	sdelay $0x1  }
0x8a: {  	s1 =	srdreg.scid  }
0x8b: {  	s0 =	sand.u32 $0x1, s1  }
0x8c: {  	s14 =	sshll.u32 s0, $0xA;
	s2 =	sadd.s32 s3, s2  }
0x8d: {  	s2 =	sadd.s32 s2, s14  }
0x8e: {  	[smem:$0x3FC1] =	sst s2  }
0x8f: {  	_ = 	snop  }
0x90: {  	s2 =	sld [smem:$0x3FD0];
	_ =	sdelay $0x2  }
0x91: {  	s15 =	simm.s32 $0xA;
	s4 =	simm.s32 $0x10  }
0x92: {  	[smem:s4], [sflag:s15] =	dma.local [hbm:s2], $0x1  }
0x93: {  	_ =	swait.eq [sflag:s15], $0x1  }
0x94: {  	[sflag:s15] =	ssyncset.done $0x0  }
0x95: {  	[sflag:s15] =	ssyncadd.s32 $0xFFFFFFFF  }
0x96: {  	s16 =	sld [smem:$0x11];
	(tm) =	ssettm $0x1  }
0x97: {  	s17 =	sld [smem:$0x3FFB];
	_ =	sdelay $0x3  }
0x98: {  	_ =	strace s17  }
0x99: {  	s3 =	sld [smem:$0x3FFC];
	_ =	sdelay $0x3  }
0x9a: {  	_ =	strace s3  }
0x9b: {  	s3 =	sld [smem:$0x3FFD];
	_ =	sdelay $0x3  }
0x9c: {  	_ =	strace s3  }
0x9d: {  	_ =	strace $0x8FFFFFFF  }
0x9e: {  	s18 =	sld [smem:$0x3FDB];
	_ =	sdelay $0x1  }
0x9f: {  	s19 =	simm.s32 $_scs_section_size  }
0xa0: {  	s5 =	simm.s32 $_size__tile_overlayer_lowered;
	s6 =	simm.s32 $_tile_overlayer_lowered  }
0xa1: {  	s22 =	simm.s32 $0x1BFF;
	s21 =	sshll.u32 s6, $0x1;
	s3 =	sadd.s32 s19, s18  }
0xa2: {  	s7 =	simm.s32 $0x0;
	s20 =	sshll.u32 s5, $0x1;
	s5 =	sadd.s32 s21, s3  }
0xa3: {  	[timem:s7], [sflag:s22] =	dma.local [hbm:s5], s20  }
0xa4: {  	_ =	swait.ge [sflag:s22], s20  }
0xa5: {  	s4 =	ssub.s32 $0x0, s20;
	[sflag:s22] =	ssyncset.done $0x0  }
0xa6: {  	[sflag:s22] =	ssyncadd.s32 s4;
	_ =	sdelay $0x1  }
0xa7: {  	s23 =	simm.s32 $0x1B8B  }
0xa8: {  	_ =	swait.ge [sflag:s23], $0x1  }
0xa9: {  	[sflag:s23] =	ssyncset.done $0x0  }
0xaa: {  	s25 =	simm.s32 $0x1B8E;
	s24 =	sld [smem:$0x3FFE];
	[sflag:s23] =	ssyncadd.s32 $0xFFFFFFFF  }
0xab: {  	s26 =	simm.s32 $execute0_lowered;
	[smem:$0x3FD2] =	sst s25  }
0xac: {  	s5 =	sshll.u32 s26, $0x1;
	_ =	strace $0x80000046;
	[dreg:$0x1] =	wrdreg $0xFFFFFFFF  }
0xad: {  	s28 =	simm.s32 $_size_execute0_lowered;
	s3 =	sadd.s32 s3, s5;
	[dreg:$0x0] =	wrdreg $0x0  }
0xae: {  	s5 =	sshll.u32 s28, $0x1;
	[dreg:$0x2] =	wrdreg s3  }
0xaf: {  	[dreg:$0x3] =	wrdreg s5  }
0xb0: {  	[dreg:$0x4] =	wrdreg $0xC0  }
0xb1: {  	_ =	task [dreg:s7], $0x5FFFF  }
0xb2: {  	[dreg:$0x1] =	wrdreg $0xFFFFFFFF  }
0xb3: {  	[dreg:$0x0] =	wrdreg $0x60  }
0xb4: {  	[dreg:$0x2] =	wrdreg s24  }
0xb5: {  	[dreg:$0x3] =	wrdreg s16  }
0xb6: {  	[dreg:$0x4] =	wrdreg $0x0  }
0xb7: {  	[dreg:$0x5] =	wrdreg $0x9  }
0xb8: {  	_ =	task.clear_ibuf [dreg:s7], $0x6FFFF;
	_ =	strace $0x90000046  }
0xb9: {  	s29 =	simm.s32 $0x9;
	_ =	strace $0x80000048  }
0xba: {  	_ =	swait.ge [sflag:s29], $0x1  }
0xbb: {  	[sflag:s29] =	ssyncadd.s32 $0xFFFFFFFF  }
0xbc: {  	_ =	strace $0x90000048  }
0xbd: {  	_ =	sfence  }
0xbe: {  	s30 =	sld [smem:$0x0];
	_ =	sdelay $0x2  }
0xbf: {  	s31 =	sshll.u32 s1, $0xD;
	s1 =	sshrl.u32 s1, $0x2  }
0xc0: {  	s3 =	sand.u32 $0x4000, s31;
	s1 =	sadd.s32 s1, s30  }
0xc1: {  	s0 =	sor.u32 s3, s0;
	s1 =	sshll.u32 s1, $0x11  }
0xc2: {  	s0 =	sor.u32 s1, s0  }
0xc3: {  	s0 =	sadd.s32 $0x8F2B, s0  }
0xc4: {  	[sflag:s0] =	ssyncadd.remote.s32 $0x1  }
0xc5: {  	_ =	sfence.sel $0xFFFF  }
0xc6: {  	[dreg:$0x0] =	wrdreg $0xFFFFFFFF;
	(pc) =	sbr.abs _section_cstart, $3  }
0xc7: {  	[dreg:$0x1] =	wrdreg $0xFFFFFFFF  }
0xc8: {  	_ =	task.clear_ibuf [dreg:s7], $0x2FFFF;
	_ =	strace $0x9FFFFFFF  }
0xc9: {  	(tm) =	ssettm $0x7FFFFFFF  }
tec
execute0_lowered:
.L_overlay_start_1:
0x0: {  	(tag) =	ssettag $0x1  }
0x1: {  	s9 =	stileid.u32  }
0x2: {  	s1 =	srdreg.scid;
	s4 =	smul.u32 $0x2800, s9  }
0x3: {  	s0 =	rddreg [dreg:$0x0];
	s10 =	sand.u32 $0x1, s1;
	s12 =	smul.u32 $0x4E20, s9  }
0x4: {  	s11 =	rddreg [dreg:$0x1];
	s3 =	smul.u32 $0x28000, s10  }
0x5: {  	s1 =	simm.s32 $0x0;
	s2 =	sadd.s32 $0x194000, s0;
	s5 =	smul.u32 $0x4E200, s10  }
0x6: {  	[smem:$0x7FF] =	sst s1;
	s6 =	ssub.s32 $0x2, s10;
	s10 =	smul.u32 $0xA0000, s10  }
0x7: {  	s15 =	sshrl.u32 s6, $0x1;
	s7 =	sshrl.u32 s12, $0x3;
	s14 =	sadd.s32 $0xFA0, s12  }
0x8: {  	s19 =	sadd.s32 $0x1F40, s12;
	s3 =	sadd.s32 s4, s3;
	s13 =	sadd.s32 $0x4E200, s5  }
0x9: {  	s5 =	smul.u32 $0xA000, s9;
	s4 =	ssub.s32 s6, s15;
	s16 =	sadd.s32 s11, s7  }
0xa: {  	s20 =	sshrl.u32 s19, $0x3;
	s8 =	sadd.s32 s12, s13;
	[dreg:$0x4] =	wrdreg s16  }
0xb: {  	s15 =	sadd.s32 s14, s13;
	s14 =	sshrl.u32 s14, $0x3;
	s16 =	sadd.s32 $0x2EE0, s12  }
0xc: {  	s12 =	sadd.s32 $0x3E80, s12;
	s4 =	smax.u32 s4, $0x1;
	s17 =	sshrl.u32 s8, $0x3  }
0xd: {  	s7 =	sadd.s32 $0x2000, s5;
	s8 =	sadd.s32 $0x3000, s5;
	s9 =	sadd.s32 $0x4000, s5  }
0xe: {  	s15 =	sshrl.u32 s15, $0x3;
	s14 =	sadd.s32 s11, s14;
	s21 =	sshrl.u32 s16, $0x3  }
0xf: {  	s23 =	sadd.s32 s16, s13;
	s24 =	sshrl.u32 s12, $0x3;
	s12 =	sadd.s32 s12, s13  }
0x10: {  	s26 =	sadd.s32 s5, s10;
	s6 =	sadd.s32 s11, s17;
	[dreg:$0x6] =	wrdreg s14  }
0x11: {  	s18 =	sadd.s32 s11, s15;
	s14 =	sadd.s32 s19, s13;
	s15 =	sadd.s32 s11, s20  }
0x12: {  	s22 =	sadd.s32 s11, s21;
	s25 =	sadd.s32 s11, s24;
	[dreg:$0x5] =	wrdreg s6  }
0x13: {  	s12 =	sshrl.u32 s12, $0x3;
	s17 =	sadd.s32 s10, s7;
	[dreg:$0x7] =	wrdreg s18  }
0x14: {  	s19 =	sadd.s32 s10, s8;
	s21 =	sadd.s32 s10, s9;
	[dreg:$0x8] =	wrdreg s15  }
0x15: {  	s6 =	sor.u32 $0x1000, s5;
	s14 =	sshrl.u32 s14, $0x3;
	[dreg:$0xa] =	wrdreg s22  }
0x16: {  	[dreg:$0xc] =	wrdreg s25;
	s18 =	sshrl.u32 s17, $0x3;
	s20 =	sshrl.u32 s19, $0x3  }
0x17: {  	s22 =	sshrl.u32 s21, $0x3;
	s17 =	sadd.s32 $0x8000, s5;
	s21 =	rddreg [dreg:$0x2]  }
0x18: {  	s14 =	sadd.s32 s11, s14;
	s15 =	sadd.s32 s10, s6;
	s19 =	sadd.s32 s10, s17  }
0x19: {  	s28 =	sadd.s32 s7, s21;
	s29 =	sadd.s32 s8, s21;
	s30 =	sadd.s32 s9, s21  }
0x1a: {  	s7 =	simm.s32 $0x6;
	[dreg:$0x9] =	wrdreg s14;
	s14 =	sshrl.u32 s23, $0x3  }
0x1b: {  	s8 =	simm.s32 $0xE7A0;
	s9 =	simm.s32 $0xC800;
	s14 =	sadd.s32 s11, s14  }
0x1c: {  	s16 =	sshrl.u32 s15, $0x3;
	s11 =	sadd.s32 s11, s12;
	[dreg:$0xb] =	wrdreg s14  }
0x1d: {  	s12 =	sadd.s32 $0x5000, s5;
	[dreg:$0xd] =	wrdreg s11;
	s14 =	sshrl.u32 s26, $0x3  }
0x1e: {  	s23 =	sadd.s32 s10, s12;
	s31 =	sadd.s32 s12, s21;
	s12 =	simm.s32 $0xA000  }
0x1f: {  	s11 =	sadd.s32 s2, s14;
	s13 =	sshrl.u32 s23, $0x3;
	s14 =	sadd.s32 $0x7000, s5  }
0x20: {  	s23 =	sadd.s32 s6, s21;
	[dreg:$0xe] =	wrdreg s11;
	s11 =	sadd.s32 s2, s16  }
0x21: {  	s6 =	simm.s32 $0x0;
	s13 =	sadd.s32 s2, s13;
	[dreg:$0xf] =	wrdreg s11  }
0x22: {  	s26 =	sadd.s32 s10, s14;
	s11 =	sadd.s32 s2, s18;
	[dreg:$0x13] =	wrdreg s13  }
0x23: {  	s16 =	sshrl.u32 s26, $0x3;
	s18 =	sadd.s32 $0x9000, s5;
	[dreg:$0x10] =	wrdreg s11  }
0x24: {  	s11 =	sadd.s32 s2, s20;
	s20 =	sshrl.u32 s3, $0x3;
	s3 =	sadd.s32 s18, s21  }
0x25: {  	[dreg:$0x11] =	wrdreg s11;
	s11 =	sadd.s32 s2, s22;
	s22 =	sadd.s32 s20, s0  }
0x26: {  	[dreg:$0x12] =	wrdreg s11;
	s11 =	sadd.s32 $0x6000, s5;
	s26 =	sadd.s32 $0x18A000, s22  }
0x27: {  	s22 =	simm.s32 $0x2;
	s24 =	sadd.s32 s10, s11;
	s10 =	sadd.s32 s10, s18  }
0x28: {  	s20 =	sadd.s32 s11, s21;
	s11 =	simm.s32 $0x106E0;
	s18 =	simm.s32 $0x16680  }
0x29: {  	s25 =	sshrl.u32 s24, $0x3;
	s10 =	sshrl.u32 s10, $0x3;
	s24 =	sadd.s32 $0x3600, s0  }
0x2a: {  	s0 =	sadd.s32 s14, s21;
	s14 =	simm.s32 $0x11680;
	s13 =	sadd.s32 s2, s25  }
0x2b: {  	[dreg:$0x14] =	wrdreg s13;
	s13 =	sadd.s32 s2, s16;
	s16 =	sshrl.u32 s19, $0x3  }
0x2c: {  	s25 =	sadd.s32 s5, s21;
	[dreg:$0x15] =	wrdreg s13;
	s16 =	sadd.s32 s2, s16  }
0x2d: {  	s5 =	simm.s32 $0x5;
	s2 =	sadd.s32 s2, s10;
	[dreg:$0x16] =	wrdreg s16  }
0x2e: {  	s19 =	simm.s32 $0x3;
	s13 =	simm.s32 $0xA0;
	[dreg:$0x17] =	wrdreg s2  }
0x2f: {  	s10 =	simm.s32 $0x4;
	_ =	strace $0x80000047;
	[dreg:$0x18] =	wrdreg s23  }
0x30: {  	s2 =	sadd.s32 s17, s21;
	s16 =	simm.s32 $0x13E80;
	[dreg:$0x19] =	wrdreg s26  }
0x31: {  	v0 =	vimm.f32 $0.0e+00;
	v1 =	vimm.f32 $1.000000000e+00;
	s17 =	simm.s32 $0x1;
	[dreg:$0x1a] =	wrdreg s4;
	s23 =	simm.s32 $0x16720  }
.LBB2_1:
0x32: {  	s4 =	rddreg [dreg:$0x4];
	s15 =	simm.s32 $0xD800  }
0x33: {  	[tilespmem:s15], [sflag:$0x6] =	stream.linear.gather [hbm4b:s4+s1], $0xFA0, $0x38;
	[tilespmem:$0x167C0] =	vst v63  }
0x34: {  	_ =	swait.ge [sflag:s7], $0xFA0  }
0x35: {  	[sflag:s7] =	ssyncset.done $0x0  }
0x36: {  	s26 =	rddreg [dreg:$0x5];
	[sflag:s7] =	ssyncadd.s32 $0xFFFFF060  }
0x37: {  	[tilespmem:s8], [sflag:$0x6] =	stream.linear.gather [hbm4b:s26+s1], $0xFA0, $0x38;
	[tilespmem:$0x167C0] =	vst v63  }
0x38: {  	_ =	swait.ge [sflag:s7], $0xFA0  }
0x39: {  	[sflag:s7] =	ssyncset.done $0x0  }
0x3a: {  	s4 =	simm.s32 $0x0;
	[sflag:s7] =	ssyncadd.s32 $0xFFFFF060  }
.LBB2_2:
0x3b: {  	p0 =	sne.s32 s4, $0x3F00  }
.Ltmp0:
0x3c: {  	s15 =	sshra.s32 s4, $0x2;
	(pc) =	sbr.rel @p0 .LBB2_2-.Ltmp0, $4  }
0x3d: {  	[tilespmem:s15+$0xC800] =	vst v0  }
0x3e: {  	[tilespmem:s15+$0xC810] =	vst v0  }
0x3f: {  	[tilespmem:s15+$0xC820] =	vst v0  }
0x40: {  	s4 =	sadd.s32 $0x100, s4;
	[tilespmem:s15+$0xC830] =	vst v0  }
0x41: {  	s4 =	simm.s32 $0x40;
	s15 =	simm.s32 $0x0  }
.LBB2_4:
0x42: {  	p0 =	sne.s32 s4, $0x9FC0;
	[tilespmem:s15+$0xA000] =	vst v0;
	s15 =	smov.u32 s4;
	s4 =	sadd.s32 $0x40, s4  }
.Ltmp1:
0x43: {  	(pc) =	sbr.rel @p0 .LBB2_4-.Ltmp1, $2  }
0x44: {  	_ =	sdelay $0x2  }
0x45: {  	s15 =	sshra.s32 s15, $0x2  }
0x46: {  	[tilespmem:s15+$0xA000] =	vst v0  }
0x47: {  	[spmem:s25] =	stream.linear.scatter [tilespmem:s9], [sflag:$0x6], $0x1000, $0x38;
	[tilespmem:$0x167C0] =	vst v63  }
0x48: {  	_ =	swait.ge [sflag:s7], $0x1000  }
0x49: {  	[sflag:s7] =	ssyncset.done $0x0  }
0x4a: {  	s4 =	rddreg [dreg:$0x18];
	[sflag:s7] =	ssyncadd.s32 $0xFFFFF000  }
0x4b: {  	[spmem:s4] =	stream.linear.scatter [tilespmem:s9], [sflag:$0x6], $0x1000, $0x38;
	[tilespmem:$0x167C0] =	vst v63  }
0x4c: {  	_ =	swait.ge [sflag:s7], $0x1000  }
0x4d: {  	[sflag:s7] =	ssyncset.done $0x0  }
0x4e: {  	[sflag:s7] =	ssyncadd.s32 $0xFFFFF000  }
0x4f: {  	[spmem:s28] =	stream.linear.scatter [tilespmem:s9], [sflag:$0x6], $0x1000, $0x38;
	[tilespmem:$0x167C0] =	vst v63  }
0x50: {  	_ =	swait.ge [sflag:s7], $0x1000  }
0x51: {  	[sflag:s7] =	ssyncset.done $0x0  }
0x52: {  	[sflag:s7] =	ssyncadd.s32 $0xFFFFF000  }
0x53: {  	[spmem:s29] =	stream.linear.scatter [tilespmem:s9], [sflag:$0x6], $0x1000, $0x38;
	[tilespmem:$0x167C0] =	vst v63  }
0x54: {  	_ =	swait.ge [sflag:s7], $0x1000  }
0x55: {  	[sflag:s7] =	ssyncset.done $0x0  }
0x56: {  	[sflag:s7] =	ssyncadd.s32 $0xFFFFF000  }
0x57: {  	[spmem:s30] =	stream.linear.scatter [tilespmem:s9], [sflag:$0x6], $0x1000, $0x38;
	[tilespmem:$0x167C0] =	vst v63  }
0x58: {  	_ =	swait.ge [sflag:s7], $0x1000  }
0x59: {  	[sflag:s7] =	ssyncset.done $0x0  }
0x5a: {  	[sflag:s7] =	ssyncadd.s32 $0xFFFFF000  }
0x5b: {  	[spmem:s31] =	stream.linear.scatter [tilespmem:s9], [sflag:$0x6], $0x1000, $0x38;
	[tilespmem:$0x167C0] =	vst v63  }
0x5c: {  	_ =	swait.ge [sflag:s7], $0x1000  }
0x5d: {  	[sflag:s7] =	ssyncset.done $0x0  }
0x5e: {  	[sflag:s7] =	ssyncadd.s32 $0xFFFFF000  }
0x5f: {  	[spmem:s20] =	stream.linear.scatter [tilespmem:s9], [sflag:$0x6], $0x1000, $0x38;
	[tilespmem:$0x167C0] =	vst v63  }
0x60: {  	_ =	swait.ge [sflag:s7], $0x1000  }
0x61: {  	[sflag:s7] =	ssyncset.done $0x0  }
0x62: {  	[sflag:s7] =	ssyncadd.s32 $0xFFFFF000  }
0x63: {  	[spmem:s0] =	stream.linear.scatter [tilespmem:s9], [sflag:$0x6], $0x1000, $0x38;
	[tilespmem:$0x167C0] =	vst v63  }
0x64: {  	_ =	swait.ge [sflag:s7], $0x1000  }
0x65: {  	[sflag:s7] =	ssyncset.done $0x0  }
0x66: {  	[sflag:s7] =	ssyncadd.s32 $0xFFFFF000  }
0x67: {  	[spmem:s2] =	stream.linear.scatter [tilespmem:s9], [sflag:$0x6], $0x1000, $0x38;
	[tilespmem:$0x167C0] =	vst v63  }
0x68: {  	_ =	swait.ge [sflag:s7], $0x1000  }
0x69: {  	[sflag:s7] =	ssyncset.done $0x0  }
0x6a: {  	[sflag:s7] =	ssyncadd.s32 $0xFFFFF000  }
0x6b: {  	[spmem:s3] =	stream.linear.scatter [tilespmem:s9], [sflag:$0x6], $0x1000, $0x38;
	[tilespmem:$0x167C0] =	vst v63  }
0x6c: {  	_ =	swait.ge [sflag:s7], $0x1000  }
0x6d: {  	[sflag:s7] =	ssyncset.done $0x0  }
0x6e: {  	[sflag:s7] =	ssyncadd.s32 $0xFFFFF000  }
0x6f: {  	s26 =	smov.u32 s25;
	[bflag:$0x0] =	sbarrier.arrive $0xFFFF  }
0x70: {  	s15 =	simm.s32 $0x0;
	s25 =	simm.s32 $0xF740;
	s4 =	rddreg [dreg:$0x6]  }
0x71: {  	[tilespmem:s25], [sflag:$0x5] =	stream.linear.gather [hbm4b:s4+s15], $0xFA0, $0x38;
	[tilespmem:$0x167C0] =	vst v63  }
0x72: {  	s25 =	rddreg [dreg:$0x7]  }
0x73: {  	[tilespmem:s11], [sflag:$0x5] =	stream.linear.gather [hbm4b:s25+s15], $0xFA0, $0x38;
	[tilespmem:$0x167C0] =	vst v63  }
0x74: {  	v2 =	vld [tilespmem:$0xD800];
	_ =	sdelay $0x6  }
0x75: {  	[tilespmem:$0x16680] =	vst v2  }
0x76: {  	[tilespmem:v2+s12+$0x0] =	vst.idx.add.f32.msk $0xffff, v1  }
0x77: {  	v2 =	vld [tilespmem:$0xD810];
	_ =	sdelay $0x6  }
0x78: {  	[tilespmem:$0x16690] =	vst v2  }
0x79: {  	[tilespmem:v2+s12+$0x0] =	vst.idx.add.f32.msk $0xffff, v1  }
0x7a: {  	v2 =	vld [tilespmem:$0xD820];
	_ =	sdelay $0x6  }
0x7b: {  	[tilespmem:$0x166A0] =	vst v2  }
0x7c: {  	[tilespmem:v2+s12+$0x0] =	vst.idx.add.f32.msk $0xffff, v1  }
0x7d: {  	v2 =	vld [tilespmem:$0xD830];
	_ =	sdelay $0x6  }
0x7e: {  	[tilespmem:$0x166B0] =	vst v2  }
0x7f: {  	[tilespmem:v2+s12+$0x0] =	vst.idx.add.f32.msk $0xffff, v1  }
0x80: {  	v2 =	vld [tilespmem:$0xD840];
	_ =	sdelay $0x6  }
0x81: {  	[tilespmem:$0x166C0] =	vst v2  }
0x82: {  	[tilespmem:v2+s12+$0x0] =	vst.idx.add.f32.msk $0xffff, v1  }
0x83: {  	v2 =	vld [tilespmem:$0xD850];
	_ =	sdelay $0x6  }
0x84: {  	[tilespmem:$0x166D0] =	vst v2  }
0x85: {  	[tilespmem:v2+s12+$0x0] =	vst.idx.add.f32.msk $0xffff, v1  }
0x86: {  	v2 =	vld [tilespmem:$0xD860];
	_ =	sdelay $0x6  }
0x87: {  	[tilespmem:$0x166E0] =	vst v2  }
0x88: {  	[tilespmem:v2+s12+$0x0] =	vst.idx.add.f32.msk $0xffff, v1  }
0x89: {  	v2 =	vld [tilespmem:$0xD870];
	_ =	sdelay $0x6  }
0x8a: {  	[tilespmem:$0x166F0] =	vst v2  }
0x8b: {  	[tilespmem:v2+s12+$0x0] =	vst.idx.add.f32.msk $0xffff, v1  }
0x8c: {  	v2 =	vld [tilespmem:$0xD880];
	_ =	sdelay $0x6  }
0x8d: {  	[tilespmem:$0x16700] =	vst v2  }
0x8e: {  	[tilespmem:v2+s12+$0x0] =	vst.idx.add.f32.msk $0xffff, v1  }
0x8f: {  	v2 =	vld [tilespmem:$0xD890];
	_ =	sdelay $0x6  }
0x90: {  	[tilespmem:$0x16710] =	vst v2  }
0x91: {  	[tilespmem:v2+s12+$0x0] =	vst.idx.add.f32.msk $0xffff, v1  }
0x92: {  	[tilespmem:s14], [sflag:$0x1] =	stream.indirect.gather [hbm4b:s24+s13], $0x40, s8, s13, $0xb8;
	[tilespmem:$0x167C0] =	vst v63  }
0x93: {  	v2 =	vld [tilespmem:$0xD8A0];
	_ =	sdelay $0x6  }
0x94: {  	[tilespmem:$0x16720] =	vst v2  }
0x95: {  	[tilespmem:v2+s12+$0x0] =	vst.idx.add.f32.msk $0xffff, v1  }
0x96: {  	v2 =	vld [tilespmem:$0xD8B0];
	_ =	sdelay $0x6  }
0x97: {  	[tilespmem:$0x16730] =	vst v2  }
0x98: {  	[tilespmem:v2+s12+$0x0] =	vst.idx.add.f32.msk $0xffff, v1  }
0x99: {  	v2 =	vld [tilespmem:$0xD8C0];
	_ =	sdelay $0x6  }
0x9a: {  	[tilespmem:$0x16740] =	vst v2  }
0x9b: {  	[tilespmem:v2+s12+$0x0] =	vst.idx.add.f32.msk $0xffff, v1  }
0x9c: {  	v2 =	vld [tilespmem:$0xD8D0];
	_ =	sdelay $0x6  }
0x9d: {  	[tilespmem:$0x16750] =	vst v2  }
0x9e: {  	[tilespmem:v2+s12+$0x0] =	vst.idx.add.f32.msk $0xffff, v1  }
0x9f: {  	v2 =	vld [tilespmem:$0xD8E0];
	_ =	sdelay $0x6  }
0xa0: {  	[tilespmem:$0x16760] =	vst v2  }
0xa1: {  	[tilespmem:v2+s12+$0x0] =	vst.idx.add.f32.msk $0xffff, v1  }
0xa2: {  	v2 =	vld [tilespmem:$0xD8F0];
	_ =	sdelay $0x6  }
0xa3: {  	[tilespmem:$0x16770] =	vst v2  }
0xa4: {  	[tilespmem:v2+s12+$0x0] =	vst.idx.add.f32.msk $0xffff, v1  }
0xa5: {  	v2 =	vld [tilespmem:$0xD900];
	_ =	sdelay $0x6  }
0xa6: {  	[tilespmem:$0x16780] =	vst v2  }
0xa7: {  	[tilespmem:v2+s12+$0x0] =	vst.idx.add.f32.msk $0xffff, v1  }
0xa8: {  	v2 =	vld [tilespmem:$0xD910];
	_ =	sdelay $0x6  }
0xa9: {  	[tilespmem:$0x16790] =	vst v2  }
0xaa: {  	[tilespmem:v2+s12+$0x0] =	vst.idx.add.f32.msk $0xffff, v1  }
0xab: {  	v2 =	vld [tilespmem:$0xD920];
	_ =	sdelay $0x6  }
0xac: {  	[tilespmem:$0x167A0] =	vst v2  }
0xad: {  	[tilespmem:v2+s12+$0x0] =	vst.idx.add.f32.msk $0xffff, v1  }
0xae: {  	v2 =	vld [tilespmem:$0xD930];
	_ =	sdelay $0x6  }
0xaf: {  	[tilespmem:$0x167B0] =	vst v2  }
0xb0: {  	s25 =	simm.s32 $0xE840;
	[tilespmem:v2+s12+$0x0] =	vst.idx.add.f32.msk $0xffff, v1  }
0xb1: {  	[tilespmem:s16], [sflag:$0x2] =	stream.indirect.gather [hbm4b:s24+s13], $0x40, s25, s13, $0xb8;
	[tilespmem:$0x167C0] =	vst v63  }
0xb2: {  	_ =	swait.ge [sflag:s17], $0x2800  }
0xb3: {  	[sflag:s17] =	ssyncset.done $0x0  }
0xb4: {  	[sflag:s17] =	ssyncadd.s32 $0xFFFFD800  }
0xb5: {  	[spmem:s21] =	stream.indirect.scatter.add.f32 [tilespmem:s14], [sflag:$0x3], $0x40, s18, s13, $0xb8;
	[tilespmem:$0x167C0] =	vst v63  }
.LBB2_6:
0xb6: {  	_ =	swait.ge [sflag:s19], $0x2800  }
0xb7: {  	[sflag:s19] =	ssyncset.done $0x0  }
0xb8: {  	s4 =	sshra.s32 s15, $0x2;
	[sflag:s19] =	ssyncadd.s32 $0xFFFFD800  }
0xb9: {  	v2 =	vld [tilespmem:s4+$0xD940];
	_ =	sdelay $0x6  }
0xba: {  	[tilespmem:$0x16680] =	vst v2  }
0xbb: {  	[tilespmem:v2+s12+$0x0] =	vst.idx.add.f32.msk $0xffff, v1  }
0xbc: {  	v2 =	vld [tilespmem:s4+$0xD950];
	_ =	sdelay $0x6  }
0xbd: {  	[tilespmem:$0x16690] =	vst v2  }
0xbe: {  	[tilespmem:v2+s12+$0x0] =	vst.idx.add.f32.msk $0xffff, v1  }
0xbf: {  	v2 =	vld [tilespmem:s4+$0xD960];
	_ =	sdelay $0x6  }
0xc0: {  	[tilespmem:$0x166A0] =	vst v2  }
0xc1: {  	[tilespmem:v2+s12+$0x0] =	vst.idx.add.f32.msk $0xffff, v1  }
0xc2: {  	v2 =	vld [tilespmem:s4+$0xD970];
	_ =	sdelay $0x6  }
0xc3: {  	[tilespmem:$0x166B0] =	vst v2  }
0xc4: {  	[tilespmem:v2+s12+$0x0] =	vst.idx.add.f32.msk $0xffff, v1  }
0xc5: {  	v2 =	vld [tilespmem:s4+$0xD980];
	_ =	sdelay $0x6  }
0xc6: {  	[tilespmem:$0x166C0] =	vst v2  }
0xc7: {  	[tilespmem:v2+s12+$0x0] =	vst.idx.add.f32.msk $0xffff, v1  }
0xc8: {  	v2 =	vld [tilespmem:s4+$0xD990];
	_ =	sdelay $0x6  }
0xc9: {  	[tilespmem:$0x166D0] =	vst v2  }
0xca: {  	[tilespmem:v2+s12+$0x0] =	vst.idx.add.f32.msk $0xffff, v1  }
0xcb: {  	v2 =	vld [tilespmem:s4+$0xD9A0];
	_ =	sdelay $0x6  }
0xcc: {  	[tilespmem:$0x166E0] =	vst v2  }
0xcd: {  	[tilespmem:v2+s12+$0x0] =	vst.idx.add.f32.msk $0xffff, v1  }
0xce: {  	v2 =	vld [tilespmem:s4+$0xD9B0];
	_ =	sdelay $0x6  }
0xcf: {  	[tilespmem:$0x166F0] =	vst v2  }
0xd0: {  	[tilespmem:v2+s12+$0x0] =	vst.idx.add.f32.msk $0xffff, v1  }
0xd1: {  	v2 =	vld [tilespmem:s4+$0xD9C0];
	_ =	sdelay $0x6  }
0xd2: {  	[tilespmem:$0x16700] =	vst v2  }
0xd3: {  	[tilespmem:v2+s12+$0x0] =	vst.idx.add.f32.msk $0xffff, v1  }
0xd4: {  	v2 =	vld [tilespmem:s4+$0xD9D0];
	_ =	sdelay $0x6  }
0xd5: {  	[tilespmem:$0x16710] =	vst v2  }
0xd6: {  	s25 =	sadd.s32 $0xE8E0, s4;
	[tilespmem:v2+s12+$0x0] =	vst.idx.add.f32.msk $0xffff, v1  }
0xd7: {  	[tilespmem:s14], [sflag:$0x1] =	stream.indirect.gather [hbm4b:s24+s13], $0x40, s25, s13, $0xb8;
	[tilespmem:$0x167C0] =	vst v63  }
0xd8: {  	_ =	swait.ge [sflag:s22], $0x2800  }
0xd9: {  	[sflag:s22] =	ssyncset.done $0x0  }
0xda: {  	[sflag:s22] =	ssyncadd.s32 $0xFFFFD800  }
0xdb: {  	[spmem:s21] =	stream.indirect.scatter.add.f32 [tilespmem:s16], [sflag:$0x4], $0x40, s23, s13, $0xb8;
	[tilespmem:$0x167C0] =	vst v63  }
0xdc: {  	_ =	swait.ge [sflag:s10], $0x2800  }
0xdd: {  	[sflag:s10] =	ssyncset.done $0x0  }
0xde: {  	[sflag:s10] =	ssyncadd.s32 $0xFFFFD800  }
0xdf: {  	v2 =	vld [tilespmem:s4+$0xD9E0];
	_ =	sdelay $0x6  }
0xe0: {  	[tilespmem:$0x16720] =	vst v2  }
0xe1: {  	[tilespmem:v2+s12+$0x0] =	vst.idx.add.f32.msk $0xffff, v1  }
0xe2: {  	v2 =	vld [tilespmem:s4+$0xD9F0];
	_ =	sdelay $0x6  }
0xe3: {  	[tilespmem:$0x16730] =	vst v2  }
0xe4: {  	[tilespmem:v2+s12+$0x0] =	vst.idx.add.f32.msk $0xffff, v1  }
0xe5: {  	v2 =	vld [tilespmem:s4+$0xDA00];
	_ =	sdelay $0x6  }
0xe6: {  	[tilespmem:$0x16740] =	vst v2  }
0xe7: {  	[tilespmem:v2+s12+$0x0] =	vst.idx.add.f32.msk $0xffff, v1  }
0xe8: {  	v2 =	vld [tilespmem:s4+$0xDA10];
	_ =	sdelay $0x6  }
0xe9: {  	[tilespmem:$0x16750] =	vst v2  }
0xea: {  	[tilespmem:v2+s12+$0x0] =	vst.idx.add.f32.msk $0xffff, v1  }
0xeb: {  	v2 =	vld [tilespmem:s4+$0xDA20];
	_ =	sdelay $0x6  }
0xec: {  	[tilespmem:$0x16760] =	vst v2  }
0xed: {  	[tilespmem:v2+s12+$0x0] =	vst.idx.add.f32.msk $0xffff, v1  }
0xee: {  	v2 =	vld [tilespmem:s4+$0xDA30];
	_ =	sdelay $0x6  }
0xef: {  	[tilespmem:$0x16770] =	vst v2  }
0xf0: {  	[tilespmem:v2+s12+$0x0] =	vst.idx.add.f32.msk $0xffff, v1  }
0xf1: {  	v2 =	vld [tilespmem:s4+$0xDA40];
	_ =	sdelay $0x6  }
0xf2: {  	[tilespmem:$0x16780] =	vst v2  }
0xf3: {  	[tilespmem:v2+s12+$0x0] =	vst.idx.add.f32.msk $0xffff, v1  }
0xf4: {  	v2 =	vld [tilespmem:s4+$0xDA50];
	_ =	sdelay $0x6  }
0xf5: {  	[tilespmem:$0x16790] =	vst v2  }
0xf6: {  	[tilespmem:v2+s12+$0x0] =	vst.idx.add.f32.msk $0xffff, v1  }
0xf7: {  	v2 =	vld [tilespmem:s4+$0xDA60];
	_ =	sdelay $0x6  }
0xf8: {  	[tilespmem:$0x167A0] =	vst v2  }
0xf9: {  	[tilespmem:v2+s12+$0x0] =	vst.idx.add.f32.msk $0xffff, v1  }
0xfa: {  	v2 =	vld [tilespmem:s4+$0xDA70];
	_ =	sdelay $0x6  }
0xfb: {  	[tilespmem:$0x167B0] =	vst v2  }
0xfc: {  	p0 =	sne.s32 s15, $0x3200;
	s4 =	sadd.s32 $0xE980, s4;
	[tilespmem:v2+s12+$0x0] =	vst.idx.add.f32.msk $0xffff, v1  }
0xfd: {  	[tilespmem:s16], [sflag:$0x2] =	stream.indirect.gather [hbm4b:s24+s13], $0x40, s4, s13, $0xb8;
	[tilespmem:$0x167C0] =	vst v63  }
.Ltmp2:
0xfe: {  	_ = 	snop;
	(pc) =	sbr.rel @p0 .LBB2_6-.Ltmp2, $4  }
0xff: {  	_ =	swait.ge [sflag:s17], $0x2800  }
0x100: {  	[sflag:s17] =	ssyncset.done $0x0  }
0x101: {  	s15 =	sadd.s32 $0x500, s15;
	[sflag:s17] =	ssyncadd.s32 $0xFFFFD800  }
0x102: {  	[spmem:s21] =	stream.indirect.scatter.add.f32 [tilespmem:s14], [sflag:$0x3], $0x40, s18, s13, $0xb8;
	[tilespmem:$0x167C0] =	vst v63  }
0x103: {  	_ =	swait.ge [sflag:s19], $0x2800  }
0x104: {  	[sflag:s19] =	ssyncset.done $0x0  }
0x105: {  	[sflag:s19] =	ssyncadd.s32 $0xFFFFD800  }
0x106: {  	v2 =	vld [tilespmem:$0xE700];
	_ =	sdelay $0x6  }
0x107: {  	[tilespmem:$0x16680] =	vst v2  }
0x108: {  	[tilespmem:v2+s12+$0x0] =	vst.idx.add.f32.msk $0xffff, v1  }
0x109: {  	v2 =	vld [tilespmem:$0xE710];
	_ =	sdelay $0x6  }
0x10a: {  	[tilespmem:$0x16690] =	vst v2  }
0x10b: {  	[tilespmem:v2+s12+$0x0] =	vst.idx.add.f32.msk $0xffff, v1  }
0x10c: {  	v2 =	vld [tilespmem:$0xE720];
	_ =	sdelay $0x6  }
0x10d: {  	[tilespmem:$0x166A0] =	vst v2  }
0x10e: {  	[tilespmem:v2+s12+$0x0] =	vst.idx.add.f32.msk $0xffff, v1  }
0x10f: {  	v2 =	vld [tilespmem:$0xE730];
	_ =	sdelay $0x6  }
0x110: {  	[tilespmem:$0x166B0] =	vst v2  }
0x111: {  	[tilespmem:v2+s12+$0x0] =	vst.idx.add.f32.msk $0xffff, v1  }
0x112: {  	v2 =	vld [tilespmem:$0xE740];
	_ =	sdelay $0x6  }
0x113: {  	[tilespmem:$0x166C0] =	vst v2  }
0x114: {  	[tilespmem:v2+s12+$0x0] =	vst.idx.add.f32.msk $0xffff, v1  }
0x115: {  	v2 =	vld [tilespmem:$0xE750];
	_ =	sdelay $0x6  }
0x116: {  	[tilespmem:$0x166D0] =	vst v2  }
0x117: {  	[tilespmem:v2+s12+$0x0] =	vst.idx.add.f32.msk $0xffff, v1  }
0x118: {  	v2 =	vld [tilespmem:$0xE760];
	_ =	sdelay $0x6  }
0x119: {  	[tilespmem:$0x166E0] =	vst v2  }
0x11a: {  	[tilespmem:v2+s12+$0x0] =	vst.idx.add.f32.msk $0xffff, v1  }
0x11b: {  	v2 =	vld [tilespmem:$0xE770];
	_ =	sdelay $0x6  }
0x11c: {  	[tilespmem:$0x166F0] =	vst v2  }
0x11d: {  	[tilespmem:v2+s12+$0x0] =	vst.idx.add.f32.msk $0xffff, v1  }
0x11e: {  	v2 =	vld [tilespmem:$0xE780];
	_ =	sdelay $0x6  }
0x11f: {  	[tilespmem:$0x16700] =	vst v2  }
0x120: {  	[tilespmem:v2+s12+$0x0] =	vst.idx.add.f32.msk $0xffff, v1  }
0x121: {  	v2 =	vld [tilespmem:$0xE790];
	_ =	sdelay $0x6  }
0x122: {  	[tilespmem:$0x16710] =	vst v2  }
0x123: {  	s4 =	simm.s32 $0xF6A0;
	[tilespmem:v2+s12+$0x0] =	vst.idx.add.f32.msk $0xffff, v1  }
0x124: {  	[tilespmem:s14], [sflag:$0x1] =	stream.indirect.gather [hbm4b:s24+s13], $0x40, s4, s13, $0xb8;
	[tilespmem:$0x167C0] =	vst v63  }
0x125: {  	_ =	swait.ge [sflag:s22], $0x2800  }
0x126: {  	[sflag:s22] =	ssyncset.done $0x0  }
0x127: {  	[sflag:s22] =	ssyncadd.s32 $0xFFFFD800  }
0x128: {  	[spmem:s21] =	stream.indirect.scatter.add.f32 [tilespmem:s16], [sflag:$0x4], $0x40, s23, s13, $0xb8;
	[tilespmem:$0x167C0] =	vst v63  }
0x129: {  	_ =	swait.ge [sflag:s17], $0x2800  }
0x12a: {  	[sflag:s17] =	ssyncset.done $0x0  }
0x12b: {  	[sflag:s17] =	ssyncadd.s32 $0xFFFFD800  }
0x12c: {  	[spmem:s21] =	stream.indirect.scatter.add.f32 [tilespmem:s14], [sflag:$0x3], $0x40, s18, s13, $0xb8;
	[tilespmem:$0x167C0] =	vst v63  }
0x12d: {  	_ =	swait.ge [sflag:s10], $0x2800  }
0x12e: {  	[sflag:s10] =	ssyncset.done $0x0  }
0x12f: {  	[sflag:s10] =	ssyncadd.s32 $0xFFFFD800  }
0x130: {  	_ =	swait.ge [sflag:s19], $0x2800  }
0x131: {  	[sflag:s19] =	ssyncset.done $0x0  }
0x132: {  	[sflag:s19] =	ssyncadd.s32 $0xFFFFD800  }
0x133: {  	_ =	swait.ge [sflag:s5], $0xFA0  }
0x134: {  	[sflag:s5] =	ssyncset.done $0x0  }
0x135: {  	[sflag:s5] =	ssyncadd.s32 $0xFFFFF060  }
0x136: {  	_ =	swait.ge [sflag:s5], $0xFA0  }
0x137: {  	s15 =	simm.s32 $0x0;
	[sflag:s5] =	ssyncset.done $0x0  }
0x138: {  	s25 =	simm.s32 $0xD800;
	s4 =	rddreg [dreg:$0x8];
	[sflag:s5] =	ssyncadd.s32 $0xFFFFF060  }
0x139: {  	[tilespmem:s25], [sflag:$0x5] =	stream.linear.gather [hbm4b:s4+s15], $0xFA0, $0x38;
	[tilespmem:$0x167C0] =	vst v63  }
0x13a: {  	s25 =	rddreg [dreg:$0x9]  }
0x13b: {  	[tilespmem:s8], [sflag:$0x5] =	stream.linear.gather [hbm4b:s25+s15], $0xFA0, $0x38;
	[tilespmem:$0x167C0] =	vst v63  }
0x13c: {  	v2 =	vld [tilespmem:$0xF740];
	_ =	sdelay $0x6  }
0x13d: {  	[tilespmem:$0x16680] =	vst v2  }
0x13e: {  	[tilespmem:v2+s12+$0x0] =	vst.idx.add.f32.msk $0xffff, v1  }
0x13f: {  	v2 =	vld [tilespmem:$0xF750];
	_ =	sdelay $0x6  }
0x140: {  	[tilespmem:$0x16690] =	vst v2  }
0x141: {  	[tilespmem:v2+s12+$0x0] =	vst.idx.add.f32.msk $0xffff, v1  }
0x142: {  	v2 =	vld [tilespmem:$0xF760];
	_ =	sdelay $0x6  }
0x143: {  	[tilespmem:$0x166A0] =	vst v2  }
0x144: {  	[tilespmem:v2+s12+$0x0] =	vst.idx.add.f32.msk $0xffff, v1  }
0x145: {  	v2 =	vld [tilespmem:$0xF770];
	_ =	sdelay $0x6  }
0x146: {  	[tilespmem:$0x166B0] =	vst v2  }
0x147: {  	[tilespmem:v2+s12+$0x0] =	vst.idx.add.f32.msk $0xffff, v1  }
0x148: {  	v2 =	vld [tilespmem:$0xF780];
	_ =	sdelay $0x6  }
0x149: {  	[tilespmem:$0x166C0] =	vst v2  }
0x14a: {  	[tilespmem:v2+s12+$0x0] =	vst.idx.add.f32.msk $0xffff, v1  }
0x14b: {  	v2 =	vld [tilespmem:$0xF790];
	_ =	sdelay $0x6  }
0x14c: {  	[tilespmem:$0x166D0] =	vst v2  }
0x14d: {  	[tilespmem:v2+s12+$0x0] =	vst.idx.add.f32.msk $0xffff, v1  }
0x14e: {  	v2 =	vld [tilespmem:$0xF7A0];
	_ =	sdelay $0x6  }
0x14f: {  	[tilespmem:$0x166E0] =	vst v2  }
0x150: {  	[tilespmem:v2+s12+$0x0] =	vst.idx.add.f32.msk $0xffff, v1  }
0x151: {  	v2 =	vld [tilespmem:$0xF7B0];
	_ =	sdelay $0x6  }
0x152: {  	[tilespmem:$0x166F0] =	vst v2  }
0x153: {  	[tilespmem:v2+s12+$0x0] =	vst.idx.add.f32.msk $0xffff, v1  }
0x154: {  	v2 =	vld [tilespmem:$0xF7C0];
	_ =	sdelay $0x6  }
0x155: {  	[tilespmem:$0x16700] =	vst v2  }
0x156: {  	[tilespmem:v2+s12+$0x0] =	vst.idx.add.f32.msk $0xffff, v1  }
0x157: {  	v2 =	vld [tilespmem:$0xF7D0];
	_ =	sdelay $0x6  }
0x158: {  	[tilespmem:$0x16710] =	vst v2  }
0x159: {  	[tilespmem:v2+s12+$0x0] =	vst.idx.add.f32.msk $0xffff, v1  }
0x15a: {  	[tilespmem:s14], [sflag:$0x1] =	stream.indirect.gather [hbm4b:s24+s13], $0x40, s11, s13, $0xb8;
	[tilespmem:$0x167C0] =	vst v63  }
0x15b: {  	v2 =	vld [tilespmem:$0xF7E0];
	_ =	sdelay $0x6  }
0x15c: {  	[tilespmem:$0x16720] =	vst v2  }
0x15d: {  	[tilespmem:v2+s12+$0x0] =	vst.idx.add.f32.msk $0xffff, v1  }
0x15e: {  	v2 =	vld [tilespmem:$0xF7F0];
	_ =	sdelay $0x6  }
0x15f: {  	[tilespmem:$0x16730] =	vst v2  }
0x160: {  	[tilespmem:v2+s12+$0x0] =	vst.idx.add.f32.msk $0xffff, v1  }
0x161: {  	v2 =	vld [tilespmem:$0xF800];
	_ =	sdelay $0x6  }
0x162: {  	[tilespmem:$0x16740] =	vst v2  }
0x163: {  	[tilespmem:v2+s12+$0x0] =	vst.idx.add.f32.msk $0xffff, v1  }
0x164: {  	v2 =	vld [tilespmem:$0xF810];
	_ =	sdelay $0x6  }
0x165: {  	[tilespmem:$0x16750] =	vst v2  }
0x166: {  	[tilespmem:v2+s12+$0x0] =	vst.idx.add.f32.msk $0xffff, v1  }
0x167: {  	v2 =	vld [tilespmem:$0xF820];
	_ =	sdelay $0x6  }
0x168: {  	[tilespmem:$0x16760] =	vst v2  }
0x169: {  	[tilespmem:v2+s12+$0x0] =	vst.idx.add.f32.msk $0xffff, v1  }
0x16a: {  	v2 =	vld [tilespmem:$0xF830];
	_ =	sdelay $0x6  }
0x16b: {  	[tilespmem:$0x16770] =	vst v2  }
0x16c: {  	[tilespmem:v2+s12+$0x0] =	vst.idx.add.f32.msk $0xffff, v1  }
0x16d: {  	v2 =	vld [tilespmem:$0xF840];
	_ =	sdelay $0x6  }
0x16e: {  	[tilespmem:$0x16780] =	vst v2  }
0x16f: {  	[tilespmem:v2+s12+$0x0] =	vst.idx.add.f32.msk $0xffff, v1  }
0x170: {  	v2 =	vld [tilespmem:$0xF850];
	_ =	sdelay $0x6  }
0x171: {  	[tilespmem:$0x16790] =	vst v2  }
0x172: {  	[tilespmem:v2+s12+$0x0] =	vst.idx.add.f32.msk $0xffff, v1  }
0x173: {  	v2 =	vld [tilespmem:$0xF860];
	_ =	sdelay $0x6  }
0x174: {  	[tilespmem:$0x167A0] =	vst v2  }
0x175: {  	[tilespmem:v2+s12+$0x0] =	vst.idx.add.f32.msk $0xffff, v1  }
0x176: {  	v2 =	vld [tilespmem:$0xF870];
	_ =	sdelay $0x6  }
0x177: {  	[tilespmem:$0x167B0] =	vst v2  }
0x178: {  	s25 =	simm.s32 $0x10780;
	[tilespmem:v2+s12+$0x0] =	vst.idx.add.f32.msk $0xffff, v1  }
0x179: {  	[tilespmem:s16], [sflag:$0x2] =	stream.indirect.gather [hbm4b:s24+s13], $0x40, s25, s13, $0xb8;
	[tilespmem:$0x167C0] =	vst v63  }
0x17a: {  	_ =	swait.ge [sflag:s17], $0x2800  }
0x17b: {  	[sflag:s17] =	ssyncset.done $0x0  }
0x17c: {  	[sflag:s17] =	ssyncadd.s32 $0xFFFFD800  }
0x17d: {  	[spmem:s21] =	stream.indirect.scatter.add.f32 [tilespmem:s14], [sflag:$0x3], $0x40, s18, s13, $0xb8;
	[tilespmem:$0x167C0] =	vst v63  }
.LBB2_8:
0x17e: {  	_ =	swait.ge [sflag:s19], $0x2800  }
0x17f: {  	[sflag:s19] =	ssyncset.done $0x0  }
0x180: {  	s4 =	sshra.s32 s15, $0x2;
	[sflag:s19] =	ssyncadd.s32 $0xFFFFD800  }
0x181: {  	v2 =	vld [tilespmem:s4+$0xF880];
	_ =	sdelay $0x6  }
0x182: {  	[tilespmem:$0x16680] =	vst v2  }
0x183: {  	[tilespmem:v2+s12+$0x0] =	vst.idx.add.f32.msk $0xffff, v1  }
0x184: {  	v2 =	vld [tilespmem:s4+$0xF890];
	_ =	sdelay $0x6  }
0x185: {  	[tilespmem:$0x16690] =	vst v2  }
0x186: {  	[tilespmem:v2+s12+$0x0] =	vst.idx.add.f32.msk $0xffff, v1  }
0x187: {  	v2 =	vld [tilespmem:s4+$0xF8A0];
	_ =	sdelay $0x6  }
0x188: {  	[tilespmem:$0x166A0] =	vst v2  }
0x189: {  	[tilespmem:v2+s12+$0x0] =	vst.idx.add.f32.msk $0xffff, v1  }
0x18a: {  	v2 =	vld [tilespmem:s4+$0xF8B0];
	_ =	sdelay $0x6  }
0x18b: {  	[tilespmem:$0x166B0] =	vst v2  }
0x18c: {  	[tilespmem:v2+s12+$0x0] =	vst.idx.add.f32.msk $0xffff, v1  }
0x18d: {  	v2 =	vld [tilespmem:s4+$0xF8C0];
	_ =	sdelay $0x6  }
0x18e: {  	[tilespmem:$0x166C0] =	vst v2  }
0x18f: {  	[tilespmem:v2+s12+$0x0] =	vst.idx.add.f32.msk $0xffff, v1  }
0x190: {  	v2 =	vld [tilespmem:s4+$0xF8D0];
	_ =	sdelay $0x6  }
0x191: {  	[tilespmem:$0x166D0] =	vst v2  }
0x192: {  	[tilespmem:v2+s12+$0x0] =	vst.idx.add.f32.msk $0xffff, v1  }
0x193: {  	v2 =	vld [tilespmem:s4+$0xF8E0];
	_ =	sdelay $0x6  }
0x194: {  	[tilespmem:$0x166E0] =	vst v2  }
0x195: {  	[tilespmem:v2+s12+$0x0] =	vst.idx.add.f32.msk $0xffff, v1  }
0x196: {  	v2 =	vld [tilespmem:s4+$0xF8F0];
	_ =	sdelay $0x6  }
0x197: {  	[tilespmem:$0x166F0] =	vst v2  }
0x198: {  	[tilespmem:v2+s12+$0x0] =	vst.idx.add.f32.msk $0xffff, v1  }
0x199: {  	v2 =	vld [tilespmem:s4+$0xF900];
	_ =	sdelay $0x6  }
0x19a: {  	[tilespmem:$0x16700] =	vst v2  }
0x19b: {  	[tilespmem:v2+s12+$0x0] =	vst.idx.add.f32.msk $0xffff, v1  }
0x19c: {  	v2 =	vld [tilespmem:s4+$0xF910];
	_ =	sdelay $0x6  }
0x19d: {  	[tilespmem:$0x16710] =	vst v2  }
0x19e: {  	s25 =	sadd.s32 $0x10820, s4;
	[tilespmem:v2+s12+$0x0] =	vst.idx.add.f32.msk $0xffff, v1  }
0x19f: {  	[tilespmem:s14], [sflag:$0x1] =	stream.indirect.gather [hbm4b:s24+s13], $0x40, s25, s13, $0xb8;
	[tilespmem:$0x167C0] =	vst v63  }
0x1a0: {  	_ =	swait.ge [sflag:s22], $0x2800  }
0x1a1: {  	[sflag:s22] =	ssyncset.done $0x0  }
0x1a2: {  	[sflag:s22] =	ssyncadd.s32 $0xFFFFD800  }
0x1a3: {  	[spmem:s21] =	stream.indirect.scatter.add.f32 [tilespmem:s16], [sflag:$0x4], $0x40, s23, s13, $0xb8;
	[tilespmem:$0x167C0] =	vst v63  }
0x1a4: {  	_ =	swait.ge [sflag:s10], $0x2800  }
0x1a5: {  	[sflag:s10] =	ssyncset.done $0x0  }
0x1a6: {  	[sflag:s10] =	ssyncadd.s32 $0xFFFFD800  }
0x1a7: {  	v2 =	vld [tilespmem:s4+$0xF920];
	_ =	sdelay $0x6  }
0x1a8: {  	[tilespmem:$0x16720] =	vst v2  }
0x1a9: {  	[tilespmem:v2+s12+$0x0] =	vst.idx.add.f32.msk $0xffff, v1  }
0x1aa: {  	v2 =	vld [tilespmem:s4+$0xF930];
	_ =	sdelay $0x6  }
0x1ab: {  	[tilespmem:$0x16730] =	vst v2  }
0x1ac: {  	[tilespmem:v2+s12+$0x0] =	vst.idx.add.f32.msk $0xffff, v1  }
0x1ad: {  	v2 =	vld [tilespmem:s4+$0xF940];
	_ =	sdelay $0x6  }
0x1ae: {  	[tilespmem:$0x16740] =	vst v2  }
0x1af: {  	[tilespmem:v2+s12+$0x0] =	vst.idx.add.f32.msk $0xffff, v1  }
0x1b0: {  	v2 =	vld [tilespmem:s4+$0xF950];
	_ =	sdelay $0x6  }
0x1b1: {  	[tilespmem:$0x16750] =	vst v2  }
0x1b2: {  	[tilespmem:v2+s12+$0x0] =	vst.idx.add.f32.msk $0xffff, v1  }
0x1b3: {  	v2 =	vld [tilespmem:s4+$0xF960];
	_ =	sdelay $0x6  }
0x1b4: {  	[tilespmem:$0x16760] =	vst v2  }
0x1b5: {  	[tilespmem:v2+s12+$0x0] =	vst.idx.add.f32.msk $0xffff, v1  }
0x1b6: {  	v2 =	vld [tilespmem:s4+$0xF970];
	_ =	sdelay $0x6  }
0x1b7: {  	[tilespmem:$0x16770] =	vst v2  }
0x1b8: {  	[tilespmem:v2+s12+$0x0] =	vst.idx.add.f32.msk $0xffff, v1  }
0x1b9: {  	v2 =	vld [tilespmem:s4+$0xF980];
	_ =	sdelay $0x6  }
0x1ba: {  	[tilespmem:$0x16780] =	vst v2  }
0x1bb: {  	[tilespmem:v2+s12+$0x0] =	vst.idx.add.f32.msk $0xffff, v1  }
0x1bc: {  	v2 =	vld [tilespmem:s4+$0xF990];
	_ =	sdelay $0x6  }
0x1bd: {  	[tilespmem:$0x16790] =	vst v2  }
0x1be: {  	[tilespmem:v2+s12+$0x0] =	vst.idx.add.f32.msk $0xffff, v1  }
0x1bf: {  	v2 =	vld [tilespmem:s4+$0xF9A0];
	_ =	sdelay $0x6  }
0x1c0: {  	[tilespmem:$0x167A0] =	vst v2  }
0x1c1: {  	[tilespmem:v2+s12+$0x0] =	vst.idx.add.f32.msk $0xffff, v1  }
0x1c2: {  	v2 =	vld [tilespmem:s4+$0xF9B0];
	_ =	sdelay $0x6  }
0x1c3: {  	[tilespmem:$0x167B0] =	vst v2  }
0x1c4: {  	p0 =	sne.s32 s15, $0x3200;
	s4 =	sadd.s32 $0x108C0, s4;
	[tilespmem:v2+s12+$0x0] =	vst.idx.add.f32.msk $0xffff, v1  }
0x1c5: {  	[tilespmem:s16], [sflag:$0x2] =	stream.indirect.gather [hbm4b:s24+s13], $0x40, s4, s13, $0xb8;
	[tilespmem:$0x167C0] =	vst v63  }
.Ltmp3:
0x1c6: {  	_ = 	snop;
	(pc) =	sbr.rel @p0 .LBB2_8-.Ltmp3, $4  }
0x1c7: {  	_ =	swait.ge [sflag:s17], $0x2800  }
0x1c8: {  	[sflag:s17] =	ssyncset.done $0x0  }
0x1c9: {  	s15 =	sadd.s32 $0x500, s15;
	[sflag:s17] =	ssyncadd.s32 $0xFFFFD800  }
0x1ca: {  	[spmem:s21] =	stream.indirect.scatter.add.f32 [tilespmem:s14], [sflag:$0x3], $0x40, s18, s13, $0xb8;
	[tilespmem:$0x167C0] =	vst v63  }
0x1cb: {  	_ =	swait.ge [sflag:s19], $0x2800  }
0x1cc: {  	[sflag:s19] =	ssyncset.done $0x0  }
0x1cd: {  	[sflag:s19] =	ssyncadd.s32 $0xFFFFD800  }
0x1ce: {  	v2 =	vld [tilespmem:$0x10640];
	_ =	sdelay $0x6  }
0x1cf: {  	[tilespmem:$0x16680] =	vst v2  }
0x1d0: {  	[tilespmem:v2+s12+$0x0] =	vst.idx.add.f32.msk $0xffff, v1  }
0x1d1: {  	v2 =	vld [tilespmem:$0x10650];
	_ =	sdelay $0x6  }
0x1d2: {  	[tilespmem:$0x16690] =	vst v2  }
0x1d3: {  	[tilespmem:v2+s12+$0x0] =	vst.idx.add.f32.msk $0xffff, v1  }
0x1d4: {  	v2 =	vld [tilespmem:$0x10660];
	_ =	sdelay $0x6  }
0x1d5: {  	[tilespmem:$0x166A0] =	vst v2  }
0x1d6: {  	[tilespmem:v2+s12+$0x0] =	vst.idx.add.f32.msk $0xffff, v1  }
0x1d7: {  	v2 =	vld [tilespmem:$0x10670];
	_ =	sdelay $0x6  }
0x1d8: {  	[tilespmem:$0x166B0] =	vst v2  }
0x1d9: {  	[tilespmem:v2+s12+$0x0] =	vst.idx.add.f32.msk $0xffff, v1  }
0x1da: {  	v2 =	vld [tilespmem:$0x10680];
	_ =	sdelay $0x6  }
0x1db: {  	[tilespmem:$0x166C0] =	vst v2  }
0x1dc: {  	[tilespmem:v2+s12+$0x0] =	vst.idx.add.f32.msk $0xffff, v1  }
0x1dd: {  	v2 =	vld [tilespmem:$0x10690];
	_ =	sdelay $0x6  }
0x1de: {  	[tilespmem:$0x166D0] =	vst v2  }
0x1df: {  	[tilespmem:v2+s12+$0x0] =	vst.idx.add.f32.msk $0xffff, v1  }
0x1e0: {  	v2 =	vld [tilespmem:$0x106A0];
	_ =	sdelay $0x6  }
0x1e1: {  	[tilespmem:$0x166E0] =	vst v2  }
0x1e2: {  	[tilespmem:v2+s12+$0x0] =	vst.idx.add.f32.msk $0xffff, v1  }
0x1e3: {  	v2 =	vld [tilespmem:$0x106B0];
	_ =	sdelay $0x6  }
0x1e4: {  	[tilespmem:$0x166F0] =	vst v2  }
0x1e5: {  	[tilespmem:v2+s12+$0x0] =	vst.idx.add.f32.msk $0xffff, v1  }
0x1e6: {  	v2 =	vld [tilespmem:$0x106C0];
	_ =	sdelay $0x6  }
0x1e7: {  	[tilespmem:$0x16700] =	vst v2  }
0x1e8: {  	[tilespmem:v2+s12+$0x0] =	vst.idx.add.f32.msk $0xffff, v1  }
0x1e9: {  	v2 =	vld [tilespmem:$0x106D0];
	_ =	sdelay $0x6  }
0x1ea: {  	[tilespmem:$0x16710] =	vst v2  }
0x1eb: {  	s4 =	simm.s32 $0x115E0;
	[tilespmem:v2+s12+$0x0] =	vst.idx.add.f32.msk $0xffff, v1  }
0x1ec: {  	[tilespmem:s14], [sflag:$0x1] =	stream.indirect.gather [hbm4b:s24+s13], $0x40, s4, s13, $0xb8;
	[tilespmem:$0x167C0] =	vst v63  }
0x1ed: {  	_ =	swait.ge [sflag:s22], $0x2800  }
0x1ee: {  	[sflag:s22] =	ssyncset.done $0x0  }
0x1ef: {  	[sflag:s22] =	ssyncadd.s32 $0xFFFFD800  }
0x1f0: {  	[spmem:s21] =	stream.indirect.scatter.add.f32 [tilespmem:s16], [sflag:$0x4], $0x40, s23, s13, $0xb8;
	[tilespmem:$0x167C0] =	vst v63  }
0x1f1: {  	_ =	swait.ge [sflag:s17], $0x2800  }
0x1f2: {  	[sflag:s17] =	ssyncset.done $0x0  }
0x1f3: {  	[sflag:s17] =	ssyncadd.s32 $0xFFFFD800  }
0x1f4: {  	[spmem:s21] =	stream.indirect.scatter.add.f32 [tilespmem:s14], [sflag:$0x3], $0x40, s18, s13, $0xb8;
	[tilespmem:$0x167C0] =	vst v63  }
0x1f5: {  	_ =	swait.ge [sflag:s10], $0x2800  }
0x1f6: {  	[sflag:s10] =	ssyncset.done $0x0  }
0x1f7: {  	[sflag:s10] =	ssyncadd.s32 $0xFFFFD800  }
0x1f8: {  	_ =	swait.ge [sflag:s19], $0x2800  }
0x1f9: {  	[sflag:s19] =	ssyncset.done $0x0  }
0x1fa: {  	[sflag:s19] =	ssyncadd.s32 $0xFFFFD800  }
0x1fb: {  	_ =	swait.ge [sflag:s5], $0xFA0  }
0x1fc: {  	[sflag:s5] =	ssyncset.done $0x0  }
0x1fd: {  	[sflag:s5] =	ssyncadd.s32 $0xFFFFF060  }
0x1fe: {  	_ =	swait.ge [sflag:s5], $0xFA0  }
0x1ff: {  	s15 =	simm.s32 $0x0;
	[sflag:s5] =	ssyncset.done $0x0  }
0x200: {  	s25 =	simm.s32 $0xF740;
	s4 =	rddreg [dreg:$0xa];
	[sflag:s5] =	ssyncadd.s32 $0xFFFFF060  }
0x201: {  	[tilespmem:s25], [sflag:$0x5] =	stream.linear.gather [hbm4b:s4+s15], $0xFA0, $0x38;
	[tilespmem:$0x167C0] =	vst v63  }
0x202: {  	s25 =	rddreg [dreg:$0xb]  }
0x203: {  	[tilespmem:s11], [sflag:$0x5] =	stream.linear.gather [hbm4b:s25+s15], $0xFA0, $0x38;
	[tilespmem:$0x167C0] =	vst v63  }
0x204: {  	v2 =	vld [tilespmem:$0xD800];
	_ =	sdelay $0x6  }
0x205: {  	[tilespmem:$0x16680] =	vst v2  }
0x206: {  	[tilespmem:v2+s12+$0x0] =	vst.idx.add.f32.msk $0xffff, v1  }
0x207: {  	v2 =	vld [tilespmem:$0xD810];
	_ =	sdelay $0x6  }
0x208: {  	[tilespmem:$0x16690] =	vst v2  }
0x209: {  	[tilespmem:v2+s12+$0x0] =	vst.idx.add.f32.msk $0xffff, v1  }
0x20a: {  	v2 =	vld [tilespmem:$0xD820];
	_ =	sdelay $0x6  }
0x20b: {  	[tilespmem:$0x166A0] =	vst v2  }
0x20c: {  	[tilespmem:v2+s12+$0x0] =	vst.idx.add.f32.msk $0xffff, v1  }
0x20d: {  	v2 =	vld [tilespmem:$0xD830];
	_ =	sdelay $0x6  }
0x20e: {  	[tilespmem:$0x166B0] =	vst v2  }
0x20f: {  	[tilespmem:v2+s12+$0x0] =	vst.idx.add.f32.msk $0xffff, v1  }
0x210: {  	v2 =	vld [tilespmem:$0xD840];
	_ =	sdelay $0x6  }
0x211: {  	[tilespmem:$0x166C0] =	vst v2  }
0x212: {  	[tilespmem:v2+s12+$0x0] =	vst.idx.add.f32.msk $0xffff, v1  }
0x213: {  	v2 =	vld [tilespmem:$0xD850];
	_ =	sdelay $0x6  }
0x214: {  	[tilespmem:$0x166D0] =	vst v2  }
0x215: {  	[tilespmem:v2+s12+$0x0] =	vst.idx.add.f32.msk $0xffff, v1  }
0x216: {  	v2 =	vld [tilespmem:$0xD860];
	_ =	sdelay $0x6  }
0x217: {  	[tilespmem:$0x166E0] =	vst v2  }
0x218: {  	[tilespmem:v2+s12+$0x0] =	vst.idx.add.f32.msk $0xffff, v1  }
0x219: {  	v2 =	vld [tilespmem:$0xD870];
	_ =	sdelay $0x6  }
0x21a: {  	[tilespmem:$0x166F0] =	vst v2  }
0x21b: {  	[tilespmem:v2+s12+$0x0] =	vst.idx.add.f32.msk $0xffff, v1  }
0x21c: {  	v2 =	vld [tilespmem:$0xD880];
	_ =	sdelay $0x6  }
0x21d: {  	[tilespmem:$0x16700] =	vst v2  }
0x21e: {  	[tilespmem:v2+s12+$0x0] =	vst.idx.add.f32.msk $0xffff, v1  }
0x21f: {  	v2 =	vld [tilespmem:$0xD890];
	_ =	sdelay $0x6  }
0x220: {  	[tilespmem:$0x16710] =	vst v2  }
0x221: {  	[tilespmem:v2+s12+$0x0] =	vst.idx.add.f32.msk $0xffff, v1  }
0x222: {  	[tilespmem:s14], [sflag:$0x1] =	stream.indirect.gather [hbm4b:s24+s13], $0x40, s8, s13, $0xb8;
	[tilespmem:$0x167C0] =	vst v63  }
0x223: {  	v2 =	vld [tilespmem:$0xD8A0];
	_ =	sdelay $0x6  }
0x224: {  	[tilespmem:$0x16720] =	vst v2  }
0x225: {  	[tilespmem:v2+s12+$0x0] =	vst.idx.add.f32.msk $0xffff, v1  }
0x226: {  	v2 =	vld [tilespmem:$0xD8B0];
	_ =	sdelay $0x6  }
0x227: {  	[tilespmem:$0x16730] =	vst v2  }
0x228: {  	[tilespmem:v2+s12+$0x0] =	vst.idx.add.f32.msk $0xffff, v1  }
0x229: {  	v2 =	vld [tilespmem:$0xD8C0];
	_ =	sdelay $0x6  }
0x22a: {  	[tilespmem:$0x16740] =	vst v2  }
0x22b: {  	[tilespmem:v2+s12+$0x0] =	vst.idx.add.f32.msk $0xffff, v1  }
0x22c: {  	v2 =	vld [tilespmem:$0xD8D0];
	_ =	sdelay $0x6  }
0x22d: {  	[tilespmem:$0x16750] =	vst v2  }
0x22e: {  	[tilespmem:v2+s12+$0x0] =	vst.idx.add.f32.msk $0xffff, v1  }
0x22f: {  	v2 =	vld [tilespmem:$0xD8E0];
	_ =	sdelay $0x6  }
0x230: {  	[tilespmem:$0x16760] =	vst v2  }
0x231: {  	[tilespmem:v2+s12+$0x0] =	vst.idx.add.f32.msk $0xffff, v1  }
0x232: {  	v2 =	vld [tilespmem:$0xD8F0];
	_ =	sdelay $0x6  }
0x233: {  	[tilespmem:$0x16770] =	vst v2  }
0x234: {  	[tilespmem:v2+s12+$0x0] =	vst.idx.add.f32.msk $0xffff, v1  }
0x235: {  	v2 =	vld [tilespmem:$0xD900];
	_ =	sdelay $0x6  }
0x236: {  	[tilespmem:$0x16780] =	vst v2  }
0x237: {  	[tilespmem:v2+s12+$0x0] =	vst.idx.add.f32.msk $0xffff, v1  }
0x238: {  	v2 =	vld [tilespmem:$0xD910];
	_ =	sdelay $0x6  }
0x239: {  	[tilespmem:$0x16790] =	vst v2  }
0x23a: {  	[tilespmem:v2+s12+$0x0] =	vst.idx.add.f32.msk $0xffff, v1  }
0x23b: {  	v2 =	vld [tilespmem:$0xD920];
	_ =	sdelay $0x6  }
0x23c: {  	[tilespmem:$0x167A0] =	vst v2  }
0x23d: {  	[tilespmem:v2+s12+$0x0] =	vst.idx.add.f32.msk $0xffff, v1  }
0x23e: {  	v2 =	vld [tilespmem:$0xD930];
	_ =	sdelay $0x6  }
0x23f: {  	[tilespmem:$0x167B0] =	vst v2  }
0x240: {  	s25 =	simm.s32 $0xE840;
	[tilespmem:v2+s12+$0x0] =	vst.idx.add.f32.msk $0xffff, v1  }
0x241: {  	[tilespmem:s16], [sflag:$0x2] =	stream.indirect.gather [hbm4b:s24+s13], $0x40, s25, s13, $0xb8;
	[tilespmem:$0x167C0] =	vst v63  }
0x242: {  	_ =	swait.ge [sflag:s17], $0x2800  }
0x243: {  	[sflag:s17] =	ssyncset.done $0x0  }
0x244: {  	[sflag:s17] =	ssyncadd.s32 $0xFFFFD800  }
0x245: {  	[spmem:s21] =	stream.indirect.scatter.add.f32 [tilespmem:s14], [sflag:$0x3], $0x40, s18, s13, $0xb8;
	[tilespmem:$0x167C0] =	vst v63  }
.LBB2_10:
0x246: {  	_ =	swait.ge [sflag:s19], $0x2800  }
0x247: {  	[sflag:s19] =	ssyncset.done $0x0  }
0x248: {  	s4 =	sshra.s32 s15, $0x2;
	[sflag:s19] =	ssyncadd.s32 $0xFFFFD800  }
0x249: {  	v2 =	vld [tilespmem:s4+$0xD940];
	_ =	sdelay $0x6  }
0x24a: {  	[tilespmem:$0x16680] =	vst v2  }
0x24b: {  	[tilespmem:v2+s12+$0x0] =	vst.idx.add.f32.msk $0xffff, v1  }
0x24c: {  	v2 =	vld [tilespmem:s4+$0xD950];
	_ =	sdelay $0x6  }
0x24d: {  	[tilespmem:$0x16690] =	vst v2  }
0x24e: {  	[tilespmem:v2+s12+$0x0] =	vst.idx.add.f32.msk $0xffff, v1  }
0x24f: {  	v2 =	vld [tilespmem:s4+$0xD960];
	_ =	sdelay $0x6  }
0x250: {  	[tilespmem:$0x166A0] =	vst v2  }
0x251: {  	[tilespmem:v2+s12+$0x0] =	vst.idx.add.f32.msk $0xffff, v1  }
0x252: {  	v2 =	vld [tilespmem:s4+$0xD970];
	_ =	sdelay $0x6  }
0x253: {  	[tilespmem:$0x166B0] =	vst v2  }
0x254: {  	[tilespmem:v2+s12+$0x0] =	vst.idx.add.f32.msk $0xffff, v1  }
0x255: {  	v2 =	vld [tilespmem:s4+$0xD980];
	_ =	sdelay $0x6  }
0x256: {  	[tilespmem:$0x166C0] =	vst v2  }
0x257: {  	[tilespmem:v2+s12+$0x0] =	vst.idx.add.f32.msk $0xffff, v1  }
0x258: {  	v2 =	vld [tilespmem:s4+$0xD990];
	_ =	sdelay $0x6  }
0x259: {  	[tilespmem:$0x166D0] =	vst v2  }
0x25a: {  	[tilespmem:v2+s12+$0x0] =	vst.idx.add.f32.msk $0xffff, v1  }
0x25b: {  	v2 =	vld [tilespmem:s4+$0xD9A0];
	_ =	sdelay $0x6  }
0x25c: {  	[tilespmem:$0x166E0] =	vst v2  }
0x25d: {  	[tilespmem:v2+s12+$0x0] =	vst.idx.add.f32.msk $0xffff, v1  }
0x25e: {  	v2 =	vld [tilespmem:s4+$0xD9B0];
	_ =	sdelay $0x6  }
0x25f: {  	[tilespmem:$0x166F0] =	vst v2  }
0x260: {  	[tilespmem:v2+s12+$0x0] =	vst.idx.add.f32.msk $0xffff, v1  }
0x261: {  	v2 =	vld [tilespmem:s4+$0xD9C0];
	_ =	sdelay $0x6  }
0x262: {  	[tilespmem:$0x16700] =	vst v2  }
0x263: {  	[tilespmem:v2+s12+$0x0] =	vst.idx.add.f32.msk $0xffff, v1  }
0x264: {  	v2 =	vld [tilespmem:s4+$0xD9D0];
	_ =	sdelay $0x6  }
0x265: {  	[tilespmem:$0x16710] =	vst v2  }
0x266: {  	s25 =	sadd.s32 $0xE8E0, s4;
	[tilespmem:v2+s12+$0x0] =	vst.idx.add.f32.msk $0xffff, v1  }
0x267: {  	[tilespmem:s14], [sflag:$0x1] =	stream.indirect.gather [hbm4b:s24+s13], $0x40, s25, s13, $0xb8;
	[tilespmem:$0x167C0] =	vst v63  }
0x268: {  	_ =	swait.ge [sflag:s22], $0x2800  }
0x269: {  	[sflag:s22] =	ssyncset.done $0x0  }
0x26a: {  	[sflag:s22] =	ssyncadd.s32 $0xFFFFD800  }
0x26b: {  	[spmem:s21] =	stream.indirect.scatter.add.f32 [tilespmem:s16], [sflag:$0x4], $0x40, s23, s13, $0xb8;
	[tilespmem:$0x167C0] =	vst v63  }
0x26c: {  	_ =	swait.ge [sflag:s10], $0x2800  }
0x26d: {  	[sflag:s10] =	ssyncset.done $0x0  }
0x26e: {  	[sflag:s10] =	ssyncadd.s32 $0xFFFFD800  }
0x26f: {  	v2 =	vld [tilespmem:s4+$0xD9E0];
	_ =	sdelay $0x6  }
0x270: {  	[tilespmem:$0x16720] =	vst v2  }
0x271: {  	[tilespmem:v2+s12+$0x0] =	vst.idx.add.f32.msk $0xffff, v1  }
0x272: {  	v2 =	vld [tilespmem:s4+$0xD9F0];
	_ =	sdelay $0x6  }
0x273: {  	[tilespmem:$0x16730] =	vst v2  }
0x274: {  	[tilespmem:v2+s12+$0x0] =	vst.idx.add.f32.msk $0xffff, v1  }
0x275: {  	v2 =	vld [tilespmem:s4+$0xDA00];
	_ =	sdelay $0x6  }
0x276: {  	[tilespmem:$0x16740] =	vst v2  }
0x277: {  	[tilespmem:v2+s12+$0x0] =	vst.idx.add.f32.msk $0xffff, v1  }
0x278: {  	v2 =	vld [tilespmem:s4+$0xDA10];
	_ =	sdelay $0x6  }
0x279: {  	[tilespmem:$0x16750] =	vst v2  }
0x27a: {  	[tilespmem:v2+s12+$0x0] =	vst.idx.add.f32.msk $0xffff, v1  }
0x27b: {  	v2 =	vld [tilespmem:s4+$0xDA20];
	_ =	sdelay $0x6  }
0x27c: {  	[tilespmem:$0x16760] =	vst v2  }
0x27d: {  	[tilespmem:v2+s12+$0x0] =	vst.idx.add.f32.msk $0xffff, v1  }
0x27e: {  	v2 =	vld [tilespmem:s4+$0xDA30];
	_ =	sdelay $0x6  }
0x27f: {  	[tilespmem:$0x16770] =	vst v2  }
0x280: {  	[tilespmem:v2+s12+$0x0] =	vst.idx.add.f32.msk $0xffff, v1  }
0x281: {  	v2 =	vld [tilespmem:s4+$0xDA40];
	_ =	sdelay $0x6  }
0x282: {  	[tilespmem:$0x16780] =	vst v2  }
0x283: {  	[tilespmem:v2+s12+$0x0] =	vst.idx.add.f32.msk $0xffff, v1  }
0x284: {  	v2 =	vld [tilespmem:s4+$0xDA50];
	_ =	sdelay $0x6  }
0x285: {  	[tilespmem:$0x16790] =	vst v2  }
0x286: {  	[tilespmem:v2+s12+$0x0] =	vst.idx.add.f32.msk $0xffff, v1  }
0x287: {  	v2 =	vld [tilespmem:s4+$0xDA60];
	_ =	sdelay $0x6  }
0x288: {  	[tilespmem:$0x167A0] =	vst v2  }
0x289: {  	[tilespmem:v2+s12+$0x0] =	vst.idx.add.f32.msk $0xffff, v1  }
0x28a: {  	v2 =	vld [tilespmem:s4+$0xDA70];
	_ =	sdelay $0x6  }
0x28b: {  	[tilespmem:$0x167B0] =	vst v2  }
0x28c: {  	p0 =	sne.s32 s15, $0x3200;
	s4 =	sadd.s32 $0xE980, s4;
	[tilespmem:v2+s12+$0x0] =	vst.idx.add.f32.msk $0xffff, v1  }
0x28d: {  	[tilespmem:s16], [sflag:$0x2] =	stream.indirect.gather [hbm4b:s24+s13], $0x40, s4, s13, $0xb8;
	[tilespmem:$0x167C0] =	vst v63  }
.Ltmp4:
0x28e: {  	_ = 	snop;
	(pc) =	sbr.rel @p0 .LBB2_10-.Ltmp4, $4  }
0x28f: {  	_ =	swait.ge [sflag:s17], $0x2800  }
0x290: {  	[sflag:s17] =	ssyncset.done $0x0  }
0x291: {  	s15 =	sadd.s32 $0x500, s15;
	[sflag:s17] =	ssyncadd.s32 $0xFFFFD800  }
0x292: {  	[spmem:s21] =	stream.indirect.scatter.add.f32 [tilespmem:s14], [sflag:$0x3], $0x40, s18, s13, $0xb8;
	[tilespmem:$0x167C0] =	vst v63  }
0x293: {  	_ =	swait.ge [sflag:s19], $0x2800  }
0x294: {  	[sflag:s19] =	ssyncset.done $0x0  }
0x295: {  	[sflag:s19] =	ssyncadd.s32 $0xFFFFD800  }
0x296: {  	v2 =	vld [tilespmem:$0xE700];
	_ =	sdelay $0x6  }
0x297: {  	[tilespmem:$0x16680] =	vst v2  }
0x298: {  	[tilespmem:v2+s12+$0x0] =	vst.idx.add.f32.msk $0xffff, v1  }
0x299: {  	v2 =	vld [tilespmem:$0xE710];
	_ =	sdelay $0x6  }
0x29a: {  	[tilespmem:$0x16690] =	vst v2  }
0x29b: {  	[tilespmem:v2+s12+$0x0] =	vst.idx.add.f32.msk $0xffff, v1  }
0x29c: {  	v2 =	vld [tilespmem:$0xE720];
	_ =	sdelay $0x6  }
0x29d: {  	[tilespmem:$0x166A0] =	vst v2  }
0x29e: {  	[tilespmem:v2+s12+$0x0] =	vst.idx.add.f32.msk $0xffff, v1  }
0x29f: {  	v2 =	vld [tilespmem:$0xE730];
	_ =	sdelay $0x6  }
0x2a0: {  	[tilespmem:$0x166B0] =	vst v2  }
0x2a1: {  	[tilespmem:v2+s12+$0x0] =	vst.idx.add.f32.msk $0xffff, v1  }
0x2a2: {  	v2 =	vld [tilespmem:$0xE740];
	_ =	sdelay $0x6  }
0x2a3: {  	[tilespmem:$0x166C0] =	vst v2  }
0x2a4: {  	[tilespmem:v2+s12+$0x0] =	vst.idx.add.f32.msk $0xffff, v1  }
0x2a5: {  	v2 =	vld [tilespmem:$0xE750];
	_ =	sdelay $0x6  }
0x2a6: {  	[tilespmem:$0x166D0] =	vst v2  }
0x2a7: {  	[tilespmem:v2+s12+$0x0] =	vst.idx.add.f32.msk $0xffff, v1  }
0x2a8: {  	v2 =	vld [tilespmem:$0xE760];
	_ =	sdelay $0x6  }
0x2a9: {  	[tilespmem:$0x166E0] =	vst v2  }
0x2aa: {  	[tilespmem:v2+s12+$0x0] =	vst.idx.add.f32.msk $0xffff, v1  }
0x2ab: {  	v2 =	vld [tilespmem:$0xE770];
	_ =	sdelay $0x6  }
0x2ac: {  	[tilespmem:$0x166F0] =	vst v2  }
0x2ad: {  	[tilespmem:v2+s12+$0x0] =	vst.idx.add.f32.msk $0xffff, v1  }
0x2ae: {  	v2 =	vld [tilespmem:$0xE780];
	_ =	sdelay $0x6  }
0x2af: {  	[tilespmem:$0x16700] =	vst v2  }
0x2b0: {  	[tilespmem:v2+s12+$0x0] =	vst.idx.add.f32.msk $0xffff, v1  }
0x2b1: {  	v2 =	vld [tilespmem:$0xE790];
	_ =	sdelay $0x6  }
0x2b2: {  	[tilespmem:$0x16710] =	vst v2  }
0x2b3: {  	s4 =	simm.s32 $0xF6A0;
	[tilespmem:v2+s12+$0x0] =	vst.idx.add.f32.msk $0xffff, v1  }
0x2b4: {  	[tilespmem:s14], [sflag:$0x1] =	stream.indirect.gather [hbm4b:s24+s13], $0x40, s4, s13, $0xb8;
	[tilespmem:$0x167C0] =	vst v63  }
0x2b5: {  	_ =	swait.ge [sflag:s22], $0x2800  }
0x2b6: {  	[sflag:s22] =	ssyncset.done $0x0  }
0x2b7: {  	[sflag:s22] =	ssyncadd.s32 $0xFFFFD800  }
0x2b8: {  	[spmem:s21] =	stream.indirect.scatter.add.f32 [tilespmem:s16], [sflag:$0x4], $0x40, s23, s13, $0xb8;
	[tilespmem:$0x167C0] =	vst v63  }
0x2b9: {  	_ =	swait.ge [sflag:s17], $0x2800  }
0x2ba: {  	[sflag:s17] =	ssyncset.done $0x0  }
0x2bb: {  	[sflag:s17] =	ssyncadd.s32 $0xFFFFD800  }
0x2bc: {  	[spmem:s21] =	stream.indirect.scatter.add.f32 [tilespmem:s14], [sflag:$0x3], $0x40, s18, s13, $0xb8;
	[tilespmem:$0x167C0] =	vst v63  }
0x2bd: {  	_ =	swait.ge [sflag:s10], $0x2800  }
0x2be: {  	[sflag:s10] =	ssyncset.done $0x0  }
0x2bf: {  	[sflag:s10] =	ssyncadd.s32 $0xFFFFD800  }
0x2c0: {  	_ =	swait.ge [sflag:s19], $0x2800  }
0x2c1: {  	[sflag:s19] =	ssyncset.done $0x0  }
0x2c2: {  	[sflag:s19] =	ssyncadd.s32 $0xFFFFD800  }
0x2c3: {  	_ =	swait.ge [sflag:s5], $0xFA0  }
0x2c4: {  	[sflag:s5] =	ssyncset.done $0x0  }
0x2c5: {  	[sflag:s5] =	ssyncadd.s32 $0xFFFFF060  }
0x2c6: {  	_ =	swait.ge [sflag:s5], $0xFA0  }
0x2c7: {  	s15 =	simm.s32 $0x0;
	[sflag:s5] =	ssyncset.done $0x0  }
0x2c8: {  	s25 =	simm.s32 $0xD800;
	s4 =	rddreg [dreg:$0xc];
	[sflag:s5] =	ssyncadd.s32 $0xFFFFF060  }
0x2c9: {  	[tilespmem:s25], [sflag:$0x5] =	stream.linear.gather [hbm4b:s4+s15], $0xFA0, $0x38;
	[tilespmem:$0x167C0] =	vst v63  }
0x2ca: {  	s25 =	rddreg [dreg:$0xd]  }
0x2cb: {  	[tilespmem:s8], [sflag:$0x5] =	stream.linear.gather [hbm4b:s25+s15], $0xFA0, $0x38;
	[tilespmem:$0x167C0] =	vst v63  }
0x2cc: {  	v2 =	vld [tilespmem:$0xF740];
	_ =	sdelay $0x6  }
0x2cd: {  	[tilespmem:$0x16680] =	vst v2  }
0x2ce: {  	[tilespmem:v2+s12+$0x0] =	vst.idx.add.f32.msk $0xffff, v1  }
0x2cf: {  	v2 =	vld [tilespmem:$0xF750];
	_ =	sdelay $0x6  }
0x2d0: {  	[tilespmem:$0x16690] =	vst v2  }
0x2d1: {  	[tilespmem:v2+s12+$0x0] =	vst.idx.add.f32.msk $0xffff, v1  }
0x2d2: {  	v2 =	vld [tilespmem:$0xF760];
	_ =	sdelay $0x6  }
0x2d3: {  	[tilespmem:$0x166A0] =	vst v2  }
0x2d4: {  	[tilespmem:v2+s12+$0x0] =	vst.idx.add.f32.msk $0xffff, v1  }
0x2d5: {  	v2 =	vld [tilespmem:$0xF770];
	_ =	sdelay $0x6  }
0x2d6: {  	[tilespmem:$0x166B0] =	vst v2  }
0x2d7: {  	[tilespmem:v2+s12+$0x0] =	vst.idx.add.f32.msk $0xffff, v1  }
0x2d8: {  	v2 =	vld [tilespmem:$0xF780];
	_ =	sdelay $0x6  }
0x2d9: {  	[tilespmem:$0x166C0] =	vst v2  }
0x2da: {  	[tilespmem:v2+s12+$0x0] =	vst.idx.add.f32.msk $0xffff, v1  }
0x2db: {  	v2 =	vld [tilespmem:$0xF790];
	_ =	sdelay $0x6  }
0x2dc: {  	[tilespmem:$0x166D0] =	vst v2  }
0x2dd: {  	[tilespmem:v2+s12+$0x0] =	vst.idx.add.f32.msk $0xffff, v1  }
0x2de: {  	v2 =	vld [tilespmem:$0xF7A0];
	_ =	sdelay $0x6  }
0x2df: {  	[tilespmem:$0x166E0] =	vst v2  }
0x2e0: {  	[tilespmem:v2+s12+$0x0] =	vst.idx.add.f32.msk $0xffff, v1  }
0x2e1: {  	v2 =	vld [tilespmem:$0xF7B0];
	_ =	sdelay $0x6  }
0x2e2: {  	[tilespmem:$0x166F0] =	vst v2  }
0x2e3: {  	[tilespmem:v2+s12+$0x0] =	vst.idx.add.f32.msk $0xffff, v1  }
0x2e4: {  	v2 =	vld [tilespmem:$0xF7C0];
	_ =	sdelay $0x6  }
0x2e5: {  	[tilespmem:$0x16700] =	vst v2  }
0x2e6: {  	[tilespmem:v2+s12+$0x0] =	vst.idx.add.f32.msk $0xffff, v1  }
0x2e7: {  	v2 =	vld [tilespmem:$0xF7D0];
	_ =	sdelay $0x6  }
0x2e8: {  	[tilespmem:$0x16710] =	vst v2  }
0x2e9: {  	[tilespmem:v2+s12+$0x0] =	vst.idx.add.f32.msk $0xffff, v1  }
0x2ea: {  	[tilespmem:s14], [sflag:$0x1] =	stream.indirect.gather [hbm4b:s24+s13], $0x40, s11, s13, $0xb8;
	[tilespmem:$0x167C0] =	vst v63  }
0x2eb: {  	v2 =	vld [tilespmem:$0xF7E0];
	_ =	sdelay $0x6  }
0x2ec: {  	[tilespmem:$0x16720] =	vst v2  }
0x2ed: {  	[tilespmem:v2+s12+$0x0] =	vst.idx.add.f32.msk $0xffff, v1  }
0x2ee: {  	v2 =	vld [tilespmem:$0xF7F0];
	_ =	sdelay $0x6  }
0x2ef: {  	[tilespmem:$0x16730] =	vst v2  }
0x2f0: {  	[tilespmem:v2+s12+$0x0] =	vst.idx.add.f32.msk $0xffff, v1  }
0x2f1: {  	v2 =	vld [tilespmem:$0xF800];
	_ =	sdelay $0x6  }
0x2f2: {  	[tilespmem:$0x16740] =	vst v2  }
0x2f3: {  	[tilespmem:v2+s12+$0x0] =	vst.idx.add.f32.msk $0xffff, v1  }
0x2f4: {  	v2 =	vld [tilespmem:$0xF810];
	_ =	sdelay $0x6  }
0x2f5: {  	[tilespmem:$0x16750] =	vst v2  }
0x2f6: {  	[tilespmem:v2+s12+$0x0] =	vst.idx.add.f32.msk $0xffff, v1  }
0x2f7: {  	v2 =	vld [tilespmem:$0xF820];
	_ =	sdelay $0x6  }
0x2f8: {  	[tilespmem:$0x16760] =	vst v2  }
0x2f9: {  	[tilespmem:v2+s12+$0x0] =	vst.idx.add.f32.msk $0xffff, v1  }
0x2fa: {  	v2 =	vld [tilespmem:$0xF830];
	_ =	sdelay $0x6  }
0x2fb: {  	[tilespmem:$0x16770] =	vst v2  }
0x2fc: {  	[tilespmem:v2+s12+$0x0] =	vst.idx.add.f32.msk $0xffff, v1  }
0x2fd: {  	v2 =	vld [tilespmem:$0xF840];
	_ =	sdelay $0x6  }
0x2fe: {  	[tilespmem:$0x16780] =	vst v2  }
0x2ff: {  	[tilespmem:v2+s12+$0x0] =	vst.idx.add.f32.msk $0xffff, v1  }
0x300: {  	v2 =	vld [tilespmem:$0xF850];
	_ =	sdelay $0x6  }
0x301: {  	[tilespmem:$0x16790] =	vst v2  }
0x302: {  	[tilespmem:v2+s12+$0x0] =	vst.idx.add.f32.msk $0xffff, v1  }
0x303: {  	v2 =	vld [tilespmem:$0xF860];
	_ =	sdelay $0x6  }
0x304: {  	[tilespmem:$0x167A0] =	vst v2  }
0x305: {  	[tilespmem:v2+s12+$0x0] =	vst.idx.add.f32.msk $0xffff, v1  }
0x306: {  	v2 =	vld [tilespmem:$0xF870];
	_ =	sdelay $0x6  }
0x307: {  	[tilespmem:$0x167B0] =	vst v2  }
0x308: {  	s25 =	simm.s32 $0x10780;
	[tilespmem:v2+s12+$0x0] =	vst.idx.add.f32.msk $0xffff, v1  }
0x309: {  	[tilespmem:s16], [sflag:$0x2] =	stream.indirect.gather [hbm4b:s24+s13], $0x40, s25, s13, $0xb8;
	[tilespmem:$0x167C0] =	vst v63  }
0x30a: {  	_ =	swait.ge [sflag:s17], $0x2800  }
0x30b: {  	[sflag:s17] =	ssyncset.done $0x0  }
0x30c: {  	[sflag:s17] =	ssyncadd.s32 $0xFFFFD800  }
0x30d: {  	[spmem:s21] =	stream.indirect.scatter.add.f32 [tilespmem:s14], [sflag:$0x3], $0x40, s18, s13, $0xb8;
	[tilespmem:$0x167C0] =	vst v63  }
.LBB2_12:
0x30e: {  	_ =	swait.ge [sflag:s19], $0x2800  }
0x30f: {  	[sflag:s19] =	ssyncset.done $0x0  }
0x310: {  	s4 =	sshra.s32 s15, $0x2;
	[sflag:s19] =	ssyncadd.s32 $0xFFFFD800  }
0x311: {  	v2 =	vld [tilespmem:s4+$0xF880];
	_ =	sdelay $0x6  }
0x312: {  	[tilespmem:$0x16680] =	vst v2  }
0x313: {  	[tilespmem:v2+s12+$0x0] =	vst.idx.add.f32.msk $0xffff, v1  }
0x314: {  	v2 =	vld [tilespmem:s4+$0xF890];
	_ =	sdelay $0x6  }
0x315: {  	[tilespmem:$0x16690] =	vst v2  }
0x316: {  	[tilespmem:v2+s12+$0x0] =	vst.idx.add.f32.msk $0xffff, v1  }
0x317: {  	v2 =	vld [tilespmem:s4+$0xF8A0];
	_ =	sdelay $0x6  }
0x318: {  	[tilespmem:$0x166A0] =	vst v2  }
0x319: {  	[tilespmem:v2+s12+$0x0] =	vst.idx.add.f32.msk $0xffff, v1  }
0x31a: {  	v2 =	vld [tilespmem:s4+$0xF8B0];
	_ =	sdelay $0x6  }
0x31b: {  	[tilespmem:$0x166B0] =	vst v2  }
0x31c: {  	[tilespmem:v2+s12+$0x0] =	vst.idx.add.f32.msk $0xffff, v1  }
0x31d: {  	v2 =	vld [tilespmem:s4+$0xF8C0];
	_ =	sdelay $0x6  }
0x31e: {  	[tilespmem:$0x166C0] =	vst v2  }
0x31f: {  	[tilespmem:v2+s12+$0x0] =	vst.idx.add.f32.msk $0xffff, v1  }
0x320: {  	v2 =	vld [tilespmem:s4+$0xF8D0];
	_ =	sdelay $0x6  }
0x321: {  	[tilespmem:$0x166D0] =	vst v2  }
0x322: {  	[tilespmem:v2+s12+$0x0] =	vst.idx.add.f32.msk $0xffff, v1  }
0x323: {  	v2 =	vld [tilespmem:s4+$0xF8E0];
	_ =	sdelay $0x6  }
0x324: {  	[tilespmem:$0x166E0] =	vst v2  }
0x325: {  	[tilespmem:v2+s12+$0x0] =	vst.idx.add.f32.msk $0xffff, v1  }
0x326: {  	v2 =	vld [tilespmem:s4+$0xF8F0];
	_ =	sdelay $0x6  }
0x327: {  	[tilespmem:$0x166F0] =	vst v2  }
0x328: {  	[tilespmem:v2+s12+$0x0] =	vst.idx.add.f32.msk $0xffff, v1  }
0x329: {  	v2 =	vld [tilespmem:s4+$0xF900];
	_ =	sdelay $0x6  }
0x32a: {  	[tilespmem:$0x16700] =	vst v2  }
0x32b: {  	[tilespmem:v2+s12+$0x0] =	vst.idx.add.f32.msk $0xffff, v1  }
0x32c: {  	v2 =	vld [tilespmem:s4+$0xF910];
	_ =	sdelay $0x6  }
0x32d: {  	[tilespmem:$0x16710] =	vst v2  }
0x32e: {  	s25 =	sadd.s32 $0x10820, s4;
	[tilespmem:v2+s12+$0x0] =	vst.idx.add.f32.msk $0xffff, v1  }
0x32f: {  	[tilespmem:s14], [sflag:$0x1] =	stream.indirect.gather [hbm4b:s24+s13], $0x40, s25, s13, $0xb8;
	[tilespmem:$0x167C0] =	vst v63  }
0x330: {  	_ =	swait.ge [sflag:s22], $0x2800  }
0x331: {  	[sflag:s22] =	ssyncset.done $0x0  }
0x332: {  	[sflag:s22] =	ssyncadd.s32 $0xFFFFD800  }
0x333: {  	[spmem:s21] =	stream.indirect.scatter.add.f32 [tilespmem:s16], [sflag:$0x4], $0x40, s23, s13, $0xb8;
	[tilespmem:$0x167C0] =	vst v63  }
0x334: {  	_ =	swait.ge [sflag:s10], $0x2800  }
0x335: {  	[sflag:s10] =	ssyncset.done $0x0  }
0x336: {  	[sflag:s10] =	ssyncadd.s32 $0xFFFFD800  }
0x337: {  	v2 =	vld [tilespmem:s4+$0xF920];
	_ =	sdelay $0x6  }
0x338: {  	[tilespmem:$0x16720] =	vst v2  }
0x339: {  	[tilespmem:v2+s12+$0x0] =	vst.idx.add.f32.msk $0xffff, v1  }
0x33a: {  	v2 =	vld [tilespmem:s4+$0xF930];
	_ =	sdelay $0x6  }
0x33b: {  	[tilespmem:$0x16730] =	vst v2  }
0x33c: {  	[tilespmem:v2+s12+$0x0] =	vst.idx.add.f32.msk $0xffff, v1  }
0x33d: {  	v2 =	vld [tilespmem:s4+$0xF940];
	_ =	sdelay $0x6  }
0x33e: {  	[tilespmem:$0x16740] =	vst v2  }
0x33f: {  	[tilespmem:v2+s12+$0x0] =	vst.idx.add.f32.msk $0xffff, v1  }
0x340: {  	v2 =	vld [tilespmem:s4+$0xF950];
	_ =	sdelay $0x6  }
0x341: {  	[tilespmem:$0x16750] =	vst v2  }
0x342: {  	[tilespmem:v2+s12+$0x0] =	vst.idx.add.f32.msk $0xffff, v1  }
0x343: {  	v2 =	vld [tilespmem:s4+$0xF960];
	_ =	sdelay $0x6  }
0x344: {  	[tilespmem:$0x16760] =	vst v2  }
0x345: {  	[tilespmem:v2+s12+$0x0] =	vst.idx.add.f32.msk $0xffff, v1  }
0x346: {  	v2 =	vld [tilespmem:s4+$0xF970];
	_ =	sdelay $0x6  }
0x347: {  	[tilespmem:$0x16770] =	vst v2  }
0x348: {  	[tilespmem:v2+s12+$0x0] =	vst.idx.add.f32.msk $0xffff, v1  }
0x349: {  	v2 =	vld [tilespmem:s4+$0xF980];
	_ =	sdelay $0x6  }
0x34a: {  	[tilespmem:$0x16780] =	vst v2  }
0x34b: {  	[tilespmem:v2+s12+$0x0] =	vst.idx.add.f32.msk $0xffff, v1  }
0x34c: {  	v2 =	vld [tilespmem:s4+$0xF990];
	_ =	sdelay $0x6  }
0x34d: {  	[tilespmem:$0x16790] =	vst v2  }
0x34e: {  	[tilespmem:v2+s12+$0x0] =	vst.idx.add.f32.msk $0xffff, v1  }
0x34f: {  	v2 =	vld [tilespmem:s4+$0xF9A0];
	_ =	sdelay $0x6  }
0x350: {  	[tilespmem:$0x167A0] =	vst v2  }
0x351: {  	[tilespmem:v2+s12+$0x0] =	vst.idx.add.f32.msk $0xffff, v1  }
0x352: {  	v2 =	vld [tilespmem:s4+$0xF9B0];
	_ =	sdelay $0x6  }
0x353: {  	[tilespmem:$0x167B0] =	vst v2  }
0x354: {  	p0 =	sne.s32 s15, $0x3200;
	s4 =	sadd.s32 $0x108C0, s4;
	[tilespmem:v2+s12+$0x0] =	vst.idx.add.f32.msk $0xffff, v1  }
0x355: {  	[tilespmem:s16], [sflag:$0x2] =	stream.indirect.gather [hbm4b:s24+s13], $0x40, s4, s13, $0xb8;
	[tilespmem:$0x167C0] =	vst v63  }
.Ltmp5:
0x356: {  	_ = 	snop;
	(pc) =	sbr.rel @p0 .LBB2_12-.Ltmp5, $4  }
0x357: {  	_ =	swait.ge [sflag:s17], $0x2800  }
0x358: {  	[sflag:s17] =	ssyncset.done $0x0  }
0x359: {  	s15 =	sadd.s32 $0x500, s15;
	[sflag:s17] =	ssyncadd.s32 $0xFFFFD800  }
0x35a: {  	[spmem:s21] =	stream.indirect.scatter.add.f32 [tilespmem:s14], [sflag:$0x3], $0x40, s18, s13, $0xb8;
	[tilespmem:$0x167C0] =	vst v63  }
0x35b: {  	_ =	swait.ge [sflag:s19], $0x2800  }
0x35c: {  	[sflag:s19] =	ssyncset.done $0x0  }
0x35d: {  	[sflag:s19] =	ssyncadd.s32 $0xFFFFD800  }
0x35e: {  	v2 =	vld [tilespmem:$0x10640];
	_ =	sdelay $0x6  }
0x35f: {  	[tilespmem:$0x16680] =	vst v2  }
0x360: {  	[tilespmem:v2+s12+$0x0] =	vst.idx.add.f32.msk $0xffff, v1  }
0x361: {  	v2 =	vld [tilespmem:$0x10650];
	_ =	sdelay $0x6  }
0x362: {  	[tilespmem:$0x16690] =	vst v2  }
0x363: {  	[tilespmem:v2+s12+$0x0] =	vst.idx.add.f32.msk $0xffff, v1  }
0x364: {  	v2 =	vld [tilespmem:$0x10660];
	_ =	sdelay $0x6  }
0x365: {  	[tilespmem:$0x166A0] =	vst v2  }
0x366: {  	[tilespmem:v2+s12+$0x0] =	vst.idx.add.f32.msk $0xffff, v1  }
0x367: {  	v2 =	vld [tilespmem:$0x10670];
	_ =	sdelay $0x6  }
0x368: {  	[tilespmem:$0x166B0] =	vst v2  }
0x369: {  	[tilespmem:v2+s12+$0x0] =	vst.idx.add.f32.msk $0xffff, v1  }
0x36a: {  	v2 =	vld [tilespmem:$0x10680];
	_ =	sdelay $0x6  }
0x36b: {  	[tilespmem:$0x166C0] =	vst v2  }
0x36c: {  	[tilespmem:v2+s12+$0x0] =	vst.idx.add.f32.msk $0xffff, v1  }
0x36d: {  	v2 =	vld [tilespmem:$0x10690];
	_ =	sdelay $0x6  }
0x36e: {  	[tilespmem:$0x166D0] =	vst v2  }
0x36f: {  	[tilespmem:v2+s12+$0x0] =	vst.idx.add.f32.msk $0xffff, v1  }
0x370: {  	v2 =	vld [tilespmem:$0x106A0];
	_ =	sdelay $0x6  }
0x371: {  	[tilespmem:$0x166E0] =	vst v2  }
0x372: {  	[tilespmem:v2+s12+$0x0] =	vst.idx.add.f32.msk $0xffff, v1  }
0x373: {  	v2 =	vld [tilespmem:$0x106B0];
	_ =	sdelay $0x6  }
0x374: {  	[tilespmem:$0x166F0] =	vst v2  }
0x375: {  	[tilespmem:v2+s12+$0x0] =	vst.idx.add.f32.msk $0xffff, v1  }
0x376: {  	v2 =	vld [tilespmem:$0x106C0];
	_ =	sdelay $0x6  }
0x377: {  	[tilespmem:$0x16700] =	vst v2  }
0x378: {  	[tilespmem:v2+s12+$0x0] =	vst.idx.add.f32.msk $0xffff, v1  }
0x379: {  	v2 =	vld [tilespmem:$0x106D0];
	_ =	sdelay $0x6  }
0x37a: {  	[tilespmem:$0x16710] =	vst v2  }
0x37b: {  	s4 =	simm.s32 $0x115E0;
	[tilespmem:v2+s12+$0x0] =	vst.idx.add.f32.msk $0xffff, v1  }
0x37c: {  	[tilespmem:s14], [sflag:$0x1] =	stream.indirect.gather [hbm4b:s24+s13], $0x40, s4, s13, $0xb8;
	[tilespmem:$0x167C0] =	vst v63  }
0x37d: {  	_ =	swait.ge [sflag:s22], $0x2800  }
0x37e: {  	[sflag:s22] =	ssyncset.done $0x0  }
0x37f: {  	[sflag:s22] =	ssyncadd.s32 $0xFFFFD800  }
0x380: {  	[spmem:s21] =	stream.indirect.scatter.add.f32 [tilespmem:s16], [sflag:$0x4], $0x40, s23, s13, $0xb8;
	[tilespmem:$0x167C0] =	vst v63  }
0x381: {  	_ =	swait.ge [sflag:s17], $0x2800  }
0x382: {  	[sflag:s17] =	ssyncset.done $0x0  }
0x383: {  	[sflag:s17] =	ssyncadd.s32 $0xFFFFD800  }
0x384: {  	[spmem:s21] =	stream.indirect.scatter.add.f32 [tilespmem:s14], [sflag:$0x3], $0x40, s18, s13, $0xb8;
	[tilespmem:$0x167C0] =	vst v63  }
0x385: {  	_ =	swait.ge [sflag:s10], $0x2800  }
0x386: {  	[sflag:s10] =	ssyncset.done $0x0  }
0x387: {  	[sflag:s10] =	ssyncadd.s32 $0xFFFFD800  }
0x388: {  	_ =	swait.ge [sflag:s19], $0x2800  }
0x389: {  	[sflag:s19] =	ssyncset.done $0x0  }
0x38a: {  	[sflag:s19] =	ssyncadd.s32 $0xFFFFD800  }
0x38b: {  	_ =	swait.ge [sflag:s5], $0xFA0  }
0x38c: {  	[sflag:s5] =	ssyncset.done $0x0  }
0x38d: {  	[sflag:s5] =	ssyncadd.s32 $0xFFFFF060  }
0x38e: {  	_ =	swait.ge [sflag:s5], $0xFA0  }
0x38f: {  	[sflag:s5] =	ssyncset.done $0x0  }
0x390: {  	[sflag:s5] =	ssyncadd.s32 $0xFFFFF060  }
0x391: {  	v2 =	vld [tilespmem:$0xD800];
	_ =	sdelay $0x6  }
0x392: {  	[tilespmem:$0x16680] =	vst v2  }
0x393: {  	[tilespmem:v2+s12+$0x0] =	vst.idx.add.f32.msk $0xffff, v1  }
0x394: {  	v2 =	vld [tilespmem:$0xD810];
	_ =	sdelay $0x6  }
0x395: {  	[tilespmem:$0x16690] =	vst v2  }
0x396: {  	[tilespmem:v2+s12+$0x0] =	vst.idx.add.f32.msk $0xffff, v1  }
0x397: {  	v2 =	vld [tilespmem:$0xD820];
	_ =	sdelay $0x6  }
0x398: {  	[tilespmem:$0x166A0] =	vst v2  }
0x399: {  	[tilespmem:v2+s12+$0x0] =	vst.idx.add.f32.msk $0xffff, v1  }
0x39a: {  	v2 =	vld [tilespmem:$0xD830];
	_ =	sdelay $0x6  }
0x39b: {  	[tilespmem:$0x166B0] =	vst v2  }
0x39c: {  	[tilespmem:v2+s12+$0x0] =	vst.idx.add.f32.msk $0xffff, v1  }
0x39d: {  	v2 =	vld [tilespmem:$0xD840];
	_ =	sdelay $0x6  }
0x39e: {  	[tilespmem:$0x166C0] =	vst v2  }
0x39f: {  	[tilespmem:v2+s12+$0x0] =	vst.idx.add.f32.msk $0xffff, v1  }
0x3a0: {  	v2 =	vld [tilespmem:$0xD850];
	_ =	sdelay $0x6  }
0x3a1: {  	[tilespmem:$0x166D0] =	vst v2  }
0x3a2: {  	[tilespmem:v2+s12+$0x0] =	vst.idx.add.f32.msk $0xffff, v1  }
0x3a3: {  	v2 =	vld [tilespmem:$0xD860];
	_ =	sdelay $0x6  }
0x3a4: {  	[tilespmem:$0x166E0] =	vst v2  }
0x3a5: {  	[tilespmem:v2+s12+$0x0] =	vst.idx.add.f32.msk $0xffff, v1  }
0x3a6: {  	v2 =	vld [tilespmem:$0xD870];
	_ =	sdelay $0x6  }
0x3a7: {  	[tilespmem:$0x166F0] =	vst v2  }
0x3a8: {  	[tilespmem:v2+s12+$0x0] =	vst.idx.add.f32.msk $0xffff, v1  }
0x3a9: {  	v2 =	vld [tilespmem:$0xD880];
	_ =	sdelay $0x6  }
0x3aa: {  	[tilespmem:$0x16700] =	vst v2  }
0x3ab: {  	[tilespmem:v2+s12+$0x0] =	vst.idx.add.f32.msk $0xffff, v1  }
0x3ac: {  	v2 =	vld [tilespmem:$0xD890];
	_ =	sdelay $0x6  }
0x3ad: {  	[tilespmem:$0x16710] =	vst v2  }
0x3ae: {  	[tilespmem:v2+s12+$0x0] =	vst.idx.add.f32.msk $0xffff, v1  }
0x3af: {  	[tilespmem:s14], [sflag:$0x1] =	stream.indirect.gather [hbm4b:s24+s13], $0x40, s8, s13, $0xb8;
	[tilespmem:$0x167C0] =	vst v63  }
0x3b0: {  	v2 =	vld [tilespmem:$0xD8A0];
	_ =	sdelay $0x6  }
0x3b1: {  	[tilespmem:$0x16720] =	vst v2  }
0x3b2: {  	[tilespmem:v2+s12+$0x0] =	vst.idx.add.f32.msk $0xffff, v1  }
0x3b3: {  	v2 =	vld [tilespmem:$0xD8B0];
	_ =	sdelay $0x6  }
0x3b4: {  	[tilespmem:$0x16730] =	vst v2  }
0x3b5: {  	[tilespmem:v2+s12+$0x0] =	vst.idx.add.f32.msk $0xffff, v1  }
0x3b6: {  	v2 =	vld [tilespmem:$0xD8C0];
	_ =	sdelay $0x6  }
0x3b7: {  	[tilespmem:$0x16740] =	vst v2  }
0x3b8: {  	[tilespmem:v2+s12+$0x0] =	vst.idx.add.f32.msk $0xffff, v1  }
0x3b9: {  	v2 =	vld [tilespmem:$0xD8D0];
	_ =	sdelay $0x6  }
0x3ba: {  	[tilespmem:$0x16750] =	vst v2  }
0x3bb: {  	[tilespmem:v2+s12+$0x0] =	vst.idx.add.f32.msk $0xffff, v1  }
0x3bc: {  	v2 =	vld [tilespmem:$0xD8E0];
	_ =	sdelay $0x6  }
0x3bd: {  	[tilespmem:$0x16760] =	vst v2  }
0x3be: {  	[tilespmem:v2+s12+$0x0] =	vst.idx.add.f32.msk $0xffff, v1  }
0x3bf: {  	v2 =	vld [tilespmem:$0xD8F0];
	_ =	sdelay $0x6  }
0x3c0: {  	[tilespmem:$0x16770] =	vst v2  }
0x3c1: {  	[tilespmem:v2+s12+$0x0] =	vst.idx.add.f32.msk $0xffff, v1  }
0x3c2: {  	v2 =	vld [tilespmem:$0xD900];
	_ =	sdelay $0x6  }
0x3c3: {  	[tilespmem:$0x16780] =	vst v2  }
0x3c4: {  	[tilespmem:v2+s12+$0x0] =	vst.idx.add.f32.msk $0xffff, v1  }
0x3c5: {  	v2 =	vld [tilespmem:$0xD910];
	_ =	sdelay $0x6  }
0x3c6: {  	[tilespmem:$0x16790] =	vst v2  }
0x3c7: {  	[tilespmem:v2+s12+$0x0] =	vst.idx.add.f32.msk $0xffff, v1  }
0x3c8: {  	v2 =	vld [tilespmem:$0xD920];
	_ =	sdelay $0x6  }
0x3c9: {  	[tilespmem:$0x167A0] =	vst v2  }
0x3ca: {  	[tilespmem:v2+s12+$0x0] =	vst.idx.add.f32.msk $0xffff, v1  }
0x3cb: {  	v2 =	vld [tilespmem:$0xD930];
	_ =	sdelay $0x6  }
0x3cc: {  	[tilespmem:$0x167B0] =	vst v2  }
0x3cd: {  	s25 =	simm.s32 $0xE840;
	[tilespmem:v2+s12+$0x0] =	vst.idx.add.f32.msk $0xffff, v1  }
0x3ce: {  	[tilespmem:s16], [sflag:$0x2] =	stream.indirect.gather [hbm4b:s24+s13], $0x40, s25, s13, $0xb8;
	[tilespmem:$0x167C0] =	vst v63  }
0x3cf: {  	_ =	swait.ge [sflag:s17], $0x2800  }
0x3d0: {  	[sflag:s17] =	ssyncset.done $0x0  }
0x3d1: {  	s15 =	simm.s32 $0x0;
	[sflag:s17] =	ssyncadd.s32 $0xFFFFD800  }
0x3d2: {  	[spmem:s21] =	stream.indirect.scatter.add.f32 [tilespmem:s14], [sflag:$0x3], $0x40, s18, s13, $0xb8;
	[tilespmem:$0x167C0] =	vst v63  }
.LBB2_14:
0x3d3: {  	_ =	swait.ge [sflag:s19], $0x2800  }
0x3d4: {  	[sflag:s19] =	ssyncset.done $0x0  }
0x3d5: {  	s4 =	sshra.s32 s15, $0x2;
	[sflag:s19] =	ssyncadd.s32 $0xFFFFD800  }
0x3d6: {  	v2 =	vld [tilespmem:s4+$0xD940];
	_ =	sdelay $0x6  }
0x3d7: {  	[tilespmem:$0x16680] =	vst v2  }
0x3d8: {  	[tilespmem:v2+s12+$0x0] =	vst.idx.add.f32.msk $0xffff, v1  }
0x3d9: {  	v2 =	vld [tilespmem:s4+$0xD950];
	_ =	sdelay $0x6  }
0x3da: {  	[tilespmem:$0x16690] =	vst v2  }
0x3db: {  	[tilespmem:v2+s12+$0x0] =	vst.idx.add.f32.msk $0xffff, v1  }
0x3dc: {  	v2 =	vld [tilespmem:s4+$0xD960];
	_ =	sdelay $0x6  }
0x3dd: {  	[tilespmem:$0x166A0] =	vst v2  }
0x3de: {  	[tilespmem:v2+s12+$0x0] =	vst.idx.add.f32.msk $0xffff, v1  }
0x3df: {  	v2 =	vld [tilespmem:s4+$0xD970];
	_ =	sdelay $0x6  }
0x3e0: {  	[tilespmem:$0x166B0] =	vst v2  }
0x3e1: {  	[tilespmem:v2+s12+$0x0] =	vst.idx.add.f32.msk $0xffff, v1  }
0x3e2: {  	v2 =	vld [tilespmem:s4+$0xD980];
	_ =	sdelay $0x6  }
0x3e3: {  	[tilespmem:$0x166C0] =	vst v2  }
0x3e4: {  	[tilespmem:v2+s12+$0x0] =	vst.idx.add.f32.msk $0xffff, v1  }
0x3e5: {  	v2 =	vld [tilespmem:s4+$0xD990];
	_ =	sdelay $0x6  }
0x3e6: {  	[tilespmem:$0x166D0] =	vst v2  }
0x3e7: {  	[tilespmem:v2+s12+$0x0] =	vst.idx.add.f32.msk $0xffff, v1  }
0x3e8: {  	v2 =	vld [tilespmem:s4+$0xD9A0];
	_ =	sdelay $0x6  }
0x3e9: {  	[tilespmem:$0x166E0] =	vst v2  }
0x3ea: {  	[tilespmem:v2+s12+$0x0] =	vst.idx.add.f32.msk $0xffff, v1  }
0x3eb: {  	v2 =	vld [tilespmem:s4+$0xD9B0];
	_ =	sdelay $0x6  }
0x3ec: {  	[tilespmem:$0x166F0] =	vst v2  }
0x3ed: {  	[tilespmem:v2+s12+$0x0] =	vst.idx.add.f32.msk $0xffff, v1  }
0x3ee: {  	v2 =	vld [tilespmem:s4+$0xD9C0];
	_ =	sdelay $0x6  }
0x3ef: {  	[tilespmem:$0x16700] =	vst v2  }
0x3f0: {  	[tilespmem:v2+s12+$0x0] =	vst.idx.add.f32.msk $0xffff, v1  }
0x3f1: {  	v2 =	vld [tilespmem:s4+$0xD9D0];
	_ =	sdelay $0x6  }
0x3f2: {  	[tilespmem:$0x16710] =	vst v2  }
0x3f3: {  	s25 =	sadd.s32 $0xE8E0, s4;
	[tilespmem:v2+s12+$0x0] =	vst.idx.add.f32.msk $0xffff, v1  }
0x3f4: {  	[tilespmem:s14], [sflag:$0x1] =	stream.indirect.gather [hbm4b:s24+s13], $0x40, s25, s13, $0xb8;
	[tilespmem:$0x167C0] =	vst v63  }
0x3f5: {  	_ =	swait.ge [sflag:s22], $0x2800  }
0x3f6: {  	[sflag:s22] =	ssyncset.done $0x0  }
0x3f7: {  	[sflag:s22] =	ssyncadd.s32 $0xFFFFD800  }
0x3f8: {  	[spmem:s21] =	stream.indirect.scatter.add.f32 [tilespmem:s16], [sflag:$0x4], $0x40, s23, s13, $0xb8;
	[tilespmem:$0x167C0] =	vst v63  }
0x3f9: {  	_ =	swait.ge [sflag:s10], $0x2800  }
0x3fa: {  	[sflag:s10] =	ssyncset.done $0x0  }
0x3fb: {  	[sflag:s10] =	ssyncadd.s32 $0xFFFFD800  }
0x3fc: {  	v2 =	vld [tilespmem:s4+$0xD9E0];
	_ =	sdelay $0x6  }
0x3fd: {  	[tilespmem:$0x16720] =	vst v2  }
0x3fe: {  	[tilespmem:v2+s12+$0x0] =	vst.idx.add.f32.msk $0xffff, v1  }
0x3ff: {  	v2 =	vld [tilespmem:s4+$0xD9F0];
	_ =	sdelay $0x6  }
0x400: {  	[tilespmem:$0x16730] =	vst v2  }
0x401: {  	[tilespmem:v2+s12+$0x0] =	vst.idx.add.f32.msk $0xffff, v1  }
0x402: {  	v2 =	vld [tilespmem:s4+$0xDA00];
	_ =	sdelay $0x6  }
0x403: {  	[tilespmem:$0x16740] =	vst v2  }
0x404: {  	[tilespmem:v2+s12+$0x0] =	vst.idx.add.f32.msk $0xffff, v1  }
0x405: {  	v2 =	vld [tilespmem:s4+$0xDA10];
	_ =	sdelay $0x6  }
0x406: {  	[tilespmem:$0x16750] =	vst v2  }
0x407: {  	[tilespmem:v2+s12+$0x0] =	vst.idx.add.f32.msk $0xffff, v1  }
0x408: {  	v2 =	vld [tilespmem:s4+$0xDA20];
	_ =	sdelay $0x6  }
0x409: {  	[tilespmem:$0x16760] =	vst v2  }
0x40a: {  	[tilespmem:v2+s12+$0x0] =	vst.idx.add.f32.msk $0xffff, v1  }
0x40b: {  	v2 =	vld [tilespmem:s4+$0xDA30];
	_ =	sdelay $0x6  }
0x40c: {  	[tilespmem:$0x16770] =	vst v2  }
0x40d: {  	[tilespmem:v2+s12+$0x0] =	vst.idx.add.f32.msk $0xffff, v1  }
0x40e: {  	v2 =	vld [tilespmem:s4+$0xDA40];
	_ =	sdelay $0x6  }
0x40f: {  	[tilespmem:$0x16780] =	vst v2  }
0x410: {  	[tilespmem:v2+s12+$0x0] =	vst.idx.add.f32.msk $0xffff, v1  }
0x411: {  	v2 =	vld [tilespmem:s4+$0xDA50];
	_ =	sdelay $0x6  }
0x412: {  	[tilespmem:$0x16790] =	vst v2  }
0x413: {  	[tilespmem:v2+s12+$0x0] =	vst.idx.add.f32.msk $0xffff, v1  }
0x414: {  	v2 =	vld [tilespmem:s4+$0xDA60];
	_ =	sdelay $0x6  }
0x415: {  	[tilespmem:$0x167A0] =	vst v2  }
0x416: {  	[tilespmem:v2+s12+$0x0] =	vst.idx.add.f32.msk $0xffff, v1  }
0x417: {  	v2 =	vld [tilespmem:s4+$0xDA70];
	_ =	sdelay $0x6  }
0x418: {  	[tilespmem:$0x167B0] =	vst v2  }
0x419: {  	p0 =	sne.s32 s15, $0x3200;
	s4 =	sadd.s32 $0xE980, s4;
	[tilespmem:v2+s12+$0x0] =	vst.idx.add.f32.msk $0xffff, v1  }
0x41a: {  	[tilespmem:s16], [sflag:$0x2] =	stream.indirect.gather [hbm4b:s24+s13], $0x40, s4, s13, $0xb8;
	[tilespmem:$0x167C0] =	vst v63  }
.Ltmp6:
0x41b: {  	_ = 	snop;
	(pc) =	sbr.rel @p0 .LBB2_14-.Ltmp6, $4  }
0x41c: {  	_ =	swait.ge [sflag:s17], $0x2800  }
0x41d: {  	[sflag:s17] =	ssyncset.done $0x0  }
0x41e: {  	s15 =	sadd.s32 $0x500, s15;
	[sflag:s17] =	ssyncadd.s32 $0xFFFFD800  }
0x41f: {  	[spmem:s21] =	stream.indirect.scatter.add.f32 [tilespmem:s14], [sflag:$0x3], $0x40, s18, s13, $0xb8;
	[tilespmem:$0x167C0] =	vst v63  }
0x420: {  	_ =	swait.ge [sflag:s19], $0x2800  }
0x421: {  	[sflag:s19] =	ssyncset.done $0x0  }
0x422: {  	[sflag:s19] =	ssyncadd.s32 $0xFFFFD800  }
0x423: {  	v2 =	vld [tilespmem:$0xE700];
	_ =	sdelay $0x6  }
0x424: {  	[tilespmem:$0x16680] =	vst v2  }
0x425: {  	[tilespmem:v2+s12+$0x0] =	vst.idx.add.f32.msk $0xffff, v1  }
0x426: {  	v2 =	vld [tilespmem:$0xE710];
	_ =	sdelay $0x6  }
0x427: {  	[tilespmem:$0x16690] =	vst v2  }
0x428: {  	[tilespmem:v2+s12+$0x0] =	vst.idx.add.f32.msk $0xffff, v1  }
0x429: {  	v2 =	vld [tilespmem:$0xE720];
	_ =	sdelay $0x6  }
0x42a: {  	[tilespmem:$0x166A0] =	vst v2  }
0x42b: {  	[tilespmem:v2+s12+$0x0] =	vst.idx.add.f32.msk $0xffff, v1  }
0x42c: {  	v2 =	vld [tilespmem:$0xE730];
	_ =	sdelay $0x6  }
0x42d: {  	[tilespmem:$0x166B0] =	vst v2  }
0x42e: {  	[tilespmem:v2+s12+$0x0] =	vst.idx.add.f32.msk $0xffff, v1  }
0x42f: {  	v2 =	vld [tilespmem:$0xE740];
	_ =	sdelay $0x6  }
0x430: {  	[tilespmem:$0x166C0] =	vst v2  }
0x431: {  	[tilespmem:v2+s12+$0x0] =	vst.idx.add.f32.msk $0xffff, v1  }
0x432: {  	v2 =	vld [tilespmem:$0xE750];
	_ =	sdelay $0x6  }
0x433: {  	[tilespmem:$0x166D0] =	vst v2  }
0x434: {  	[tilespmem:v2+s12+$0x0] =	vst.idx.add.f32.msk $0xffff, v1  }
0x435: {  	v2 =	vld [tilespmem:$0xE760];
	_ =	sdelay $0x6  }
0x436: {  	[tilespmem:$0x166E0] =	vst v2  }
0x437: {  	[tilespmem:v2+s12+$0x0] =	vst.idx.add.f32.msk $0xffff, v1  }
0x438: {  	v2 =	vld [tilespmem:$0xE770];
	_ =	sdelay $0x6  }
0x439: {  	[tilespmem:$0x166F0] =	vst v2  }
0x43a: {  	[tilespmem:v2+s12+$0x0] =	vst.idx.add.f32.msk $0xffff, v1  }
0x43b: {  	v2 =	vld [tilespmem:$0xE780];
	_ =	sdelay $0x6  }
0x43c: {  	[tilespmem:$0x16700] =	vst v2  }
0x43d: {  	[tilespmem:v2+s12+$0x0] =	vst.idx.add.f32.msk $0xffff, v1  }
0x43e: {  	v2 =	vld [tilespmem:$0xE790];
	_ =	sdelay $0x6  }
0x43f: {  	[tilespmem:$0x16710] =	vst v2  }
0x440: {  	s4 =	simm.s32 $0xF6A0;
	[tilespmem:v2+s12+$0x0] =	vst.idx.add.f32.msk $0xffff, v1  }
0x441: {  	[tilespmem:s14], [sflag:$0x1] =	stream.indirect.gather [hbm4b:s24+s13], $0x40, s4, s13, $0xb8;
	[tilespmem:$0x167C0] =	vst v63  }
0x442: {  	_ =	swait.ge [sflag:s22], $0x2800  }
0x443: {  	[sflag:s22] =	ssyncset.done $0x0  }
0x444: {  	[sflag:s22] =	ssyncadd.s32 $0xFFFFD800  }
0x445: {  	[spmem:s21] =	stream.indirect.scatter.add.f32 [tilespmem:s16], [sflag:$0x4], $0x40, s23, s13, $0xb8;
	[tilespmem:$0x167C0] =	vst v63  }
0x446: {  	_ =	swait.ge [sflag:s17], $0x2800  }
0x447: {  	[sflag:s17] =	ssyncset.done $0x0  }
0x448: {  	[sflag:s17] =	ssyncadd.s32 $0xFFFFD800  }
0x449: {  	[spmem:s21] =	stream.indirect.scatter.add.f32 [tilespmem:s14], [sflag:$0x3], $0x40, s18, s13, $0xb8;
	[tilespmem:$0x167C0] =	vst v63  }
0x44a: {  	_ =	swait.ge [sflag:s10], $0x2800  }
0x44b: {  	[sflag:s10] =	ssyncset.done $0x0  }
0x44c: {  	[sflag:s10] =	ssyncadd.s32 $0xFFFFD800  }
0x44d: {  	_ =	swait.ge [sflag:s19], $0x2800  }
0x44e: {  	[sflag:s19] =	ssyncset.done $0x0  }
0x44f: {  	[sflag:s19] =	ssyncadd.s32 $0xFFFFD800  }
0x450: {  	[bflag:$0x0] =	sbarrier.arrive $0xFFFF  }
0x451: {  	[tilespmem:s9], [sflag:$0x6] =	stream.linear.gather [spmem:s26], $0x1000, $0x38;
	[tilespmem:$0x167C0] =	vst v63  }
0x452: {  	_ =	swait.ge [sflag:s7], $0x1000  }
0x453: {  	[sflag:s7] =	ssyncset.done $0x0  }
0x454: {  	s25 =	smov.u32 s26;
	s26 =	rddreg [dreg:$0xe];
	[sflag:s7] =	ssyncadd.s32 $0xFFFFF000  }
0x455: {  	[hbm4b:s26+s1] =	stream.linear.scatter [tilespmem:s9], [sflag:$0x6], $0x1000, $0x38;
	[tilespmem:$0x167C0] =	vst v63  }
0x456: {  	_ =	swait.ge [sflag:s7], $0x1000  }
0x457: {  	[sflag:s7] =	ssyncset.done $0x0  }
0x458: {  	s15 =	rddreg [dreg:$0x18];
	[sflag:s7] =	ssyncadd.s32 $0xFFFFF000  }
0x459: {  	[tilespmem:s9], [sflag:$0x6] =	stream.linear.gather [spmem:s15], $0x1000, $0x38;
	[tilespmem:$0x167C0] =	vst v63  }
0x45a: {  	_ =	swait.ge [sflag:s7], $0x1000  }
0x45b: {  	[sflag:s7] =	ssyncset.done $0x0  }
0x45c: {  	s26 =	rddreg [dreg:$0xf];
	[sflag:s7] =	ssyncadd.s32 $0xFFFFF000  }
0x45d: {  	[hbm4b:s26+s1] =	stream.linear.scatter [tilespmem:s9], [sflag:$0x6], $0x1000, $0x38;
	[tilespmem:$0x167C0] =	vst v63  }
0x45e: {  	_ =	swait.ge [sflag:s7], $0x1000  }
0x45f: {  	[sflag:s7] =	ssyncset.done $0x0  }
0x460: {  	[sflag:s7] =	ssyncadd.s32 $0xFFFFF000  }
0x461: {  	[tilespmem:s9], [sflag:$0x6] =	stream.linear.gather [spmem:s28], $0x1000, $0x38;
	[tilespmem:$0x167C0] =	vst v63  }
0x462: {  	_ =	swait.ge [sflag:s7], $0x1000  }
0x463: {  	[sflag:s7] =	ssyncset.done $0x0  }
0x464: {  	s15 =	rddreg [dreg:$0x10];
	[sflag:s7] =	ssyncadd.s32 $0xFFFFF000  }
0x465: {  	[hbm4b:s15+s1] =	stream.linear.scatter [tilespmem:s9], [sflag:$0x6], $0x1000, $0x38;
	[tilespmem:$0x167C0] =	vst v63  }
0x466: {  	_ =	swait.ge [sflag:s7], $0x1000  }
0x467: {  	[sflag:s7] =	ssyncset.done $0x0  }
0x468: {  	[sflag:s7] =	ssyncadd.s32 $0xFFFFF000  }
0x469: {  	[tilespmem:s9], [sflag:$0x6] =	stream.linear.gather [spmem:s29], $0x1000, $0x38;
	[tilespmem:$0x167C0] =	vst v63  }
0x46a: {  	_ =	swait.ge [sflag:s7], $0x1000  }
0x46b: {  	[sflag:s7] =	ssyncset.done $0x0  }
0x46c: {  	s26 =	rddreg [dreg:$0x11];
	[sflag:s7] =	ssyncadd.s32 $0xFFFFF000  }
0x46d: {  	[hbm4b:s26+s1] =	stream.linear.scatter [tilespmem:s9], [sflag:$0x6], $0x1000, $0x38;
	[tilespmem:$0x167C0] =	vst v63  }
0x46e: {  	_ =	swait.ge [sflag:s7], $0x1000  }
0x46f: {  	[sflag:s7] =	ssyncset.done $0x0  }
0x470: {  	[sflag:s7] =	ssyncadd.s32 $0xFFFFF000  }
0x471: {  	[tilespmem:s9], [sflag:$0x6] =	stream.linear.gather [spmem:s30], $0x1000, $0x38;
	[tilespmem:$0x167C0] =	vst v63  }
0x472: {  	_ =	swait.ge [sflag:s7], $0x1000  }
0x473: {  	[sflag:s7] =	ssyncset.done $0x0  }
0x474: {  	s15 =	rddreg [dreg:$0x12];
	[sflag:s7] =	ssyncadd.s32 $0xFFFFF000  }
0x475: {  	[hbm4b:s15+s1] =	stream.linear.scatter [tilespmem:s9], [sflag:$0x6], $0x1000, $0x38;
	[tilespmem:$0x167C0] =	vst v63  }
0x476: {  	_ =	swait.ge [sflag:s7], $0x1000  }
0x477: {  	[sflag:s7] =	ssyncset.done $0x0  }
0x478: {  	[sflag:s7] =	ssyncadd.s32 $0xFFFFF000  }
0x479: {  	[tilespmem:s9], [sflag:$0x6] =	stream.linear.gather [spmem:s31], $0x1000, $0x38;
	[tilespmem:$0x167C0] =	vst v63  }
0x47a: {  	_ =	swait.ge [sflag:s7], $0x1000  }
0x47b: {  	[sflag:s7] =	ssyncset.done $0x0  }
0x47c: {  	s26 =	rddreg [dreg:$0x13];
	[sflag:s7] =	ssyncadd.s32 $0xFFFFF000  }
0x47d: {  	[hbm4b:s26+s1] =	stream.linear.scatter [tilespmem:s9], [sflag:$0x6], $0x1000, $0x38;
	[tilespmem:$0x167C0] =	vst v63  }
0x47e: {  	_ =	swait.ge [sflag:s7], $0x1000  }
0x47f: {  	[sflag:s7] =	ssyncset.done $0x0  }
0x480: {  	[sflag:s7] =	ssyncadd.s32 $0xFFFFF000  }
0x481: {  	[tilespmem:s9], [sflag:$0x6] =	stream.linear.gather [spmem:s20], $0x1000, $0x38;
	[tilespmem:$0x167C0] =	vst v63  }
0x482: {  	_ =	swait.ge [sflag:s7], $0x1000  }
0x483: {  	[sflag:s7] =	ssyncset.done $0x0  }
0x484: {  	s15 =	rddreg [dreg:$0x14];
	[sflag:s7] =	ssyncadd.s32 $0xFFFFF000  }
0x485: {  	[hbm4b:s15+s1] =	stream.linear.scatter [tilespmem:s9], [sflag:$0x6], $0x1000, $0x38;
	[tilespmem:$0x167C0] =	vst v63  }
0x486: {  	_ =	swait.ge [sflag:s7], $0x1000  }
0x487: {  	[sflag:s7] =	ssyncset.done $0x0  }
0x488: {  	[sflag:s7] =	ssyncadd.s32 $0xFFFFF000  }
0x489: {  	[tilespmem:s9], [sflag:$0x6] =	stream.linear.gather [spmem:s0], $0x1000, $0x38;
	[tilespmem:$0x167C0] =	vst v63  }
0x48a: {  	_ =	swait.ge [sflag:s7], $0x1000  }
0x48b: {  	[sflag:s7] =	ssyncset.done $0x0  }
0x48c: {  	s26 =	rddreg [dreg:$0x15];
	[sflag:s7] =	ssyncadd.s32 $0xFFFFF000  }
0x48d: {  	[hbm4b:s26+s1] =	stream.linear.scatter [tilespmem:s9], [sflag:$0x6], $0x1000, $0x38;
	[tilespmem:$0x167C0] =	vst v63  }
0x48e: {  	_ =	swait.ge [sflag:s7], $0x1000  }
0x48f: {  	[sflag:s7] =	ssyncset.done $0x0  }
0x490: {  	[sflag:s7] =	ssyncadd.s32 $0xFFFFF000  }
0x491: {  	[tilespmem:s9], [sflag:$0x6] =	stream.linear.gather [spmem:s2], $0x1000, $0x38;
	[tilespmem:$0x167C0] =	vst v63  }
0x492: {  	_ =	swait.ge [sflag:s7], $0x1000  }
0x493: {  	[sflag:s7] =	ssyncset.done $0x0  }
0x494: {  	s15 =	rddreg [dreg:$0x16];
	[sflag:s7] =	ssyncadd.s32 $0xFFFFF000  }
0x495: {  	[hbm4b:s15+s1] =	stream.linear.scatter [tilespmem:s9], [sflag:$0x6], $0x1000, $0x38;
	[tilespmem:$0x167C0] =	vst v63  }
0x496: {  	_ =	swait.ge [sflag:s7], $0x1000  }
0x497: {  	[sflag:s7] =	ssyncset.done $0x0  }
0x498: {  	[sflag:s7] =	ssyncadd.s32 $0xFFFFF000  }
0x499: {  	[tilespmem:s9], [sflag:$0x6] =	stream.linear.gather [spmem:s3], $0x1000, $0x38;
	[tilespmem:$0x167C0] =	vst v63  }
0x49a: {  	_ =	swait.ge [sflag:s7], $0x1000  }
0x49b: {  	[sflag:s7] =	ssyncset.done $0x0  }
0x49c: {  	s26 =	rddreg [dreg:$0x17];
	[sflag:s7] =	ssyncadd.s32 $0xFFFFF000  }
0x49d: {  	[hbm4b:s26+s1] =	stream.linear.scatter [tilespmem:s9], [sflag:$0x6], $0x1000, $0x38;
	[tilespmem:$0x167C0] =	vst v63  }
0x49e: {  	_ =	swait.ge [sflag:s7], $0x1000  }
0x49f: {  	[sflag:s7] =	ssyncset.done $0x0  }
0x4a0: {  	s15 =	rddreg [dreg:$0x19];
	[sflag:s7] =	ssyncadd.s32 $0xFFFFF000  }
0x4a1: {  	[hbm4b:s15+s1] =	stream.linear.scatter [tilespmem:s12], [sflag:$0x6], $0x2800, $0x38;
	[tilespmem:$0x167C0] =	vst v63  }
0x4a2: {  	_ =	swait.ge [sflag:s7], $0x2800  }
0x4a3: {  	s6 =	sadd.s32 $0x1, s6;
	s26 =	rddreg [dreg:$0x1a]  }
0x4a4: {  	p0 =	sne.s32 s6, s26  }
.Ltmp7:
0x4a5: {  	_ = 	snop;
	(pc) =	sbr.rel @p0 .LBB2_1-.Ltmp7, $3  }
0x4a6: {  	_ =	sdelay $0x1  }
0x4a7: {  	[sflag:s7] =	ssyncset.done $0x0  }
0x4a8: {  	[sflag:s7] =	ssyncadd.s32 $0xFFFFD800  }
0x4a9: {  	_ =	sfence.sel $0x180000  }
0x4aa: {  	[bflag:$0x0] =	sbarrier.arrive $0xFFFF  }
0x4ab: {  	_ =	strace $0x90000047  }
0x4ac: {  	s0 =	stileid.u32;
	[bflag:$0x2] =	sbarrier.arrive $0xFFFF  }
0x4ad: {  	p0 =	sne.s32 s0, $0x0;
	s0 =	rddreg [dreg:$0x3]  }
0x4ae: {  	s0 =	sadd.s32 @!p0 $0x100000, s0  }
0x4af: {  	[sflag:s0] =	ssyncadd.tile.s32 @!p0 $0x1;
	_ =	shalt  }
.Lfunc_end2:
_tile_overlayer_lowered:
.L_overlay_start_2:
0x4b0: {  	(tag) =	ssettag $0x2  }
0x4b1: {  	s0 =	rddreg [dreg:$0x0];
	s2 =	stileid.u32  }
0x4b2: {  	s1 =	rddreg [dreg:$0x1];
	p0 =	sne.s32 s2, $0x0  }
0x4b3: {  	s3 =	rddreg [dreg:$0x2];
	[bflag:$0x3] =	sbarrier.arrive $0xFFFF;
	s2 =	simm.s32 @!p0 $0x1C06  }
0x4b4: {  	[timem:s3], [sflag:s2] =	dma.local @!p0 [hbm:s0], s1  }
0x4b5: {  	s0 =	simm.s32 @!p0 $0x6  }
0x4b6: {  	_ =	swait.ge @!p0 [sflag:s0], s1  }
0x4b7: {  	s1 =	ssub.s32 @!p0 $0x0, s1;
	[sflag:s0] =	ssyncset.done @!p0 $0x0  }
0x4b8: {  	[sflag:s0] =	ssyncadd.s32 @!p0 s1  }
0x4b9: {  	[bflag:$0x3] =	sbarrier.arrive $0xFFFF  }
0x4ba: {  	_ =	shalt  }

</sc_bundles>
